<compile_context>
chip_gen: v7x
topology: tpu7x:2x2x1
jax: 0.10.2.dev20260603
libtpu: 0.0.44.dev20260713+nightly
codegen_flags: <defaults>
</compile_context>

<pallas_src>
import functools

import numpy as np
import jax
import jax.numpy as jnp
from jax import lax
from jax.experimental import pallas as pl
from jax.experimental.pallas import tpu as pltpu
from jax.experimental.pallas import tpu_sc as plsc

NC = 2
NS = 16
NW = NC * NS
LANES = 16
C = 128
BR = 80

_SC_PARAMS = pltpu.CompilerParams(
    needs_layout_passes=False, use_tc_tiling_on_sc=False)


def _pre_body(x_ref, wk_ref, bk_ref, wv_ref, bv_ref, k_ref, v_ref):
    xx = x_ref[...]
    k_ref[...] = jnp.dot(xx, wk_ref[...], preferred_element_type=jnp.float32) + bk_ref[...]
    v_ref[...] = jnp.dot(xx, wv_ref[...], preferred_element_type=jnp.float32) + bv_ref[...]


def _post_body(x_ref, acc_ref, ss_ref, sel_ref, wo_ref, bo_ref, g1_ref, be1_ref,
               w1_ref, b1_ref, w2_ref, b2_ref, g2_ref, be2_ref, out_ref):
    acc = acc_ref[0] + acc_ref[1]
    ss = ss_ref[0] + ss_ref[1]
    inv = 1.0 / (ss + 1e-16)
    inv_d = jnp.dot(inv, sel_ref[...], preferred_element_type=jnp.float32)
    agg = acc * inv_d
    y = jnp.dot(agg, wo_ref[...], preferred_element_type=jnp.float32) + bo_ref[...]
    h = x_ref[...] + y
    mean = jnp.mean(h, axis=0, keepdims=True)
    var = jnp.mean((h - mean) * (h - mean), axis=0, keepdims=True)
    h = (h - mean) / jnp.sqrt(var + 1e-5) * g1_ref[...] + be1_ref[...]
    ff = jnp.maximum(jnp.dot(h, w1_ref[...], preferred_element_type=jnp.float32) + b1_ref[...], 0.0)
    ff = jnp.dot(ff, w2_ref[...], preferred_element_type=jnp.float32) + b2_ref[...]
    h2 = h + ff
    mean2 = jnp.mean(h2, axis=0, keepdims=True)
    var2 = jnp.mean((h2 - mean2) * (h2 - mean2), axis=0, keepdims=True)
    out_ref[...] = (h2 - mean2) / jnp.sqrt(var2 + 1e-5) * g2_ref[...] + be2_ref[...]


def _make_sc_scores(E, N, D, H):
    HD = D // H
    inv_scale = 1.0 / float(np.sqrt(HD))
    NCH = E // C
    NB = N // BR
    mesh = plsc.VectorSubcoreMesh(core_axis_name="c", subcore_axis_name="s")

    @functools.partial(
        pl.kernel,
        out_type=(
            jax.ShapeDtypeStruct((E, 16), jnp.float32),
            jax.ShapeDtypeStruct((NC, N, 16), jnp.float32),
        ),
        mesh=mesh,
        scratch_types=[
            pltpu.VMEM((2, C), jnp.int32), pltpu.VMEM((2, C), jnp.int32),
            pltpu.VMEM((C, D), jnp.float32), pltpu.VMEM((C, D), jnp.float32),
            pltpu.VMEM((C, D), jnp.float32), pltpu.VMEM((C, D), jnp.float32),
            pltpu.VMEM((C, 16), jnp.float32),
            pltpu.VMEM_SHARED((N, 16), jnp.float32),
            pltpu.SemaphoreType.DMA, pltpu.SemaphoreType.DMA,
            pltpu.SemaphoreType.DMA, pltpu.SemaphoreType.DMA,
            pltpu.SemaphoreType.DMA, pltpu.SemaphoreType.DMA,
        ],
        compiler_params=_SC_PARAMS,
    )
    def sc_scores(ei_hbm, x_hbm, k_hbm, w_hbm, ss_hbm,
                  iv0, iv1, kb0, kb1, qb0, qb1, wb, ss_sh,
                  semk0, semk1, semq0, semq1, semi0, semi1):
        cid = lax.axis_index("c")
        sid = lax.axis_index("s")
        wid = sid * NC + cid
        iv = (iv0, iv1)
        kb = (kb0, kb1)
        qb = (qb0, qb1)
        semk = (semk0, semk1)
        semq = (semq0, semq1)
        semi = (semi0, semi1)

        zeros16 = jnp.zeros((LANES,), jnp.float32)

        def zrow(i, _):
            wb[i, :] = zeros16
            return 0
        lax.fori_loop(0, C, zrow, 0)

        nb_mine = (NB - sid + NS - 1) // NS

        def zcopy(j, _):
            r = (sid + j * NS) * BR
            pltpu.sync_copy(wb.at[pl.ds(0, BR), :], ss_sh.at[pl.ds(r, BR), :])
            return 0
        lax.fori_loop(0, nb_mine, zcopy, 0)

        plsc.subcore_barrier()

        nmine = (NCH - wid + NW - 1) // NW

        def ebase(i):
            return (wid + i * NW) * C

        def start_gathers(slot):
            pltpu.async_copy(k_hbm.at[iv[slot].at[0]], kb[slot], semk[slot])
            pltpu.async_copy(x_hbm.at[iv[slot].at[1]], qb[slot], semq[slot])

        pltpu.sync_copy(ei_hbm.at[:, pl.ds(ebase(0), C)], iv[0])
        start_gathers(0)

        @pl.when(1 < nmine)
        def _():
            pltpu.async_copy(ei_hbm.at[:, pl.ds(ebase(1), C)], iv[1], semi[1])

        lane = lax.iota(jnp.int32, LANES)
        npairs = (nmine + 1) // 2

        def pair(p, _):
            for b in range(2):
                i = 2 * p + b

                @pl.when(i < nmine)
                def _():
                    @pl.when(i + 1 < nmine)
                    def _():
                        pltpu.make_async_copy(
                            ei_hbm.at[:, pl.ds(ebase(i + 1), C)],
                            iv[1 - b], semi[1 - b]).wait()
                        start_gathers(1 - b)

                    pltpu.make_async_copy(
                        k_hbm.at[iv[b].at[0]], kb[b], semk[b]).wait()
                    pltpu.make_async_copy(
                        x_hbm.at[iv[b].at[1]], qb[b], semq[b]).wait()

                    def erow(e2, _):
                        for u in range(4):
                            e = e2 * 4 + u
                            wv = jnp.zeros((LANES,), jnp.float32)
                            for h in range(H):
                                kv = kb[b][e, pl.ds(h * HD, LANES)]
                                qv = qb[b][e, pl.ds(h * HD, LANES)]
                                s = jnp.sum(kv * qv)
                                wv = jnp.where(lane == h, s, wv)
                            wb[e, :] = jnp.exp(wv * inv_scale)
                        return 0
                    lax.fori_loop(0, C // 4, erow, 0)

                    pltpu.sync_copy(wb, ss_sh.at[iv[b].at[1]], add=True)
                    pltpu.sync_copy(wb, w_hbm.at[pl.ds(ebase(i), C), :])

                    @pl.when(i + 2 < nmine)
                    def _():
                        pltpu.async_copy(
                            ei_hbm.at[:, pl.ds(ebase(i + 2), C)], iv[b], semi[b])
            return 0
        lax.fori_loop(0, npairs, pair, 0)

        plsc.subcore_barrier()

        def wout(j, _):
            r = (sid + j * NS) * BR
            pltpu.sync_copy(ss_sh.at[pl.ds(r, BR), :], ss_hbm.at[cid, pl.ds(r, BR), :])
            return 0
        lax.fori_loop(0, nb_mine, wout, 0)

    return sc_scores


def _make_sc_messages(E, N, D, H):
    HD = D // H
    NCH = E // C
    NB = N // BR
    mesh = plsc.VectorSubcoreMesh(core_axis_name="c", subcore_axis_name="s")

    @functools.partial(
        pl.kernel,
        out_type=jax.ShapeDtypeStruct((NC, N, D), jnp.float32),
        mesh=mesh,
        scratch_types=[
            pltpu.VMEM((2, C), jnp.int32), pltpu.VMEM((2, C), jnp.int32),
            pltpu.VMEM((C, D), jnp.float32), pltpu.VMEM((C, D), jnp.float32),
            pltpu.VMEM((C, 16), jnp.float32), pltpu.VMEM((C, 16), jnp.float32),
            pltpu.VMEM_SHARED((N, D), jnp.float32),
            pltpu.SemaphoreType.DMA, pltpu.SemaphoreType.DMA,
            pltpu.SemaphoreType.DMA, pltpu.SemaphoreType.DMA,
            pltpu.SemaphoreType.DMA, pltpu.SemaphoreType.DMA,
        ],
        compiler_params=_SC_PARAMS,
    )
    def sc_messages(ei_hbm, v_hbm, w_hbm, out_hbm,
                    iv0, iv1, vb0, vb1, wb0, wb1, acc_sh,
                    semv0, semv1, seml0, seml1, semi0, semi1):
        cid = lax.axis_index("c")
        sid = lax.axis_index("s")
        wid = sid * NC + cid
        iv = (iv0, iv1)
        vb = (vb0, vb1)
        wb = (wb0, wb1)
        semv = (semv0, semv1)
        seml = (seml0, seml1)
        semi = (semi0, semi1)

        zeros16 = jnp.zeros((LANES,), jnp.float32)

        def zrow(i, _):
            for j in range(D // LANES):
                vb0[i, pl.ds(j * LANES, LANES)] = zeros16
            return 0
        lax.fori_loop(0, C, zrow, 0)

        nb_mine = (NB - sid + NS - 1) // NS

        def zcopy(j, _):
            r = (sid + j * NS) * BR
            pltpu.sync_copy(vb0.at[pl.ds(0, BR), :], acc_sh.at[pl.ds(r, BR), :])
            return 0
        lax.fori_loop(0, nb_mine, zcopy, 0)

        plsc.subcore_barrier()

        nmine = (NCH - wid + NW - 1) // NW

        def ebase(i):
            return (wid + i * NW) * C

        def start_gathers(i, slot):
            pltpu.async_copy(v_hbm.at[iv[slot].at[0]], vb[slot], semv[slot])
            pltpu.async_copy(
                w_hbm.at[pl.ds(ebase(i), C), :], wb[slot], seml[slot])

        pltpu.sync_copy(ei_hbm.at[:, pl.ds(ebase(0), C)], iv[0])
        start_gathers(0, 0)

        @pl.when(1 < nmine)
        def _():
            pltpu.async_copy(ei_hbm.at[:, pl.ds(ebase(1), C)], iv[1], semi[1])

        npairs = (nmine + 1) // 2

        def pair(p, _):
            for b in range(2):
                i = 2 * p + b

                @pl.when(i < nmine)
                def _():
                    @pl.when(i + 1 < nmine)
                    def _():
                        pltpu.make_async_copy(
                            ei_hbm.at[:, pl.ds(ebase(i + 1), C)],
                            iv[1 - b], semi[1 - b]).wait()
                        start_gathers(i + 1, 1 - b)

                    pltpu.make_async_copy(
                        v_hbm.at[iv[b].at[0]], vb[b], semv[b]).wait()
                    pltpu.make_async_copy(
                        w_hbm.at[pl.ds(ebase(i), C), :], wb[b], seml[b]).wait()

                    def emsg(e2, _):
                        for u in range(2):
                            e = e2 * 2 + u
                            wv = wb[b][e, :]
                            for h in range(H):
                                vb[b][e, pl.ds(h * HD, LANES)] = (
                                    vb[b][e, pl.ds(h * HD, LANES)] * wv[h])
                        return 0
                    lax.fori_loop(0, C // 2, emsg, 0)

                    pltpu.sync_copy(vb[b], acc_sh.at[iv[b].at[1]], add=True)

                    @pl.when(i + 2 < nmine)
                    def _():
                        pltpu.async_copy(
                            ei_hbm.at[:, pl.ds(ebase(i + 2), C)], iv[b], semi[b])
            return 0
        lax.fori_loop(0, npairs, pair, 0)

        plsc.subcore_barrier()

        def wout(j, _):
            r = (sid + j * NS) * BR
            pltpu.sync_copy(acc_sh.at[pl.ds(r, BR), :], out_hbm.at[cid, pl.ds(r, BR), :])
            return 0
        lax.fori_loop(0, nb_mine, wout, 0)

    return sc_messages


def kernel(x, edge_index, batch, W_k, b_k, W_v, b_v, W_o, b_o,
           gamma1, beta1, W1, b1, W2, b2, gamma2, beta2):
    N, D = x.shape
    E = edge_index.shape[1]
    H = 8
    HD = D // H

    K, V = pl.pallas_call(
        _pre_body,
        out_shape=(
            jax.ShapeDtypeStruct((N, D), jnp.float32),
            jax.ShapeDtypeStruct((N, D), jnp.float32),
        ),
    )(x, W_k, b_k.reshape(1, D), W_v, b_v.reshape(1, D))

    w_all, ss2 = _make_sc_scores(E, N, D, H)(edge_index, x, K)
    acc2 = _make_sc_messages(E, N, D, H)(edge_index, V, w_all)

    sel = np.zeros((16, D), np.float32)
    for h in range(H):
        sel[h, h * HD:(h + 1) * HD] = 1.0
    sel = jnp.asarray(sel)

    out = pl.pallas_call(
        _post_body,
        out_shape=jax.ShapeDtypeStruct((N, D), jnp.float32),
    )(x, acc2, ss2, sel, W_o, b_o.reshape(1, D), gamma1.reshape(1, D),
      beta1.reshape(1, D), W1, b1.reshape(1, -1), W2, b2.reshape(1, D),
      gamma2.reshape(1, D), beta2.reshape(1, D))
    return out

# --- scband reference (transcript-rebuilt; emitter-appended) ---
"""Pipeline reference for scband-vanlayer-68453188764122 (READ-ONLY COPY).

The authoritative reference and input builder live on the scoring server;
editing this copy changes nothing except your own understanding.
"""

import jax, jax.numpy as jnp
import numpy as np

N = 10000
E = 320000
D = 128
H = 8
HD = D // H
DFF = 2 * D


def setup_inputs(seed: int = 0) -> dict:
    key = jax.random.key(seed)
    ks = jax.random.split(key, 20)
    x = jax.random.normal(ks[0], (N, D), dtype=jnp.float32)
    edge_index = jax.random.randint(ks[1], (2, E), 0, N, dtype=jnp.int32)
    batch = jnp.zeros((N,), dtype=jnp.int32)
    s = 1.0 / np.sqrt(D)
    W_k = jax.random.normal(ks[2], (D, D), dtype=jnp.float32) * s
    b_k = jnp.zeros((D,), dtype=jnp.float32)
    W_v = jax.random.normal(ks[3], (D, D), dtype=jnp.float32) * s
    b_v = jnp.zeros((D,), dtype=jnp.float32)
    W_o = jax.random.normal(ks[4], (D, D), dtype=jnp.float32) * s
    b_o = jnp.zeros((D,), dtype=jnp.float32)
    gamma1 = jnp.ones((D,), dtype=jnp.float32)
    beta1 = jnp.zeros((D,), dtype=jnp.float32)
    W1 = jax.random.normal(ks[5], (D, DFF), dtype=jnp.float32) * s
    b1 = jnp.zeros((DFF,), dtype=jnp.float32)
    W2 = jax.random.normal(ks[6], (DFF, D), dtype=jnp.float32) * (1.0 / np.sqrt(DFF))
    b2 = jnp.zeros((D,), dtype=jnp.float32)
    gamma2 = jnp.ones((D,), dtype=jnp.float32)
    beta2 = jnp.zeros((D,), dtype=jnp.float32)
    return {"x": x, "edge_index": edge_index, "batch": batch,
            "W_k": W_k, "b_k": b_k, "W_v": W_v, "b_v": b_v, "W_o": W_o, "b_o": b_o,
            "gamma1": gamma1, "beta1": beta1, "W1": W1, "b1": b1, "W2": W2, "b2": b2,
            "gamma2": gamma2, "beta2": beta2}


def _batchnorm(h, gamma, beta, eps=1e-5):
    mean = jnp.mean(h, axis=0)
    var = jnp.var(h, axis=0)
    return (h - mean) / jnp.sqrt(var + eps) * gamma + beta


def reference(x, edge_index, batch, W_k, b_k, W_v, b_v, W_o, b_o,
              gamma1, beta1, W1, b1, W2, b2, gamma2, beta2):
    n = x.shape[0]
    src = edge_index[0]
    dst = edge_index[1]
    # SparseGraphAttention: q = x (raw), kv = x
    K = (x @ W_k + b_k).reshape(n, H, HD)
    V = (x @ W_v + b_v).reshape(n, H, HD)
    Q = x.reshape(n, H, HD)
    src_K = K[src]                      # gather [E, H, HD]
    dst_Q = Q[dst]                      # gather [E, H, HD]
    scores = jnp.sum(src_K * dst_Q, axis=-1) / np.sqrt(HD)  # [E, H]
    # pyg_softmax over dst segments
    seg_max = jax.ops.segment_max(scores, dst, num_segments=n)
    seg_max = jnp.where(jnp.isfinite(seg_max), seg_max, 0.0)
    ex = jnp.exp(scores - seg_max[dst])
    seg_sum = jax.ops.segment_sum(ex, dst, num_segments=n)
    attn = ex / (seg_sum[dst] + 1e-16)  # [E, H]
    src_V = V[src]                      # gather [E, H, HD]
    messages = src_V * attn[..., None]
    out = jax.ops.segment_sum(messages, dst, num_segments=n)  # scatter-add [n, H, HD]
    out = out.reshape(n, D) @ W_o + b_o
    # residual + batchnorm
    h = x + out
    h = _batchnorm(h, gamma1, beta1)
    # feed-forward block + residual + batchnorm
    ff = jnp.maximum(h @ W1 + b1, 0.0) @ W2 + b2
    h = h + ff
    h = _batchnorm(h, gamma2, beta2)
    return h

if __name__ == "__main__":
    import jax
    _d = setup_inputs()
    print(jax.jit(kernel)(*tuple(_d.values())))

</pallas_src>

<mosaic_0001>
#map = affine_map<(d0, d1) -> (0, 0)>
#map1 = affine_map<(d0, d1) -> (0, 0, 0)>
module attributes {stable_mosaic.version = 14 : i64} {
  func.func @sc_messages(%arg0: i32, %arg1: i32, %arg2: memref<2x320000xi32, #tpu.memory_space<hbm>>, %arg3: memref<10000x128xf32, #tpu.memory_space<hbm>>, %arg4: memref<320000x16xf32, #tpu.memory_space<hbm>>, %arg5: memref<2x10000x128xf32, #tpu.memory_space<hbm>>, %arg6: memref<2x128xi32, #tpu.memory_space<vmem>>, %arg7: memref<2x128xi32, #tpu.memory_space<vmem>>, %arg8: memref<128x128xf32, #tpu.memory_space<vmem>>, %arg9: memref<128x128xf32, #tpu.memory_space<vmem>>, %arg10: memref<128x16xf32, #tpu.memory_space<vmem>>, %arg11: memref<128x16xf32, #tpu.memory_space<vmem>>, %arg12: memref<10000x128xf32, #tpu.memory_space<vmem_shared>>, %arg13: memref<!tpu.dma_semaphore, #tpu.memory_space<semaphore_mem>>, %arg14: memref<!tpu.dma_semaphore, #tpu.memory_space<semaphore_mem>>, %arg15: memref<!tpu.dma_semaphore, #tpu.memory_space<semaphore_mem>>, %arg16: memref<!tpu.dma_semaphore, #tpu.memory_space<semaphore_mem>>, %arg17: memref<!tpu.dma_semaphore, #tpu.memory_space<semaphore_mem>>, %arg18: memref<!tpu.dma_semaphore, #tpu.memory_space<semaphore_mem>>) attributes {dimension_semantics = [#tpu.dimension_semantics<core_parallel>, #tpu.dimension_semantics<subcore_parallel>], iteration_bounds = array<i64: 2, 16>, scalar_prefetch = 0 : i64, scratch_operands = 13 : i64, tpu.core_type = #tpu.core_type<sc_vector_subcore>, window_params = [{transform_indices = #map}, {transform_indices = #map}, {transform_indices = #map}, {transform_indices = #map1}]} {
    %mul3A = arith.constant 2 : i32
    %mul3A_0 = arith.muli %arg1, %mul3A : i32
    %add3A = arith.addi %mul3A_0, %arg0 : i32
    %broadcast_in_dim3A = arith.constant 0.000000e+00 : f32
    %broadcast_in_dim3A_1 = vector.broadcast %broadcast_in_dim3A : f32 to vector<16xf32>
    %scan3A = arith.constant 0 : i32
    %scan3A_2 = arith.constant 0 : i32
    %scan3A_3 = arith.constant 128 : i32
    %scan3A_4 = arith.addi %scan3A_2, %scan3A_3 : i32
    %scan3A_5 = arith.constant 1 : i32
    %scan3A_6 = scf.for %scan3A_142 = %scan3A_2 to %scan3A_4 step %scan3A_5 iter_args(%scan3A_143 = %scan3A) -> (i32)  : i32 {
      %swap3A = arith.index_cast %scan3A_142 : i32 to index
      %swap3A_144 = arith.constant 0 : index
      %swap3A_145 = tpu.vector_load %arg8[%swap3A, %swap3A_144] {strides = array<i32>} : memref<128x128xf32, #tpu.memory_space<vmem>>, vector<16xf32>,
      tpu.vector_store %arg8[%swap3A, %swap3A_144], %broadcast_in_dim3A_1 {strides = array<i32>} : memref<128x128xf32, #tpu.memory_space<vmem>>, vector<16xf32>,
      %swap3A_146 = arith.index_cast %scan3A_142 : i32 to index
      %swap3A_147 = arith.constant 16 : index
      %swap3A_148 = tpu.vector_load %arg8[%swap3A_146, %swap3A_147] {strides = array<i32>} : memref<128x128xf32, #tpu.memory_space<vmem>>, vector<16xf32>,
      tpu.vector_store %arg8[%swap3A_146, %swap3A_147], %broadcast_in_dim3A_1 {strides = array<i32>} : memref<128x128xf32, #tpu.memory_space<vmem>>, vector<16xf32>,
      %swap3A_149 = arith.index_cast %scan3A_142 : i32 to index
      %swap3A_150 = arith.constant 32 : index
      %swap3A_151 = tpu.vector_load %arg8[%swap3A_149, %swap3A_150] {strides = array<i32>} : memref<128x128xf32, #tpu.memory_space<vmem>>, vector<16xf32>,
      tpu.vector_store %arg8[%swap3A_149, %swap3A_150], %broadcast_in_dim3A_1 {strides = array<i32>} : memref<128x128xf32, #tpu.memory_space<vmem>>, vector<16xf32>,
      %swap3A_152 = arith.index_cast %scan3A_142 : i32 to index
      %swap3A_153 = arith.constant 48 : index
      %swap3A_154 = tpu.vector_load %arg8[%swap3A_152, %swap3A_153] {strides = array<i32>} : memref<128x128xf32, #tpu.memory_space<vmem>>, vector<16xf32>,
      tpu.vector_store %arg8[%swap3A_152, %swap3A_153], %broadcast_in_dim3A_1 {strides = array<i32>} : memref<128x128xf32, #tpu.memory_space<vmem>>, vector<16xf32>,
      %swap3A_155 = arith.index_cast %scan3A_142 : i32 to index
      %swap3A_156 = arith.constant 64 : index
      %swap3A_157 = tpu.vector_load %arg8[%swap3A_155, %swap3A_156] {strides = array<i32>} : memref<128x128xf32, #tpu.memory_space<vmem>>, vector<16xf32>,
      tpu.vector_store %arg8[%swap3A_155, %swap3A_156], %broadcast_in_dim3A_1 {strides = array<i32>} : memref<128x128xf32, #tpu.memory_space<vmem>>, vector<16xf32>,
      %swap3A_158 = arith.index_cast %scan3A_142 : i32 to index
      %swap3A_159 = arith.constant 80 : index
      %swap3A_160 = tpu.vector_load %arg8[%swap3A_158, %swap3A_159] {strides = array<i32>} : memref<128x128xf32, #tpu.memory_space<vmem>>, vector<16xf32>,
      tpu.vector_store %arg8[%swap3A_158, %swap3A_159], %broadcast_in_dim3A_1 {strides = array<i32>} : memref<128x128xf32, #tpu.memory_space<vmem>>, vector<16xf32>,
      %swap3A_161 = arith.index_cast %scan3A_142 : i32 to index
      %swap3A_162 = arith.constant 96 : index
      %swap3A_163 = tpu.vector_load %arg8[%swap3A_161, %swap3A_162] {strides = array<i32>} : memref<128x128xf32, #tpu.memory_space<vmem>>, vector<16xf32>,
      tpu.vector_store %arg8[%swap3A_161, %swap3A_162], %broadcast_in_dim3A_1 {strides = array<i32>} : memref<128x128xf32, #tpu.memory_space<vmem>>, vector<16xf32>,
      %swap3A_164 = arith.index_cast %scan3A_142 : i32 to index
      %swap3A_165 = arith.constant 112 : index
      %swap3A_166 = tpu.vector_load %arg8[%swap3A_164, %swap3A_165] {strides = array<i32>} : memref<128x128xf32, #tpu.memory_space<vmem>>, vector<16xf32>,
      tpu.vector_store %arg8[%swap3A_164, %swap3A_165], %broadcast_in_dim3A_1 {strides = array<i32>} : memref<128x128xf32, #tpu.memory_space<vmem>>, vector<16xf32>,
      %scan3A_167 = arith.constant 0 : i32
      scf.yield %scan3A_167 : i32
    }
    %scan3A_7 = arith.constant 128 : i32
    %sub3A = arith.constant 125 : i32
    %sub3A_8 = arith.subi %sub3A, %arg1 : i32
    %add3A_9 = arith.constant 16 : i32
    %add3A_10 = arith.addi %sub3A_8, %add3A_9 : i32
    %sub3A_11 = arith.constant 1 : i32
    %sub3A_12 = arith.subi %add3A_10, %sub3A_11 : i32
    %jit3A = arith.constant 16 : i32
    %div3A = arith.divsi %sub3A_12, %jit3A : i32
    %sign3A = arith.constant 0 : i32
    %sign3A_13 = arith.cmpi sgt, %sub3A_12, %sign3A : i32
    %sign3A_14 = arith.extui %sign3A_13 : i1 to i32
    %sign3A_15 = arith.constant 0 : i32
    %sign3A_16 = arith.cmpi slt, %sub3A_12, %sign3A_15 : i32
    %sign3A_17 = arith.extui %sign3A_16 : i1 to i32
    %sign3A_18 = arith.subi %sign3A_14, %sign3A_17 : i32
    %sign3A_19 = arith.constant 0 : i32
    %sign3A_20 = arith.cmpi sgt, %jit3A, %sign3A_19 : i32
    %sign3A_21 = arith.extui %sign3A_20 : i1 to i32
    %sign3A_22 = arith.constant 0 : i32
    %sign3A_23 = arith.cmpi slt, %jit3A, %sign3A_22 : i32
    %sign3A_24 = arith.extui %sign3A_23 : i1 to i32
    %sign3A_25 = arith.subi %sign3A_21, %sign3A_24 : i32
    %ne3A = arith.cmpi ne, %sign3A_18, %sign3A_25 : i32
    %rem3A = arith.remsi %sub3A_12, %jit3A : i32
    %ne3A_26 = arith.constant 0 : i32
    %ne3A_27 = arith.cmpi ne, %rem3A, %ne3A_26 : i32
    %and3A = arith.andi %ne3A, %ne3A_27 : i1
    %sub3A_28 = arith.constant 1 : i32
    %sub3A_29 = arith.subi %div3A, %sub3A_28 : i32
    %select_n3A = arith.select %and3A, %sub3A_29, %div3A : i32
    %while3A = arith.constant 0 : i32
    %while3A_30 = arith.constant 0 : i32
    %while3A_31 = arith.subi %select_n3A, %while3A : i32
    %while3A_32 = arith.addi %while3A, %while3A_31 : i32
    %while3A_33 = arith.constant 1 : i32
    %while3A_34 = arith.divsi %while3A_31, %while3A_33 : i32
    %while3A_35 = arith.muli %while3A_34, %while3A_33 : i32
    %while3A_36 = arith.addi %while3A, %while3A_35 : i32
    %while3A_37 = arith.constant 1 : i32
    %while3A_38 = scf.for %while3A_142 = %while3A to %while3A_36 step %while3A_37 iter_args(%while3A_143 = %while3A_30) -> (i32)  : i32 {
      %mul3A_144 = arith.constant 16 : i32
      %mul3A_145 = arith.muli %while3A_142, %mul3A_144 : i32
      %add3A_146 = arith.addi %arg1, %mul3A_145 : i32
      %mul3A_147 = arith.constant 80 : i32
      %mul3A_148 = arith.muli %add3A_146, %mul3A_147 : i32
      "tpu.region"() ({
        %run_scoped3A = tpu.sem_alloc : memref<!tpu.dma_semaphore, #tpu.memory_space<semaphore_mem>>
        %dma_start3A_150 = arith.constant 0 : i32
        %dma_start3A_151 = arith.constant 0 : i32
        %dma_start3A_152 = tpu.memref_slice %arg8[%dma_start3A_150, %dma_start3A_151] : memref<128x128xf32, #tpu.memory_space<vmem>> -> memref<80x128xf32, #tpu.memory_space<vmem>>
        %dma_start3A_153 = arith.constant 0 : i32
        %dma_start3A_154 = tpu.memref_slice %arg12[%mul3A_148, %dma_start3A_153] : memref<10000x128xf32, #tpu.memory_space<vmem_shared>> -> memref<80x128xf32, #tpu.memory_space<vmem_shared>>
        %dma_start3A_155 = arith.constant 0 : i32
        %dma_start3A_156 = tpu.memref_slice %arg12[%mul3A_148, %dma_start3A_155] : memref<10000x128xf32, #tpu.memory_space<vmem_shared>> -> memref<80x128xf32, #tpu.memory_space<vmem_shared>>
        %dma_start3A_157 = arith.constant 0 : i32
        %dma_start3A_158 = arith.constant 0 : i32
        %dma_start3A_159 = tpu.memref_slice %arg8[%dma_start3A_157, %dma_start3A_158] : memref<128x128xf32, #tpu.memory_space<vmem>> -> memref<80x128xf32, #tpu.memory_space<vmem>>
        tpu.enqueue_dma source(%dma_start3A_159 : memref<80x128xf32, #tpu.memory_space<vmem>>) target(%dma_start3A_156 : memref<80x128xf32, #tpu.memory_space<vmem_shared>>) target_semaphore(%run_scoped3A : memref<!tpu.dma_semaphore, #tpu.memory_space<semaphore_mem>>)
        %dma_wait3A = arith.constant 0 : i32
        %dma_wait3A_160 = arith.constant 0 : i32
        %dma_wait3A_161 = tpu.memref_slice %arg8[%dma_wait3A, %dma_wait3A_160] : memref<128x128xf32, #tpu.memory_space<vmem>> -> memref<80x128xf32, #tpu.memory_space<vmem>>
        %dma_wait3A_162 = arith.constant 0 : i32
        %dma_wait3A_163 = tpu.memref_slice %arg12[%mul3A_148, %dma_wait3A_162] : memref<10000x128xf32, #tpu.memory_space<vmem_shared>> -> memref<80x128xf32, #tpu.memory_space<vmem_shared>>
        %dma_wait3A_164 = arith.constant 0 : i32
        %dma_wait3A_165 = tpu.memref_slice %arg12[%mul3A_148, %dma_wait3A_164] : memref<10000x128xf32, #tpu.memory_space<vmem_shared>> -> memref<80x128xf32, #tpu.memory_space<vmem_shared>>
        %dma_wait3A_166 = arith.constant 0 : i32
        %dma_wait3A_167 = arith.constant 0 : i32
        %dma_wait3A_168 = tpu.memref_slice %arg8[%dma_wait3A_166, %dma_wait3A_167] : memref<128x128xf32, #tpu.memory_space<vmem>> -> memref<80x128xf32, #tpu.memory_space<vmem>>
        tpu.wait_dma2 semaphore(%run_scoped3A : memref<!tpu.dma_semaphore, #tpu.memory_space<semaphore_mem>>) src(%dma_wait3A_168 : memref<80x128xf32, #tpu.memory_space<vmem>>) dst(%dma_wait3A_165 : memref<80x128xf32, #tpu.memory_space<vmem_shared>>)
        tpu.yield
      }) : () -> ()
      %while3A_149 = arith.constant 0 : i32
      scf.yield %while3A_149 : i32
    }
    %while3A_39 = arith.constant 1 : i32
    %while3A_40 = scf.for %while3A_142 = %while3A_36 to %while3A_32 step %while3A_39 iter_args(%while3A_143 = %while3A_38) -> (i32)  : i32 {
      %mul3A_144 = arith.constant 16 : i32
      %mul3A_145 = arith.muli %while3A_142, %mul3A_144 : i32
      %add3A_146 = arith.addi %arg1, %mul3A_145 : i32
      %mul3A_147 = arith.constant 80 : i32
      %mul3A_148 = arith.muli %add3A_146, %mul3A_147 : i32
      "tpu.region"() ({
        %run_scoped3A = tpu.sem_alloc : memref<!tpu.dma_semaphore, #tpu.memory_space<semaphore_mem>>
        %dma_start3A_150 = arith.constant 0 : i32
        %dma_start3A_151 = arith.constant 0 : i32
        %dma_start3A_152 = tpu.memref_slice %arg8[%dma_start3A_150, %dma_start3A_151] : memref<128x128xf32, #tpu.memory_space<vmem>> -> memref<80x128xf32, #tpu.memory_space<vmem>>
        %dma_start3A_153 = arith.constant 0 : i32
        %dma_start3A_154 = tpu.memref_slice %arg12[%mul3A_148, %dma_start3A_153] : memref<10000x128xf32, #tpu.memory_space<vmem_shared>> -> memref<80x128xf32, #tpu.memory_space<vmem_shared>>
        %dma_start3A_155 = arith.constant 0 : i32
        %dma_start3A_156 = tpu.memref_slice %arg12[%mul3A_148, %dma_start3A_155] : memref<10000x128xf32, #tpu.memory_space<vmem_shared>> -> memref<80x128xf32, #tpu.memory_space<vmem_shared>>
        %dma_start3A_157 = arith.constant 0 : i32
        %dma_start3A_158 = arith.constant 0 : i32
        %dma_start3A_159 = tpu.memref_slice %arg8[%dma_start3A_157, %dma_start3A_158] : memref<128x128xf32, #tpu.memory_space<vmem>> -> memref<80x128xf32, #tpu.memory_space<vmem>>
        tpu.enqueue_dma source(%dma_start3A_159 : memref<80x128xf32, #tpu.memory_space<vmem>>) target(%dma_start3A_156 : memref<80x128xf32, #tpu.memory_space<vmem_shared>>) target_semaphore(%run_scoped3A : memref<!tpu.dma_semaphore, #tpu.memory_space<semaphore_mem>>)
        %dma_wait3A = arith.constant 0 : i32
        %dma_wait3A_160 = arith.constant 0 : i32
        %dma_wait3A_161 = tpu.memref_slice %arg8[%dma_wait3A, %dma_wait3A_160] : memref<128x128xf32, #tpu.memory_space<vmem>> -> memref<80x128xf32, #tpu.memory_space<vmem>>
        %dma_wait3A_162 = arith.constant 0 : i32
        %dma_wait3A_163 = tpu.memref_slice %arg12[%mul3A_148, %dma_wait3A_162] : memref<10000x128xf32, #tpu.memory_space<vmem_shared>> -> memref<80x128xf32, #tpu.memory_space<vmem_shared>>
        %dma_wait3A_164 = arith.constant 0 : i32
        %dma_wait3A_165 = tpu.memref_slice %arg12[%mul3A_148, %dma_wait3A_164] : memref<10000x128xf32, #tpu.memory_space<vmem_shared>> -> memref<80x128xf32, #tpu.memory_space<vmem_shared>>
        %dma_wait3A_166 = arith.constant 0 : i32
        %dma_wait3A_167 = arith.constant 0 : i32
        %dma_wait3A_168 = tpu.memref_slice %arg8[%dma_wait3A_166, %dma_wait3A_167] : memref<128x128xf32, #tpu.memory_space<vmem>> -> memref<80x128xf32, #tpu.memory_space<vmem>>
        tpu.wait_dma2 semaphore(%run_scoped3A : memref<!tpu.dma_semaphore, #tpu.memory_space<semaphore_mem>>) src(%dma_wait3A_168 : memref<80x128xf32, #tpu.memory_space<vmem>>) dst(%dma_wait3A_165 : memref<80x128xf32, #tpu.memory_space<vmem_shared>>)
        tpu.yield
      }) : () -> ()
      %while3A_149 = arith.constant 0 : i32
      scf.yield %while3A_149 : i32
    }
    %barrier3A = arith.constant 0 : index
    tpu.barrier barrier_id(%barrier3A)
    %sub3A_41 = arith.constant 2500 : i32
    %sub3A_42 = arith.subi %sub3A_41, %add3A : i32
    %add3A_43 = arith.constant 32 : i32
    %add3A_44 = arith.addi %sub3A_42, %add3A_43 : i32
    %sub3A_45 = arith.constant 1 : i32
    %sub3A_46 = arith.subi %add3A_44, %sub3A_45 : i32
    %jit3A_47 = arith.constant 32 : i32
    %div3A_48 = arith.divsi %sub3A_46, %jit3A_47 : i32
    %sign3A_49 = arith.constant 0 : i32
    %sign3A_50 = arith.cmpi sgt, %sub3A_46, %sign3A_49 : i32
    %sign3A_51 = arith.extui %sign3A_50 : i1 to i32
    %sign3A_52 = arith.constant 0 : i32
    %sign3A_53 = arith.cmpi slt, %sub3A_46, %sign3A_52 : i32
    %sign3A_54 = arith.extui %sign3A_53 : i1 to i32
    %sign3A_55 = arith.subi %sign3A_51, %sign3A_54 : i32
    %sign3A_56 = arith.constant 0 : i32
    %sign3A_57 = arith.cmpi sgt, %jit3A_47, %sign3A_56 : i32
    %sign3A_58 = arith.extui %sign3A_57 : i1 to i32
    %sign3A_59 = arith.constant 0 : i32
    %sign3A_60 = arith.cmpi slt, %jit3A_47, %sign3A_59 : i32
    %sign3A_61 = arith.extui %sign3A_60 : i1 to i32
    %sign3A_62 = arith.subi %sign3A_58, %sign3A_61 : i32
    %ne3A_63 = arith.cmpi ne, %sign3A_55, %sign3A_62 : i32
    %rem3A_64 = arith.remsi %sub3A_46, %jit3A_47 : i32
    %ne3A_65 = arith.constant 0 : i32
    %ne3A_66 = arith.cmpi ne, %rem3A_64, %ne3A_65 : i32
    %and3A_67 = arith.andi %ne3A_63, %ne3A_66 : i1
    %sub3A_68 = arith.constant 1 : i32
    %sub3A_69 = arith.subi %div3A_48, %sub3A_68 : i32
    %select_n3A_70 = arith.select %and3A_67, %sub3A_69, %div3A_48 : i32
    %add3A_71 = arith.constant 0 : i32
    %add3A_72 = arith.addi %add3A, %add3A_71 : i32
    %mul3A_73 = arith.constant 128 : i32
    %mul3A_74 = arith.muli %add3A_72, %mul3A_73 : i32
    "tpu.region"() ({
      %run_scoped3A = tpu.sem_alloc : memref<!tpu.dma_semaphore, #tpu.memory_space<semaphore_mem>>
      %dma_start3A_142 = arith.constant 0 : i32
      %dma_start3A_143 = tpu.memref_slice %arg2[%dma_start3A_142, %mul3A_74] : memref<2x320000xi32, #tpu.memory_space<hbm>> -> memref<2x128xi32, #tpu.memory_space<hbm>>
      %dma_start3A_144 = arith.constant 0 : i32
      %dma_start3A_145 = tpu.memref_slice %arg2[%dma_start3A_144, %mul3A_74] : memref<2x320000xi32, #tpu.memory_space<hbm>> -> memref<2x128xi32, #tpu.memory_space<hbm>>
      tpu.enqueue_dma source(%dma_start3A_145 : memref<2x128xi32, #tpu.memory_space<hbm>>) target(%arg6 : memref<2x128xi32, #tpu.memory_space<vmem>>) target_semaphore(%run_scoped3A : memref<!tpu.dma_semaphore, #tpu.memory_space<semaphore_mem>>)
      %dma_wait3A = arith.constant 0 : i32
      %dma_wait3A_146 = tpu.memref_slice %arg2[%dma_wait3A, %mul3A_74] : memref<2x320000xi32, #tpu.memory_space<hbm>> -> memref<2x128xi32, #tpu.memory_space<hbm>>
      %dma_wait3A_147 = arith.constant 0 : i32
      %dma_wait3A_148 = tpu.memref_slice %arg2[%dma_wait3A_147, %mul3A_74] : memref<2x320000xi32, #tpu.memory_space<hbm>> -> memref<2x128xi32, #tpu.memory_space<hbm>>
      tpu.wait_dma2 semaphore(%run_scoped3A : memref<!tpu.dma_semaphore, #tpu.memory_space<semaphore_mem>>) src(%dma_wait3A_148 : memref<2x128xi32, #tpu.memory_space<hbm>>) dst(%arg6 : memref<2x128xi32, #tpu.memory_space<vmem>>)
      tpu.yield
    }) : () -> ()
    %dma_start3A = arith.constant 0 : i32
    %dma_start3A_75 = arith.constant 0 : i32
    %dma_start3A_76 = tpu.memref_slice %arg6[%dma_start3A, %dma_start3A_75] : memref<2x128xi32, #tpu.memory_space<vmem>> -> memref<1x128xi32, #tpu.memory_space<vmem>>
    %dma_start3A_77 = tpu.memref_squeeze %dma_start3A_76 : memref<1x128xi32, #tpu.memory_space<vmem>> -> memref<128xi32, #tpu.memory_space<vmem>>
    %dma_start3A_78 = arith.constant 0 : i32
    %dma_start3A_79 = arith.constant 0 : i32
    %dma_start3A_80 = tpu.memref_slice %arg3[%dma_start3A_78, %dma_start3A_79] : memref<10000x128xf32, #tpu.memory_space<hbm>> -> memref<10000x128xf32, #tpu.memory_space<hbm>>
    tpu.enqueue_indirect_dma source(%dma_start3A_80 : memref<10000x128xf32, #tpu.memory_space<hbm>>) target(%arg8 : memref<128x128xf32, #tpu.memory_space<vmem>>) offsets(%dma_start3A_77 : memref<128xi32, #tpu.memory_space<vmem>>) semaphore(%arg13 : memref<!tpu.dma_semaphore, #tpu.memory_space<semaphore_mem>>)
    %add3A_81 = arith.constant 0 : i32
    %add3A_82 = arith.addi %add3A, %add3A_81 : i32
    %mul3A_83 = arith.constant 128 : i32
    %mul3A_84 = arith.muli %add3A_82, %mul3A_83 : i32
    %dma_start3A_85 = arith.constant 0 : i32
    %dma_start3A_86 = tpu.memref_slice %arg4[%mul3A_84, %dma_start3A_85] : memref<320000x16xf32, #tpu.memory_space<hbm>> -> memref<128x16xf32, #tpu.memory_space<hbm>>
    %dma_start3A_87 = arith.constant 0 : i32
    %dma_start3A_88 = tpu.memref_slice %arg4[%mul3A_84, %dma_start3A_87] : memref<320000x16xf32, #tpu.memory_space<hbm>> -> memref<128x16xf32, #tpu.memory_space<hbm>>
    tpu.enqueue_dma source(%dma_start3A_88 : memref<128x16xf32, #tpu.memory_space<hbm>>) target(%arg10 : memref<128x16xf32, #tpu.memory_space<vmem>>) target_semaphore(%arg15 : memref<!tpu.dma_semaphore, #tpu.memory_space<semaphore_mem>>)
    %gt3A = arith.constant 1 : i32
    %gt3A_89 = arith.cmpi sgt, %select_n3A_70, %gt3A : i32
    %convert_element_type3A = arith.extui %gt3A_89 : i1 to i32
    %cond3A = arith.constant 0 : i32
    %cond3A_90 = arith.cmpi ne, %convert_element_type3A, %cond3A : i32
    scf.if %cond3A_90 {
      %add3A_142 = arith.constant 32 : i32
      %add3A_143 = arith.addi %add3A, %add3A_142 : i32
      %mul3A_144 = arith.constant 128 : i32
      %mul3A_145 = arith.muli %add3A_143, %mul3A_144 : i32
      %dma_start3A_146 = arith.constant 0 : i32
      %dma_start3A_147 = tpu.memref_slice %arg2[%dma_start3A_146, %mul3A_145] : memref<2x320000xi32, #tpu.memory_space<hbm>> -> memref<2x128xi32, #tpu.memory_space<hbm>>
      %dma_start3A_148 = arith.constant 0 : i32
      %dma_start3A_149 = tpu.memref_slice %arg2[%dma_start3A_148, %mul3A_145] : memref<2x320000xi32, #tpu.memory_space<hbm>> -> memref<2x128xi32, #tpu.memory_space<hbm>>
      tpu.enqueue_dma source(%dma_start3A_149 : memref<2x128xi32, #tpu.memory_space<hbm>>) target(%arg7 : memref<2x128xi32, #tpu.memory_space<vmem>>) target_semaphore(%arg18 : memref<!tpu.dma_semaphore, #tpu.memory_space<semaphore_mem>>)
    } else {
    }
    %add3A_91 = arith.constant 1 : i32
    %add3A_92 = arith.addi %select_n3A_70, %add3A_91 : i32
    %jit3A_93 = arith.constant 2 : i32
    %div3A_94 = arith.divsi %add3A_92, %jit3A_93 : i32
    %sign3A_95 = arith.constant 0 : i32
    %sign3A_96 = arith.cmpi sgt, %add3A_92, %sign3A_95 : i32
    %sign3A_97 = arith.extui %sign3A_96 : i1 to i32
    %sign3A_98 = arith.constant 0 : i32
    %sign3A_99 = arith.cmpi slt, %add3A_92, %sign3A_98 : i32
    %sign3A_100 = arith.extui %sign3A_99 : i1 to i32
    %sign3A_101 = arith.subi %sign3A_97, %sign3A_100 : i32
    %sign3A_102 = arith.constant 0 : i32
    %sign3A_103 = arith.cmpi sgt, %jit3A_93, %sign3A_102 : i32
    %sign3A_104 = arith.extui %sign3A_103 : i1 to i32
    %sign3A_105 = arith.constant 0 : i32
    %sign3A_106 = arith.cmpi slt, %jit3A_93, %sign3A_105 : i32
    %sign3A_107 = arith.extui %sign3A_106 : i1 to i32
    %sign3A_108 = arith.subi %sign3A_104, %sign3A_107 : i32
    %ne3A_109 = arith.cmpi ne, %sign3A_101, %sign3A_108 : i32
    %rem3A_110 = arith.remsi %add3A_92, %jit3A_93 : i32
    %ne3A_111 = arith.constant 0 : i32
    %ne3A_112 = arith.cmpi ne, %rem3A_110, %ne3A_111 : i32
    %and3A_113 = arith.andi %ne3A_109, %ne3A_112 : i1
    %sub3A_114 = arith.constant 1 : i32
    %sub3A_115 = arith.subi %div3A_94, %sub3A_114 : i32
    %select_n3A_116 = arith.select %and3A_113, %sub3A_115, %div3A_94 : i32
    %while3A_117 = arith.constant 0 : i32
    %while3A_118 = arith.constant 0 : i32
    %while3A_119 = arith.subi %select_n3A_116, %while3A_117 : i32
    %while3A_120 = arith.addi %while3A_117, %while3A_119 : i32
    %while3A_121 = arith.constant 1 : i32
    %while3A_122 = arith.divsi %while3A_119, %while3A_121 : i32
    %while3A_123 = arith.muli %while3A_122, %while3A_121 : i32
    %while3A_124 = arith.addi %while3A_117, %while3A_123 : i32
    %while3A_125 = arith.constant 1 : i32
    %while3A_126 = scf.for %while3A_142 = %while3A_117 to %while3A_124 step %while3A_125 iter_args(%while3A_143 = %while3A_118) -> (i32)  : i32 {
      %mul3A_144 = arith.constant 2 : i32
      %mul3A_145 = arith.muli %mul3A_144, %while3A_142 : i32
      %add3A_146 = arith.constant 0 : i32
      %add3A_147 = arith.addi %mul3A_145, %add3A_146 : i32
      %lt3A = arith.cmpi slt, %add3A_147, %select_n3A_70 : i32
      %convert_element_type3A_148 = arith.extui %lt3A : i1 to i32
      %cond3A_149 = arith.constant 0 : i32
      %cond3A_150 = arith.cmpi ne, %convert_element_type3A_148, %cond3A_149 : i32
      scf.if %cond3A_150 {
        %add3A_160 = arith.constant 1 : i32
        %add3A_161 = arith.addi %add3A_147, %add3A_160 : i32
        %lt3A_162 = arith.cmpi slt, %add3A_161, %select_n3A_70 : i32
        %convert_element_type3A_163 = arith.extui %lt3A_162 : i1 to i32
        %cond3A_164 = arith.constant 0 : i32
        %cond3A_165 = arith.cmpi ne, %convert_element_type3A_163, %cond3A_164 : i32
        scf.if %cond3A_165 {
          %add3A_194 = arith.constant 1 : i32
          %add3A_195 = arith.addi %add3A_147, %add3A_194 : i32
          %mul3A_196 = arith.constant 32 : i32
          %mul3A_197 = arith.muli %add3A_195, %mul3A_196 : i32
          %add3A_198 = arith.addi %add3A, %mul3A_197 : i32
          %mul3A_199 = arith.constant 128 : i32
          %mul3A_200 = arith.muli %add3A_198, %mul3A_199 : i32
          %dma_wait3A_201 = arith.constant 0 : i32
          %dma_wait3A_202 = tpu.memref_slice %arg2[%dma_wait3A_201, %mul3A_200] : memref<2x320000xi32, #tpu.memory_space<hbm>> -> memref<2x128xi32, #tpu.memory_space<hbm>>
          %dma_wait3A_203 = arith.constant 0 : i32
          %dma_wait3A_204 = tpu.memref_slice %arg2[%dma_wait3A_203, %mul3A_200] : memref<2x320000xi32, #tpu.memory_space<hbm>> -> memref<2x128xi32, #tpu.memory_space<hbm>>
          tpu.wait_dma2 semaphore(%arg18 : memref<!tpu.dma_semaphore, #tpu.memory_space<semaphore_mem>>) src(%dma_wait3A_204 : memref<2x128xi32, #tpu.memory_space<hbm>>) dst(%arg7 : memref<2x128xi32, #tpu.memory_space<vmem>>)
          %add3A_205 = arith.constant 1 : i32
          %add3A_206 = arith.addi %add3A_147, %add3A_205 : i32
          %dma_start3A_207 = arith.constant 0 : i32
          %dma_start3A_208 = arith.constant 0 : i32
          %dma_start3A_209 = tpu.memref_slice %arg7[%dma_start3A_207, %dma_start3A_208] : memref<2x128xi32, #tpu.memory_space<vmem>> -> memref<1x128xi32, #tpu.memory_space<vmem>>
          %dma_start3A_210 = tpu.memref_squeeze %dma_start3A_209 : memref<1x128xi32, #tpu.memory_space<vmem>> -> memref<128xi32, #tpu.memory_space<vmem>>
          %dma_start3A_211 = arith.constant 0 : i32
          %dma_start3A_212 = arith.constant 0 : i32
          %dma_start3A_213 = tpu.memref_slice %arg3[%dma_start3A_211, %dma_start3A_212] : memref<10000x128xf32, #tpu.memory_space<hbm>> -> memref<10000x128xf32, #tpu.memory_space<hbm>>
          tpu.enqueue_indirect_dma source(%dma_start3A_213 : memref<10000x128xf32, #tpu.memory_space<hbm>>) target(%arg9 : memref<128x128xf32, #tpu.memory_space<vmem>>) offsets(%dma_start3A_210 : memref<128xi32, #tpu.memory_space<vmem>>) semaphore(%arg14 : memref<!tpu.dma_semaphore, #tpu.memory_space<semaphore_mem>>)
          %mul3A_214 = arith.constant 32 : i32
          %mul3A_215 = arith.muli %add3A_206, %mul3A_214 : i32
          %add3A_216 = arith.addi %add3A, %mul3A_215 : i32
          %mul3A_217 = arith.constant 128 : i32
          %mul3A_218 = arith.muli %add3A_216, %mul3A_217 : i32
          %dma_start3A_219 = arith.constant 0 : i32
          %dma_start3A_220 = tpu.memref_slice %arg4[%mul3A_218, %dma_start3A_219] : memref<320000x16xf32, #tpu.memory_space<hbm>> -> memref<128x16xf32, #tpu.memory_space<hbm>>
          %dma_start3A_221 = arith.constant 0 : i32
          %dma_start3A_222 = tpu.memref_slice %arg4[%mul3A_218, %dma_start3A_221] : memref<320000x16xf32, #tpu.memory_space<hbm>> -> memref<128x16xf32, #tpu.memory_space<hbm>>
          tpu.enqueue_dma source(%dma_start3A_222 : memref<128x16xf32, #tpu.memory_space<hbm>>) target(%arg11 : memref<128x16xf32, #tpu.memory_space<vmem>>) target_semaphore(%arg16 : memref<!tpu.dma_semaphore, #tpu.memory_space<semaphore_mem>>)
        } else {
        }
        %dma_wait3A = arith.constant 0 : i32
        %dma_wait3A_166 = arith.constant 0 : i32
        %dma_wait3A_167 = tpu.memref_slice %arg6[%dma_wait3A, %dma_wait3A_166] : memref<2x128xi32, #tpu.memory_space<vmem>> -> memref<1x128xi32, #tpu.memory_space<vmem>>
        %dma_wait3A_168 = tpu.memref_squeeze %dma_wait3A_167 : memref<1x128xi32, #tpu.memory_space<vmem>> -> memref<128xi32, #tpu.memory_space<vmem>>
        %dma_wait3A_169 = arith.constant 0 : i32
        %dma_wait3A_170 = arith.constant 0 : i32
        %dma_wait3A_171 = tpu.memref_slice %arg3[%dma_wait3A_169, %dma_wait3A_170] : memref<10000x128xf32, #tpu.memory_space<hbm>> -> memref<10000x128xf32, #tpu.memory_space<hbm>>
        tpu.wait_indirect_dma semaphore(%arg13 : memref<!tpu.dma_semaphore, #tpu.memory_space<semaphore_mem>>) src(%dma_wait3A_171 : memref<10000x128xf32, #tpu.memory_space<hbm>>) dst(%arg8 : memref<128x128xf32, #tpu.memory_space<vmem>>)
        %mul3A_172 = arith.constant 32 : i32
        %mul3A_173 = arith.muli %add3A_147, %mul3A_172 : i32
        %add3A_174 = arith.addi %add3A, %mul3A_173 : i32
        %mul3A_175 = arith.constant 128 : i32
        %mul3A_176 = arith.muli %add3A_174, %mul3A_175 : i32
        %dma_wait3A_177 = arith.constant 0 : i32
        %dma_wait3A_178 = tpu.memref_slice %arg4[%mul3A_176, %dma_wait3A_177] : memref<320000x16xf32, #tpu.memory_space<hbm>> -> memref<128x16xf32, #tpu.memory_space<hbm>>
        %dma_wait3A_179 = arith.constant 0 : i32
        %dma_wait3A_180 = tpu.memref_slice %arg4[%mul3A_176, %dma_wait3A_179] : memref<320000x16xf32, #tpu.memory_space<hbm>> -> memref<128x16xf32, #tpu.memory_space<hbm>>
        tpu.wait_dma2 semaphore(%arg15 : memref<!tpu.dma_semaphore, #tpu.memory_space<semaphore_mem>>) src(%dma_wait3A_180 : memref<128x16xf32, #tpu.memory_space<hbm>>) dst(%arg10 : memref<128x16xf32, #tpu.memory_space<vmem>>)
        %scan3A_181 = arith.constant 0 : i32
        %scan3A_182 = arith.constant 0 : i32
        %scan3A_183 = arith.constant 64 : i32
        %scan3A_184 = arith.addi %scan3A_182, %scan3A_183 : i32
        %scan3A_185 = arith.constant 1 : i32
        %scan3A_186 = scf.for %scan3A_194 = %scan3A_182 to %scan3A_184 step %scan3A_185 iter_args(%scan3A_195 = %scan3A_181) -> (i32)  : i32 {
          %mul3A_196 = arith.constant 2 : i32
          %mul3A_197 = arith.muli %scan3A_194, %mul3A_196 : i32
          %add3A_198 = arith.constant 0 : i32
          %add3A_199 = arith.addi %mul3A_197, %add3A_198 : i32
          %get3A = arith.index_cast %add3A_199 : i32 to index
          %get3A_200 = arith.constant 0 : index
          %get3A_201 = tpu.vector_load %arg10[%get3A, %get3A_200] {strides = array<i32>} : memref<128x16xf32, #tpu.memory_space<vmem>>, vector<16xf32>,
          %get3A_202 = arith.index_cast %add3A_199 : i32 to index
          %get3A_203 = arith.constant 0 : index
          %get3A_204 = tpu.vector_load %arg8[%get3A_202, %get3A_203] {strides = array<i32>} : memref<128x128xf32, #tpu.memory_space<vmem>>, vector<16xf32>,
          %slice3A = vector.extract_strided_slice %get3A_201 {offsets = [0], sizes = [1], strides = [1]} : vector<16xf32> to vector<1xf32>
          %squeeze3A = vector.extract %slice3A[0] : f32 from vector<1xf32>
          %mul3A_205 = vector.broadcast %squeeze3A : f32 to vector<16xf32>
          %mul3A_206 = arith.mulf %get3A_204, %mul3A_205 : vector<16xf32>
          %swap3A = arith.index_cast %add3A_199 : i32 to index
          %swap3A_207 = arith.constant 0 : index
          %swap3A_208 = tpu.vector_load %arg8[%swap3A, %swap3A_207] {strides = array<i32>} : memref<128x128xf32, #tpu.memory_space<vmem>>, vector<16xf32>,
          tpu.vector_store %arg8[%swap3A, %swap3A_207], %mul3A_206 {strides = array<i32>} : memref<128x128xf32, #tpu.memory_space<vmem>>, vector<16xf32>,
          %get3A_209 = arith.index_cast %add3A_199 : i32 to index
          %get3A_210 = arith.constant 16 : index
          %get3A_211 = tpu.vector_load %arg8[%get3A_209, %get3A_210] {strides = array<i32>} : memref<128x128xf32, #tpu.memory_space<vmem>>, vector<16xf32>,
          %slice3A_212 = vector.extract_strided_slice %get3A_201 {offsets = [1], sizes = [1], strides = [1]} : vector<16xf32> to vector<1xf32>
          %squeeze3A_213 = vector.extract %slice3A_212[0] : f32 from vector<1xf32>
          %mul3A_214 = vector.broadcast %squeeze3A_213 : f32 to vector<16xf32>
          %mul3A_215 = arith.mulf %get3A_211, %mul3A_214 : vector<16xf32>
          %swap3A_216 = arith.index_cast %add3A_199 : i32 to index
          %swap3A_217 = arith.constant 16 : index
          %swap3A_218 = tpu.vector_load %arg8[%swap3A_216, %swap3A_217] {strides = array<i32>} : memref<128x128xf32, #tpu.memory_space<vmem>>, vector<16xf32>,
          tpu.vector_store %arg8[%swap3A_216, %swap3A_217], %mul3A_215 {strides = array<i32>} : memref<128x128xf32, #tpu.memory_space<vmem>>, vector<16xf32>,
          %get3A_219 = arith.index_cast %add3A_199 : i32 to index
          %get3A_220 = arith.constant 32 : index
          %get3A_221 = tpu.vector_load %arg8[%get3A_219, %get3A_220] {strides = array<i32>} : memref<128x128xf32, #tpu.memory_space<vmem>>, vector<16xf32>,
          %slice3A_222 = vector.extract_strided_slice %get3A_201 {offsets = [2], sizes = [1], strides = [1]} : vector<16xf32> to vector<1xf32>
          %squeeze3A_223 = vector.extract %slice3A_222[0] : f32 from vector<1xf32>
          %mul3A_224 = vector.broadcast %squeeze3A_223 : f32 to vector<16xf32>
          %mul3A_225 = arith.mulf %get3A_221, %mul3A_224 : vector<16xf32>
          %swap3A_226 = arith.index_cast %add3A_199 : i32 to index
          %swap3A_227 = arith.constant 32 : index
          %swap3A_228 = tpu.vector_load %arg8[%swap3A_226, %swap3A_227] {strides = array<i32>} : memref<128x128xf32, #tpu.memory_space<vmem>>, vector<16xf32>,
          tpu.vector_store %arg8[%swap3A_226, %swap3A_227], %mul3A_225 {strides = array<i32>} : memref<128x128xf32, #tpu.memory_space<vmem>>, vector<16xf32>,
          %get3A_229 = arith.index_cast %add3A_199 : i32 to index
          %get3A_230 = arith.constant 48 : index
          %get3A_231 = tpu.vector_load %arg8[%get3A_229, %get3A_230] {strides = array<i32>} : memref<128x128xf32, #tpu.memory_space<vmem>>, vector<16xf32>,
          %slice3A_232 = vector.extract_strided_slice %get3A_201 {offsets = [3], sizes = [1], strides = [1]} : vector<16xf32> to vector<1xf32>
          %squeeze3A_233 = vector.extract %slice3A_232[0] : f32 from vector<1xf32>
          %mul3A_234 = vector.broadcast %squeeze3A_233 : f32 to vector<16xf32>
          %mul3A_235 = arith.mulf %get3A_231, %mul3A_234 : vector<16xf32>
          %swap3A_236 = arith.index_cast %add3A_199 : i32 to index
          %swap3A_237 = arith.constant 48 : index
          %swap3A_238 = tpu.vector_load %arg8[%swap3A_236, %swap3A_237] {strides = array<i32>} : memref<128x128xf32, #tpu.memory_space<vmem>>, vector<16xf32>,
          tpu.vector_store %arg8[%swap3A_236, %swap3A_237], %mul3A_235 {strides = array<i32>} : memref<128x128xf32, #tpu.memory_space<vmem>>, vector<16xf32>,
          %get3A_239 = arith.index_cast %add3A_199 : i32 to index
          %get3A_240 = arith.constant 64 : index
          %get3A_241 = tpu.vector_load %arg8[%get3A_239, %get3A_240] {strides = array<i32>} : memref<128x128xf32, #tpu.memory_space<vmem>>, vector<16xf32>,
          %slice3A_242 = vector.extract_strided_slice %get3A_201 {offsets = [4], sizes = [1], strides = [1]} : vector<16xf32> to vector<1xf32>
          %squeeze3A_243 = vector.extract %slice3A_242[0] : f32 from vector<1xf32>
          %mul3A_244 = vector.broadcast %squeeze3A_243 : f32 to vector<16xf32>
          %mul3A_245 = arith.mulf %get3A_241, %mul3A_244 : vector<16xf32>
          %swap3A_246 = arith.index_cast %add3A_199 : i32 to index
          %swap3A_247 = arith.constant 64 : index
          %swap3A_248 = tpu.vector_load %arg8[%swap3A_246, %swap3A_247] {strides = array<i32>} : memref<128x128xf32, #tpu.memory_space<vmem>>, vector<16xf32>,
          tpu.vector_store %arg8[%swap3A_246, %swap3A_247], %mul3A_245 {strides = array<i32>} : memref<128x128xf32, #tpu.memory_space<vmem>>, vector<16xf32>,
          %get3A_249 = arith.index_cast %add3A_199 : i32 to index
          %get3A_250 = arith.constant 80 : index
          %get3A_251 = tpu.vector_load %arg8[%get3A_249, %get3A_250] {strides = array<i32>} : memref<128x128xf32, #tpu.memory_space<vmem>>, vector<16xf32>,
          %slice3A_252 = vector.extract_strided_slice %get3A_201 {offsets = [5], sizes = [1], strides = [1]} : vector<16xf32> to vector<1xf32>
          %squeeze3A_253 = vector.extract %slice3A_252[0] : f32 from vector<1xf32>
          %mul3A_254 = vector.broadcast %squeeze3A_253 : f32 to vector<16xf32>
          %mul3A_255 = arith.mulf %get3A_251, %mul3A_254 : vector<16xf32>
          %swap3A_256 = arith.index_cast %add3A_199 : i32 to index
          %swap3A_257 = arith.constant 80 : index
          %swap3A_258 = tpu.vector_load %arg8[%swap3A_256, %swap3A_257] {strides = array<i32>} : memref<128x128xf32, #tpu.memory_space<vmem>>, vector<16xf32>,
          tpu.vector_store %arg8[%swap3A_256, %swap3A_257], %mul3A_255 {strides = array<i32>} : memref<128x128xf32, #tpu.memory_space<vmem>>, vector<16xf32>,
          %get3A_259 = arith.index_cast %add3A_199 : i32 to index
          %get3A_260 = arith.constant 96 : index
          %get3A_261 = tpu.vector_load %arg8[%get3A_259, %get3A_260] {strides = array<i32>} : memref<128x128xf32, #tpu.memory_space<vmem>>, vector<16xf32>,
          %slice3A_262 = vector.extract_strided_slice %get3A_201 {offsets = [6], sizes = [1], strides = [1]} : vector<16xf32> to vector<1xf32>
          %squeeze3A_263 = vector.extract %slice3A_262[0] : f32 from vector<1xf32>
          %mul3A_264 = vector.broadcast %squeeze3A_263 : f32 to vector<16xf32>
          %mul3A_265 = arith.mulf %get3A_261, %mul3A_264 : vector<16xf32>
          %swap3A_266 = arith.index_cast %add3A_199 : i32 to index
          %swap3A_267 = arith.constant 96 : index
          %swap3A_268 = tpu.vector_load %arg8[%swap3A_266, %swap3A_267] {strides = array<i32>} : memref<128x128xf32, #tpu.memory_space<vmem>>, vector<16xf32>,
          tpu.vector_store %arg8[%swap3A_266, %swap3A_267], %mul3A_265 {strides = array<i32>} : memref<128x128xf32, #tpu.memory_space<vmem>>, vector<16xf32>,
          %get3A_269 = arith.index_cast %add3A_199 : i32 to index
          %get3A_270 = arith.constant 112 : index
          %get3A_271 = tpu.vector_load %arg8[%get3A_269, %get3A_270] {strides = array<i32>} : memref<128x128xf32, #tpu.memory_space<vmem>>, vector<16xf32>,
          %slice3A_272 = vector.extract_strided_slice %get3A_201 {offsets = [7], sizes = [1], strides = [1]} : vector<16xf32> to vector<1xf32>
          %squeeze3A_273 = vector.extract %slice3A_272[0] : f32 from vector<1xf32>
          %mul3A_274 = vector.broadcast %squeeze3A_273 : f32 to vector<16xf32>
          %mul3A_275 = arith.mulf %get3A_271, %mul3A_274 : vector<16xf32>
          %swap3A_276 = arith.index_cast %add3A_199 : i32 to index
          %swap3A_277 = arith.constant 112 : index
          %swap3A_278 = tpu.vector_load %arg8[%swap3A_276, %swap3A_277] {strides = array<i32>} : memref<128x128xf32, #tpu.memory_space<vmem>>, vector<16xf32>,
          tpu.vector_store %arg8[%swap3A_276, %swap3A_277], %mul3A_275 {strides = array<i32>} : memref<128x128xf32, #tpu.memory_space<vmem>>, vector<16xf32>,
          %mul3A_279 = arith.constant 2 : i32
          %mul3A_280 = arith.muli %scan3A_194, %mul3A_279 : i32
          %add3A_281 = arith.constant 1 : i32
          %add3A_282 = arith.addi %mul3A_280, %add3A_281 : i32
          %get3A_283 = arith.index_cast %add3A_282 : i32 to index
          %get3A_284 = arith.constant 0 : index
          %get3A_285 = tpu.vector_load %arg10[%get3A_283, %get3A_284] {strides = array<i32>} : memref<128x16xf32, #tpu.memory_space<vmem>>, vector<16xf32>,
          %get3A_286 = arith.index_cast %add3A_282 : i32 to index
          %get3A_287 = arith.constant 0 : index
          %get3A_288 = tpu.vector_load %arg8[%get3A_286, %get3A_287] {strides = array<i32>} : memref<128x128xf32, #tpu.memory_space<vmem>>, vector<16xf32>,
          %slice3A_289 = vector.extract_strided_slice %get3A_285 {offsets = [0], sizes = [1], strides = [1]} : vector<16xf32> to vector<1xf32>
          %squeeze3A_290 = vector.extract %slice3A_289[0] : f32 from vector<1xf32>
          %mul3A_291 = vector.broadcast %squeeze3A_290 : f32 to vector<16xf32>
          %mul3A_292 = arith.mulf %get3A_288, %mul3A_291 : vector<16xf32>
          %swap3A_293 = arith.index_cast %add3A_282 : i32 to index
          %swap3A_294 = arith.constant 0 : index
          %swap3A_295 = tpu.vector_load %arg8[%swap3A_293, %swap3A_294] {strides = array<i32>} : memref<128x128xf32, #tpu.memory_space<vmem>>, vector<16xf32>,
          tpu.vector_store %arg8[%swap3A_293, %swap3A_294], %mul3A_292 {strides = array<i32>} : memref<128x128xf32, #tpu.memory_space<vmem>>, vector<16xf32>,
          %get3A_296 = arith.index_cast %add3A_282 : i32 to index
          %get3A_297 = arith.constant 16 : index
          %get3A_298 = tpu.vector_load %arg8[%get3A_296, %get3A_297] {strides = array<i32>} : memref<128x128xf32, #tpu.memory_space<vmem>>, vector<16xf32>,
          %slice3A_299 = vector.extract_strided_slice %get3A_285 {offsets = [1], sizes = [1], strides = [1]} : vector<16xf32> to vector<1xf32>
          %squeeze3A_300 = vector.extract %slice3A_299[0] : f32 from vector<1xf32>
          %mul3A_301 = vector.broadcast %squeeze3A_300 : f32 to vector<16xf32>
          %mul3A_302 = arith.mulf %get3A_298, %mul3A_301 : vector<16xf32>
          %swap3A_303 = arith.index_cast %add3A_282 : i32 to index
          %swap3A_304 = arith.constant 16 : index
          %swap3A_305 = tpu.vector_load %arg8[%swap3A_303, %swap3A_304] {strides = array<i32>} : memref<128x128xf32, #tpu.memory_space<vmem>>, vector<16xf32>,
          tpu.vector_store %arg8[%swap3A_303, %swap3A_304], %mul3A_302 {strides = array<i32>} : memref<128x128xf32, #tpu.memory_space<vmem>>, vector<16xf32>,
          %get3A_306 = arith.index_cast %add3A_282 : i32 to index
          %get3A_307 = arith.constant 32 : index
          %get3A_308 = tpu.vector_load %arg8[%get3A_306, %get3A_307] {strides = array<i32>} : memref<128x128xf32, #tpu.memory_space<vmem>>, vector<16xf32>,
          %slice3A_309 = vector.extract_strided_slice %get3A_285 {offsets = [2], sizes = [1], strides = [1]} : vector<16xf32> to vector<1xf32>
          %squeeze3A_310 = vector.extract %slice3A_309[0] : f32 from vector<1xf32>
          %mul3A_311 = vector.broadcast %squeeze3A_310 : f32 to vector<16xf32>
          %mul3A_312 = arith.mulf %get3A_308, %mul3A_311 : vector<16xf32>
          %swap3A_313 = arith.index_cast %add3A_282 : i32 to index
          %swap3A_314 = arith.constant 32 : index
          %swap3A_315 = tpu.vector_load %arg8[%swap3A_313, %swap3A_314] {strides = array<i32>} : memref<128x128xf32, #tpu.memory_space<vmem>>, vector<16xf32>,
          tpu.vector_store %arg8[%swap3A_313, %swap3A_314], %mul3A_312 {strides = array<i32>} : memref<128x128xf32, #tpu.memory_space<vmem>>, vector<16xf32>,
          %get3A_316 = arith.index_cast %add3A_282 : i32 to index
          %get3A_317 = arith.constant 48 : index
          %get3A_318 = tpu.vector_load %arg8[%get3A_316, %get3A_317] {strides = array<i32>} : memref<128x128xf32, #tpu.memory_space<vmem>>, vector<16xf32>,
          %slice3A_319 = vector.extract_strided_slice %get3A_285 {offsets = [3], sizes = [1], strides = [1]} : vector<16xf32> to vector<1xf32>
          %squeeze3A_320 = vector.extract %slice3A_319[0] : f32 from vector<1xf32>
          %mul3A_321 = vector.broadcast %squeeze3A_320 : f32 to vector<16xf32>
          %mul3A_322 = arith.mulf %get3A_318, %mul3A_321 : vector<16xf32>
          %swap3A_323 = arith.index_cast %add3A_282 : i32 to index
          %swap3A_324 = arith.constant 48 : index
          %swap3A_325 = tpu.vector_load %arg8[%swap3A_323, %swap3A_324] {strides = array<i32>} : memref<128x128xf32, #tpu.memory_space<vmem>>, vector<16xf32>,
          tpu.vector_store %arg8[%swap3A_323, %swap3A_324], %mul3A_322 {strides = array<i32>} : memref<128x128xf32, #tpu.memory_space<vmem>>, vector<16xf32>,
          %get3A_326 = arith.index_cast %add3A_282 : i32 to index
          %get3A_327 = arith.constant 64 : index
          %get3A_328 = tpu.vector_load %arg8[%get3A_326, %get3A_327] {strides = array<i32>} : memref<128x128xf32, #tpu.memory_space<vmem>>, vector<16xf32>,
          %slice3A_329 = vector.extract_strided_slice %get3A_285 {offsets = [4], sizes = [1], strides = [1]} : vector<16xf32> to vector<1xf32>
          %squeeze3A_330 = vector.extract %slice3A_329[0] : f32 from vector<1xf32>
          %mul3A_331 = vector.broadcast %squeeze3A_330 : f32 to vector<16xf32>
          %mul3A_332 = arith.mulf %get3A_328, %mul3A_331 : vector<16xf32>
          %swap3A_333 = arith.index_cast %add3A_282 : i32 to index
          %swap3A_334 = arith.constant 64 : index
          %swap3A_335 = tpu.vector_load %arg8[%swap3A_333, %swap3A_334] {strides = array<i32>} : memref<128x128xf32, #tpu.memory_space<vmem>>, vector<16xf32>,
          tpu.vector_store %arg8[%swap3A_333, %swap3A_334], %mul3A_332 {strides = array<i32>} : memref<128x128xf32, #tpu.memory_space<vmem>>, vector<16xf32>,
          %get3A_336 = arith.index_cast %add3A_282 : i32 to index
          %get3A_337 = arith.constant 80 : index
          %get3A_338 = tpu.vector_load %arg8[%get3A_336, %get3A_337] {strides = array<i32>} : memref<128x128xf32, #tpu.memory_space<vmem>>, vector<16xf32>,
          %slice3A_339 = vector.extract_strided_slice %get3A_285 {offsets = [5], sizes = [1], strides = [1]} : vector<16xf32> to vector<1xf32>
          %squeeze3A_340 = vector.extract %slice3A_339[0] : f32 from vector<1xf32>
          %mul3A_341 = vector.broadcast %squeeze3A_340 : f32 to vector<16xf32>
          %mul3A_342 = arith.mulf %get3A_338, %mul3A_341 : vector<16xf32>
          %swap3A_343 = arith.index_cast %add3A_282 : i32 to index
          %swap3A_344 = arith.constant 80 : index
          %swap3A_345 = tpu.vector_load %arg8[%swap3A_343, %swap3A_344] {strides = array<i32>} : memref<128x128xf32, #tpu.memory_space<vmem>>, vector<16xf32>,
          tpu.vector_store %arg8[%swap3A_343, %swap3A_344], %mul3A_342 {strides = array<i32>} : memref<128x128xf32, #tpu.memory_space<vmem>>, vector<16xf32>,
          %get3A_346 = arith.index_cast %add3A_282 : i32 to index
          %get3A_347 = arith.constant 96 : index
          %get3A_348 = tpu.vector_load %arg8[%get3A_346, %get3A_347] {strides = array<i32>} : memref<128x128xf32, #tpu.memory_space<vmem>>, vector<16xf32>,
          %slice3A_349 = vector.extract_strided_slice %get3A_285 {offsets = [6], sizes = [1], strides = [1]} : vector<16xf32> to vector<1xf32>
          %squeeze3A_350 = vector.extract %slice3A_349[0] : f32 from vector<1xf32>
          %mul3A_351 = vector.broadcast %squeeze3A_350 : f32 to vector<16xf32>
          %mul3A_352 = arith.mulf %get3A_348, %mul3A_351 : vector<16xf32>
          %swap3A_353 = arith.index_cast %add3A_282 : i32 to index
          %swap3A_354 = arith.constant 96 : index
          %swap3A_355 = tpu.vector_load %arg8[%swap3A_353, %swap3A_354] {strides = array<i32>} : memref<128x128xf32, #tpu.memory_space<vmem>>, vector<16xf32>,
          tpu.vector_store %arg8[%swap3A_353, %swap3A_354], %mul3A_352 {strides = array<i32>} : memref<128x128xf32, #tpu.memory_space<vmem>>, vector<16xf32>,
          %get3A_356 = arith.index_cast %add3A_282 : i32 to index
          %get3A_357 = arith.constant 112 : index
          %get3A_358 = tpu.vector_load %arg8[%get3A_356, %get3A_357] {strides = array<i32>} : memref<128x128xf32, #tpu.memory_space<vmem>>, vector<16xf32>,
          %slice3A_359 = vector.extract_strided_slice %get3A_285 {offsets = [7], sizes = [1], strides = [1]} : vector<16xf32> to vector<1xf32>
          %squeeze3A_360 = vector.extract %slice3A_359[0] : f32 from vector<1xf32>
          %mul3A_361 = vector.broadcast %squeeze3A_360 : f32 to vector<16xf32>
          %mul3A_362 = arith.mulf %get3A_358, %mul3A_361 : vector<16xf32>
          %swap3A_363 = arith.index_cast %add3A_282 : i32 to index
          %swap3A_364 = arith.constant 112 : index
          %swap3A_365 = tpu.vector_load %arg8[%swap3A_363, %swap3A_364] {strides = array<i32>} : memref<128x128xf32, #tpu.memory_space<vmem>>, vector<16xf32>,
          tpu.vector_store %arg8[%swap3A_363, %swap3A_364], %mul3A_362 {strides = array<i32>} : memref<128x128xf32, #tpu.memory_space<vmem>>, vector<16xf32>,
          %scan3A_366 = arith.constant 0 : i32
          scf.yield %scan3A_366 : i32
        }
        %scan3A_187 = arith.constant 64 : i32
        %run_scoped3A = arith.constant 1 : i32
        "tpu.region"() ({
          %run_scoped3A_194 = tpu.sem_alloc : memref<!tpu.dma_semaphore, #tpu.memory_space<semaphore_mem>>
          %dma_start3A_195 = arith.constant 0 : i32
          %dma_start3A_196 = tpu.memref_slice %arg6[%run_scoped3A, %dma_start3A_195] : memref<2x128xi32, #tpu.memory_space<vmem>> -> memref<1x128xi32, #tpu.memory_space<vmem>>
          %dma_start3A_197 = tpu.memref_squeeze %dma_start3A_196 : memref<1x128xi32, #tpu.memory_space<vmem>> -> memref<128xi32, #tpu.memory_space<vmem>>
          %dma_start3A_198 = arith.constant 0 : i32
          %dma_start3A_199 = arith.constant 0 : i32
          %dma_start3A_200 = tpu.memref_slice %arg12[%dma_start3A_198, %dma_start3A_199] : memref<10000x128xf32, #tpu.memory_space<vmem_shared>> -> memref<10000x128xf32, #tpu.memory_space<vmem_shared>>
          tpu.enqueue_indirect_dma source(%arg8 : memref<128x128xf32, #tpu.memory_space<vmem>>) target(%dma_start3A_200 : memref<10000x128xf32, #tpu.memory_space<vmem_shared>>) offsets(%dma_start3A_197 : memref<128xi32, #tpu.memory_space<vmem>>) semaphore(%run_scoped3A_194 : memref<!tpu.dma_semaphore, #tpu.memory_space<semaphore_mem>>) {add = true}
          %dma_wait3A_201 = arith.constant 0 : i32
          %dma_wait3A_202 = tpu.memref_slice %arg6[%run_scoped3A, %dma_wait3A_201] : memref<2x128xi32, #tpu.memory_space<vmem>> -> memref<1x128xi32, #tpu.memory_space<vmem>>
          %dma_wait3A_203 = tpu.memref_squeeze %dma_wait3A_202 : memref<1x128xi32, #tpu.memory_space<vmem>> -> memref<128xi32, #tpu.memory_space<vmem>>
          %dma_wait3A_204 = arith.constant 0 : i32
          %dma_wait3A_205 = arith.constant 0 : i32
          %dma_wait3A_206 = tpu.memref_slice %arg12[%dma_wait3A_204, %dma_wait3A_205] : memref<10000x128xf32, #tpu.memory_space<vmem_shared>> -> memref<10000x128xf32, #tpu.memory_space<vmem_shared>>
          tpu.wait_indirect_dma semaphore(%run_scoped3A_194 : memref<!tpu.dma_semaphore, #tpu.memory_space<semaphore_mem>>) src(%arg8 : memref<128x128xf32, #tpu.memory_space<vmem>>) dst(%dma_wait3A_206 : memref<10000x128xf32, #tpu.memory_space<vmem_shared>>)
          tpu.yield
        }) : () -> ()
        %add3A_188 = arith.constant 2 : i32
        %add3A_189 = arith.addi %add3A_147, %add3A_188 : i32
        %lt3A_190 = arith.cmpi slt, %add3A_189, %select_n3A_70 : i32
        %convert_element_type3A_191 = arith.extui %lt3A_190 : i1 to i32
        %cond3A_192 = arith.constant 0 : i32
        %cond3A_193 = arith.cmpi ne, %convert_element_type3A_191, %cond3A_192 : i32
        scf.if %cond3A_193 {
          %add3A_194 = arith.constant 2 : i32
          %add3A_195 = arith.addi %add3A_147, %add3A_194 : i32
          %mul3A_196 = arith.constant 32 : i32
          %mul3A_197 = arith.muli %add3A_195, %mul3A_196 : i32
          %add3A_198 = arith.addi %add3A, %mul3A_197 : i32
          %mul3A_199 = arith.constant 128 : i32
          %mul3A_200 = arith.muli %add3A_198, %mul3A_199 : i32
          %dma_start3A_201 = arith.constant 0 : i32
          %dma_start3A_202 = tpu.memref_slice %arg2[%dma_start3A_201, %mul3A_200] : memref<2x320000xi32, #tpu.memory_space<hbm>> -> memref<2x128xi32, #tpu.memory_space<hbm>>
          %dma_start3A_203 = arith.constant 0 : i32
          %dma_start3A_204 = tpu.memref_slice %arg2[%dma_start3A_203, %mul3A_200] : memref<2x320000xi32, #tpu.memory_space<hbm>> -> memref<2x128xi32, #tpu.memory_space<hbm>>
          tpu.enqueue_dma source(%dma_start3A_204 : memref<2x128xi32, #tpu.memory_space<hbm>>) target(%arg6 : memref<2x128xi32, #tpu.memory_space<vmem>>) target_semaphore(%arg17 : memref<!tpu.dma_semaphore, #tpu.memory_space<semaphore_mem>>)
        } else {
        }
      } else {
      }
      %mul3A_151 = arith.constant 2 : i32
      %mul3A_152 = arith.muli %mul3A_151, %while3A_142 : i32
      %add3A_153 = arith.constant 1 : i32
      %add3A_154 = arith.addi %mul3A_152, %add3A_153 : i32
      %lt3A_155 = arith.cmpi slt, %add3A_154, %select_n3A_70 : i32
      %convert_element_type3A_156 = arith.extui %lt3A_155 : i1 to i32
      %cond3A_157 = arith.constant 0 : i32
      %cond3A_158 = arith.cmpi ne, %convert_element_type3A_156, %cond3A_157 : i32
      scf.if %cond3A_158 {
        %add3A_160 = arith.constant 1 : i32
        %add3A_161 = arith.addi %add3A_154, %add3A_160 : i32
        %lt3A_162 = arith.cmpi slt, %add3A_161, %select_n3A_70 : i32
        %convert_element_type3A_163 = arith.extui %lt3A_162 : i1 to i32
        %cond3A_164 = arith.constant 0 : i32
        %cond3A_165 = arith.cmpi ne, %convert_element_type3A_163, %cond3A_164 : i32
        scf.if %cond3A_165 {
          %add3A_194 = arith.constant 1 : i32
          %add3A_195 = arith.addi %add3A_154, %add3A_194 : i32
          %mul3A_196 = arith.constant 32 : i32
          %mul3A_197 = arith.muli %add3A_195, %mul3A_196 : i32
          %add3A_198 = arith.addi %add3A, %mul3A_197 : i32
          %mul3A_199 = arith.constant 128 : i32
          %mul3A_200 = arith.muli %add3A_198, %mul3A_199 : i32
          %dma_wait3A_201 = arith.constant 0 : i32
          %dma_wait3A_202 = tpu.memref_slice %arg2[%dma_wait3A_201, %mul3A_200] : memref<2x320000xi32, #tpu.memory_space<hbm>> -> memref<2x128xi32, #tpu.memory_space<hbm>>
          %dma_wait3A_203 = arith.constant 0 : i32
          %dma_wait3A_204 = tpu.memref_slice %arg2[%dma_wait3A_203, %mul3A_200] : memref<2x320000xi32, #tpu.memory_space<hbm>> -> memref<2x128xi32, #tpu.memory_space<hbm>>
          tpu.wait_dma2 semaphore(%arg17 : memref<!tpu.dma_semaphore, #tpu.memory_space<semaphore_mem>>) src(%dma_wait3A_204 : memref<2x128xi32, #tpu.memory_space<hbm>>) dst(%arg6 : memref<2x128xi32, #tpu.memory_space<vmem>>)
          %add3A_205 = arith.constant 1 : i32
          %add3A_206 = arith.addi %add3A_154, %add3A_205 : i32
          %dma_start3A_207 = arith.constant 0 : i32
          %dma_start3A_208 = arith.constant 0 : i32
          %dma_start3A_209 = tpu.memref_slice %arg6[%dma_start3A_207, %dma_start3A_208] : memref<2x128xi32, #tpu.memory_space<vmem>> -> memref<1x128xi32, #tpu.memory_space<vmem>>
          %dma_start3A_210 = tpu.memref_squeeze %dma_start3A_209 : memref<1x128xi32, #tpu.memory_space<vmem>> -> memref<128xi32, #tpu.memory_space<vmem>>
          %dma_start3A_211 = arith.constant 0 : i32
          %dma_start3A_212 = arith.constant 0 : i32
          %dma_start3A_213 = tpu.memref_slice %arg3[%dma_start3A_211, %dma_start3A_212] : memref<10000x128xf32, #tpu.memory_space<hbm>> -> memref<10000x128xf32, #tpu.memory_space<hbm>>
          tpu.enqueue_indirect_dma source(%dma_start3A_213 : memref<10000x128xf32, #tpu.memory_space<hbm>>) target(%arg8 : memref<128x128xf32, #tpu.memory_space<vmem>>) offsets(%dma_start3A_210 : memref<128xi32, #tpu.memory_space<vmem>>) semaphore(%arg13 : memref<!tpu.dma_semaphore, #tpu.memory_space<semaphore_mem>>)
          %mul3A_214 = arith.constant 32 : i32
          %mul3A_215 = arith.muli %add3A_206, %mul3A_214 : i32
          %add3A_216 = arith.addi %add3A, %mul3A_215 : i32
          %mul3A_217 = arith.constant 128 : i32
          %mul3A_218 = arith.muli %add3A_216, %mul3A_217 : i32
          %dma_start3A_219 = arith.constant 0 : i32
          %dma_start3A_220 = tpu.memref_slice %arg4[%mul3A_218, %dma_start3A_219] : memref<320000x16xf32, #tpu.memory_space<hbm>> -> memref<128x16xf32, #tpu.memory_space<hbm>>
          %dma_start3A_221 = arith.constant 0 : i32
          %dma_start3A_222 = tpu.memref_slice %arg4[%mul3A_218, %dma_start3A_221] : memref<320000x16xf32, #tpu.memory_space<hbm>> -> memref<128x16xf32, #tpu.memory_space<hbm>>
          tpu.enqueue_dma source(%dma_start3A_222 : memref<128x16xf32, #tpu.memory_space<hbm>>) target(%arg10 : memref<128x16xf32, #tpu.memory_space<vmem>>) target_semaphore(%arg15 : memref<!tpu.dma_semaphore, #tpu.memory_space<semaphore_mem>>)
        } else {
        }
        %dma_wait3A = arith.constant 0 : i32
        %dma_wait3A_166 = arith.constant 0 : i32
        %dma_wait3A_167 = tpu.memref_slice %arg7[%dma_wait3A, %dma_wait3A_166] : memref<2x128xi32, #tpu.memory_space<vmem>> -> memref<1x128xi32, #tpu.memory_space<vmem>>
        %dma_wait3A_168 = tpu.memref_squeeze %dma_wait3A_167 : memref<1x128xi32, #tpu.memory_space<vmem>> -> memref<128xi32, #tpu.memory_space<vmem>>
        %dma_wait3A_169 = arith.constant 0 : i32
        %dma_wait3A_170 = arith.constant 0 : i32
        %dma_wait3A_171 = tpu.memref_slice %arg3[%dma_wait3A_169, %dma_wait3A_170] : memref<10000x128xf32, #tpu.memory_space<hbm>> -> memref<10000x128xf32, #tpu.memory_space<hbm>>
        tpu.wait_indirect_dma semaphore(%arg14 : memref<!tpu.dma_semaphore, #tpu.memory_space<semaphore_mem>>) src(%dma_wait3A_171 : memref<10000x128xf32, #tpu.memory_space<hbm>>) dst(%arg9 : memref<128x128xf32, #tpu.memory_space<vmem>>)
        %mul3A_172 = arith.constant 32 : i32
        %mul3A_173 = arith.muli %add3A_154, %mul3A_172 : i32
        %add3A_174 = arith.addi %add3A, %mul3A_173 : i32
        %mul3A_175 = arith.constant 128 : i32
        %mul3A_176 = arith.muli %add3A_174, %mul3A_175 : i32
        %dma_wait3A_177 = arith.constant 0 : i32
        %dma_wait3A_178 = tpu.memref_slice %arg4[%mul3A_176, %dma_wait3A_177] : memref<320000x16xf32, #tpu.memory_space<hbm>> -> memref<128x16xf32, #tpu.memory_space<hbm>>
        %dma_wait3A_179 = arith.constant 0 : i32
        %dma_wait3A_180 = tpu.memref_slice %arg4[%mul3A_176, %dma_wait3A_179] : memref<320000x16xf32, #tpu.memory_space<hbm>> -> memref<128x16xf32, #tpu.memory_space<hbm>>
        tpu.wait_dma2 semaphore(%arg16 : memref<!tpu.dma_semaphore, #tpu.memory_space<semaphore_mem>>) src(%dma_wait3A_180 : memref<128x16xf32, #tpu.memory_space<hbm>>) dst(%arg11 : memref<128x16xf32, #tpu.memory_space<vmem>>)
        %scan3A_181 = arith.constant 0 : i32
        %scan3A_182 = arith.constant 0 : i32
        %scan3A_183 = arith.constant 64 : i32
        %scan3A_184 = arith.addi %scan3A_182, %scan3A_183 : i32
        %scan3A_185 = arith.constant 1 : i32
        %scan3A_186 = scf.for %scan3A_194 = %scan3A_182 to %scan3A_184 step %scan3A_185 iter_args(%scan3A_195 = %scan3A_181) -> (i32)  : i32 {
          %mul3A_196 = arith.constant 2 : i32
          %mul3A_197 = arith.muli %scan3A_194, %mul3A_196 : i32
          %add3A_198 = arith.constant 0 : i32
          %add3A_199 = arith.addi %mul3A_197, %add3A_198 : i32
          %get3A = arith.index_cast %add3A_199 : i32 to index
          %get3A_200 = arith.constant 0 : index
          %get3A_201 = tpu.vector_load %arg11[%get3A, %get3A_200] {strides = array<i32>} : memref<128x16xf32, #tpu.memory_space<vmem>>, vector<16xf32>,
          %get3A_202 = arith.index_cast %add3A_199 : i32 to index
          %get3A_203 = arith.constant 0 : index
          %get3A_204 = tpu.vector_load %arg9[%get3A_202, %get3A_203] {strides = array<i32>} : memref<128x128xf32, #tpu.memory_space<vmem>>, vector<16xf32>,
          %slice3A = vector.extract_strided_slice %get3A_201 {offsets = [0], sizes = [1], strides = [1]} : vector<16xf32> to vector<1xf32>
          %squeeze3A = vector.extract %slice3A[0] : f32 from vector<1xf32>
          %mul3A_205 = vector.broadcast %squeeze3A : f32 to vector<16xf32>
          %mul3A_206 = arith.mulf %get3A_204, %mul3A_205 : vector<16xf32>
          %swap3A = arith.index_cast %add3A_199 : i32 to index
          %swap3A_207 = arith.constant 0 : index
          %swap3A_208 = tpu.vector_load %arg9[%swap3A, %swap3A_207] {strides = array<i32>} : memref<128x128xf32, #tpu.memory_space<vmem>>, vector<16xf32>,
          tpu.vector_store %arg9[%swap3A, %swap3A_207], %mul3A_206 {strides = array<i32>} : memref<128x128xf32, #tpu.memory_space<vmem>>, vector<16xf32>,
          %get3A_209 = arith.index_cast %add3A_199 : i32 to index
          %get3A_210 = arith.constant 16 : index
          %get3A_211 = tpu.vector_load %arg9[%get3A_209, %get3A_210] {strides = array<i32>} : memref<128x128xf32, #tpu.memory_space<vmem>>, vector<16xf32>,
          %slice3A_212 = vector.extract_strided_slice %get3A_201 {offsets = [1], sizes = [1], strides = [1]} : vector<16xf32> to vector<1xf32>
          %squeeze3A_213 = vector.extract %slice3A_212[0] : f32 from vector<1xf32>
          %mul3A_214 = vector.broadcast %squeeze3A_213 : f32 to vector<16xf32>
          %mul3A_215 = arith.mulf %get3A_211, %mul3A_214 : vector<16xf32>
          %swap3A_216 = arith.index_cast %add3A_199 : i32 to index
          %swap3A_217 = arith.constant 16 : index
          %swap3A_218 = tpu.vector_load %arg9[%swap3A_216, %swap3A_217] {strides = array<i32>} : memref<128x128xf32, #tpu.memory_space<vmem>>, vector<16xf32>,
          tpu.vector_store %arg9[%swap3A_216, %swap3A_217], %mul3A_215 {strides = array<i32>} : memref<128x128xf32, #tpu.memory_space<vmem>>, vector<16xf32>,
          %get3A_219 = arith.index_cast %add3A_199 : i32 to index
          %get3A_220 = arith.constant 32 : index
          %get3A_221 = tpu.vector_load %arg9[%get3A_219, %get3A_220] {strides = array<i32>} : memref<128x128xf32, #tpu.memory_space<vmem>>, vector<16xf32>,
          %slice3A_222 = vector.extract_strided_slice %get3A_201 {offsets = [2], sizes = [1], strides = [1]} : vector<16xf32> to vector<1xf32>
          %squeeze3A_223 = vector.extract %slice3A_222[0] : f32 from vector<1xf32>
          %mul3A_224 = vector.broadcast %squeeze3A_223 : f32 to vector<16xf32>
          %mul3A_225 = arith.mulf %get3A_221, %mul3A_224 : vector<16xf32>
          %swap3A_226 = arith.index_cast %add3A_199 : i32 to index
          %swap3A_227 = arith.constant 32 : index
          %swap3A_228 = tpu.vector_load %arg9[%swap3A_226, %swap3A_227] {strides = array<i32>} : memref<128x128xf32, #tpu.memory_space<vmem>>, vector<16xf32>,
          tpu.vector_store %arg9[%swap3A_226, %swap3A_227], %mul3A_225 {strides = array<i32>} : memref<128x128xf32, #tpu.memory_space<vmem>>, vector<16xf32>,
          %get3A_229 = arith.index_cast %add3A_199 : i32 to index
          %get3A_230 = arith.constant 48 : index
          %get3A_231 = tpu.vector_load %arg9[%get3A_229, %get3A_230] {strides = array<i32>} : memref<128x128xf32, #tpu.memory_space<vmem>>, vector<16xf32>,
          %slice3A_232 = vector.extract_strided_slice %get3A_201 {offsets = [3], sizes = [1], strides = [1]} : vector<16xf32> to vector<1xf32>
          %squeeze3A_233 = vector.extract %slice3A_232[0] : f32 from vector<1xf32>
          %mul3A_234 = vector.broadcast %squeeze3A_233 : f32 to vector<16xf32>
          %mul3A_235 = arith.mulf %get3A_231, %mul3A_234 : vector<16xf32>
          %swap3A_236 = arith.index_cast %add3A_199 : i32 to index
          %swap3A_237 = arith.constant 48 : index
          %swap3A_238 = tpu.vector_load %arg9[%swap3A_236, %swap3A_237] {strides = array<i32>} : memref<128x128xf32, #tpu.memory_space<vmem>>, vector<16xf32>,
          tpu.vector_store %arg9[%swap3A_236, %swap3A_237], %mul3A_235 {strides = array<i32>} : memref<128x128xf32, #tpu.memory_space<vmem>>, vector<16xf32>,
          %get3A_239 = arith.index_cast %add3A_199 : i32 to index
          %get3A_240 = arith.constant 64 : index
          %get3A_241 = tpu.vector_load %arg9[%get3A_239, %get3A_240] {strides = array<i32>} : memref<128x128xf32, #tpu.memory_space<vmem>>, vector<16xf32>,
          %slice3A_242 = vector.extract_strided_slice %get3A_201 {offsets = [4], sizes = [1], strides = [1]} : vector<16xf32> to vector<1xf32>
          %squeeze3A_243 = vector.extract %slice3A_242[0] : f32 from vector<1xf32>
          %mul3A_244 = vector.broadcast %squeeze3A_243 : f32 to vector<16xf32>
          %mul3A_245 = arith.mulf %get3A_241, %mul3A_244 : vector<16xf32>
          %swap3A_246 = arith.index_cast %add3A_199 : i32 to index
          %swap3A_247 = arith.constant 64 : index
          %swap3A_248 = tpu.vector_load %arg9[%swap3A_246, %swap3A_247] {strides = array<i32>} : memref<128x128xf32, #tpu.memory_space<vmem>>, vector<16xf32>,
          tpu.vector_store %arg9[%swap3A_246, %swap3A_247], %mul3A_245 {strides = array<i32>} : memref<128x128xf32, #tpu.memory_space<vmem>>, vector<16xf32>,
          %get3A_249 = arith.index_cast %add3A_199 : i32 to index
          %get3A_250 = arith.constant 80 : index
          %get3A_251 = tpu.vector_load %arg9[%get3A_249, %get3A_250] {strides = array<i32>} : memref<128x128xf32, #tpu.memory_space<vmem>>, vector<16xf32>,
          %slice3A_252 = vector.extract_strided_slice %get3A_201 {offsets = [5], sizes = [1], strides = [1]} : vector<16xf32> to vector<1xf32>
          %squeeze3A_253 = vector.extract %slice3A_252[0] : f32 from vector<1xf32>
          %mul3A_254 = vector.broadcast %squeeze3A_253 : f32 to vector<16xf32>
          %mul3A_255 = arith.mulf %get3A_251, %mul3A_254 : vector<16xf32>
          %swap3A_256 = arith.index_cast %add3A_199 : i32 to index
          %swap3A_257 = arith.constant 80 : index
          %swap3A_258 = tpu.vector_load %arg9[%swap3A_256, %swap3A_257] {strides = array<i32>} : memref<128x128xf32, #tpu.memory_space<vmem>>, vector<16xf32>,
          tpu.vector_store %arg9[%swap3A_256, %swap3A_257], %mul3A_255 {strides = array<i32>} : memref<128x128xf32, #tpu.memory_space<vmem>>, vector<16xf32>,
          %get3A_259 = arith.index_cast %add3A_199 : i32 to index
          %get3A_260 = arith.constant 96 : index
          %get3A_261 = tpu.vector_load %arg9[%get3A_259, %get3A_260] {strides = array<i32>} : memref<128x128xf32, #tpu.memory_space<vmem>>, vector<16xf32>,
          %slice3A_262 = vector.extract_strided_slice %get3A_201 {offsets = [6], sizes = [1], strides = [1]} : vector<16xf32> to vector<1xf32>
          %squeeze3A_263 = vector.extract %slice3A_262[0] : f32 from vector<1xf32>
          %mul3A_264 = vector.broadcast %squeeze3A_263 : f32 to vector<16xf32>
          %mul3A_265 = arith.mulf %get3A_261, %mul3A_264 : vector<16xf32>
          %swap3A_266 = arith.index_cast %add3A_199 : i32 to index
          %swap3A_267 = arith.constant 96 : index
          %swap3A_268 = tpu.vector_load %arg9[%swap3A_266, %swap3A_267] {strides = array<i32>} : memref<128x128xf32, #tpu.memory_space<vmem>>, vector<16xf32>,
          tpu.vector_store %arg9[%swap3A_266, %swap3A_267], %mul3A_265 {strides = array<i32>} : memref<128x128xf32, #tpu.memory_space<vmem>>, vector<16xf32>,
          %get3A_269 = arith.index_cast %add3A_199 : i32 to index
          %get3A_270 = arith.constant 112 : index
          %get3A_271 = tpu.vector_load %arg9[%get3A_269, %get3A_270] {strides = array<i32>} : memref<128x128xf32, #tpu.memory_space<vmem>>, vector<16xf32>,
          %slice3A_272 = vector.extract_strided_slice %get3A_201 {offsets = [7], sizes = [1], strides = [1]} : vector<16xf32> to vector<1xf32>
          %squeeze3A_273 = vector.extract %slice3A_272[0] : f32 from vector<1xf32>
          %mul3A_274 = vector.broadcast %squeeze3A_273 : f32 to vector<16xf32>
          %mul3A_275 = arith.mulf %get3A_271, %mul3A_274 : vector<16xf32>
          %swap3A_276 = arith.index_cast %add3A_199 : i32 to index
          %swap3A_277 = arith.constant 112 : index
          %swap3A_278 = tpu.vector_load %arg9[%swap3A_276, %swap3A_277] {strides = array<i32>} : memref<128x128xf32, #tpu.memory_space<vmem>>, vector<16xf32>,
          tpu.vector_store %arg9[%swap3A_276, %swap3A_277], %mul3A_275 {strides = array<i32>} : memref<128x128xf32, #tpu.memory_space<vmem>>, vector<16xf32>,
          %mul3A_279 = arith.constant 2 : i32
          %mul3A_280 = arith.muli %scan3A_194, %mul3A_279 : i32
          %add3A_281 = arith.constant 1 : i32
          %add3A_282 = arith.addi %mul3A_280, %add3A_281 : i32
          %get3A_283 = arith.index_cast %add3A_282 : i32 to index
          %get3A_284 = arith.constant 0 : index
          %get3A_285 = tpu.vector_load %arg11[%get3A_283, %get3A_284] {strides = array<i32>} : memref<128x16xf32, #tpu.memory_space<vmem>>, vector<16xf32>,
          %get3A_286 = arith.index_cast %add3A_282 : i32 to index
          %get3A_287 = arith.constant 0 : index
          %get3A_288 = tpu.vector_load %arg9[%get3A_286, %get3A_287] {strides = array<i32>} : memref<128x128xf32, #tpu.memory_space<vmem>>, vector<16xf32>,
          %slice3A_289 = vector.extract_strided_slice %get3A_285 {offsets = [0], sizes = [1], strides = [1]} : vector<16xf32> to vector<1xf32>
          %squeeze3A_290 = vector.extract %slice3A_289[0] : f32 from vector<1xf32>
          %mul3A_291 = vector.broadcast %squeeze3A_290 : f32 to vector<16xf32>
          %mul3A_292 = arith.mulf %get3A_288, %mul3A_291 : vector<16xf32>
          %swap3A_293 = arith.index_cast %add3A_282 : i32 to index
          %swap3A_294 = arith.constant 0 : index
          %swap3A_295 = tpu.vector_load %arg9[%swap3A_293, %swap3A_294] {strides = array<i32>} : memref<128x128xf32, #tpu.memory_space<vmem>>, vector<16xf32>,
          tpu.vector_store %arg9[%swap3A_293, %swap3A_294], %mul3A_292 {strides = array<i32>} : memref<128x128xf32, #tpu.memory_space<vmem>>, vector<16xf32>,
          %get3A_296 = arith.index_cast %add3A_282 : i32 to index
          %get3A_297 = arith.constant 16 : index
          %get3A_298 = tpu.vector_load %arg9[%get3A_296, %get3A_297] {strides = array<i32>} : memref<128x128xf32, #tpu.memory_space<vmem>>, vector<16xf32>,
          %slice3A_299 = vector.extract_strided_slice %get3A_285 {offsets = [1], sizes = [1], strides = [1]} : vector<16xf32> to vector<1xf32>
          %squeeze3A_300 = vector.extract %slice3A_299[0] : f32 from vector<1xf32>
          %mul3A_301 = vector.broadcast %squeeze3A_300 : f32 to vector<16xf32>
          %mul3A_302 = arith.mulf %get3A_298, %mul3A_301 : vector<16xf32>
          %swap3A_303 = arith.index_cast %add3A_282 : i32 to index
          %swap3A_304 = arith.constant 16 : index
          %swap3A_305 = tpu.vector_load %arg9[%swap3A_303, %swap3A_304] {strides = array<i32>} : memref<128x128xf32, #tpu.memory_space<vmem>>, vector<16xf32>,
          tpu.vector_store %arg9[%swap3A_303, %swap3A_304], %mul3A_302 {strides = array<i32>} : memref<128x128xf32, #tpu.memory_space<vmem>>, vector<16xf32>,
          %get3A_306 = arith.index_cast %add3A_282 : i32 to index
          %get3A_307 = arith.constant 32 : index
          %get3A_308 = tpu.vector_load %arg9[%get3A_306, %get3A_307] {strides = array<i32>} : memref<128x128xf32, #tpu.memory_space<vmem>>, vector<16xf32>,
          %slice3A_309 = vector.extract_strided_slice %get3A_285 {offsets = [2], sizes = [1], strides = [1]} : vector<16xf32> to vector<1xf32>
          %squeeze3A_310 = vector.extract %slice3A_309[0] : f32 from vector<1xf32>
          %mul3A_311 = vector.broadcast %squeeze3A_310 : f32 to vector<16xf32>
          %mul3A_312 = arith.mulf %get3A_308, %mul3A_311 : vector<16xf32>
          %swap3A_313 = arith.index_cast %add3A_282 : i32 to index
          %swap3A_314 = arith.constant 32 : index
          %swap3A_315 = tpu.vector_load %arg9[%swap3A_313, %swap3A_314] {strides = array<i32>} : memref<128x128xf32, #tpu.memory_space<vmem>>, vector<16xf32>,
          tpu.vector_store %arg9[%swap3A_313, %swap3A_314], %mul3A_312 {strides = array<i32>} : memref<128x128xf32, #tpu.memory_space<vmem>>, vector<16xf32>,
          %get3A_316 = arith.index_cast %add3A_282 : i32 to index
          %get3A_317 = arith.constant 48 : index
          %get3A_318 = tpu.vector_load %arg9[%get3A_316, %get3A_317] {strides = array<i32>} : memref<128x128xf32, #tpu.memory_space<vmem>>, vector<16xf32>,
          %slice3A_319 = vector.extract_strided_slice %get3A_285 {offsets = [3], sizes = [1], strides = [1]} : vector<16xf32> to vector<1xf32>
          %squeeze3A_320 = vector.extract %slice3A_319[0] : f32 from vector<1xf32>
          %mul3A_321 = vector.broadcast %squeeze3A_320 : f32 to vector<16xf32>
          %mul3A_322 = arith.mulf %get3A_318, %mul3A_321 : vector<16xf32>
          %swap3A_323 = arith.index_cast %add3A_282 : i32 to index
          %swap3A_324 = arith.constant 48 : index
          %swap3A_325 = tpu.vector_load %arg9[%swap3A_323, %swap3A_324] {strides = array<i32>} : memref<128x128xf32, #tpu.memory_space<vmem>>, vector<16xf32>,
          tpu.vector_store %arg9[%swap3A_323, %swap3A_324], %mul3A_322 {strides = array<i32>} : memref<128x128xf32, #tpu.memory_space<vmem>>, vector<16xf32>,
          %get3A_326 = arith.index_cast %add3A_282 : i32 to index
          %get3A_327 = arith.constant 64 : index
          %get3A_328 = tpu.vector_load %arg9[%get3A_326, %get3A_327] {strides = array<i32>} : memref<128x128xf32, #tpu.memory_space<vmem>>, vector<16xf32>,
          %slice3A_329 = vector.extract_strided_slice %get3A_285 {offsets = [4], sizes = [1], strides = [1]} : vector<16xf32> to vector<1xf32>
          %squeeze3A_330 = vector.extract %slice3A_329[0] : f32 from vector<1xf32>
          %mul3A_331 = vector.broadcast %squeeze3A_330 : f32 to vector<16xf32>
          %mul3A_332 = arith.mulf %get3A_328, %mul3A_331 : vector<16xf32>
          %swap3A_333 = arith.index_cast %add3A_282 : i32 to index
          %swap3A_334 = arith.constant 64 : index
          %swap3A_335 = tpu.vector_load %arg9[%swap3A_333, %swap3A_334] {strides = array<i32>} : memref<128x128xf32, #tpu.memory_space<vmem>>, vector<16xf32>,
          tpu.vector_store %arg9[%swap3A_333, %swap3A_334], %mul3A_332 {strides = array<i32>} : memref<128x128xf32, #tpu.memory_space<vmem>>, vector<16xf32>,
          %get3A_336 = arith.index_cast %add3A_282 : i32 to index
          %get3A_337 = arith.constant 80 : index
          %get3A_338 = tpu.vector_load %arg9[%get3A_336, %get3A_337] {strides = array<i32>} : memref<128x128xf32, #tpu.memory_space<vmem>>, vector<16xf32>,
          %slice3A_339 = vector.extract_strided_slice %get3A_285 {offsets = [5], sizes = [1], strides = [1]} : vector<16xf32> to vector<1xf32>
          %squeeze3A_340 = vector.extract %slice3A_339[0] : f32 from vector<1xf32>
          %mul3A_341 = vector.broadcast %squeeze3A_340 : f32 to vector<16xf32>
          %mul3A_342 = arith.mulf %get3A_338, %mul3A_341 : vector<16xf32>
          %swap3A_343 = arith.index_cast %add3A_282 : i32 to index
          %swap3A_344 = arith.constant 80 : index
          %swap3A_345 = tpu.vector_load %arg9[%swap3A_343, %swap3A_344] {strides = array<i32>} : memref<128x128xf32, #tpu.memory_space<vmem>>, vector<16xf32>,
          tpu.vector_store %arg9[%swap3A_343, %swap3A_344], %mul3A_342 {strides = array<i32>} : memref<128x128xf32, #tpu.memory_space<vmem>>, vector<16xf32>,
          %get3A_346 = arith.index_cast %add3A_282 : i32 to index
          %get3A_347 = arith.constant 96 : index
          %get3A_348 = tpu.vector_load %arg9[%get3A_346, %get3A_347] {strides = array<i32>} : memref<128x128xf32, #tpu.memory_space<vmem>>, vector<16xf32>,
          %slice3A_349 = vector.extract_strided_slice %get3A_285 {offsets = [6], sizes = [1], strides = [1]} : vector<16xf32> to vector<1xf32>
          %squeeze3A_350 = vector.extract %slice3A_349[0] : f32 from vector<1xf32>
          %mul3A_351 = vector.broadcast %squeeze3A_350 : f32 to vector<16xf32>
          %mul3A_352 = arith.mulf %get3A_348, %mul3A_351 : vector<16xf32>
          %swap3A_353 = arith.index_cast %add3A_282 : i32 to index
          %swap3A_354 = arith.constant 96 : index
          %swap3A_355 = tpu.vector_load %arg9[%swap3A_353, %swap3A_354] {strides = array<i32>} : memref<128x128xf32, #tpu.memory_space<vmem>>, vector<16xf32>,
          tpu.vector_store %arg9[%swap3A_353, %swap3A_354], %mul3A_352 {strides = array<i32>} : memref<128x128xf32, #tpu.memory_space<vmem>>, vector<16xf32>,
          %get3A_356 = arith.index_cast %add3A_282 : i32 to index
          %get3A_357 = arith.constant 112 : index
          %get3A_358 = tpu.vector_load %arg9[%get3A_356, %get3A_357] {strides = array<i32>} : memref<128x128xf32, #tpu.memory_space<vmem>>, vector<16xf32>,
          %slice3A_359 = vector.extract_strided_slice %get3A_285 {offsets = [7], sizes = [1], strides = [1]} : vector<16xf32> to vector<1xf32>
          %squeeze3A_360 = vector.extract %slice3A_359[0] : f32 from vector<1xf32>
          %mul3A_361 = vector.broadcast %squeeze3A_360 : f32 to vector<16xf32>
          %mul3A_362 = arith.mulf %get3A_358, %mul3A_361 : vector<16xf32>
          %swap3A_363 = arith.index_cast %add3A_282 : i32 to index
          %swap3A_364 = arith.constant 112 : index
          %swap3A_365 = tpu.vector_load %arg9[%swap3A_363, %swap3A_364] {strides = array<i32>} : memref<128x128xf32, #tpu.memory_space<vmem>>, vector<16xf32>,
          tpu.vector_store %arg9[%swap3A_363, %swap3A_364], %mul3A_362 {strides = array<i32>} : memref<128x128xf32, #tpu.memory_space<vmem>>, vector<16xf32>,
          %scan3A_366 = arith.constant 0 : i32
          scf.yield %scan3A_366 : i32
        }
        %scan3A_187 = arith.constant 64 : i32
        %run_scoped3A = arith.constant 1 : i32
        "tpu.region"() ({
          %run_scoped3A_194 = tpu.sem_alloc : memref<!tpu.dma_semaphore, #tpu.memory_space<semaphore_mem>>
          %dma_start3A_195 = arith.constant 0 : i32
          %dma_start3A_196 = tpu.memref_slice %arg7[%run_scoped3A, %dma_start3A_195] : memref<2x128xi32, #tpu.memory_space<vmem>> -> memref<1x128xi32, #tpu.memory_space<vmem>>
          %dma_start3A_197 = tpu.memref_squeeze %dma_start3A_196 : memref<1x128xi32, #tpu.memory_space<vmem>> -> memref<128xi32, #tpu.memory_space<vmem>>
          %dma_start3A_198 = arith.constant 0 : i32
          %dma_start3A_199 = arith.constant 0 : i32
          %dma_start3A_200 = tpu.memref_slice %arg12[%dma_start3A_198, %dma_start3A_199] : memref<10000x128xf32, #tpu.memory_space<vmem_shared>> -> memref<10000x128xf32, #tpu.memory_space<vmem_shared>>
          tpu.enqueue_indirect_dma source(%arg9 : memref<128x128xf32, #tpu.memory_space<vmem>>) target(%dma_start3A_200 : memref<10000x128xf32, #tpu.memory_space<vmem_shared>>) offsets(%dma_start3A_197 : memref<128xi32, #tpu.memory_space<vmem>>) semaphore(%run_scoped3A_194 : memref<!tpu.dma_semaphore, #tpu.memory_space<semaphore_mem>>) {add = true}
          %dma_wait3A_201 = arith.constant 0 : i32
          %dma_wait3A_202 = tpu.memref_slice %arg7[%run_scoped3A, %dma_wait3A_201] : memref<2x128xi32, #tpu.memory_space<vmem>> -> memref<1x128xi32, #tpu.memory_space<vmem>>
          %dma_wait3A_203 = tpu.memref_squeeze %dma_wait3A_202 : memref<1x128xi32, #tpu.memory_space<vmem>> -> memref<128xi32, #tpu.memory_space<vmem>>
          %dma_wait3A_204 = arith.constant 0 : i32
          %dma_wait3A_205 = arith.constant 0 : i32
          %dma_wait3A_206 = tpu.memref_slice %arg12[%dma_wait3A_204, %dma_wait3A_205] : memref<10000x128xf32, #tpu.memory_space<vmem_shared>> -> memref<10000x128xf32, #tpu.memory_space<vmem_shared>>
          tpu.wait_indirect_dma semaphore(%run_scoped3A_194 : memref<!tpu.dma_semaphore, #tpu.memory_space<semaphore_mem>>) src(%arg9 : memref<128x128xf32, #tpu.memory_space<vmem>>) dst(%dma_wait3A_206 : memref<10000x128xf32, #tpu.memory_space<vmem_shared>>)
          tpu.yield
        }) : () -> ()
        %add3A_188 = arith.constant 2 : i32
        %add3A_189 = arith.addi %add3A_154, %add3A_188 : i32
        %lt3A_190 = arith.cmpi slt, %add3A_189, %select_n3A_70 : i32
        %convert_element_type3A_191 = arith.extui %lt3A_190 : i1 to i32
        %cond3A_192 = arith.constant 0 : i32
        %cond3A_193 = arith.cmpi ne, %convert_element_type3A_191, %cond3A_192 : i32
        scf.if %cond3A_193 {
          %add3A_194 = arith.constant 2 : i32
          %add3A_195 = arith.addi %add3A_154, %add3A_194 : i32
          %mul3A_196 = arith.constant 32 : i32
          %mul3A_197 = arith.muli %add3A_195, %mul3A_196 : i32
          %add3A_198 = arith.addi %add3A, %mul3A_197 : i32
          %mul3A_199 = arith.constant 128 : i32
          %mul3A_200 = arith.muli %add3A_198, %mul3A_199 : i32
          %dma_start3A_201 = arith.constant 0 : i32
          %dma_start3A_202 = tpu.memref_slice %arg2[%dma_start3A_201, %mul3A_200] : memref<2x320000xi32, #tpu.memory_space<hbm>> -> memref<2x128xi32, #tpu.memory_space<hbm>>
          %dma_start3A_203 = arith.constant 0 : i32
          %dma_start3A_204 = tpu.memref_slice %arg2[%dma_start3A_203, %mul3A_200] : memref<2x320000xi32, #tpu.memory_space<hbm>> -> memref<2x128xi32, #tpu.memory_space<hbm>>
          tpu.enqueue_dma source(%dma_start3A_204 : memref<2x128xi32, #tpu.memory_space<hbm>>) target(%arg7 : memref<2x128xi32, #tpu.memory_space<vmem>>) target_semaphore(%arg18 : memref<!tpu.dma_semaphore, #tpu.memory_space<semaphore_mem>>)
        } else {
        }
      } else {
      }
      %while3A_159 = arith.constant 0 : i32
      scf.yield %while3A_159 : i32
    }
    %while3A_127 = arith.constant 1 : i32
    %while3A_128 = scf.for %while3A_142 = %while3A_124 to %while3A_120 step %while3A_127 iter_args(%while3A_143 = %while3A_126) -> (i32)  : i32 {
      %mul3A_144 = arith.constant 2 : i32
      %mul3A_145 = arith.muli %mul3A_144, %while3A_142 : i32
      %add3A_146 = arith.constant 0 : i32
      %add3A_147 = arith.addi %mul3A_145, %add3A_146 : i32
      %lt3A = arith.cmpi slt, %add3A_147, %select_n3A_70 : i32
      %convert_element_type3A_148 = arith.extui %lt3A : i1 to i32
      %cond3A_149 = arith.constant 0 : i32
      %cond3A_150 = arith.cmpi ne, %convert_element_type3A_148, %cond3A_149 : i32
      scf.if %cond3A_150 {
        %add3A_160 = arith.constant 1 : i32
        %add3A_161 = arith.addi %add3A_147, %add3A_160 : i32
        %lt3A_162 = arith.cmpi slt, %add3A_161, %select_n3A_70 : i32
        %convert_element_type3A_163 = arith.extui %lt3A_162 : i1 to i32
        %cond3A_164 = arith.constant 0 : i32
        %cond3A_165 = arith.cmpi ne, %convert_element_type3A_163, %cond3A_164 : i32
        scf.if %cond3A_165 {
          %add3A_194 = arith.constant 1 : i32
          %add3A_195 = arith.addi %add3A_147, %add3A_194 : i32
          %mul3A_196 = arith.constant 32 : i32
          %mul3A_197 = arith.muli %add3A_195, %mul3A_196 : i32
          %add3A_198 = arith.addi %add3A, %mul3A_197 : i32
          %mul3A_199 = arith.constant 128 : i32
          %mul3A_200 = arith.muli %add3A_198, %mul3A_199 : i32
          %dma_wait3A_201 = arith.constant 0 : i32
          %dma_wait3A_202 = tpu.memref_slice %arg2[%dma_wait3A_201, %mul3A_200] : memref<2x320000xi32, #tpu.memory_space<hbm>> -> memref<2x128xi32, #tpu.memory_space<hbm>>
          %dma_wait3A_203 = arith.constant 0 : i32
          %dma_wait3A_204 = tpu.memref_slice %arg2[%dma_wait3A_203, %mul3A_200] : memref<2x320000xi32, #tpu.memory_space<hbm>> -> memref<2x128xi32, #tpu.memory_space<hbm>>
          tpu.wait_dma2 semaphore(%arg18 : memref<!tpu.dma_semaphore, #tpu.memory_space<semaphore_mem>>) src(%dma_wait3A_204 : memref<2x128xi32, #tpu.memory_space<hbm>>) dst(%arg7 : memref<2x128xi32, #tpu.memory_space<vmem>>)
          %add3A_205 = arith.constant 1 : i32
          %add3A_206 = arith.addi %add3A_147, %add3A_205 : i32
          %dma_start3A_207 = arith.constant 0 : i32
          %dma_start3A_208 = arith.constant 0 : i32
          %dma_start3A_209 = tpu.memref_slice %arg7[%dma_start3A_207, %dma_start3A_208] : memref<2x128xi32, #tpu.memory_space<vmem>> -> memref<1x128xi32, #tpu.memory_space<vmem>>
          %dma_start3A_210 = tpu.memref_squeeze %dma_start3A_209 : memref<1x128xi32, #tpu.memory_space<vmem>> -> memref<128xi32, #tpu.memory_space<vmem>>
          %dma_start3A_211 = arith.constant 0 : i32
          %dma_start3A_212 = arith.constant 0 : i32
          %dma_start3A_213 = tpu.memref_slice %arg3[%dma_start3A_211, %dma_start3A_212] : memref<10000x128xf32, #tpu.memory_space<hbm>> -> memref<10000x128xf32, #tpu.memory_space<hbm>>
          tpu.enqueue_indirect_dma source(%dma_start3A_213 : memref<10000x128xf32, #tpu.memory_space<hbm>>) target(%arg9 : memref<128x128xf32, #tpu.memory_space<vmem>>) offsets(%dma_start3A_210 : memref<128xi32, #tpu.memory_space<vmem>>) semaphore(%arg14 : memref<!tpu.dma_semaphore, #tpu.memory_space<semaphore_mem>>)
          %mul3A_214 = arith.constant 32 : i32
          %mul3A_215 = arith.muli %add3A_206, %mul3A_214 : i32
          %add3A_216 = arith.addi %add3A, %mul3A_215 : i32
          %mul3A_217 = arith.constant 128 : i32
          %mul3A_218 = arith.muli %add3A_216, %mul3A_217 : i32
          %dma_start3A_219 = arith.constant 0 : i32
          %dma_start3A_220 = tpu.memref_slice %arg4[%mul3A_218, %dma_start3A_219] : memref<320000x16xf32, #tpu.memory_space<hbm>> -> memref<128x16xf32, #tpu.memory_space<hbm>>
          %dma_start3A_221 = arith.constant 0 : i32
          %dma_start3A_222 = tpu.memref_slice %arg4[%mul3A_218, %dma_start3A_221] : memref<320000x16xf32, #tpu.memory_space<hbm>> -> memref<128x16xf32, #tpu.memory_space<hbm>>
          tpu.enqueue_dma source(%dma_start3A_222 : memref<128x16xf32, #tpu.memory_space<hbm>>) target(%arg11 : memref<128x16xf32, #tpu.memory_space<vmem>>) target_semaphore(%arg16 : memref<!tpu.dma_semaphore, #tpu.memory_space<semaphore_mem>>)
        } else {
        }
        %dma_wait3A = arith.constant 0 : i32
        %dma_wait3A_166 = arith.constant 0 : i32
        %dma_wait3A_167 = tpu.memref_slice %arg6[%dma_wait3A, %dma_wait3A_166] : memref<2x128xi32, #tpu.memory_space<vmem>> -> memref<1x128xi32, #tpu.memory_space<vmem>>
        %dma_wait3A_168 = tpu.memref_squeeze %dma_wait3A_167 : memref<1x128xi32, #tpu.memory_space<vmem>> -> memref<128xi32, #tpu.memory_space<vmem>>
        %dma_wait3A_169 = arith.constant 0 : i32
        %dma_wait3A_170 = arith.constant 0 : i32
        %dma_wait3A_171 = tpu.memref_slice %arg3[%dma_wait3A_169, %dma_wait3A_170] : memref<10000x128xf32, #tpu.memory_space<hbm>> -> memref<10000x128xf32, #tpu.memory_space<hbm>>
        tpu.wait_indirect_dma semaphore(%arg13 : memref<!tpu.dma_semaphore, #tpu.memory_space<semaphore_mem>>) src(%dma_wait3A_171 : memref<10000x128xf32, #tpu.memory_space<hbm>>) dst(%arg8 : memref<128x128xf32, #tpu.memory_space<vmem>>)
        %mul3A_172 = arith.constant 32 : i32
        %mul3A_173 = arith.muli %add3A_147, %mul3A_172 : i32
        %add3A_174 = arith.addi %add3A, %mul3A_173 : i32
        %mul3A_175 = arith.constant 128 : i32
        %mul3A_176 = arith.muli %add3A_174, %mul3A_175 : i32
        %dma_wait3A_177 = arith.constant 0 : i32
        %dma_wait3A_178 = tpu.memref_slice %arg4[%mul3A_176, %dma_wait3A_177] : memref<320000x16xf32, #tpu.memory_space<hbm>> -> memref<128x16xf32, #tpu.memory_space<hbm>>
        %dma_wait3A_179 = arith.constant 0 : i32
        %dma_wait3A_180 = tpu.memref_slice %arg4[%mul3A_176, %dma_wait3A_179] : memref<320000x16xf32, #tpu.memory_space<hbm>> -> memref<128x16xf32, #tpu.memory_space<hbm>>
        tpu.wait_dma2 semaphore(%arg15 : memref<!tpu.dma_semaphore, #tpu.memory_space<semaphore_mem>>) src(%dma_wait3A_180 : memref<128x16xf32, #tpu.memory_space<hbm>>) dst(%arg10 : memref<128x16xf32, #tpu.memory_space<vmem>>)
        %scan3A_181 = arith.constant 0 : i32
        %scan3A_182 = arith.constant 0 : i32
        %scan3A_183 = arith.constant 64 : i32
        %scan3A_184 = arith.addi %scan3A_182, %scan3A_183 : i32
        %scan3A_185 = arith.constant 1 : i32
        %scan3A_186 = scf.for %scan3A_194 = %scan3A_182 to %scan3A_184 step %scan3A_185 iter_args(%scan3A_195 = %scan3A_181) -> (i32)  : i32 {
          %mul3A_196 = arith.constant 2 : i32
          %mul3A_197 = arith.muli %scan3A_194, %mul3A_196 : i32
          %add3A_198 = arith.constant 0 : i32
          %add3A_199 = arith.addi %mul3A_197, %add3A_198 : i32
          %get3A = arith.index_cast %add3A_199 : i32 to index
          %get3A_200 = arith.constant 0 : index
          %get3A_201 = tpu.vector_load %arg10[%get3A, %get3A_200] {strides = array<i32>} : memref<128x16xf32, #tpu.memory_space<vmem>>, vector<16xf32>,
          %get3A_202 = arith.index_cast %add3A_199 : i32 to index
          %get3A_203 = arith.constant 0 : index
          %get3A_204 = tpu.vector_load %arg8[%get3A_202, %get3A_203] {strides = array<i32>} : memref<128x128xf32, #tpu.memory_space<vmem>>, vector<16xf32>,
          %slice3A = vector.extract_strided_slice %get3A_201 {offsets = [0], sizes = [1], strides = [1]} : vector<16xf32> to vector<1xf32>
          %squeeze3A = vector.extract %slice3A[0] : f32 from vector<1xf32>
          %mul3A_205 = vector.broadcast %squeeze3A : f32 to vector<16xf32>
          %mul3A_206 = arith.mulf %get3A_204, %mul3A_205 : vector<16xf32>
          %swap3A = arith.index_cast %add3A_199 : i32 to index
          %swap3A_207 = arith.constant 0 : index
          %swap3A_208 = tpu.vector_load %arg8[%swap3A, %swap3A_207] {strides = array<i32>} : memref<128x128xf32, #tpu.memory_space<vmem>>, vector<16xf32>,
          tpu.vector_store %arg8[%swap3A, %swap3A_207], %mul3A_206 {strides = array<i32>} : memref<128x128xf32, #tpu.memory_space<vmem>>, vector<16xf32>,
          %get3A_209 = arith.index_cast %add3A_199 : i32 to index
          %get3A_210 = arith.constant 16 : index
          %get3A_211 = tpu.vector_load %arg8[%get3A_209, %get3A_210] {strides = array<i32>} : memref<128x128xf32, #tpu.memory_space<vmem>>, vector<16xf32>,
          %slice3A_212 = vector.extract_strided_slice %get3A_201 {offsets = [1], sizes = [1], strides = [1]} : vector<16xf32> to vector<1xf32>
          %squeeze3A_213 = vector.extract %slice3A_212[0] : f32 from vector<1xf32>
          %mul3A_214 = vector.broadcast %squeeze3A_213 : f32 to vector<16xf32>
          %mul3A_215 = arith.mulf %get3A_211, %mul3A_214 : vector<16xf32>
          %swap3A_216 = arith.index_cast %add3A_199 : i32 to index
          %swap3A_217 = arith.constant 16 : index
          %swap3A_218 = tpu.vector_load %arg8[%swap3A_216, %swap3A_217] {strides = array<i32>} : memref<128x128xf32, #tpu.memory_space<vmem>>, vector<16xf32>,
          tpu.vector_store %arg8[%swap3A_216, %swap3A_217], %mul3A_215 {strides = array<i32>} : memref<128x128xf32, #tpu.memory_space<vmem>>, vector<16xf32>,
          %get3A_219 = arith.index_cast %add3A_199 : i32 to index
          %get3A_220 = arith.constant 32 : index
          %get3A_221 = tpu.vector_load %arg8[%get3A_219, %get3A_220] {strides = array<i32>} : memref<128x128xf32, #tpu.memory_space<vmem>>, vector<16xf32>,
          %slice3A_222 = vector.extract_strided_slice %get3A_201 {offsets = [2], sizes = [1], strides = [1]} : vector<16xf32> to vector<1xf32>
          %squeeze3A_223 = vector.extract %slice3A_222[0] : f32 from vector<1xf32>
          %mul3A_224 = vector.broadcast %squeeze3A_223 : f32 to vector<16xf32>
          %mul3A_225 = arith.mulf %get3A_221, %mul3A_224 : vector<16xf32>
          %swap3A_226 = arith.index_cast %add3A_199 : i32 to index
          %swap3A_227 = arith.constant 32 : index
          %swap3A_228 = tpu.vector_load %arg8[%swap3A_226, %swap3A_227] {strides = array<i32>} : memref<128x128xf32, #tpu.memory_space<vmem>>, vector<16xf32>,
          tpu.vector_store %arg8[%swap3A_226, %swap3A_227], %mul3A_225 {strides = array<i32>} : memref<128x128xf32, #tpu.memory_space<vmem>>, vector<16xf32>,
          %get3A_229 = arith.index_cast %add3A_199 : i32 to index
          %get3A_230 = arith.constant 48 : index
          %get3A_231 = tpu.vector_load %arg8[%get3A_229, %get3A_230] {strides = array<i32>} : memref<128x128xf32, #tpu.memory_space<vmem>>, vector<16xf32>,
          %slice3A_232 = vector.extract_strided_slice %get3A_201 {offsets = [3], sizes = [1], strides = [1]} : vector<16xf32> to vector<1xf32>
          %squeeze3A_233 = vector.extract %slice3A_232[0] : f32 from vector<1xf32>
          %mul3A_234 = vector.broadcast %squeeze3A_233 : f32 to vector<16xf32>
          %mul3A_235 = arith.mulf %get3A_231, %mul3A_234 : vector<16xf32>
          %swap3A_236 = arith.index_cast %add3A_199 : i32 to index
          %swap3A_237 = arith.constant 48 : index
          %swap3A_238 = tpu.vector_load %arg8[%swap3A_236, %swap3A_237] {strides = array<i32>} : memref<128x128xf32, #tpu.memory_space<vmem>>, vector<16xf32>,
          tpu.vector_store %arg8[%swap3A_236, %swap3A_237], %mul3A_235 {strides = array<i32>} : memref<128x128xf32, #tpu.memory_space<vmem>>, vector<16xf32>,
          %get3A_239 = arith.index_cast %add3A_199 : i32 to index
          %get3A_240 = arith.constant 64 : index
          %get3A_241 = tpu.vector_load %arg8[%get3A_239, %get3A_240] {strides = array<i32>} : memref<128x128xf32, #tpu.memory_space<vmem>>, vector<16xf32>,
          %slice3A_242 = vector.extract_strided_slice %get3A_201 {offsets = [4], sizes = [1], strides = [1]} : vector<16xf32> to vector<1xf32>
          %squeeze3A_243 = vector.extract %slice3A_242[0] : f32 from vector<1xf32>
          %mul3A_244 = vector.broadcast %squeeze3A_243 : f32 to vector<16xf32>
          %mul3A_245 = arith.mulf %get3A_241, %mul3A_244 : vector<16xf32>
          %swap3A_246 = arith.index_cast %add3A_199 : i32 to index
          %swap3A_247 = arith.constant 64 : index
          %swap3A_248 = tpu.vector_load %arg8[%swap3A_246, %swap3A_247] {strides = array<i32>} : memref<128x128xf32, #tpu.memory_space<vmem>>, vector<16xf32>,
          tpu.vector_store %arg8[%swap3A_246, %swap3A_247], %mul3A_245 {strides = array<i32>} : memref<128x128xf32, #tpu.memory_space<vmem>>, vector<16xf32>,
          %get3A_249 = arith.index_cast %add3A_199 : i32 to index
          %get3A_250 = arith.constant 80 : index
          %get3A_251 = tpu.vector_load %arg8[%get3A_249, %get3A_250] {strides = array<i32>} : memref<128x128xf32, #tpu.memory_space<vmem>>, vector<16xf32>,
          %slice3A_252 = vector.extract_strided_slice %get3A_201 {offsets = [5], sizes = [1], strides = [1]} : vector<16xf32> to vector<1xf32>
          %squeeze3A_253 = vector.extract %slice3A_252[0] : f32 from vector<1xf32>
          %mul3A_254 = vector.broadcast %squeeze3A_253 : f32 to vector<16xf32>
          %mul3A_255 = arith.mulf %get3A_251, %mul3A_254 : vector<16xf32>
          %swap3A_256 = arith.index_cast %add3A_199 : i32 to index
          %swap3A_257 = arith.constant 80 : index
          %swap3A_258 = tpu.vector_load %arg8[%swap3A_256, %swap3A_257] {strides = array<i32>} : memref<128x128xf32, #tpu.memory_space<vmem>>, vector<16xf32>,
          tpu.vector_store %arg8[%swap3A_256, %swap3A_257], %mul3A_255 {strides = array<i32>} : memref<128x128xf32, #tpu.memory_space<vmem>>, vector<16xf32>,
          %get3A_259 = arith.index_cast %add3A_199 : i32 to index
          %get3A_260 = arith.constant 96 : index
          %get3A_261 = tpu.vector_load %arg8[%get3A_259, %get3A_260] {strides = array<i32>} : memref<128x128xf32, #tpu.memory_space<vmem>>, vector<16xf32>,
          %slice3A_262 = vector.extract_strided_slice %get3A_201 {offsets = [6], sizes = [1], strides = [1]} : vector<16xf32> to vector<1xf32>
          %squeeze3A_263 = vector.extract %slice3A_262[0] : f32 from vector<1xf32>
          %mul3A_264 = vector.broadcast %squeeze3A_263 : f32 to vector<16xf32>
          %mul3A_265 = arith.mulf %get3A_261, %mul3A_264 : vector<16xf32>
          %swap3A_266 = arith.index_cast %add3A_199 : i32 to index
          %swap3A_267 = arith.constant 96 : index
          %swap3A_268 = tpu.vector_load %arg8[%swap3A_266, %swap3A_267] {strides = array<i32>} : memref<128x128xf32, #tpu.memory_space<vmem>>, vector<16xf32>,
          tpu.vector_store %arg8[%swap3A_266, %swap3A_267], %mul3A_265 {strides = array<i32>} : memref<128x128xf32, #tpu.memory_space<vmem>>, vector<16xf32>,
          %get3A_269 = arith.index_cast %add3A_199 : i32 to index
          %get3A_270 = arith.constant 112 : index
          %get3A_271 = tpu.vector_load %arg8[%get3A_269, %get3A_270] {strides = array<i32>} : memref<128x128xf32, #tpu.memory_space<vmem>>, vector<16xf32>,
          %slice3A_272 = vector.extract_strided_slice %get3A_201 {offsets = [7], sizes = [1], strides = [1]} : vector<16xf32> to vector<1xf32>
          %squeeze3A_273 = vector.extract %slice3A_272[0] : f32 from vector<1xf32>
          %mul3A_274 = vector.broadcast %squeeze3A_273 : f32 to vector<16xf32>
          %mul3A_275 = arith.mulf %get3A_271, %mul3A_274 : vector<16xf32>
          %swap3A_276 = arith.index_cast %add3A_199 : i32 to index
          %swap3A_277 = arith.constant 112 : index
          %swap3A_278 = tpu.vector_load %arg8[%swap3A_276, %swap3A_277] {strides = array<i32>} : memref<128x128xf32, #tpu.memory_space<vmem>>, vector<16xf32>,
          tpu.vector_store %arg8[%swap3A_276, %swap3A_277], %mul3A_275 {strides = array<i32>} : memref<128x128xf32, #tpu.memory_space<vmem>>, vector<16xf32>,
          %mul3A_279 = arith.constant 2 : i32
          %mul3A_280 = arith.muli %scan3A_194, %mul3A_279 : i32
          %add3A_281 = arith.constant 1 : i32
          %add3A_282 = arith.addi %mul3A_280, %add3A_281 : i32
          %get3A_283 = arith.index_cast %add3A_282 : i32 to index
          %get3A_284 = arith.constant 0 : index
          %get3A_285 = tpu.vector_load %arg10[%get3A_283, %get3A_284] {strides = array<i32>} : memref<128x16xf32, #tpu.memory_space<vmem>>, vector<16xf32>,
          %get3A_286 = arith.index_cast %add3A_282 : i32 to index
          %get3A_287 = arith.constant 0 : index
          %get3A_288 = tpu.vector_load %arg8[%get3A_286, %get3A_287] {strides = array<i32>} : memref<128x128xf32, #tpu.memory_space<vmem>>, vector<16xf32>,
          %slice3A_289 = vector.extract_strided_slice %get3A_285 {offsets = [0], sizes = [1], strides = [1]} : vector<16xf32> to vector<1xf32>
          %squeeze3A_290 = vector.extract %slice3A_289[0] : f32 from vector<1xf32>
          %mul3A_291 = vector.broadcast %squeeze3A_290 : f32 to vector<16xf32>
          %mul3A_292 = arith.mulf %get3A_288, %mul3A_291 : vector<16xf32>
          %swap3A_293 = arith.index_cast %add3A_282 : i32 to index
          %swap3A_294 = arith.constant 0 : index
          %swap3A_295 = tpu.vector_load %arg8[%swap3A_293, %swap3A_294] {strides = array<i32>} : memref<128x128xf32, #tpu.memory_space<vmem>>, vector<16xf32>,
          tpu.vector_store %arg8[%swap3A_293, %swap3A_294], %mul3A_292 {strides = array<i32>} : memref<128x128xf32, #tpu.memory_space<vmem>>, vector<16xf32>,
          %get3A_296 = arith.index_cast %add3A_282 : i32 to index
          %get3A_297 = arith.constant 16 : index
          %get3A_298 = tpu.vector_load %arg8[%get3A_296, %get3A_297] {strides = array<i32>} : memref<128x128xf32, #tpu.memory_space<vmem>>, vector<16xf32>,
          %slice3A_299 = vector.extract_strided_slice %get3A_285 {offsets = [1], sizes = [1], strides = [1]} : vector<16xf32> to vector<1xf32>
          %squeeze3A_300 = vector.extract %slice3A_299[0] : f32 from vector<1xf32>
          %mul3A_301 = vector.broadcast %squeeze3A_300 : f32 to vector<16xf32>
          %mul3A_302 = arith.mulf %get3A_298, %mul3A_301 : vector<16xf32>
          %swap3A_303 = arith.index_cast %add3A_282 : i32 to index
          %swap3A_304 = arith.constant 16 : index
          %swap3A_305 = tpu.vector_load %arg8[%swap3A_303, %swap3A_304] {strides = array<i32>} : memref<128x128xf32, #tpu.memory_space<vmem>>, vector<16xf32>,
          tpu.vector_store %arg8[%swap3A_303, %swap3A_304], %mul3A_302 {strides = array<i32>} : memref<128x128xf32, #tpu.memory_space<vmem>>, vector<16xf32>,
          %get3A_306 = arith.index_cast %add3A_282 : i32 to index
          %get3A_307 = arith.constant 32 : index
          %get3A_308 = tpu.vector_load %arg8[%get3A_306, %get3A_307] {strides = array<i32>} : memref<128x128xf32, #tpu.memory_space<vmem>>, vector<16xf32>,
          %slice3A_309 = vector.extract_strided_slice %get3A_285 {offsets = [2], sizes = [1], strides = [1]} : vector<16xf32> to vector<1xf32>
          %squeeze3A_310 = vector.extract %slice3A_309[0] : f32 from vector<1xf32>
          %mul3A_311 = vector.broadcast %squeeze3A_310 : f32 to vector<16xf32>
          %mul3A_312 = arith.mulf %get3A_308, %mul3A_311 : vector<16xf32>
          %swap3A_313 = arith.index_cast %add3A_282 : i32 to index
          %swap3A_314 = arith.constant 32 : index
          %swap3A_315 = tpu.vector_load %arg8[%swap3A_313, %swap3A_314] {strides = array<i32>} : memref<128x128xf32, #tpu.memory_space<vmem>>, vector<16xf32>,
          tpu.vector_store %arg8[%swap3A_313, %swap3A_314], %mul3A_312 {strides = array<i32>} : memref<128x128xf32, #tpu.memory_space<vmem>>, vector<16xf32>,
          %get3A_316 = arith.index_cast %add3A_282 : i32 to index
          %get3A_317 = arith.constant 48 : index
          %get3A_318 = tpu.vector_load %arg8[%get3A_316, %get3A_317] {strides = array<i32>} : memref<128x128xf32, #tpu.memory_space<vmem>>, vector<16xf32>,
          %slice3A_319 = vector.extract_strided_slice %get3A_285 {offsets = [3], sizes = [1], strides = [1]} : vector<16xf32> to vector<1xf32>
          %squeeze3A_320 = vector.extract %slice3A_319[0] : f32 from vector<1xf32>
          %mul3A_321 = vector.broadcast %squeeze3A_320 : f32 to vector<16xf32>
          %mul3A_322 = arith.mulf %get3A_318, %mul3A_321 : vector<16xf32>
          %swap3A_323 = arith.index_cast %add3A_282 : i32 to index
          %swap3A_324 = arith.constant 48 : index
          %swap3A_325 = tpu.vector_load %arg8[%swap3A_323, %swap3A_324] {strides = array<i32>} : memref<128x128xf32, #tpu.memory_space<vmem>>, vector<16xf32>,
          tpu.vector_store %arg8[%swap3A_323, %swap3A_324], %mul3A_322 {strides = array<i32>} : memref<128x128xf32, #tpu.memory_space<vmem>>, vector<16xf32>,
          %get3A_326 = arith.index_cast %add3A_282 : i32 to index
          %get3A_327 = arith.constant 64 : index
          %get3A_328 = tpu.vector_load %arg8[%get3A_326, %get3A_327] {strides = array<i32>} : memref<128x128xf32, #tpu.memory_space<vmem>>, vector<16xf32>,
          %slice3A_329 = vector.extract_strided_slice %get3A_285 {offsets = [4], sizes = [1], strides = [1]} : vector<16xf32> to vector<1xf32>
          %squeeze3A_330 = vector.extract %slice3A_329[0] : f32 from vector<1xf32>
          %mul3A_331 = vector.broadcast %squeeze3A_330 : f32 to vector<16xf32>
          %mul3A_332 = arith.mulf %get3A_328, %mul3A_331 : vector<16xf32>
          %swap3A_333 = arith.index_cast %add3A_282 : i32 to index
          %swap3A_334 = arith.constant 64 : index
          %swap3A_335 = tpu.vector_load %arg8[%swap3A_333, %swap3A_334] {strides = array<i32>} : memref<128x128xf32, #tpu.memory_space<vmem>>, vector<16xf32>,
          tpu.vector_store %arg8[%swap3A_333, %swap3A_334], %mul3A_332 {strides = array<i32>} : memref<128x128xf32, #tpu.memory_space<vmem>>, vector<16xf32>,
          %get3A_336 = arith.index_cast %add3A_282 : i32 to index
          %get3A_337 = arith.constant 80 : index
          %get3A_338 = tpu.vector_load %arg8[%get3A_336, %get3A_337] {strides = array<i32>} : memref<128x128xf32, #tpu.memory_space<vmem>>, vector<16xf32>,
          %slice3A_339 = vector.extract_strided_slice %get3A_285 {offsets = [5], sizes = [1], strides = [1]} : vector<16xf32> to vector<1xf32>
          %squeeze3A_340 = vector.extract %slice3A_339[0] : f32 from vector<1xf32>
          %mul3A_341 = vector.broadcast %squeeze3A_340 : f32 to vector<16xf32>
          %mul3A_342 = arith.mulf %get3A_338, %mul3A_341 : vector<16xf32>
          %swap3A_343 = arith.index_cast %add3A_282 : i32 to index
          %swap3A_344 = arith.constant 80 : index
          %swap3A_345 = tpu.vector_load %arg8[%swap3A_343, %swap3A_344] {strides = array<i32>} : memref<128x128xf32, #tpu.memory_space<vmem>>, vector<16xf32>,
          tpu.vector_store %arg8[%swap3A_343, %swap3A_344], %mul3A_342 {strides = array<i32>} : memref<128x128xf32, #tpu.memory_space<vmem>>, vector<16xf32>,
          %get3A_346 = arith.index_cast %add3A_282 : i32 to index
          %get3A_347 = arith.constant 96 : index
          %get3A_348 = tpu.vector_load %arg8[%get3A_346, %get3A_347] {strides = array<i32>} : memref<128x128xf32, #tpu.memory_space<vmem>>, vector<16xf32>,
          %slice3A_349 = vector.extract_strided_slice %get3A_285 {offsets = [6], sizes = [1], strides = [1]} : vector<16xf32> to vector<1xf32>
          %squeeze3A_350 = vector.extract %slice3A_349[0] : f32 from vector<1xf32>
          %mul3A_351 = vector.broadcast %squeeze3A_350 : f32 to vector<16xf32>
          %mul3A_352 = arith.mulf %get3A_348, %mul3A_351 : vector<16xf32>
          %swap3A_353 = arith.index_cast %add3A_282 : i32 to index
          %swap3A_354 = arith.constant 96 : index
          %swap3A_355 = tpu.vector_load %arg8[%swap3A_353, %swap3A_354] {strides = array<i32>} : memref<128x128xf32, #tpu.memory_space<vmem>>, vector<16xf32>,
          tpu.vector_store %arg8[%swap3A_353, %swap3A_354], %mul3A_352 {strides = array<i32>} : memref<128x128xf32, #tpu.memory_space<vmem>>, vector<16xf32>,
          %get3A_356 = arith.index_cast %add3A_282 : i32 to index
          %get3A_357 = arith.constant 112 : index
          %get3A_358 = tpu.vector_load %arg8[%get3A_356, %get3A_357] {strides = array<i32>} : memref<128x128xf32, #tpu.memory_space<vmem>>, vector<16xf32>,
          %slice3A_359 = vector.extract_strided_slice %get3A_285 {offsets = [7], sizes = [1], strides = [1]} : vector<16xf32> to vector<1xf32>
          %squeeze3A_360 = vector.extract %slice3A_359[0] : f32 from vector<1xf32>
          %mul3A_361 = vector.broadcast %squeeze3A_360 : f32 to vector<16xf32>
          %mul3A_362 = arith.mulf %get3A_358, %mul3A_361 : vector<16xf32>
          %swap3A_363 = arith.index_cast %add3A_282 : i32 to index
          %swap3A_364 = arith.constant 112 : index
          %swap3A_365 = tpu.vector_load %arg8[%swap3A_363, %swap3A_364] {strides = array<i32>} : memref<128x128xf32, #tpu.memory_space<vmem>>, vector<16xf32>,
          tpu.vector_store %arg8[%swap3A_363, %swap3A_364], %mul3A_362 {strides = array<i32>} : memref<128x128xf32, #tpu.memory_space<vmem>>, vector<16xf32>,
          %scan3A_366 = arith.constant 0 : i32
          scf.yield %scan3A_366 : i32
        }
        %scan3A_187 = arith.constant 64 : i32
        %run_scoped3A = arith.constant 1 : i32
        "tpu.region"() ({
          %run_scoped3A_194 = tpu.sem_alloc : memref<!tpu.dma_semaphore, #tpu.memory_space<semaphore_mem>>
          %dma_start3A_195 = arith.constant 0 : i32
          %dma_start3A_196 = tpu.memref_slice %arg6[%run_scoped3A, %dma_start3A_195] : memref<2x128xi32, #tpu.memory_space<vmem>> -> memref<1x128xi32, #tpu.memory_space<vmem>>
          %dma_start3A_197 = tpu.memref_squeeze %dma_start3A_196 : memref<1x128xi32, #tpu.memory_space<vmem>> -> memref<128xi32, #tpu.memory_space<vmem>>
          %dma_start3A_198 = arith.constant 0 : i32
          %dma_start3A_199 = arith.constant 0 : i32
          %dma_start3A_200 = tpu.memref_slice %arg12[%dma_start3A_198, %dma_start3A_199] : memref<10000x128xf32, #tpu.memory_space<vmem_shared>> -> memref<10000x128xf32, #tpu.memory_space<vmem_shared>>
          tpu.enqueue_indirect_dma source(%arg8 : memref<128x128xf32, #tpu.memory_space<vmem>>) target(%dma_start3A_200 : memref<10000x128xf32, #tpu.memory_space<vmem_shared>>) offsets(%dma_start3A_197 : memref<128xi32, #tpu.memory_space<vmem>>) semaphore(%run_scoped3A_194 : memref<!tpu.dma_semaphore, #tpu.memory_space<semaphore_mem>>) {add = true}
          %dma_wait3A_201 = arith.constant 0 : i32
          %dma_wait3A_202 = tpu.memref_slice %arg6[%run_scoped3A, %dma_wait3A_201] : memref<2x128xi32, #tpu.memory_space<vmem>> -> memref<1x128xi32, #tpu.memory_space<vmem>>
          %dma_wait3A_203 = tpu.memref_squeeze %dma_wait3A_202 : memref<1x128xi32, #tpu.memory_space<vmem>> -> memref<128xi32, #tpu.memory_space<vmem>>
          %dma_wait3A_204 = arith.constant 0 : i32
          %dma_wait3A_205 = arith.constant 0 : i32
          %dma_wait3A_206 = tpu.memref_slice %arg12[%dma_wait3A_204, %dma_wait3A_205] : memref<10000x128xf32, #tpu.memory_space<vmem_shared>> -> memref<10000x128xf32, #tpu.memory_space<vmem_shared>>
          tpu.wait_indirect_dma semaphore(%run_scoped3A_194 : memref<!tpu.dma_semaphore, #tpu.memory_space<semaphore_mem>>) src(%arg8 : memref<128x128xf32, #tpu.memory_space<vmem>>) dst(%dma_wait3A_206 : memref<10000x128xf32, #tpu.memory_space<vmem_shared>>)
          tpu.yield
        }) : () -> ()
        %add3A_188 = arith.constant 2 : i32
        %add3A_189 = arith.addi %add3A_147, %add3A_188 : i32
        %lt3A_190 = arith.cmpi slt, %add3A_189, %select_n3A_70 : i32
        %convert_element_type3A_191 = arith.extui %lt3A_190 : i1 to i32
        %cond3A_192 = arith.constant 0 : i32
        %cond3A_193 = arith.cmpi ne, %convert_element_type3A_191, %cond3A_192 : i32
        scf.if %cond3A_193 {
          %add3A_194 = arith.constant 2 : i32
          %add3A_195 = arith.addi %add3A_147, %add3A_194 : i32
          %mul3A_196 = arith.constant 32 : i32
          %mul3A_197 = arith.muli %add3A_195, %mul3A_196 : i32
          %add3A_198 = arith.addi %add3A, %mul3A_197 : i32
          %mul3A_199 = arith.constant 128 : i32
          %mul3A_200 = arith.muli %add3A_198, %mul3A_199 : i32
          %dma_start3A_201 = arith.constant 0 : i32
          %dma_start3A_202 = tpu.memref_slice %arg2[%dma_start3A_201, %mul3A_200] : memref<2x320000xi32, #tpu.memory_space<hbm>> -> memref<2x128xi32, #tpu.memory_space<hbm>>
          %dma_start3A_203 = arith.constant 0 : i32
          %dma_start3A_204 = tpu.memref_slice %arg2[%dma_start3A_203, %mul3A_200] : memref<2x320000xi32, #tpu.memory_space<hbm>> -> memref<2x128xi32, #tpu.memory_space<hbm>>
          tpu.enqueue_dma source(%dma_start3A_204 : memref<2x128xi32, #tpu.memory_space<hbm>>) target(%arg6 : memref<2x128xi32, #tpu.memory_space<vmem>>) target_semaphore(%arg17 : memref<!tpu.dma_semaphore, #tpu.memory_space<semaphore_mem>>)
        } else {
        }
      } else {
      }
      %mul3A_151 = arith.constant 2 : i32
      %mul3A_152 = arith.muli %mul3A_151, %while3A_142 : i32
      %add3A_153 = arith.constant 1 : i32
      %add3A_154 = arith.addi %mul3A_152, %add3A_153 : i32
      %lt3A_155 = arith.cmpi slt, %add3A_154, %select_n3A_70 : i32
      %convert_element_type3A_156 = arith.extui %lt3A_155 : i1 to i32
      %cond3A_157 = arith.constant 0 : i32
      %cond3A_158 = arith.cmpi ne, %convert_element_type3A_156, %cond3A_157 : i32
      scf.if %cond3A_158 {
        %add3A_160 = arith.constant 1 : i32
        %add3A_161 = arith.addi %add3A_154, %add3A_160 : i32
        %lt3A_162 = arith.cmpi slt, %add3A_161, %select_n3A_70 : i32
        %convert_element_type3A_163 = arith.extui %lt3A_162 : i1 to i32
        %cond3A_164 = arith.constant 0 : i32
        %cond3A_165 = arith.cmpi ne, %convert_element_type3A_163, %cond3A_164 : i32
        scf.if %cond3A_165 {
          %add3A_194 = arith.constant 1 : i32
          %add3A_195 = arith.addi %add3A_154, %add3A_194 : i32
          %mul3A_196 = arith.constant 32 : i32
          %mul3A_197 = arith.muli %add3A_195, %mul3A_196 : i32
          %add3A_198 = arith.addi %add3A, %mul3A_197 : i32
          %mul3A_199 = arith.constant 128 : i32
          %mul3A_200 = arith.muli %add3A_198, %mul3A_199 : i32
          %dma_wait3A_201 = arith.constant 0 : i32
          %dma_wait3A_202 = tpu.memref_slice %arg2[%dma_wait3A_201, %mul3A_200] : memref<2x320000xi32, #tpu.memory_space<hbm>> -> memref<2x128xi32, #tpu.memory_space<hbm>>
          %dma_wait3A_203 = arith.constant 0 : i32
          %dma_wait3A_204 = tpu.memref_slice %arg2[%dma_wait3A_203, %mul3A_200] : memref<2x320000xi32, #tpu.memory_space<hbm>> -> memref<2x128xi32, #tpu.memory_space<hbm>>
          tpu.wait_dma2 semaphore(%arg17 : memref<!tpu.dma_semaphore, #tpu.memory_space<semaphore_mem>>) src(%dma_wait3A_204 : memref<2x128xi32, #tpu.memory_space<hbm>>) dst(%arg6 : memref<2x128xi32, #tpu.memory_space<vmem>>)
          %add3A_205 = arith.constant 1 : i32
          %add3A_206 = arith.addi %add3A_154, %add3A_205 : i32
          %dma_start3A_207 = arith.constant 0 : i32
          %dma_start3A_208 = arith.constant 0 : i32
          %dma_start3A_209 = tpu.memref_slice %arg6[%dma_start3A_207, %dma_start3A_208] : memref<2x128xi32, #tpu.memory_space<vmem>> -> memref<1x128xi32, #tpu.memory_space<vmem>>
          %dma_start3A_210 = tpu.memref_squeeze %dma_start3A_209 : memref<1x128xi32, #tpu.memory_space<vmem>> -> memref<128xi32, #tpu.memory_space<vmem>>
          %dma_start3A_211 = arith.constant 0 : i32
          %dma_start3A_212 = arith.constant 0 : i32
          %dma_start3A_213 = tpu.memref_slice %arg3[%dma_start3A_211, %dma_start3A_212] : memref<10000x128xf32, #tpu.memory_space<hbm>> -> memref<10000x128xf32, #tpu.memory_space<hbm>>
          tpu.enqueue_indirect_dma source(%dma_start3A_213 : memref<10000x128xf32, #tpu.memory_space<hbm>>) target(%arg8 : memref<128x128xf32, #tpu.memory_space<vmem>>) offsets(%dma_start3A_210 : memref<128xi32, #tpu.memory_space<vmem>>) semaphore(%arg13 : memref<!tpu.dma_semaphore, #tpu.memory_space<semaphore_mem>>)
          %mul3A_214 = arith.constant 32 : i32
          %mul3A_215 = arith.muli %add3A_206, %mul3A_214 : i32
          %add3A_216 = arith.addi %add3A, %mul3A_215 : i32
          %mul3A_217 = arith.constant 128 : i32
          %mul3A_218 = arith.muli %add3A_216, %mul3A_217 : i32
          %dma_start3A_219 = arith.constant 0 : i32
          %dma_start3A_220 = tpu.memref_slice %arg4[%mul3A_218, %dma_start3A_219] : memref<320000x16xf32, #tpu.memory_space<hbm>> -> memref<128x16xf32, #tpu.memory_space<hbm>>
          %dma_start3A_221 = arith.constant 0 : i32
          %dma_start3A_222 = tpu.memref_slice %arg4[%mul3A_218, %dma_start3A_221] : memref<320000x16xf32, #tpu.memory_space<hbm>> -> memref<128x16xf32, #tpu.memory_space<hbm>>
          tpu.enqueue_dma source(%dma_start3A_222 : memref<128x16xf32, #tpu.memory_space<hbm>>) target(%arg10 : memref<128x16xf32, #tpu.memory_space<vmem>>) target_semaphore(%arg15 : memref<!tpu.dma_semaphore, #tpu.memory_space<semaphore_mem>>)
        } else {
        }
        %dma_wait3A = arith.constant 0 : i32
        %dma_wait3A_166 = arith.constant 0 : i32
        %dma_wait3A_167 = tpu.memref_slice %arg7[%dma_wait3A, %dma_wait3A_166] : memref<2x128xi32, #tpu.memory_space<vmem>> -> memref<1x128xi32, #tpu.memory_space<vmem>>
        %dma_wait3A_168 = tpu.memref_squeeze %dma_wait3A_167 : memref<1x128xi32, #tpu.memory_space<vmem>> -> memref<128xi32, #tpu.memory_space<vmem>>
        %dma_wait3A_169 = arith.constant 0 : i32
        %dma_wait3A_170 = arith.constant 0 : i32
        %dma_wait3A_171 = tpu.memref_slice %arg3[%dma_wait3A_169, %dma_wait3A_170] : memref<10000x128xf32, #tpu.memory_space<hbm>> -> memref<10000x128xf32, #tpu.memory_space<hbm>>
        tpu.wait_indirect_dma semaphore(%arg14 : memref<!tpu.dma_semaphore, #tpu.memory_space<semaphore_mem>>) src(%dma_wait3A_171 : memref<10000x128xf32, #tpu.memory_space<hbm>>) dst(%arg9 : memref<128x128xf32, #tpu.memory_space<vmem>>)
        %mul3A_172 = arith.constant 32 : i32
        %mul3A_173 = arith.muli %add3A_154, %mul3A_172 : i32
        %add3A_174 = arith.addi %add3A, %mul3A_173 : i32
        %mul3A_175 = arith.constant 128 : i32
        %mul3A_176 = arith.muli %add3A_174, %mul3A_175 : i32
        %dma_wait3A_177 = arith.constant 0 : i32
        %dma_wait3A_178 = tpu.memref_slice %arg4[%mul3A_176, %dma_wait3A_177] : memref<320000x16xf32, #tpu.memory_space<hbm>> -> memref<128x16xf32, #tpu.memory_space<hbm>>
        %dma_wait3A_179 = arith.constant 0 : i32
        %dma_wait3A_180 = tpu.memref_slice %arg4[%mul3A_176, %dma_wait3A_179] : memref<320000x16xf32, #tpu.memory_space<hbm>> -> memref<128x16xf32, #tpu.memory_space<hbm>>
        tpu.wait_dma2 semaphore(%arg16 : memref<!tpu.dma_semaphore, #tpu.memory_space<semaphore_mem>>) src(%dma_wait3A_180 : memref<128x16xf32, #tpu.memory_space<hbm>>) dst(%arg11 : memref<128x16xf32, #tpu.memory_space<vmem>>)
        %scan3A_181 = arith.constant 0 : i32
        %scan3A_182 = arith.constant 0 : i32
        %scan3A_183 = arith.constant 64 : i32
        %scan3A_184 = arith.addi %scan3A_182, %scan3A_183 : i32
        %scan3A_185 = arith.constant 1 : i32
        %scan3A_186 = scf.for %scan3A_194 = %scan3A_182 to %scan3A_184 step %scan3A_185 iter_args(%scan3A_195 = %scan3A_181) -> (i32)  : i32 {
          %mul3A_196 = arith.constant 2 : i32
          %mul3A_197 = arith.muli %scan3A_194, %mul3A_196 : i32
          %add3A_198 = arith.constant 0 : i32
          %add3A_199 = arith.addi %mul3A_197, %add3A_198 : i32
          %get3A = arith.index_cast %add3A_199 : i32 to index
          %get3A_200 = arith.constant 0 : index
          %get3A_201 = tpu.vector_load %arg11[%get3A, %get3A_200] {strides = array<i32>} : memref<128x16xf32, #tpu.memory_space<vmem>>, vector<16xf32>,
          %get3A_202 = arith.index_cast %add3A_199 : i32 to index
          %get3A_203 = arith.constant 0 : index
          %get3A_204 = tpu.vector_load %arg9[%get3A_202, %get3A_203] {strides = array<i32>} : memref<128x128xf32, #tpu.memory_space<vmem>>, vector<16xf32>,
          %slice3A = vector.extract_strided_slice %get3A_201 {offsets = [0], sizes = [1], strides = [1]} : vector<16xf32> to vector<1xf32>
          %squeeze3A = vector.extract %slice3A[0] : f32 from vector<1xf32>
          %mul3A_205 = vector.broadcast %squeeze3A : f32 to vector<16xf32>
          %mul3A_206 = arith.mulf %get3A_204, %mul3A_205 : vector<16xf32>
          %swap3A = arith.index_cast %add3A_199 : i32 to index
          %swap3A_207 = arith.constant 0 : index
          %swap3A_208 = tpu.vector_load %arg9[%swap3A, %swap3A_207] {strides = array<i32>} : memref<128x128xf32, #tpu.memory_space<vmem>>, vector<16xf32>,
          tpu.vector_store %arg9[%swap3A, %swap3A_207], %mul3A_206 {strides = array<i32>} : memref<128x128xf32, #tpu.memory_space<vmem>>, vector<16xf32>,
          %get3A_209 = arith.index_cast %add3A_199 : i32 to index
          %get3A_210 = arith.constant 16 : index
          %get3A_211 = tpu.vector_load %arg9[%get3A_209, %get3A_210] {strides = array<i32>} : memref<128x128xf32, #tpu.memory_space<vmem>>, vector<16xf32>,
          %slice3A_212 = vector.extract_strided_slice %get3A_201 {offsets = [1], sizes = [1], strides = [1]} : vector<16xf32> to vector<1xf32>
          %squeeze3A_213 = vector.extract %slice3A_212[0] : f32 from vector<1xf32>
          %mul3A_214 = vector.broadcast %squeeze3A_213 : f32 to vector<16xf32>
          %mul3A_215 = arith.mulf %get3A_211, %mul3A_214 : vector<16xf32>
          %swap3A_216 = arith.index_cast %add3A_199 : i32 to index
          %swap3A_217 = arith.constant 16 : index
          %swap3A_218 = tpu.vector_load %arg9[%swap3A_216, %swap3A_217] {strides = array<i32>} : memref<128x128xf32, #tpu.memory_space<vmem>>, vector<16xf32>,
          tpu.vector_store %arg9[%swap3A_216, %swap3A_217], %mul3A_215 {strides = array<i32>} : memref<128x128xf32, #tpu.memory_space<vmem>>, vector<16xf32>,
          %get3A_219 = arith.index_cast %add3A_199 : i32 to index
          %get3A_220 = arith.constant 32 : index
          %get3A_221 = tpu.vector_load %arg9[%get3A_219, %get3A_220] {strides = array<i32>} : memref<128x128xf32, #tpu.memory_space<vmem>>, vector<16xf32>,
          %slice3A_222 = vector.extract_strided_slice %get3A_201 {offsets = [2], sizes = [1], strides = [1]} : vector<16xf32> to vector<1xf32>
          %squeeze3A_223 = vector.extract %slice3A_222[0] : f32 from vector<1xf32>
          %mul3A_224 = vector.broadcast %squeeze3A_223 : f32 to vector<16xf32>
          %mul3A_225 = arith.mulf %get3A_221, %mul3A_224 : vector<16xf32>
          %swap3A_226 = arith.index_cast %add3A_199 : i32 to index
          %swap3A_227 = arith.constant 32 : index
          %swap3A_228 = tpu.vector_load %arg9[%swap3A_226, %swap3A_227] {strides = array<i32>} : memref<128x128xf32, #tpu.memory_space<vmem>>, vector<16xf32>,
          tpu.vector_store %arg9[%swap3A_226, %swap3A_227], %mul3A_225 {strides = array<i32>} : memref<128x128xf32, #tpu.memory_space<vmem>>, vector<16xf32>,
          %get3A_229 = arith.index_cast %add3A_199 : i32 to index
          %get3A_230 = arith.constant 48 : index
          %get3A_231 = tpu.vector_load %arg9[%get3A_229, %get3A_230] {strides = array<i32>} : memref<128x128xf32, #tpu.memory_space<vmem>>, vector<16xf32>,
          %slice3A_232 = vector.extract_strided_slice %get3A_201 {offsets = [3], sizes = [1], strides = [1]} : vector<16xf32> to vector<1xf32>
          %squeeze3A_233 = vector.extract %slice3A_232[0] : f32 from vector<1xf32>
          %mul3A_234 = vector.broadcast %squeeze3A_233 : f32 to vector<16xf32>
          %mul3A_235 = arith.mulf %get3A_231, %mul3A_234 : vector<16xf32>
          %swap3A_236 = arith.index_cast %add3A_199 : i32 to index
          %swap3A_237 = arith.constant 48 : index
          %swap3A_238 = tpu.vector_load %arg9[%swap3A_236, %swap3A_237] {strides = array<i32>} : memref<128x128xf32, #tpu.memory_space<vmem>>, vector<16xf32>,
          tpu.vector_store %arg9[%swap3A_236, %swap3A_237], %mul3A_235 {strides = array<i32>} : memref<128x128xf32, #tpu.memory_space<vmem>>, vector<16xf32>,
          %get3A_239 = arith.index_cast %add3A_199 : i32 to index
          %get3A_240 = arith.constant 64 : index
          %get3A_241 = tpu.vector_load %arg9[%get3A_239, %get3A_240] {strides = array<i32>} : memref<128x128xf32, #tpu.memory_space<vmem>>, vector<16xf32>,
          %slice3A_242 = vector.extract_strided_slice %get3A_201 {offsets = [4], sizes = [1], strides = [1]} : vector<16xf32> to vector<1xf32>
          %squeeze3A_243 = vector.extract %slice3A_242[0] : f32 from vector<1xf32>
          %mul3A_244 = vector.broadcast %squeeze3A_243 : f32 to vector<16xf32>
          %mul3A_245 = arith.mulf %get3A_241, %mul3A_244 : vector<16xf32>
          %swap3A_246 = arith.index_cast %add3A_199 : i32 to index
          %swap3A_247 = arith.constant 64 : index
          %swap3A_248 = tpu.vector_load %arg9[%swap3A_246, %swap3A_247] {strides = array<i32>} : memref<128x128xf32, #tpu.memory_space<vmem>>, vector<16xf32>,
          tpu.vector_store %arg9[%swap3A_246, %swap3A_247], %mul3A_245 {strides = array<i32>} : memref<128x128xf32, #tpu.memory_space<vmem>>, vector<16xf32>,
          %get3A_249 = arith.index_cast %add3A_199 : i32 to index
          %get3A_250 = arith.constant 80 : index
          %get3A_251 = tpu.vector_load %arg9[%get3A_249, %get3A_250] {strides = array<i32>} : memref<128x128xf32, #tpu.memory_space<vmem>>, vector<16xf32>,
          %slice3A_252 = vector.extract_strided_slice %get3A_201 {offsets = [5], sizes = [1], strides = [1]} : vector<16xf32> to vector<1xf32>
          %squeeze3A_253 = vector.extract %slice3A_252[0] : f32 from vector<1xf32>
          %mul3A_254 = vector.broadcast %squeeze3A_253 : f32 to vector<16xf32>
          %mul3A_255 = arith.mulf %get3A_251, %mul3A_254 : vector<16xf32>
          %swap3A_256 = arith.index_cast %add3A_199 : i32 to index
          %swap3A_257 = arith.constant 80 : index
          %swap3A_258 = tpu.vector_load %arg9[%swap3A_256, %swap3A_257] {strides = array<i32>} : memref<128x128xf32, #tpu.memory_space<vmem>>, vector<16xf32>,
          tpu.vector_store %arg9[%swap3A_256, %swap3A_257], %mul3A_255 {strides = array<i32>} : memref<128x128xf32, #tpu.memory_space<vmem>>, vector<16xf32>,
          %get3A_259 = arith.index_cast %add3A_199 : i32 to index
          %get3A_260 = arith.constant 96 : index
          %get3A_261 = tpu.vector_load %arg9[%get3A_259, %get3A_260] {strides = array<i32>} : memref<128x128xf32, #tpu.memory_space<vmem>>, vector<16xf32>,
          %slice3A_262 = vector.extract_strided_slice %get3A_201 {offsets = [6], sizes = [1], strides = [1]} : vector<16xf32> to vector<1xf32>
          %squeeze3A_263 = vector.extract %slice3A_262[0] : f32 from vector<1xf32>
          %mul3A_264 = vector.broadcast %squeeze3A_263 : f32 to vector<16xf32>
          %mul3A_265 = arith.mulf %get3A_261, %mul3A_264 : vector<16xf32>
          %swap3A_266 = arith.index_cast %add3A_199 : i32 to index
          %swap3A_267 = arith.constant 96 : index
          %swap3A_268 = tpu.vector_load %arg9[%swap3A_266, %swap3A_267] {strides = array<i32>} : memref<128x128xf32, #tpu.memory_space<vmem>>, vector<16xf32>,
          tpu.vector_store %arg9[%swap3A_266, %swap3A_267], %mul3A_265 {strides = array<i32>} : memref<128x128xf32, #tpu.memory_space<vmem>>, vector<16xf32>,
          %get3A_269 = arith.index_cast %add3A_199 : i32 to index
          %get3A_270 = arith.constant 112 : index
          %get3A_271 = tpu.vector_load %arg9[%get3A_269, %get3A_270] {strides = array<i32>} : memref<128x128xf32, #tpu.memory_space<vmem>>, vector<16xf32>,
          %slice3A_272 = vector.extract_strided_slice %get3A_201 {offsets = [7], sizes = [1], strides = [1]} : vector<16xf32> to vector<1xf32>
          %squeeze3A_273 = vector.extract %slice3A_272[0] : f32 from vector<1xf32>
          %mul3A_274 = vector.broadcast %squeeze3A_273 : f32 to vector<16xf32>
          %mul3A_275 = arith.mulf %get3A_271, %mul3A_274 : vector<16xf32>
          %swap3A_276 = arith.index_cast %add3A_199 : i32 to index
          %swap3A_277 = arith.constant 112 : index
          %swap3A_278 = tpu.vector_load %arg9[%swap3A_276, %swap3A_277] {strides = array<i32>} : memref<128x128xf32, #tpu.memory_space<vmem>>, vector<16xf32>,
          tpu.vector_store %arg9[%swap3A_276, %swap3A_277], %mul3A_275 {strides = array<i32>} : memref<128x128xf32, #tpu.memory_space<vmem>>, vector<16xf32>,
          %mul3A_279 = arith.constant 2 : i32
          %mul3A_280 = arith.muli %scan3A_194, %mul3A_279 : i32
          %add3A_281 = arith.constant 1 : i32
          %add3A_282 = arith.addi %mul3A_280, %add3A_281 : i32
          %get3A_283 = arith.index_cast %add3A_282 : i32 to index
          %get3A_284 = arith.constant 0 : index
          %get3A_285 = tpu.vector_load %arg11[%get3A_283, %get3A_284] {strides = array<i32>} : memref<128x16xf32, #tpu.memory_space<vmem>>, vector<16xf32>,
          %get3A_286 = arith.index_cast %add3A_282 : i32 to index
          %get3A_287 = arith.constant 0 : index
          %get3A_288 = tpu.vector_load %arg9[%get3A_286, %get3A_287] {strides = array<i32>} : memref<128x128xf32, #tpu.memory_space<vmem>>, vector<16xf32>,
          %slice3A_289 = vector.extract_strided_slice %get3A_285 {offsets = [0], sizes = [1], strides = [1]} : vector<16xf32> to vector<1xf32>
          %squeeze3A_290 = vector.extract %slice3A_289[0] : f32 from vector<1xf32>
          %mul3A_291 = vector.broadcast %squeeze3A_290 : f32 to vector<16xf32>
          %mul3A_292 = arith.mulf %get3A_288, %mul3A_291 : vector<16xf32>
          %swap3A_293 = arith.index_cast %add3A_282 : i32 to index
          %swap3A_294 = arith.constant 0 : index
          %swap3A_295 = tpu.vector_load %arg9[%swap3A_293, %swap3A_294] {strides = array<i32>} : memref<128x128xf32, #tpu.memory_space<vmem>>, vector<16xf32>,
          tpu.vector_store %arg9[%swap3A_293, %swap3A_294], %mul3A_292 {strides = array<i32>} : memref<128x128xf32, #tpu.memory_space<vmem>>, vector<16xf32>,
          %get3A_296 = arith.index_cast %add3A_282 : i32 to index
          %get3A_297 = arith.constant 16 : index
          %get3A_298 = tpu.vector_load %arg9[%get3A_296, %get3A_297] {strides = array<i32>} : memref<128x128xf32, #tpu.memory_space<vmem>>, vector<16xf32>,
          %slice3A_299 = vector.extract_strided_slice %get3A_285 {offsets = [1], sizes = [1], strides = [1]} : vector<16xf32> to vector<1xf32>
          %squeeze3A_300 = vector.extract %slice3A_299[0] : f32 from vector<1xf32>
          %mul3A_301 = vector.broadcast %squeeze3A_300 : f32 to vector<16xf32>
          %mul3A_302 = arith.mulf %get3A_298, %mul3A_301 : vector<16xf32>
          %swap3A_303 = arith.index_cast %add3A_282 : i32 to index
          %swap3A_304 = arith.constant 16 : index
          %swap3A_305 = tpu.vector_load %arg9[%swap3A_303, %swap3A_304] {strides = array<i32>} : memref<128x128xf32, #tpu.memory_space<vmem>>, vector<16xf32>,
          tpu.vector_store %arg9[%swap3A_303, %swap3A_304], %mul3A_302 {strides = array<i32>} : memref<128x128xf32, #tpu.memory_space<vmem>>, vector<16xf32>,
          %get3A_306 = arith.index_cast %add3A_282 : i32 to index
          %get3A_307 = arith.constant 32 : index
          %get3A_308 = tpu.vector_load %arg9[%get3A_306, %get3A_307] {strides = array<i32>} : memref<128x128xf32, #tpu.memory_space<vmem>>, vector<16xf32>,
          %slice3A_309 = vector.extract_strided_slice %get3A_285 {offsets = [2], sizes = [1], strides = [1]} : vector<16xf32> to vector<1xf32>
          %squeeze3A_310 = vector.extract %slice3A_309[0] : f32 from vector<1xf32>
          %mul3A_311 = vector.broadcast %squeeze3A_310 : f32 to vector<16xf32>
          %mul3A_312 = arith.mulf %get3A_308, %mul3A_311 : vector<16xf32>
          %swap3A_313 = arith.index_cast %add3A_282 : i32 to index
          %swap3A_314 = arith.constant 32 : index
          %swap3A_315 = tpu.vector_load %arg9[%swap3A_313, %swap3A_314] {strides = array<i32>} : memref<128x128xf32, #tpu.memory_space<vmem>>, vector<16xf32>,
          tpu.vector_store %arg9[%swap3A_313, %swap3A_314], %mul3A_312 {strides = array<i32>} : memref<128x128xf32, #tpu.memory_space<vmem>>, vector<16xf32>,
          %get3A_316 = arith.index_cast %add3A_282 : i32 to index
          %get3A_317 = arith.constant 48 : index
          %get3A_318 = tpu.vector_load %arg9[%get3A_316, %get3A_317] {strides = array<i32>} : memref<128x128xf32, #tpu.memory_space<vmem>>, vector<16xf32>,
          %slice3A_319 = vector.extract_strided_slice %get3A_285 {offsets = [3], sizes = [1], strides = [1]} : vector<16xf32> to vector<1xf32>
          %squeeze3A_320 = vector.extract %slice3A_319[0] : f32 from vector<1xf32>
          %mul3A_321 = vector.broadcast %squeeze3A_320 : f32 to vector<16xf32>
          %mul3A_322 = arith.mulf %get3A_318, %mul3A_321 : vector<16xf32>
          %swap3A_323 = arith.index_cast %add3A_282 : i32 to index
          %swap3A_324 = arith.constant 48 : index
          %swap3A_325 = tpu.vector_load %arg9[%swap3A_323, %swap3A_324] {strides = array<i32>} : memref<128x128xf32, #tpu.memory_space<vmem>>, vector<16xf32>,
          tpu.vector_store %arg9[%swap3A_323, %swap3A_324], %mul3A_322 {strides = array<i32>} : memref<128x128xf32, #tpu.memory_space<vmem>>, vector<16xf32>,
          %get3A_326 = arith.index_cast %add3A_282 : i32 to index
          %get3A_327 = arith.constant 64 : index
          %get3A_328 = tpu.vector_load %arg9[%get3A_326, %get3A_327] {strides = array<i32>} : memref<128x128xf32, #tpu.memory_space<vmem>>, vector<16xf32>,
          %slice3A_329 = vector.extract_strided_slice %get3A_285 {offsets = [4], sizes = [1], strides = [1]} : vector<16xf32> to vector<1xf32>
          %squeeze3A_330 = vector.extract %slice3A_329[0] : f32 from vector<1xf32>
          %mul3A_331 = vector.broadcast %squeeze3A_330 : f32 to vector<16xf32>
          %mul3A_332 = arith.mulf %get3A_328, %mul3A_331 : vector<16xf32>
          %swap3A_333 = arith.index_cast %add3A_282 : i32 to index
          %swap3A_334 = arith.constant 64 : index
          %swap3A_335 = tpu.vector_load %arg9[%swap3A_333, %swap3A_334] {strides = array<i32>} : memref<128x128xf32, #tpu.memory_space<vmem>>, vector<16xf32>,
          tpu.vector_store %arg9[%swap3A_333, %swap3A_334], %mul3A_332 {strides = array<i32>} : memref<128x128xf32, #tpu.memory_space<vmem>>, vector<16xf32>,
          %get3A_336 = arith.index_cast %add3A_282 : i32 to index
          %get3A_337 = arith.constant 80 : index
          %get3A_338 = tpu.vector_load %arg9[%get3A_336, %get3A_337] {strides = array<i32>} : memref<128x128xf32, #tpu.memory_space<vmem>>, vector<16xf32>,
          %slice3A_339 = vector.extract_strided_slice %get3A_285 {offsets = [5], sizes = [1], strides = [1]} : vector<16xf32> to vector<1xf32>
          %squeeze3A_340 = vector.extract %slice3A_339[0] : f32 from vector<1xf32>
          %mul3A_341 = vector.broadcast %squeeze3A_340 : f32 to vector<16xf32>
          %mul3A_342 = arith.mulf %get3A_338, %mul3A_341 : vector<16xf32>
          %swap3A_343 = arith.index_cast %add3A_282 : i32 to index
          %swap3A_344 = arith.constant 80 : index
          %swap3A_345 = tpu.vector_load %arg9[%swap3A_343, %swap3A_344] {strides = array<i32>} : memref<128x128xf32, #tpu.memory_space<vmem>>, vector<16xf32>,
          tpu.vector_store %arg9[%swap3A_343, %swap3A_344], %mul3A_342 {strides = array<i32>} : memref<128x128xf32, #tpu.memory_space<vmem>>, vector<16xf32>,
          %get3A_346 = arith.index_cast %add3A_282 : i32 to index
          %get3A_347 = arith.constant 96 : index
          %get3A_348 = tpu.vector_load %arg9[%get3A_346, %get3A_347] {strides = array<i32>} : memref<128x128xf32, #tpu.memory_space<vmem>>, vector<16xf32>,
          %slice3A_349 = vector.extract_strided_slice %get3A_285 {offsets = [6], sizes = [1], strides = [1]} : vector<16xf32> to vector<1xf32>
          %squeeze3A_350 = vector.extract %slice3A_349[0] : f32 from vector<1xf32>
          %mul3A_351 = vector.broadcast %squeeze3A_350 : f32 to vector<16xf32>
          %mul3A_352 = arith.mulf %get3A_348, %mul3A_351 : vector<16xf32>
          %swap3A_353 = arith.index_cast %add3A_282 : i32 to index
          %swap3A_354 = arith.constant 96 : index
          %swap3A_355 = tpu.vector_load %arg9[%swap3A_353, %swap3A_354] {strides = array<i32>} : memref<128x128xf32, #tpu.memory_space<vmem>>, vector<16xf32>,
          tpu.vector_store %arg9[%swap3A_353, %swap3A_354], %mul3A_352 {strides = array<i32>} : memref<128x128xf32, #tpu.memory_space<vmem>>, vector<16xf32>,
          %get3A_356 = arith.index_cast %add3A_282 : i32 to index
          %get3A_357 = arith.constant 112 : index
          %get3A_358 = tpu.vector_load %arg9[%get3A_356, %get3A_357] {strides = array<i32>} : memref<128x128xf32, #tpu.memory_space<vmem>>, vector<16xf32>,
          %slice3A_359 = vector.extract_strided_slice %get3A_285 {offsets = [7], sizes = [1], strides = [1]} : vector<16xf32> to vector<1xf32>
          %squeeze3A_360 = vector.extract %slice3A_359[0] : f32 from vector<1xf32>
          %mul3A_361 = vector.broadcast %squeeze3A_360 : f32 to vector<16xf32>
          %mul3A_362 = arith.mulf %get3A_358, %mul3A_361 : vector<16xf32>
          %swap3A_363 = arith.index_cast %add3A_282 : i32 to index
          %swap3A_364 = arith.constant 112 : index
          %swap3A_365 = tpu.vector_load %arg9[%swap3A_363, %swap3A_364] {strides = array<i32>} : memref<128x128xf32, #tpu.memory_space<vmem>>, vector<16xf32>,
          tpu.vector_store %arg9[%swap3A_363, %swap3A_364], %mul3A_362 {strides = array<i32>} : memref<128x128xf32, #tpu.memory_space<vmem>>, vector<16xf32>,
          %scan3A_366 = arith.constant 0 : i32
          scf.yield %scan3A_366 : i32
        }
        %scan3A_187 = arith.constant 64 : i32
        %run_scoped3A = arith.constant 1 : i32
        "tpu.region"() ({
          %run_scoped3A_194 = tpu.sem_alloc : memref<!tpu.dma_semaphore, #tpu.memory_space<semaphore_mem>>
          %dma_start3A_195 = arith.constant 0 : i32
          %dma_start3A_196 = tpu.memref_slice %arg7[%run_scoped3A, %dma_start3A_195] : memref<2x128xi32, #tpu.memory_space<vmem>> -> memref<1x128xi32, #tpu.memory_space<vmem>>
          %dma_start3A_197 = tpu.memref_squeeze %dma_start3A_196 : memref<1x128xi32, #tpu.memory_space<vmem>> -> memref<128xi32, #tpu.memory_space<vmem>>
          %dma_start3A_198 = arith.constant 0 : i32
          %dma_start3A_199 = arith.constant 0 : i32
          %dma_start3A_200 = tpu.memref_slice %arg12[%dma_start3A_198, %dma_start3A_199] : memref<10000x128xf32, #tpu.memory_space<vmem_shared>> -> memref<10000x128xf32, #tpu.memory_space<vmem_shared>>
          tpu.enqueue_indirect_dma source(%arg9 : memref<128x128xf32, #tpu.memory_space<vmem>>) target(%dma_start3A_200 : memref<10000x128xf32, #tpu.memory_space<vmem_shared>>) offsets(%dma_start3A_197 : memref<128xi32, #tpu.memory_space<vmem>>) semaphore(%run_scoped3A_194 : memref<!tpu.dma_semaphore, #tpu.memory_space<semaphore_mem>>) {add = true}
          %dma_wait3A_201 = arith.constant 0 : i32
          %dma_wait3A_202 = tpu.memref_slice %arg7[%run_scoped3A, %dma_wait3A_201] : memref<2x128xi32, #tpu.memory_space<vmem>> -> memref<1x128xi32, #tpu.memory_space<vmem>>
          %dma_wait3A_203 = tpu.memref_squeeze %dma_wait3A_202 : memref<1x128xi32, #tpu.memory_space<vmem>> -> memref<128xi32, #tpu.memory_space<vmem>>
          %dma_wait3A_204 = arith.constant 0 : i32
          %dma_wait3A_205 = arith.constant 0 : i32
          %dma_wait3A_206 = tpu.memref_slice %arg12[%dma_wait3A_204, %dma_wait3A_205] : memref<10000x128xf32, #tpu.memory_space<vmem_shared>> -> memref<10000x128xf32, #tpu.memory_space<vmem_shared>>
          tpu.wait_indirect_dma semaphore(%run_scoped3A_194 : memref<!tpu.dma_semaphore, #tpu.memory_space<semaphore_mem>>) src(%arg9 : memref<128x128xf32, #tpu.memory_space<vmem>>) dst(%dma_wait3A_206 : memref<10000x128xf32, #tpu.memory_space<vmem_shared>>)
          tpu.yield
        }) : () -> ()
        %add3A_188 = arith.constant 2 : i32
        %add3A_189 = arith.addi %add3A_154, %add3A_188 : i32
        %lt3A_190 = arith.cmpi slt, %add3A_189, %select_n3A_70 : i32
        %convert_element_type3A_191 = arith.extui %lt3A_190 : i1 to i32
        %cond3A_192 = arith.constant 0 : i32
        %cond3A_193 = arith.cmpi ne, %convert_element_type3A_191, %cond3A_192 : i32
        scf.if %cond3A_193 {
          %add3A_194 = arith.constant 2 : i32
          %add3A_195 = arith.addi %add3A_154, %add3A_194 : i32
          %mul3A_196 = arith.constant 32 : i32
          %mul3A_197 = arith.muli %add3A_195, %mul3A_196 : i32
          %add3A_198 = arith.addi %add3A, %mul3A_197 : i32
          %mul3A_199 = arith.constant 128 : i32
          %mul3A_200 = arith.muli %add3A_198, %mul3A_199 : i32
          %dma_start3A_201 = arith.constant 0 : i32
          %dma_start3A_202 = tpu.memref_slice %arg2[%dma_start3A_201, %mul3A_200] : memref<2x320000xi32, #tpu.memory_space<hbm>> -> memref<2x128xi32, #tpu.memory_space<hbm>>
          %dma_start3A_203 = arith.constant 0 : i32
          %dma_start3A_204 = tpu.memref_slice %arg2[%dma_start3A_203, %mul3A_200] : memref<2x320000xi32, #tpu.memory_space<hbm>> -> memref<2x128xi32, #tpu.memory_space<hbm>>
          tpu.enqueue_dma source(%dma_start3A_204 : memref<2x128xi32, #tpu.memory_space<hbm>>) target(%arg7 : memref<2x128xi32, #tpu.memory_space<vmem>>) target_semaphore(%arg18 : memref<!tpu.dma_semaphore, #tpu.memory_space<semaphore_mem>>)
        } else {
        }
      } else {
      }
      %while3A_159 = arith.constant 0 : i32
      scf.yield %while3A_159 : i32
    }
    %barrier3A_129 = arith.constant 0 : index
    tpu.barrier barrier_id(%barrier3A_129)
    %while3A_130 = arith.constant 0 : i32
    %while3A_131 = arith.constant 0 : i32
    %while3A_132 = arith.subi %select_n3A, %while3A_130 : i32
    %while3A_133 = arith.addi %while3A_130, %while3A_132 : i32
    %while3A_134 = arith.constant 1 : i32
    %while3A_135 = arith.divsi %while3A_132, %while3A_134 : i32
    %while3A_136 = arith.muli %while3A_135, %while3A_134 : i32
    %while3A_137 = arith.addi %while3A_130, %while3A_136 : i32
    %while3A_138 = arith.constant 1 : i32
    %while3A_139 = scf.for %while3A_142 = %while3A_130 to %while3A_137 step %while3A_138 iter_args(%while3A_143 = %while3A_131) -> (i32)  : i32 {
      %mul3A_144 = arith.constant 16 : i32
      %mul3A_145 = arith.muli %while3A_142, %mul3A_144 : i32
      %add3A_146 = arith.addi %arg1, %mul3A_145 : i32
      %mul3A_147 = arith.constant 80 : i32
      %mul3A_148 = arith.muli %add3A_146, %mul3A_147 : i32
      "tpu.region"() ({
        %run_scoped3A = tpu.sem_alloc : memref<!tpu.dma_semaphore, #tpu.memory_space<semaphore_mem>>
        %dma_start3A_150 = arith.constant 0 : i32
        %dma_start3A_151 = tpu.memref_slice %arg5[%arg0, %mul3A_148, %dma_start3A_150] : memref<2x10000x128xf32, #tpu.memory_space<hbm>> -> memref<1x80x128xf32, #tpu.memory_space<hbm>>
        %dma_start3A_152 = tpu.memref_squeeze %dma_start3A_151 : memref<1x80x128xf32, #tpu.memory_space<hbm>> -> memref<80x128xf32, #tpu.memory_space<hbm>>
        %dma_start3A_153 = arith.constant 0 : i32
        %dma_start3A_154 = tpu.memref_slice %arg12[%mul3A_148, %dma_start3A_153] : memref<10000x128xf32, #tpu.memory_space<vmem_shared>> -> memref<80x128xf32, #tpu.memory_space<vmem_shared>>
        tpu.enqueue_dma source(%dma_start3A_154 : memref<80x128xf32, #tpu.memory_space<vmem_shared>>) target(%dma_start3A_152 : memref<80x128xf32, #tpu.memory_space<hbm>>) target_semaphore(%run_scoped3A : memref<!tpu.dma_semaphore, #tpu.memory_space<semaphore_mem>>)
        %dma_wait3A = arith.constant 0 : i32
        %dma_wait3A_155 = tpu.memref_slice %arg5[%arg0, %mul3A_148, %dma_wait3A] : memref<2x10000x128xf32, #tpu.memory_space<hbm>> -> memref<1x80x128xf32, #tpu.memory_space<hbm>>
        %dma_wait3A_156 = tpu.memref_squeeze %dma_wait3A_155 : memref<1x80x128xf32, #tpu.memory_space<hbm>> -> memref<80x128xf32, #tpu.memory_space<hbm>>
        %dma_wait3A_157 = arith.constant 0 : i32
        %dma_wait3A_158 = tpu.memref_slice %arg12[%mul3A_148, %dma_wait3A_157] : memref<10000x128xf32, #tpu.memory_space<vmem_shared>> -> memref<80x128xf32, #tpu.memory_space<vmem_shared>>
        tpu.wait_dma2 semaphore(%run_scoped3A : memref<!tpu.dma_semaphore, #tpu.memory_space<semaphore_mem>>) src(%dma_wait3A_158 : memref<80x128xf32, #tpu.memory_space<vmem_shared>>) dst(%dma_wait3A_156 : memref<80x128xf32, #tpu.memory_space<hbm>>)
        tpu.yield
      }) : () -> ()
      %while3A_149 = arith.constant 0 : i32
      scf.yield %while3A_149 : i32
    }
    %while3A_140 = arith.constant 1 : i32
    %while3A_141 = scf.for %while3A_142 = %while3A_137 to %while3A_133 step %while3A_140 iter_args(%while3A_143 = %while3A_139) -> (i32)  : i32 {
      %mul3A_144 = arith.constant 16 : i32
      %mul3A_145 = arith.muli %while3A_142, %mul3A_144 : i32
      %add3A_146 = arith.addi %arg1, %mul3A_145 : i32
      %mul3A_147 = arith.constant 80 : i32
      %mul3A_148 = arith.muli %add3A_146, %mul3A_147 : i32
      "tpu.region"() ({
        %run_scoped3A = tpu.sem_alloc : memref<!tpu.dma_semaphore, #tpu.memory_space<semaphore_mem>>
        %dma_start3A_150 = arith.constant 0 : i32
        %dma_start3A_151 = tpu.memref_slice %arg5[%arg0, %mul3A_148, %dma_start3A_150] : memref<2x10000x128xf32, #tpu.memory_space<hbm>> -> memref<1x80x128xf32, #tpu.memory_space<hbm>>
        %dma_start3A_152 = tpu.memref_squeeze %dma_start3A_151 : memref<1x80x128xf32, #tpu.memory_space<hbm>> -> memref<80x128xf32, #tpu.memory_space<hbm>>
        %dma_start3A_153 = arith.constant 0 : i32
        %dma_start3A_154 = tpu.memref_slice %arg12[%mul3A_148, %dma_start3A_153] : memref<10000x128xf32, #tpu.memory_space<vmem_shared>> -> memref<80x128xf32, #tpu.memory_space<vmem_shared>>
        tpu.enqueue_dma source(%dma_start3A_154 : memref<80x128xf32, #tpu.memory_space<vmem_shared>>) target(%dma_start3A_152 : memref<80x128xf32, #tpu.memory_space<hbm>>) target_semaphore(%run_scoped3A : memref<!tpu.dma_semaphore, #tpu.memory_space<semaphore_mem>>)
        %dma_wait3A = arith.constant 0 : i32
        %dma_wait3A_155 = tpu.memref_slice %arg5[%arg0, %mul3A_148, %dma_wait3A] : memref<2x10000x128xf32, #tpu.memory_space<hbm>> -> memref<1x80x128xf32, #tpu.memory_space<hbm>>
        %dma_wait3A_156 = tpu.memref_squeeze %dma_wait3A_155 : memref<1x80x128xf32, #tpu.memory_space<hbm>> -> memref<80x128xf32, #tpu.memory_space<hbm>>
        %dma_wait3A_157 = arith.constant 0 : i32
        %dma_wait3A_158 = tpu.memref_slice %arg12[%mul3A_148, %dma_wait3A_157] : memref<10000x128xf32, #tpu.memory_space<vmem_shared>> -> memref<80x128xf32, #tpu.memory_space<vmem_shared>>
        tpu.wait_dma2 semaphore(%run_scoped3A : memref<!tpu.dma_semaphore, #tpu.memory_space<semaphore_mem>>) src(%dma_wait3A_158 : memref<80x128xf32, #tpu.memory_space<vmem_shared>>) dst(%dma_wait3A_156 : memref<80x128xf32, #tpu.memory_space<hbm>>)
        tpu.yield
      }) : () -> ()
      %while3A_149 = arith.constant 0 : i32
      scf.yield %while3A_149 : i32
    }
    return
  }
}

#map = affine_map<(d0, d1) -> (0, 0)>
#map1 = affine_map<(d0, d1) -> (0, 0, 0)>
module attributes {stable_mosaic.version = 14 : i64} {
  func.func @sc_scores(%arg0: i32, %arg1: i32, %arg2: memref<2x320000xi32, #tpu.memory_space<hbm>>, %arg3: memref<10000x128xf32, #tpu.memory_space<hbm>>, %arg4: memref<10000x128xf32, #tpu.memory_space<hbm>>, %arg5: memref<320000x16xf32, #tpu.memory_space<hbm>>, %arg6: memref<2x10000x16xf32, #tpu.memory_space<hbm>>, %arg7: memref<2x128xi32, #tpu.memory_space<vmem>>, %arg8: memref<2x128xi32, #tpu.memory_space<vmem>>, %arg9: memref<128x128xf32, #tpu.memory_space<vmem>>, %arg10: memref<128x128xf32, #tpu.memory_space<vmem>>, %arg11: memref<128x128xf32, #tpu.memory_space<vmem>>, %arg12: memref<128x128xf32, #tpu.memory_space<vmem>>, %arg13: memref<128x16xf32, #tpu.memory_space<vmem>>, %arg14: memref<10000x16xf32, #tpu.memory_space<vmem_shared>>, %arg15: memref<!tpu.dma_semaphore, #tpu.memory_space<semaphore_mem>>, %arg16: memref<!tpu.dma_semaphore, #tpu.memory_space<semaphore_mem>>, %arg17: memref<!tpu.dma_semaphore, #tpu.memory_space<semaphore_mem>>, %arg18: memref<!tpu.dma_semaphore, #tpu.memory_space<semaphore_mem>>, %arg19: memref<!tpu.dma_semaphore, #tpu.memory_space<semaphore_mem>>, %arg20: memref<!tpu.dma_semaphore, #tpu.memory_space<semaphore_mem>>) attributes {dimension_semantics = [#tpu.dimension_semantics<core_parallel>, #tpu.dimension_semantics<subcore_parallel>], iteration_bounds = array<i64: 2, 16>, scalar_prefetch = 0 : i64, scratch_operands = 14 : i64, tpu.core_type = #tpu.core_type<sc_vector_subcore>, window_params = [{transform_indices = #map}, {transform_indices = #map}, {transform_indices = #map}, {transform_indices = #map}, {transform_indices = #map1}]} {
    %mul3A = arith.constant 2 : i32
    %mul3A_0 = arith.muli %arg1, %mul3A : i32
    %add3A = arith.addi %mul3A_0, %arg0 : i32
    %broadcast_in_dim3A = arith.constant 0.000000e+00 : f32
    %broadcast_in_dim3A_1 = vector.broadcast %broadcast_in_dim3A : f32 to vector<16xf32>
    %scan3A = arith.constant 0 : i32
    %scan3A_2 = arith.constant 0 : i32
    %scan3A_3 = arith.constant 128 : i32
    %scan3A_4 = arith.addi %scan3A_2, %scan3A_3 : i32
    %scan3A_5 = arith.constant 1 : i32
    %scan3A_6 = scf.for %scan3A_141 = %scan3A_2 to %scan3A_4 step %scan3A_5 iter_args(%scan3A_142 = %scan3A) -> (i32)  : i32 {
      %swap3A = arith.index_cast %scan3A_141 : i32 to index
      %swap3A_143 = arith.constant 0 : index
      %swap3A_144 = tpu.vector_load %arg13[%swap3A, %swap3A_143] {strides = array<i32>} : memref<128x16xf32, #tpu.memory_space<vmem>>, vector<16xf32>,
      tpu.vector_store %arg13[%swap3A, %swap3A_143], %broadcast_in_dim3A_1 {strides = array<i32>} : memref<128x16xf32, #tpu.memory_space<vmem>>, vector<16xf32>,
      %scan3A_145 = arith.constant 0 : i32
      scf.yield %scan3A_145 : i32
    }
    %scan3A_7 = arith.constant 128 : i32
    %sub3A = arith.constant 125 : i32
    %sub3A_8 = arith.subi %sub3A, %arg1 : i32
    %add3A_9 = arith.constant 16 : i32
    %add3A_10 = arith.addi %sub3A_8, %add3A_9 : i32
    %sub3A_11 = arith.constant 1 : i32
    %sub3A_12 = arith.subi %add3A_10, %sub3A_11 : i32
    %jit3A = arith.constant 16 : i32
    %div3A = arith.divsi %sub3A_12, %jit3A : i32
    %sign3A = arith.constant 0 : i32
    %sign3A_13 = arith.cmpi sgt, %sub3A_12, %sign3A : i32
    %sign3A_14 = arith.extui %sign3A_13 : i1 to i32
    %sign3A_15 = arith.constant 0 : i32
    %sign3A_16 = arith.cmpi slt, %sub3A_12, %sign3A_15 : i32
    %sign3A_17 = arith.extui %sign3A_16 : i1 to i32
    %sign3A_18 = arith.subi %sign3A_14, %sign3A_17 : i32
    %sign3A_19 = arith.constant 0 : i32
    %sign3A_20 = arith.cmpi sgt, %jit3A, %sign3A_19 : i32
    %sign3A_21 = arith.extui %sign3A_20 : i1 to i32
    %sign3A_22 = arith.constant 0 : i32
    %sign3A_23 = arith.cmpi slt, %jit3A, %sign3A_22 : i32
    %sign3A_24 = arith.extui %sign3A_23 : i1 to i32
    %sign3A_25 = arith.subi %sign3A_21, %sign3A_24 : i32
    %ne3A = arith.cmpi ne, %sign3A_18, %sign3A_25 : i32
    %rem3A = arith.remsi %sub3A_12, %jit3A : i32
    %ne3A_26 = arith.constant 0 : i32
    %ne3A_27 = arith.cmpi ne, %rem3A, %ne3A_26 : i32
    %and3A = arith.andi %ne3A, %ne3A_27 : i1
    %sub3A_28 = arith.constant 1 : i32
    %sub3A_29 = arith.subi %div3A, %sub3A_28 : i32
    %select_n3A = arith.select %and3A, %sub3A_29, %div3A : i32
    %while3A = arith.constant 0 : i32
    %while3A_30 = arith.constant 0 : i32
    %while3A_31 = arith.subi %select_n3A, %while3A : i32
    %while3A_32 = arith.addi %while3A, %while3A_31 : i32
    %while3A_33 = arith.constant 1 : i32
    %while3A_34 = arith.divsi %while3A_31, %while3A_33 : i32
    %while3A_35 = arith.muli %while3A_34, %while3A_33 : i32
    %while3A_36 = arith.addi %while3A, %while3A_35 : i32
    %while3A_37 = arith.constant 1 : i32
    %while3A_38 = scf.for %while3A_141 = %while3A to %while3A_36 step %while3A_37 iter_args(%while3A_142 = %while3A_30) -> (i32)  : i32 {
      %mul3A_143 = arith.constant 16 : i32
      %mul3A_144 = arith.muli %while3A_141, %mul3A_143 : i32
      %add3A_145 = arith.addi %arg1, %mul3A_144 : i32
      %mul3A_146 = arith.constant 80 : i32
      %mul3A_147 = arith.muli %add3A_145, %mul3A_146 : i32
      "tpu.region"() ({
        %run_scoped3A = tpu.sem_alloc : memref<!tpu.dma_semaphore, #tpu.memory_space<semaphore_mem>>
        %dma_start3A_149 = arith.constant 0 : i32
        %dma_start3A_150 = arith.constant 0 : i32
        %dma_start3A_151 = tpu.memref_slice %arg13[%dma_start3A_149, %dma_start3A_150] : memref<128x16xf32, #tpu.memory_space<vmem>> -> memref<80x16xf32, #tpu.memory_space<vmem>>
        %dma_start3A_152 = arith.constant 0 : i32
        %dma_start3A_153 = tpu.memref_slice %arg14[%mul3A_147, %dma_start3A_152] : memref<10000x16xf32, #tpu.memory_space<vmem_shared>> -> memref<80x16xf32, #tpu.memory_space<vmem_shared>>
        %dma_start3A_154 = arith.constant 0 : i32
        %dma_start3A_155 = tpu.memref_slice %arg14[%mul3A_147, %dma_start3A_154] : memref<10000x16xf32, #tpu.memory_space<vmem_shared>> -> memref<80x16xf32, #tpu.memory_space<vmem_shared>>
        %dma_start3A_156 = arith.constant 0 : i32
        %dma_start3A_157 = arith.constant 0 : i32
        %dma_start3A_158 = tpu.memref_slice %arg13[%dma_start3A_156, %dma_start3A_157] : memref<128x16xf32, #tpu.memory_space<vmem>> -> memref<80x16xf32, #tpu.memory_space<vmem>>
        tpu.enqueue_dma source(%dma_start3A_158 : memref<80x16xf32, #tpu.memory_space<vmem>>) target(%dma_start3A_155 : memref<80x16xf32, #tpu.memory_space<vmem_shared>>) target_semaphore(%run_scoped3A : memref<!tpu.dma_semaphore, #tpu.memory_space<semaphore_mem>>)
        %dma_wait3A = arith.constant 0 : i32
        %dma_wait3A_159 = arith.constant 0 : i32
        %dma_wait3A_160 = tpu.memref_slice %arg13[%dma_wait3A, %dma_wait3A_159] : memref<128x16xf32, #tpu.memory_space<vmem>> -> memref<80x16xf32, #tpu.memory_space<vmem>>
        %dma_wait3A_161 = arith.constant 0 : i32
        %dma_wait3A_162 = tpu.memref_slice %arg14[%mul3A_147, %dma_wait3A_161] : memref<10000x16xf32, #tpu.memory_space<vmem_shared>> -> memref<80x16xf32, #tpu.memory_space<vmem_shared>>
        %dma_wait3A_163 = arith.constant 0 : i32
        %dma_wait3A_164 = tpu.memref_slice %arg14[%mul3A_147, %dma_wait3A_163] : memref<10000x16xf32, #tpu.memory_space<vmem_shared>> -> memref<80x16xf32, #tpu.memory_space<vmem_shared>>
        %dma_wait3A_165 = arith.constant 0 : i32
        %dma_wait3A_166 = arith.constant 0 : i32
        %dma_wait3A_167 = tpu.memref_slice %arg13[%dma_wait3A_165, %dma_wait3A_166] : memref<128x16xf32, #tpu.memory_space<vmem>> -> memref<80x16xf32, #tpu.memory_space<vmem>>
        tpu.wait_dma2 semaphore(%run_scoped3A : memref<!tpu.dma_semaphore, #tpu.memory_space<semaphore_mem>>) src(%dma_wait3A_167 : memref<80x16xf32, #tpu.memory_space<vmem>>) dst(%dma_wait3A_164 : memref<80x16xf32, #tpu.memory_space<vmem_shared>>)
        tpu.yield
      }) : () -> ()
      %while3A_148 = arith.constant 0 : i32
      scf.yield %while3A_148 : i32
    }
    %while3A_39 = arith.constant 1 : i32
    %while3A_40 = scf.for %while3A_141 = %while3A_36 to %while3A_32 step %while3A_39 iter_args(%while3A_142 = %while3A_38) -> (i32)  : i32 {
      %mul3A_143 = arith.constant 16 : i32
      %mul3A_144 = arith.muli %while3A_141, %mul3A_143 : i32
      %add3A_145 = arith.addi %arg1, %mul3A_144 : i32
      %mul3A_146 = arith.constant 80 : i32
      %mul3A_147 = arith.muli %add3A_145, %mul3A_146 : i32
      "tpu.region"() ({
        %run_scoped3A = tpu.sem_alloc : memref<!tpu.dma_semaphore, #tpu.memory_space<semaphore_mem>>
        %dma_start3A_149 = arith.constant 0 : i32
        %dma_start3A_150 = arith.constant 0 : i32
        %dma_start3A_151 = tpu.memref_slice %arg13[%dma_start3A_149, %dma_start3A_150] : memref<128x16xf32, #tpu.memory_space<vmem>> -> memref<80x16xf32, #tpu.memory_space<vmem>>
        %dma_start3A_152 = arith.constant 0 : i32
        %dma_start3A_153 = tpu.memref_slice %arg14[%mul3A_147, %dma_start3A_152] : memref<10000x16xf32, #tpu.memory_space<vmem_shared>> -> memref<80x16xf32, #tpu.memory_space<vmem_shared>>
        %dma_start3A_154 = arith.constant 0 : i32
        %dma_start3A_155 = tpu.memref_slice %arg14[%mul3A_147, %dma_start3A_154] : memref<10000x16xf32, #tpu.memory_space<vmem_shared>> -> memref<80x16xf32, #tpu.memory_space<vmem_shared>>
        %dma_start3A_156 = arith.constant 0 : i32
        %dma_start3A_157 = arith.constant 0 : i32
        %dma_start3A_158 = tpu.memref_slice %arg13[%dma_start3A_156, %dma_start3A_157] : memref<128x16xf32, #tpu.memory_space<vmem>> -> memref<80x16xf32, #tpu.memory_space<vmem>>
        tpu.enqueue_dma source(%dma_start3A_158 : memref<80x16xf32, #tpu.memory_space<vmem>>) target(%dma_start3A_155 : memref<80x16xf32, #tpu.memory_space<vmem_shared>>) target_semaphore(%run_scoped3A : memref<!tpu.dma_semaphore, #tpu.memory_space<semaphore_mem>>)
        %dma_wait3A = arith.constant 0 : i32
        %dma_wait3A_159 = arith.constant 0 : i32
        %dma_wait3A_160 = tpu.memref_slice %arg13[%dma_wait3A, %dma_wait3A_159] : memref<128x16xf32, #tpu.memory_space<vmem>> -> memref<80x16xf32, #tpu.memory_space<vmem>>
        %dma_wait3A_161 = arith.constant 0 : i32
        %dma_wait3A_162 = tpu.memref_slice %arg14[%mul3A_147, %dma_wait3A_161] : memref<10000x16xf32, #tpu.memory_space<vmem_shared>> -> memref<80x16xf32, #tpu.memory_space<vmem_shared>>
        %dma_wait3A_163 = arith.constant 0 : i32
        %dma_wait3A_164 = tpu.memref_slice %arg14[%mul3A_147, %dma_wait3A_163] : memref<10000x16xf32, #tpu.memory_space<vmem_shared>> -> memref<80x16xf32, #tpu.memory_space<vmem_shared>>
        %dma_wait3A_165 = arith.constant 0 : i32
        %dma_wait3A_166 = arith.constant 0 : i32
        %dma_wait3A_167 = tpu.memref_slice %arg13[%dma_wait3A_165, %dma_wait3A_166] : memref<128x16xf32, #tpu.memory_space<vmem>> -> memref<80x16xf32, #tpu.memory_space<vmem>>
        tpu.wait_dma2 semaphore(%run_scoped3A : memref<!tpu.dma_semaphore, #tpu.memory_space<semaphore_mem>>) src(%dma_wait3A_167 : memref<80x16xf32, #tpu.memory_space<vmem>>) dst(%dma_wait3A_164 : memref<80x16xf32, #tpu.memory_space<vmem_shared>>)
        tpu.yield
      }) : () -> ()
      %while3A_148 = arith.constant 0 : i32
      scf.yield %while3A_148 : i32
    }
    %barrier3A = arith.constant 0 : index
    tpu.barrier barrier_id(%barrier3A)
    %sub3A_41 = arith.constant 2500 : i32
    %sub3A_42 = arith.subi %sub3A_41, %add3A : i32
    %add3A_43 = arith.constant 32 : i32
    %add3A_44 = arith.addi %sub3A_42, %add3A_43 : i32
    %sub3A_45 = arith.constant 1 : i32
    %sub3A_46 = arith.subi %add3A_44, %sub3A_45 : i32
    %jit3A_47 = arith.constant 32 : i32
    %div3A_48 = arith.divsi %sub3A_46, %jit3A_47 : i32
    %sign3A_49 = arith.constant 0 : i32
    %sign3A_50 = arith.cmpi sgt, %sub3A_46, %sign3A_49 : i32
    %sign3A_51 = arith.extui %sign3A_50 : i1 to i32
    %sign3A_52 = arith.constant 0 : i32
    %sign3A_53 = arith.cmpi slt, %sub3A_46, %sign3A_52 : i32
    %sign3A_54 = arith.extui %sign3A_53 : i1 to i32
    %sign3A_55 = arith.subi %sign3A_51, %sign3A_54 : i32
    %sign3A_56 = arith.constant 0 : i32
    %sign3A_57 = arith.cmpi sgt, %jit3A_47, %sign3A_56 : i32
    %sign3A_58 = arith.extui %sign3A_57 : i1 to i32
    %sign3A_59 = arith.constant 0 : i32
    %sign3A_60 = arith.cmpi slt, %jit3A_47, %sign3A_59 : i32
    %sign3A_61 = arith.extui %sign3A_60 : i1 to i32
    %sign3A_62 = arith.subi %sign3A_58, %sign3A_61 : i32
    %ne3A_63 = arith.cmpi ne, %sign3A_55, %sign3A_62 : i32
    %rem3A_64 = arith.remsi %sub3A_46, %jit3A_47 : i32
    %ne3A_65 = arith.constant 0 : i32
    %ne3A_66 = arith.cmpi ne, %rem3A_64, %ne3A_65 : i32
    %and3A_67 = arith.andi %ne3A_63, %ne3A_66 : i1
    %sub3A_68 = arith.constant 1 : i32
    %sub3A_69 = arith.subi %div3A_48, %sub3A_68 : i32
    %select_n3A_70 = arith.select %and3A_67, %sub3A_69, %div3A_48 : i32
    %add3A_71 = arith.constant 0 : i32
    %add3A_72 = arith.addi %add3A, %add3A_71 : i32
    %mul3A_73 = arith.constant 128 : i32
    %mul3A_74 = arith.muli %add3A_72, %mul3A_73 : i32
    "tpu.region"() ({
      %run_scoped3A = tpu.sem_alloc : memref<!tpu.dma_semaphore, #tpu.memory_space<semaphore_mem>>
      %dma_start3A_141 = arith.constant 0 : i32
      %dma_start3A_142 = tpu.memref_slice %arg2[%dma_start3A_141, %mul3A_74] : memref<2x320000xi32, #tpu.memory_space<hbm>> -> memref<2x128xi32, #tpu.memory_space<hbm>>
      %dma_start3A_143 = arith.constant 0 : i32
      %dma_start3A_144 = tpu.memref_slice %arg2[%dma_start3A_143, %mul3A_74] : memref<2x320000xi32, #tpu.memory_space<hbm>> -> memref<2x128xi32, #tpu.memory_space<hbm>>
      tpu.enqueue_dma source(%dma_start3A_144 : memref<2x128xi32, #tpu.memory_space<hbm>>) target(%arg7 : memref<2x128xi32, #tpu.memory_space<vmem>>) target_semaphore(%run_scoped3A : memref<!tpu.dma_semaphore, #tpu.memory_space<semaphore_mem>>)
      %dma_wait3A = arith.constant 0 : i32
      %dma_wait3A_145 = tpu.memref_slice %arg2[%dma_wait3A, %mul3A_74] : memref<2x320000xi32, #tpu.memory_space<hbm>> -> memref<2x128xi32, #tpu.memory_space<hbm>>
      %dma_wait3A_146 = arith.constant 0 : i32
      %dma_wait3A_147 = tpu.memref_slice %arg2[%dma_wait3A_146, %mul3A_74] : memref<2x320000xi32, #tpu.memory_space<hbm>> -> memref<2x128xi32, #tpu.memory_space<hbm>>
      tpu.wait_dma2 semaphore(%run_scoped3A : memref<!tpu.dma_semaphore, #tpu.memory_space<semaphore_mem>>) src(%dma_wait3A_147 : memref<2x128xi32, #tpu.memory_space<hbm>>) dst(%arg7 : memref<2x128xi32, #tpu.memory_space<vmem>>)
      tpu.yield
    }) : () -> ()
    %dma_start3A = arith.constant 0 : i32
    %dma_start3A_75 = arith.constant 0 : i32
    %dma_start3A_76 = tpu.memref_slice %arg7[%dma_start3A, %dma_start3A_75] : memref<2x128xi32, #tpu.memory_space<vmem>> -> memref<1x128xi32, #tpu.memory_space<vmem>>
    %dma_start3A_77 = tpu.memref_squeeze %dma_start3A_76 : memref<1x128xi32, #tpu.memory_space<vmem>> -> memref<128xi32, #tpu.memory_space<vmem>>
    %dma_start3A_78 = arith.constant 0 : i32
    %dma_start3A_79 = arith.constant 0 : i32
    %dma_start3A_80 = tpu.memref_slice %arg4[%dma_start3A_78, %dma_start3A_79] : memref<10000x128xf32, #tpu.memory_space<hbm>> -> memref<10000x128xf32, #tpu.memory_space<hbm>>
    tpu.enqueue_indirect_dma source(%dma_start3A_80 : memref<10000x128xf32, #tpu.memory_space<hbm>>) target(%arg9 : memref<128x128xf32, #tpu.memory_space<vmem>>) offsets(%dma_start3A_77 : memref<128xi32, #tpu.memory_space<vmem>>) semaphore(%arg15 : memref<!tpu.dma_semaphore, #tpu.memory_space<semaphore_mem>>)
    %dma_start3A_81 = arith.constant 1 : i32
    %dma_start3A_82 = arith.constant 0 : i32
    %dma_start3A_83 = tpu.memref_slice %arg7[%dma_start3A_81, %dma_start3A_82] : memref<2x128xi32, #tpu.memory_space<vmem>> -> memref<1x128xi32, #tpu.memory_space<vmem>>
    %dma_start3A_84 = tpu.memref_squeeze %dma_start3A_83 : memref<1x128xi32, #tpu.memory_space<vmem>> -> memref<128xi32, #tpu.memory_space<vmem>>
    %dma_start3A_85 = arith.constant 0 : i32
    %dma_start3A_86 = arith.constant 0 : i32
    %dma_start3A_87 = tpu.memref_slice %arg3[%dma_start3A_85, %dma_start3A_86] : memref<10000x128xf32, #tpu.memory_space<hbm>> -> memref<10000x128xf32, #tpu.memory_space<hbm>>
    tpu.enqueue_indirect_dma source(%dma_start3A_87 : memref<10000x128xf32, #tpu.memory_space<hbm>>) target(%arg11 : memref<128x128xf32, #tpu.memory_space<vmem>>) offsets(%dma_start3A_84 : memref<128xi32, #tpu.memory_space<vmem>>) semaphore(%arg17 : memref<!tpu.dma_semaphore, #tpu.memory_space<semaphore_mem>>)
    %gt3A = arith.constant 1 : i32
    %gt3A_88 = arith.cmpi sgt, %select_n3A_70, %gt3A : i32
    %convert_element_type3A = arith.extui %gt3A_88 : i1 to i32
    %cond3A = arith.constant 0 : i32
    %cond3A_89 = arith.cmpi ne, %convert_element_type3A, %cond3A : i32
    scf.if %cond3A_89 {
      %add3A_141 = arith.constant 32 : i32
      %add3A_142 = arith.addi %add3A, %add3A_141 : i32
      %mul3A_143 = arith.constant 128 : i32
      %mul3A_144 = arith.muli %add3A_142, %mul3A_143 : i32
      %dma_start3A_145 = arith.constant 0 : i32
      %dma_start3A_146 = tpu.memref_slice %arg2[%dma_start3A_145, %mul3A_144] : memref<2x320000xi32, #tpu.memory_space<hbm>> -> memref<2x128xi32, #tpu.memory_space<hbm>>
      %dma_start3A_147 = arith.constant 0 : i32
      %dma_start3A_148 = tpu.memref_slice %arg2[%dma_start3A_147, %mul3A_144] : memref<2x320000xi32, #tpu.memory_space<hbm>> -> memref<2x128xi32, #tpu.memory_space<hbm>>
      tpu.enqueue_dma source(%dma_start3A_148 : memref<2x128xi32, #tpu.memory_space<hbm>>) target(%arg8 : memref<2x128xi32, #tpu.memory_space<vmem>>) target_semaphore(%arg20 : memref<!tpu.dma_semaphore, #tpu.memory_space<semaphore_mem>>)
    } else {
    }
    %iota3A = tpu.iota {dimensions = array<i32: 0>} : vector<16xi32>
    %add3A_90 = arith.constant 1 : i32
    %add3A_91 = arith.addi %select_n3A_70, %add3A_90 : i32
    %jit3A_92 = arith.constant 2 : i32
    %div3A_93 = arith.divsi %add3A_91, %jit3A_92 : i32
    %sign3A_94 = arith.constant 0 : i32
    %sign3A_95 = arith.cmpi sgt, %add3A_91, %sign3A_94 : i32
    %sign3A_96 = arith.extui %sign3A_95 : i1 to i32
    %sign3A_97 = arith.constant 0 : i32
    %sign3A_98 = arith.cmpi slt, %add3A_91, %sign3A_97 : i32
    %sign3A_99 = arith.extui %sign3A_98 : i1 to i32
    %sign3A_100 = arith.subi %sign3A_96, %sign3A_99 : i32
    %sign3A_101 = arith.constant 0 : i32
    %sign3A_102 = arith.cmpi sgt, %jit3A_92, %sign3A_101 : i32
    %sign3A_103 = arith.extui %sign3A_102 : i1 to i32
    %sign3A_104 = arith.constant 0 : i32
    %sign3A_105 = arith.cmpi slt, %jit3A_92, %sign3A_104 : i32
    %sign3A_106 = arith.extui %sign3A_105 : i1 to i32
    %sign3A_107 = arith.subi %sign3A_103, %sign3A_106 : i32
    %ne3A_108 = arith.cmpi ne, %sign3A_100, %sign3A_107 : i32
    %rem3A_109 = arith.remsi %add3A_91, %jit3A_92 : i32
    %ne3A_110 = arith.constant 0 : i32
    %ne3A_111 = arith.cmpi ne, %rem3A_109, %ne3A_110 : i32
    %and3A_112 = arith.andi %ne3A_108, %ne3A_111 : i1
    %sub3A_113 = arith.constant 1 : i32
    %sub3A_114 = arith.subi %div3A_93, %sub3A_113 : i32
    %select_n3A_115 = arith.select %and3A_112, %sub3A_114, %div3A_93 : i32
    %while3A_116 = arith.constant 0 : i32
    %while3A_117 = arith.constant 0 : i32
    %while3A_118 = arith.subi %select_n3A_115, %while3A_116 : i32
    %while3A_119 = arith.addi %while3A_116, %while3A_118 : i32
    %while3A_120 = arith.constant 1 : i32
    %while3A_121 = arith.divsi %while3A_118, %while3A_120 : i32
    %while3A_122 = arith.muli %while3A_121, %while3A_120 : i32
    %while3A_123 = arith.addi %while3A_116, %while3A_122 : i32
    %while3A_124 = arith.constant 1 : i32
    %while3A_125 = scf.for %while3A_141 = %while3A_116 to %while3A_123 step %while3A_124 iter_args(%while3A_142 = %while3A_117) -> (i32)  : i32 {
      %mul3A_143 = arith.constant 2 : i32
      %mul3A_144 = arith.muli %mul3A_143, %while3A_141 : i32
      %add3A_145 = arith.constant 0 : i32
      %add3A_146 = arith.addi %mul3A_144, %add3A_145 : i32
      %lt3A = arith.cmpi slt, %add3A_146, %select_n3A_70 : i32
      %convert_element_type3A_147 = arith.extui %lt3A : i1 to i32
      %cond3A_148 = arith.constant 0 : i32
      %cond3A_149 = arith.cmpi ne, %convert_element_type3A_147, %cond3A_148 : i32
      scf.if %cond3A_149 {
        %add3A_159 = arith.constant 1 : i32
        %add3A_160 = arith.addi %add3A_146, %add3A_159 : i32
        %lt3A_161 = arith.cmpi slt, %add3A_160, %select_n3A_70 : i32
        %convert_element_type3A_162 = arith.extui %lt3A_161 : i1 to i32
        %cond3A_163 = arith.constant 0 : i32
        %cond3A_164 = arith.cmpi ne, %convert_element_type3A_162, %cond3A_163 : i32
        scf.if %cond3A_164 {
          %add3A_196 = arith.constant 1 : i32
          %add3A_197 = arith.addi %add3A_146, %add3A_196 : i32
          %mul3A_198 = arith.constant 32 : i32
          %mul3A_199 = arith.muli %add3A_197, %mul3A_198 : i32
          %add3A_200 = arith.addi %add3A, %mul3A_199 : i32
          %mul3A_201 = arith.constant 128 : i32
          %mul3A_202 = arith.muli %add3A_200, %mul3A_201 : i32
          %dma_wait3A_203 = arith.constant 0 : i32
          %dma_wait3A_204 = tpu.memref_slice %arg2[%dma_wait3A_203, %mul3A_202] : memref<2x320000xi32, #tpu.memory_space<hbm>> -> memref<2x128xi32, #tpu.memory_space<hbm>>
          %dma_wait3A_205 = arith.constant 0 : i32
          %dma_wait3A_206 = tpu.memref_slice %arg2[%dma_wait3A_205, %mul3A_202] : memref<2x320000xi32, #tpu.memory_space<hbm>> -> memref<2x128xi32, #tpu.memory_space<hbm>>
          tpu.wait_dma2 semaphore(%arg20 : memref<!tpu.dma_semaphore, #tpu.memory_space<semaphore_mem>>) src(%dma_wait3A_206 : memref<2x128xi32, #tpu.memory_space<hbm>>) dst(%arg8 : memref<2x128xi32, #tpu.memory_space<vmem>>)
          %dma_start3A_207 = arith.constant 0 : i32
          %dma_start3A_208 = arith.constant 0 : i32
          %dma_start3A_209 = tpu.memref_slice %arg8[%dma_start3A_207, %dma_start3A_208] : memref<2x128xi32, #tpu.memory_space<vmem>> -> memref<1x128xi32, #tpu.memory_space<vmem>>
          %dma_start3A_210 = tpu.memref_squeeze %dma_start3A_209 : memref<1x128xi32, #tpu.memory_space<vmem>> -> memref<128xi32, #tpu.memory_space<vmem>>
          %dma_start3A_211 = arith.constant 0 : i32
          %dma_start3A_212 = arith.constant 0 : i32
          %dma_start3A_213 = tpu.memref_slice %arg4[%dma_start3A_211, %dma_start3A_212] : memref<10000x128xf32, #tpu.memory_space<hbm>> -> memref<10000x128xf32, #tpu.memory_space<hbm>>
          tpu.enqueue_indirect_dma source(%dma_start3A_213 : memref<10000x128xf32, #tpu.memory_space<hbm>>) target(%arg10 : memref<128x128xf32, #tpu.memory_space<vmem>>) offsets(%dma_start3A_210 : memref<128xi32, #tpu.memory_space<vmem>>) semaphore(%arg16 : memref<!tpu.dma_semaphore, #tpu.memory_space<semaphore_mem>>)
          %dma_start3A_214 = arith.constant 1 : i32
          %dma_start3A_215 = arith.constant 0 : i32
          %dma_start3A_216 = tpu.memref_slice %arg8[%dma_start3A_214, %dma_start3A_215] : memref<2x128xi32, #tpu.memory_space<vmem>> -> memref<1x128xi32, #tpu.memory_space<vmem>>
          %dma_start3A_217 = tpu.memref_squeeze %dma_start3A_216 : memref<1x128xi32, #tpu.memory_space<vmem>> -> memref<128xi32, #tpu.memory_space<vmem>>
          %dma_start3A_218 = arith.constant 0 : i32
          %dma_start3A_219 = arith.constant 0 : i32
          %dma_start3A_220 = tpu.memref_slice %arg3[%dma_start3A_218, %dma_start3A_219] : memref<10000x128xf32, #tpu.memory_space<hbm>> -> memref<10000x128xf32, #tpu.memory_space<hbm>>
          tpu.enqueue_indirect_dma source(%dma_start3A_220 : memref<10000x128xf32, #tpu.memory_space<hbm>>) target(%arg12 : memref<128x128xf32, #tpu.memory_space<vmem>>) offsets(%dma_start3A_217 : memref<128xi32, #tpu.memory_space<vmem>>) semaphore(%arg18 : memref<!tpu.dma_semaphore, #tpu.memory_space<semaphore_mem>>)
        } else {
        }
        %dma_wait3A = arith.constant 0 : i32
        %dma_wait3A_165 = arith.constant 0 : i32
        %dma_wait3A_166 = tpu.memref_slice %arg7[%dma_wait3A, %dma_wait3A_165] : memref<2x128xi32, #tpu.memory_space<vmem>> -> memref<1x128xi32, #tpu.memory_space<vmem>>
        %dma_wait3A_167 = tpu.memref_squeeze %dma_wait3A_166 : memref<1x128xi32, #tpu.memory_space<vmem>> -> memref<128xi32, #tpu.memory_space<vmem>>
        %dma_wait3A_168 = arith.constant 0 : i32
        %dma_wait3A_169 = arith.constant 0 : i32
        %dma_wait3A_170 = tpu.memref_slice %arg4[%dma_wait3A_168, %dma_wait3A_169] : memref<10000x128xf32, #tpu.memory_space<hbm>> -> memref<10000x128xf32, #tpu.memory_space<hbm>>
        tpu.wait_indirect_dma semaphore(%arg15 : memref<!tpu.dma_semaphore, #tpu.memory_space<semaphore_mem>>) src(%dma_wait3A_170 : memref<10000x128xf32, #tpu.memory_space<hbm>>) dst(%arg9 : memref<128x128xf32, #tpu.memory_space<vmem>>)
        %dma_wait3A_171 = arith.constant 1 : i32
        %dma_wait3A_172 = arith.constant 0 : i32
        %dma_wait3A_173 = tpu.memref_slice %arg7[%dma_wait3A_171, %dma_wait3A_172] : memref<2x128xi32, #tpu.memory_space<vmem>> -> memref<1x128xi32, #tpu.memory_space<vmem>>
        %dma_wait3A_174 = tpu.memref_squeeze %dma_wait3A_173 : memref<1x128xi32, #tpu.memory_space<vmem>> -> memref<128xi32, #tpu.memory_space<vmem>>
        %dma_wait3A_175 = arith.constant 0 : i32
        %dma_wait3A_176 = arith.constant 0 : i32
        %dma_wait3A_177 = tpu.memref_slice %arg3[%dma_wait3A_175, %dma_wait3A_176] : memref<10000x128xf32, #tpu.memory_space<hbm>> -> memref<10000x128xf32, #tpu.memory_space<hbm>>
        tpu.wait_indirect_dma semaphore(%arg17 : memref<!tpu.dma_semaphore, #tpu.memory_space<semaphore_mem>>) src(%dma_wait3A_177 : memref<10000x128xf32, #tpu.memory_space<hbm>>) dst(%arg11 : memref<128x128xf32, #tpu.memory_space<vmem>>)
        %scan3A_178 = arith.constant 0 : i32
        %scan3A_179 = arith.constant 0 : i32
        %scan3A_180 = arith.constant 32 : i32
        %scan3A_181 = arith.addi %scan3A_179, %scan3A_180 : i32
        %scan3A_182 = arith.constant 1 : i32
        %scan3A_183 = scf.for %scan3A_196 = %scan3A_179 to %scan3A_181 step %scan3A_182 iter_args(%scan3A_197 = %scan3A_178) -> (i32)  : i32 {
          %mul3A_198 = arith.constant 4 : i32
          %mul3A_199 = arith.muli %scan3A_196, %mul3A_198 : i32
          %add3A_200 = arith.constant 0 : i32
          %add3A_201 = arith.addi %mul3A_199, %add3A_200 : i32
          %broadcast_in_dim3A_202 = arith.constant 0.000000e+00 : f32
          %broadcast_in_dim3A_203 = vector.broadcast %broadcast_in_dim3A_202 : f32 to vector<16xf32>
          %get3A = arith.index_cast %add3A_201 : i32 to index
          %get3A_204 = arith.constant 0 : index
          %get3A_205 = tpu.vector_load %arg9[%get3A, %get3A_204] {strides = array<i32>} : memref<128x128xf32, #tpu.memory_space<vmem>>, vector<16xf32>,
          %get3A_206 = arith.index_cast %add3A_201 : i32 to index
          %get3A_207 = arith.constant 0 : index
          %get3A_208 = tpu.vector_load %arg11[%get3A_206, %get3A_207] {strides = array<i32>} : memref<128x128xf32, #tpu.memory_space<vmem>>, vector<16xf32>,
          %mul3A_209 = arith.mulf %get3A_205, %get3A_208 : vector<16xf32>
          %reduce_sum3A = arith.constant true
          %reduce_sum3A_210 = vector.broadcast %reduce_sum3A : i1 to vector<16xi1>
          %reduce_sum3A_211 = tpu.scan <sum>, %mul3A_209 masked %reduce_sum3A_210 : vector<16xf32>, vector<16xi1> -> vector<16xf32>
          %reduce_sum3A_212 = vector.extract %reduce_sum3A_211[15] : f32 from vector<16xf32>
          %eq3A = arith.constant 0 : i32
          %eq3A_213 = vector.broadcast %eq3A : i32 to vector<16xi32>
          %eq3A_214 = arith.cmpi eq, %iota3A, %eq3A_213 : vector<16xi32>
          %broadcast_in_dim3A_215 = vector.broadcast %reduce_sum3A_212 : f32 to vector<16xf32>
          %select_n3A_216 = arith.select %eq3A_214, %broadcast_in_dim3A_215, %broadcast_in_dim3A_203 : vector<16xi1>, vector<16xf32>
          %get3A_217 = arith.index_cast %add3A_201 : i32 to index
          %get3A_218 = arith.constant 16 : index
          %get3A_219 = tpu.vector_load %arg9[%get3A_217, %get3A_218] {strides = array<i32>} : memref<128x128xf32, #tpu.memory_space<vmem>>, vector<16xf32>,
          %get3A_220 = arith.index_cast %add3A_201 : i32 to index
          %get3A_221 = arith.constant 16 : index
          %get3A_222 = tpu.vector_load %arg11[%get3A_220, %get3A_221] {strides = array<i32>} : memref<128x128xf32, #tpu.memory_space<vmem>>, vector<16xf32>,
          %mul3A_223 = arith.mulf %get3A_219, %get3A_222 : vector<16xf32>
          %reduce_sum3A_224 = arith.constant true
          %reduce_sum3A_225 = vector.broadcast %reduce_sum3A_224 : i1 to vector<16xi1>
          %reduce_sum3A_226 = tpu.scan <sum>, %mul3A_223 masked %reduce_sum3A_225 : vector<16xf32>, vector<16xi1> -> vector<16xf32>
          %reduce_sum3A_227 = vector.extract %reduce_sum3A_226[15] : f32 from vector<16xf32>
          %eq3A_228 = arith.constant 1 : i32
          %eq3A_229 = vector.broadcast %eq3A_228 : i32 to vector<16xi32>
          %eq3A_230 = arith.cmpi eq, %iota3A, %eq3A_229 : vector<16xi32>
          %broadcast_in_dim3A_231 = vector.broadcast %reduce_sum3A_227 : f32 to vector<16xf32>
          %select_n3A_232 = arith.select %eq3A_230, %broadcast_in_dim3A_231, %select_n3A_216 : vector<16xi1>, vector<16xf32>
          %get3A_233 = arith.index_cast %add3A_201 : i32 to index
          %get3A_234 = arith.constant 32 : index
          %get3A_235 = tpu.vector_load %arg9[%get3A_233, %get3A_234] {strides = array<i32>} : memref<128x128xf32, #tpu.memory_space<vmem>>, vector<16xf32>,
          %get3A_236 = arith.index_cast %add3A_201 : i32 to index
          %get3A_237 = arith.constant 32 : index
          %get3A_238 = tpu.vector_load %arg11[%get3A_236, %get3A_237] {strides = array<i32>} : memref<128x128xf32, #tpu.memory_space<vmem>>, vector<16xf32>,
          %mul3A_239 = arith.mulf %get3A_235, %get3A_238 : vector<16xf32>
          %reduce_sum3A_240 = arith.constant true
          %reduce_sum3A_241 = vector.broadcast %reduce_sum3A_240 : i1 to vector<16xi1>
          %reduce_sum3A_242 = tpu.scan <sum>, %mul3A_239 masked %reduce_sum3A_241 : vector<16xf32>, vector<16xi1> -> vector<16xf32>
          %reduce_sum3A_243 = vector.extract %reduce_sum3A_242[15] : f32 from vector<16xf32>
          %eq3A_244 = arith.constant 2 : i32
          %eq3A_245 = vector.broadcast %eq3A_244 : i32 to vector<16xi32>
          %eq3A_246 = arith.cmpi eq, %iota3A, %eq3A_245 : vector<16xi32>
          %broadcast_in_dim3A_247 = vector.broadcast %reduce_sum3A_243 : f32 to vector<16xf32>
          %select_n3A_248 = arith.select %eq3A_246, %broadcast_in_dim3A_247, %select_n3A_232 : vector<16xi1>, vector<16xf32>
          %get3A_249 = arith.index_cast %add3A_201 : i32 to index
          %get3A_250 = arith.constant 48 : index
          %get3A_251 = tpu.vector_load %arg9[%get3A_249, %get3A_250] {strides = array<i32>} : memref<128x128xf32, #tpu.memory_space<vmem>>, vector<16xf32>,
          %get3A_252 = arith.index_cast %add3A_201 : i32 to index
          %get3A_253 = arith.constant 48 : index
          %get3A_254 = tpu.vector_load %arg11[%get3A_252, %get3A_253] {strides = array<i32>} : memref<128x128xf32, #tpu.memory_space<vmem>>, vector<16xf32>,
          %mul3A_255 = arith.mulf %get3A_251, %get3A_254 : vector<16xf32>
          %reduce_sum3A_256 = arith.constant true
          %reduce_sum3A_257 = vector.broadcast %reduce_sum3A_256 : i1 to vector<16xi1>
          %reduce_sum3A_258 = tpu.scan <sum>, %mul3A_255 masked %reduce_sum3A_257 : vector<16xf32>, vector<16xi1> -> vector<16xf32>
          %reduce_sum3A_259 = vector.extract %reduce_sum3A_258[15] : f32 from vector<16xf32>
          %eq3A_260 = arith.constant 3 : i32
          %eq3A_261 = vector.broadcast %eq3A_260 : i32 to vector<16xi32>
          %eq3A_262 = arith.cmpi eq, %iota3A, %eq3A_261 : vector<16xi32>
          %broadcast_in_dim3A_263 = vector.broadcast %reduce_sum3A_259 : f32 to vector<16xf32>
          %select_n3A_264 = arith.select %eq3A_262, %broadcast_in_dim3A_263, %select_n3A_248 : vector<16xi1>, vector<16xf32>
          %get3A_265 = arith.index_cast %add3A_201 : i32 to index
          %get3A_266 = arith.constant 64 : index
          %get3A_267 = tpu.vector_load %arg9[%get3A_265, %get3A_266] {strides = array<i32>} : memref<128x128xf32, #tpu.memory_space<vmem>>, vector<16xf32>,
          %get3A_268 = arith.index_cast %add3A_201 : i32 to index
          %get3A_269 = arith.constant 64 : index
          %get3A_270 = tpu.vector_load %arg11[%get3A_268, %get3A_269] {strides = array<i32>} : memref<128x128xf32, #tpu.memory_space<vmem>>, vector<16xf32>,
          %mul3A_271 = arith.mulf %get3A_267, %get3A_270 : vector<16xf32>
          %reduce_sum3A_272 = arith.constant true
          %reduce_sum3A_273 = vector.broadcast %reduce_sum3A_272 : i1 to vector<16xi1>
          %reduce_sum3A_274 = tpu.scan <sum>, %mul3A_271 masked %reduce_sum3A_273 : vector<16xf32>, vector<16xi1> -> vector<16xf32>
          %reduce_sum3A_275 = vector.extract %reduce_sum3A_274[15] : f32 from vector<16xf32>
          %eq3A_276 = arith.constant 4 : i32
          %eq3A_277 = vector.broadcast %eq3A_276 : i32 to vector<16xi32>
          %eq3A_278 = arith.cmpi eq, %iota3A, %eq3A_277 : vector<16xi32>
          %broadcast_in_dim3A_279 = vector.broadcast %reduce_sum3A_275 : f32 to vector<16xf32>
          %select_n3A_280 = arith.select %eq3A_278, %broadcast_in_dim3A_279, %select_n3A_264 : vector<16xi1>, vector<16xf32>
          %get3A_281 = arith.index_cast %add3A_201 : i32 to index
          %get3A_282 = arith.constant 80 : index
          %get3A_283 = tpu.vector_load %arg9[%get3A_281, %get3A_282] {strides = array<i32>} : memref<128x128xf32, #tpu.memory_space<vmem>>, vector<16xf32>,
          %get3A_284 = arith.index_cast %add3A_201 : i32 to index
          %get3A_285 = arith.constant 80 : index
          %get3A_286 = tpu.vector_load %arg11[%get3A_284, %get3A_285] {strides = array<i32>} : memref<128x128xf32, #tpu.memory_space<vmem>>, vector<16xf32>,
          %mul3A_287 = arith.mulf %get3A_283, %get3A_286 : vector<16xf32>
          %reduce_sum3A_288 = arith.constant true
          %reduce_sum3A_289 = vector.broadcast %reduce_sum3A_288 : i1 to vector<16xi1>
          %reduce_sum3A_290 = tpu.scan <sum>, %mul3A_287 masked %reduce_sum3A_289 : vector<16xf32>, vector<16xi1> -> vector<16xf32>
          %reduce_sum3A_291 = vector.extract %reduce_sum3A_290[15] : f32 from vector<16xf32>
          %eq3A_292 = arith.constant 5 : i32
          %eq3A_293 = vector.broadcast %eq3A_292 : i32 to vector<16xi32>
          %eq3A_294 = arith.cmpi eq, %iota3A, %eq3A_293 : vector<16xi32>
          %broadcast_in_dim3A_295 = vector.broadcast %reduce_sum3A_291 : f32 to vector<16xf32>
          %select_n3A_296 = arith.select %eq3A_294, %broadcast_in_dim3A_295, %select_n3A_280 : vector<16xi1>, vector<16xf32>
          %get3A_297 = arith.index_cast %add3A_201 : i32 to index
          %get3A_298 = arith.constant 96 : index
          %get3A_299 = tpu.vector_load %arg9[%get3A_297, %get3A_298] {strides = array<i32>} : memref<128x128xf32, #tpu.memory_space<vmem>>, vector<16xf32>,
          %get3A_300 = arith.index_cast %add3A_201 : i32 to index
          %get3A_301 = arith.constant 96 : index
          %get3A_302 = tpu.vector_load %arg11[%get3A_300, %get3A_301] {strides = array<i32>} : memref<128x128xf32, #tpu.memory_space<vmem>>, vector<16xf32>,
          %mul3A_303 = arith.mulf %get3A_299, %get3A_302 : vector<16xf32>
          %reduce_sum3A_304 = arith.constant true
          %reduce_sum3A_305 = vector.broadcast %reduce_sum3A_304 : i1 to vector<16xi1>
          %reduce_sum3A_306 = tpu.scan <sum>, %mul3A_303 masked %reduce_sum3A_305 : vector<16xf32>, vector<16xi1> -> vector<16xf32>
          %reduce_sum3A_307 = vector.extract %reduce_sum3A_306[15] : f32 from vector<16xf32>
          %eq3A_308 = arith.constant 6 : i32
          %eq3A_309 = vector.broadcast %eq3A_308 : i32 to vector<16xi32>
          %eq3A_310 = arith.cmpi eq, %iota3A, %eq3A_309 : vector<16xi32>
          %broadcast_in_dim3A_311 = vector.broadcast %reduce_sum3A_307 : f32 to vector<16xf32>
          %select_n3A_312 = arith.select %eq3A_310, %broadcast_in_dim3A_311, %select_n3A_296 : vector<16xi1>, vector<16xf32>
          %get3A_313 = arith.index_cast %add3A_201 : i32 to index
          %get3A_314 = arith.constant 112 : index
          %get3A_315 = tpu.vector_load %arg9[%get3A_313, %get3A_314] {strides = array<i32>} : memref<128x128xf32, #tpu.memory_space<vmem>>, vector<16xf32>,
          %get3A_316 = arith.index_cast %add3A_201 : i32 to index
          %get3A_317 = arith.constant 112 : index
          %get3A_318 = tpu.vector_load %arg11[%get3A_316, %get3A_317] {strides = array<i32>} : memref<128x128xf32, #tpu.memory_space<vmem>>, vector<16xf32>,
          %mul3A_319 = arith.mulf %get3A_315, %get3A_318 : vector<16xf32>
          %reduce_sum3A_320 = arith.constant true
          %reduce_sum3A_321 = vector.broadcast %reduce_sum3A_320 : i1 to vector<16xi1>
          %reduce_sum3A_322 = tpu.scan <sum>, %mul3A_319 masked %reduce_sum3A_321 : vector<16xf32>, vector<16xi1> -> vector<16xf32>
          %reduce_sum3A_323 = vector.extract %reduce_sum3A_322[15] : f32 from vector<16xf32>
          %eq3A_324 = arith.constant 7 : i32
          %eq3A_325 = vector.broadcast %eq3A_324 : i32 to vector<16xi32>
          %eq3A_326 = arith.cmpi eq, %iota3A, %eq3A_325 : vector<16xi32>
          %broadcast_in_dim3A_327 = vector.broadcast %reduce_sum3A_323 : f32 to vector<16xf32>
          %select_n3A_328 = arith.select %eq3A_326, %broadcast_in_dim3A_327, %select_n3A_312 : vector<16xi1>, vector<16xf32>
          %mul3A_329 = arith.constant 2.500000e-01 : f32
          %mul3A_330 = vector.broadcast %mul3A_329 : f32 to vector<16xf32>
          %mul3A_331 = arith.mulf %select_n3A_328, %mul3A_330 : vector<16xf32>
          %exp3A = math.exp %mul3A_331 : vector<16xf32>
          %swap3A = arith.index_cast %add3A_201 : i32 to index
          %swap3A_332 = arith.constant 0 : index
          %swap3A_333 = tpu.vector_load %arg13[%swap3A, %swap3A_332] {strides = array<i32>} : memref<128x16xf32, #tpu.memory_space<vmem>>, vector<16xf32>,
          tpu.vector_store %arg13[%swap3A, %swap3A_332], %exp3A {strides = array<i32>} : memref<128x16xf32, #tpu.memory_space<vmem>>, vector<16xf32>,
          %mul3A_334 = arith.constant 4 : i32
          %mul3A_335 = arith.muli %scan3A_196, %mul3A_334 : i32
          %add3A_336 = arith.constant 1 : i32
          %add3A_337 = arith.addi %mul3A_335, %add3A_336 : i32
          %broadcast_in_dim3A_338 = arith.constant 0.000000e+00 : f32
          %broadcast_in_dim3A_339 = vector.broadcast %broadcast_in_dim3A_338 : f32 to vector<16xf32>
          %get3A_340 = arith.index_cast %add3A_337 : i32 to index
          %get3A_341 = arith.constant 0 : index
          %get3A_342 = tpu.vector_load %arg9[%get3A_340, %get3A_341] {strides = array<i32>} : memref<128x128xf32, #tpu.memory_space<vmem>>, vector<16xf32>,
          %get3A_343 = arith.index_cast %add3A_337 : i32 to index
          %get3A_344 = arith.constant 0 : index
          %get3A_345 = tpu.vector_load %arg11[%get3A_343, %get3A_344] {strides = array<i32>} : memref<128x128xf32, #tpu.memory_space<vmem>>, vector<16xf32>,
          %mul3A_346 = arith.mulf %get3A_342, %get3A_345 : vector<16xf32>
          %reduce_sum3A_347 = arith.constant true
          %reduce_sum3A_348 = vector.broadcast %reduce_sum3A_347 : i1 to vector<16xi1>
          %reduce_sum3A_349 = tpu.scan <sum>, %mul3A_346 masked %reduce_sum3A_348 : vector<16xf32>, vector<16xi1> -> vector<16xf32>
          %reduce_sum3A_350 = vector.extract %reduce_sum3A_349[15] : f32 from vector<16xf32>
          %eq3A_351 = arith.constant 0 : i32
          %eq3A_352 = vector.broadcast %eq3A_351 : i32 to vector<16xi32>
          %eq3A_353 = arith.cmpi eq, %iota3A, %eq3A_352 : vector<16xi32>
          %broadcast_in_dim3A_354 = vector.broadcast %reduce_sum3A_350 : f32 to vector<16xf32>
          %select_n3A_355 = arith.select %eq3A_353, %broadcast_in_dim3A_354, %broadcast_in_dim3A_339 : vector<16xi1>, vector<16xf32>
          %get3A_356 = arith.index_cast %add3A_337 : i32 to index
          %get3A_357 = arith.constant 16 : index
          %get3A_358 = tpu.vector_load %arg9[%get3A_356, %get3A_357] {strides = array<i32>} : memref<128x128xf32, #tpu.memory_space<vmem>>, vector<16xf32>,
          %get3A_359 = arith.index_cast %add3A_337 : i32 to index
          %get3A_360 = arith.constant 16 : index
          %get3A_361 = tpu.vector_load %arg11[%get3A_359, %get3A_360] {strides = array<i32>} : memref<128x128xf32, #tpu.memory_space<vmem>>, vector<16xf32>,
          %mul3A_362 = arith.mulf %get3A_358, %get3A_361 : vector<16xf32>
          %reduce_sum3A_363 = arith.constant true
          %reduce_sum3A_364 = vector.broadcast %reduce_sum3A_363 : i1 to vector<16xi1>
          %reduce_sum3A_365 = tpu.scan <sum>, %mul3A_362 masked %reduce_sum3A_364 : vector<16xf32>, vector<16xi1> -> vector<16xf32>
          %reduce_sum3A_366 = vector.extract %reduce_sum3A_365[15] : f32 from vector<16xf32>
          %eq3A_367 = arith.constant 1 : i32
          %eq3A_368 = vector.broadcast %eq3A_367 : i32 to vector<16xi32>
          %eq3A_369 = arith.cmpi eq, %iota3A, %eq3A_368 : vector<16xi32>
          %broadcast_in_dim3A_370 = vector.broadcast %reduce_sum3A_366 : f32 to vector<16xf32>
          %select_n3A_371 = arith.select %eq3A_369, %broadcast_in_dim3A_370, %select_n3A_355 : vector<16xi1>, vector<16xf32>
          %get3A_372 = arith.index_cast %add3A_337 : i32 to index
          %get3A_373 = arith.constant 32 : index
          %get3A_374 = tpu.vector_load %arg9[%get3A_372, %get3A_373] {strides = array<i32>} : memref<128x128xf32, #tpu.memory_space<vmem>>, vector<16xf32>,
          %get3A_375 = arith.index_cast %add3A_337 : i32 to index
          %get3A_376 = arith.constant 32 : index
          %get3A_377 = tpu.vector_load %arg11[%get3A_375, %get3A_376] {strides = array<i32>} : memref<128x128xf32, #tpu.memory_space<vmem>>, vector<16xf32>,
          %mul3A_378 = arith.mulf %get3A_374, %get3A_377 : vector<16xf32>
          %reduce_sum3A_379 = arith.constant true
          %reduce_sum3A_380 = vector.broadcast %reduce_sum3A_379 : i1 to vector<16xi1>
          %reduce_sum3A_381 = tpu.scan <sum>, %mul3A_378 masked %reduce_sum3A_380 : vector<16xf32>, vector<16xi1> -> vector<16xf32>
          %reduce_sum3A_382 = vector.extract %reduce_sum3A_381[15] : f32 from vector<16xf32>
          %eq3A_383 = arith.constant 2 : i32
          %eq3A_384 = vector.broadcast %eq3A_383 : i32 to vector<16xi32>
          %eq3A_385 = arith.cmpi eq, %iota3A, %eq3A_384 : vector<16xi32>
          %broadcast_in_dim3A_386 = vector.broadcast %reduce_sum3A_382 : f32 to vector<16xf32>
          %select_n3A_387 = arith.select %eq3A_385, %broadcast_in_dim3A_386, %select_n3A_371 : vector<16xi1>, vector<16xf32>
          %get3A_388 = arith.index_cast %add3A_337 : i32 to index
          %get3A_389 = arith.constant 48 : index
          %get3A_390 = tpu.vector_load %arg9[%get3A_388, %get3A_389] {strides = array<i32>} : memref<128x128xf32, #tpu.memory_space<vmem>>, vector<16xf32>,
          %get3A_391 = arith.index_cast %add3A_337 : i32 to index
          %get3A_392 = arith.constant 48 : index
          %get3A_393 = tpu.vector_load %arg11[%get3A_391, %get3A_392] {strides = array<i32>} : memref<128x128xf32, #tpu.memory_space<vmem>>, vector<16xf32>,
          %mul3A_394 = arith.mulf %get3A_390, %get3A_393 : vector<16xf32>
          %reduce_sum3A_395 = arith.constant true
          %reduce_sum3A_396 = vector.broadcast %reduce_sum3A_395 : i1 to vector<16xi1>
          %reduce_sum3A_397 = tpu.scan <sum>, %mul3A_394 masked %reduce_sum3A_396 : vector<16xf32>, vector<16xi1> -> vector<16xf32>
          %reduce_sum3A_398 = vector.extract %reduce_sum3A_397[15] : f32 from vector<16xf32>
          %eq3A_399 = arith.constant 3 : i32
          %eq3A_400 = vector.broadcast %eq3A_399 : i32 to vector<16xi32>
          %eq3A_401 = arith.cmpi eq, %iota3A, %eq3A_400 : vector<16xi32>
          %broadcast_in_dim3A_402 = vector.broadcast %reduce_sum3A_398 : f32 to vector<16xf32>
          %select_n3A_403 = arith.select %eq3A_401, %broadcast_in_dim3A_402, %select_n3A_387 : vector<16xi1>, vector<16xf32>
          %get3A_404 = arith.index_cast %add3A_337 : i32 to index
          %get3A_405 = arith.constant 64 : index
          %get3A_406 = tpu.vector_load %arg9[%get3A_404, %get3A_405] {strides = array<i32>} : memref<128x128xf32, #tpu.memory_space<vmem>>, vector<16xf32>,
          %get3A_407 = arith.index_cast %add3A_337 : i32 to index
          %get3A_408 = arith.constant 64 : index
          %get3A_409 = tpu.vector_load %arg11[%get3A_407, %get3A_408] {strides = array<i32>} : memref<128x128xf32, #tpu.memory_space<vmem>>, vector<16xf32>,
          %mul3A_410 = arith.mulf %get3A_406, %get3A_409 : vector<16xf32>
          %reduce_sum3A_411 = arith.constant true
          %reduce_sum3A_412 = vector.broadcast %reduce_sum3A_411 : i1 to vector<16xi1>
          %reduce_sum3A_413 = tpu.scan <sum>, %mul3A_410 masked %reduce_sum3A_412 : vector<16xf32>, vector<16xi1> -> vector<16xf32>
          %reduce_sum3A_414 = vector.extract %reduce_sum3A_413[15] : f32 from vector<16xf32>
          %eq3A_415 = arith.constant 4 : i32
          %eq3A_416 = vector.broadcast %eq3A_415 : i32 to vector<16xi32>
          %eq3A_417 = arith.cmpi eq, %iota3A, %eq3A_416 : vector<16xi32>
          %broadcast_in_dim3A_418 = vector.broadcast %reduce_sum3A_414 : f32 to vector<16xf32>
          %select_n3A_419 = arith.select %eq3A_417, %broadcast_in_dim3A_418, %select_n3A_403 : vector<16xi1>, vector<16xf32>
          %get3A_420 = arith.index_cast %add3A_337 : i32 to index
          %get3A_421 = arith.constant 80 : index
          %get3A_422 = tpu.vector_load %arg9[%get3A_420, %get3A_421] {strides = array<i32>} : memref<128x128xf32, #tpu.memory_space<vmem>>, vector<16xf32>,
          %get3A_423 = arith.index_cast %add3A_337 : i32 to index
          %get3A_424 = arith.constant 80 : index
          %get3A_425 = tpu.vector_load %arg11[%get3A_423, %get3A_424] {strides = array<i32>} : memref<128x128xf32, #tpu.memory_space<vmem>>, vector<16xf32>,
          %mul3A_426 = arith.mulf %get3A_422, %get3A_425 : vector<16xf32>
          %reduce_sum3A_427 = arith.constant true
          %reduce_sum3A_428 = vector.broadcast %reduce_sum3A_427 : i1 to vector<16xi1>
          %reduce_sum3A_429 = tpu.scan <sum>, %mul3A_426 masked %reduce_sum3A_428 : vector<16xf32>, vector<16xi1> -> vector<16xf32>
          %reduce_sum3A_430 = vector.extract %reduce_sum3A_429[15] : f32 from vector<16xf32>
          %eq3A_431 = arith.constant 5 : i32
          %eq3A_432 = vector.broadcast %eq3A_431 : i32 to vector<16xi32>
          %eq3A_433 = arith.cmpi eq, %iota3A, %eq3A_432 : vector<16xi32>
          %broadcast_in_dim3A_434 = vector.broadcast %reduce_sum3A_430 : f32 to vector<16xf32>
          %select_n3A_435 = arith.select %eq3A_433, %broadcast_in_dim3A_434, %select_n3A_419 : vector<16xi1>, vector<16xf32>
          %get3A_436 = arith.index_cast %add3A_337 : i32 to index
          %get3A_437 = arith.constant 96 : index
          %get3A_438 = tpu.vector_load %arg9[%get3A_436, %get3A_437] {strides = array<i32>} : memref<128x128xf32, #tpu.memory_space<vmem>>, vector<16xf32>,
          %get3A_439 = arith.index_cast %add3A_337 : i32 to index
          %get3A_440 = arith.constant 96 : index
          %get3A_441 = tpu.vector_load %arg11[%get3A_439, %get3A_440] {strides = array<i32>} : memref<128x128xf32, #tpu.memory_space<vmem>>, vector<16xf32>,
          %mul3A_442 = arith.mulf %get3A_438, %get3A_441 : vector<16xf32>
          %reduce_sum3A_443 = arith.constant true
          %reduce_sum3A_444 = vector.broadcast %reduce_sum3A_443 : i1 to vector<16xi1>
          %reduce_sum3A_445 = tpu.scan <sum>, %mul3A_442 masked %reduce_sum3A_444 : vector<16xf32>, vector<16xi1> -> vector<16xf32>
          %reduce_sum3A_446 = vector.extract %reduce_sum3A_445[15] : f32 from vector<16xf32>
          %eq3A_447 = arith.constant 6 : i32
          %eq3A_448 = vector.broadcast %eq3A_447 : i32 to vector<16xi32>
          %eq3A_449 = arith.cmpi eq, %iota3A, %eq3A_448 : vector<16xi32>
          %broadcast_in_dim3A_450 = vector.broadcast %reduce_sum3A_446 : f32 to vector<16xf32>
          %select_n3A_451 = arith.select %eq3A_449, %broadcast_in_dim3A_450, %select_n3A_435 : vector<16xi1>, vector<16xf32>
          %get3A_452 = arith.index_cast %add3A_337 : i32 to index
          %get3A_453 = arith.constant 112 : index
          %get3A_454 = tpu.vector_load %arg9[%get3A_452, %get3A_453] {strides = array<i32>} : memref<128x128xf32, #tpu.memory_space<vmem>>, vector<16xf32>,
          %get3A_455 = arith.index_cast %add3A_337 : i32 to index
          %get3A_456 = arith.constant 112 : index
          %get3A_457 = tpu.vector_load %arg11[%get3A_455, %get3A_456] {strides = array<i32>} : memref<128x128xf32, #tpu.memory_space<vmem>>, vector<16xf32>,
          %mul3A_458 = arith.mulf %get3A_454, %get3A_457 : vector<16xf32>
          %reduce_sum3A_459 = arith.constant true
          %reduce_sum3A_460 = vector.broadcast %reduce_sum3A_459 : i1 to vector<16xi1>
          %reduce_sum3A_461 = tpu.scan <sum>, %mul3A_458 masked %reduce_sum3A_460 : vector<16xf32>, vector<16xi1> -> vector<16xf32>
          %reduce_sum3A_462 = vector.extract %reduce_sum3A_461[15] : f32 from vector<16xf32>
          %eq3A_463 = arith.constant 7 : i32
          %eq3A_464 = vector.broadcast %eq3A_463 : i32 to vector<16xi32>
          %eq3A_465 = arith.cmpi eq, %iota3A, %eq3A_464 : vector<16xi32>
          %broadcast_in_dim3A_466 = vector.broadcast %reduce_sum3A_462 : f32 to vector<16xf32>
          %select_n3A_467 = arith.select %eq3A_465, %broadcast_in_dim3A_466, %select_n3A_451 : vector<16xi1>, vector<16xf32>
          %mul3A_468 = arith.constant 2.500000e-01 : f32
          %mul3A_469 = vector.broadcast %mul3A_468 : f32 to vector<16xf32>
          %mul3A_470 = arith.mulf %select_n3A_467, %mul3A_469 : vector<16xf32>
          %exp3A_471 = math.exp %mul3A_470 : vector<16xf32>
          %swap3A_472 = arith.index_cast %add3A_337 : i32 to index
          %swap3A_473 = arith.constant 0 : index
          %swap3A_474 = tpu.vector_load %arg13[%swap3A_472, %swap3A_473] {strides = array<i32>} : memref<128x16xf32, #tpu.memory_space<vmem>>, vector<16xf32>,
          tpu.vector_store %arg13[%swap3A_472, %swap3A_473], %exp3A_471 {strides = array<i32>} : memref<128x16xf32, #tpu.memory_space<vmem>>, vector<16xf32>,
          %mul3A_475 = arith.constant 4 : i32
          %mul3A_476 = arith.muli %scan3A_196, %mul3A_475 : i32
          %add3A_477 = arith.constant 2 : i32
          %add3A_478 = arith.addi %mul3A_476, %add3A_477 : i32
          %broadcast_in_dim3A_479 = arith.constant 0.000000e+00 : f32
          %broadcast_in_dim3A_480 = vector.broadcast %broadcast_in_dim3A_479 : f32 to vector<16xf32>
          %get3A_481 = arith.index_cast %add3A_478 : i32 to index
          %get3A_482 = arith.constant 0 : index
          %get3A_483 = tpu.vector_load %arg9[%get3A_481, %get3A_482] {strides = array<i32>} : memref<128x128xf32, #tpu.memory_space<vmem>>, vector<16xf32>,
          %get3A_484 = arith.index_cast %add3A_478 : i32 to index
          %get3A_485 = arith.constant 0 : index
          %get3A_486 = tpu.vector_load %arg11[%get3A_484, %get3A_485] {strides = array<i32>} : memref<128x128xf32, #tpu.memory_space<vmem>>, vector<16xf32>,
          %mul3A_487 = arith.mulf %get3A_483, %get3A_486 : vector<16xf32>
          %reduce_sum3A_488 = arith.constant true
          %reduce_sum3A_489 = vector.broadcast %reduce_sum3A_488 : i1 to vector<16xi1>
          %reduce_sum3A_490 = tpu.scan <sum>, %mul3A_487 masked %reduce_sum3A_489 : vector<16xf32>, vector<16xi1> -> vector<16xf32>
          %reduce_sum3A_491 = vector.extract %reduce_sum3A_490[15] : f32 from vector<16xf32>
          %eq3A_492 = arith.constant 0 : i32
          %eq3A_493 = vector.broadcast %eq3A_492 : i32 to vector<16xi32>
          %eq3A_494 = arith.cmpi eq, %iota3A, %eq3A_493 : vector<16xi32>
          %broadcast_in_dim3A_495 = vector.broadcast %reduce_sum3A_491 : f32 to vector<16xf32>
          %select_n3A_496 = arith.select %eq3A_494, %broadcast_in_dim3A_495, %broadcast_in_dim3A_480 : vector<16xi1>, vector<16xf32>
          %get3A_497 = arith.index_cast %add3A_478 : i32 to index
          %get3A_498 = arith.constant 16 : index
          %get3A_499 = tpu.vector_load %arg9[%get3A_497, %get3A_498] {strides = array<i32>} : memref<128x128xf32, #tpu.memory_space<vmem>>, vector<16xf32>,
          %get3A_500 = arith.index_cast %add3A_478 : i32 to index
          %get3A_501 = arith.constant 16 : index
          %get3A_502 = tpu.vector_load %arg11[%get3A_500, %get3A_501] {strides = array<i32>} : memref<128x128xf32, #tpu.memory_space<vmem>>, vector<16xf32>,
          %mul3A_503 = arith.mulf %get3A_499, %get3A_502 : vector<16xf32>
          %reduce_sum3A_504 = arith.constant true
          %reduce_sum3A_505 = vector.broadcast %reduce_sum3A_504 : i1 to vector<16xi1>
          %reduce_sum3A_506 = tpu.scan <sum>, %mul3A_503 masked %reduce_sum3A_505 : vector<16xf32>, vector<16xi1> -> vector<16xf32>
          %reduce_sum3A_507 = vector.extract %reduce_sum3A_506[15] : f32 from vector<16xf32>
          %eq3A_508 = arith.constant 1 : i32
          %eq3A_509 = vector.broadcast %eq3A_508 : i32 to vector<16xi32>
          %eq3A_510 = arith.cmpi eq, %iota3A, %eq3A_509 : vector<16xi32>
          %broadcast_in_dim3A_511 = vector.broadcast %reduce_sum3A_507 : f32 to vector<16xf32>
          %select_n3A_512 = arith.select %eq3A_510, %broadcast_in_dim3A_511, %select_n3A_496 : vector<16xi1>, vector<16xf32>
          %get3A_513 = arith.index_cast %add3A_478 : i32 to index
          %get3A_514 = arith.constant 32 : index
          %get3A_515 = tpu.vector_load %arg9[%get3A_513, %get3A_514] {strides = array<i32>} : memref<128x128xf32, #tpu.memory_space<vmem>>, vector<16xf32>,
          %get3A_516 = arith.index_cast %add3A_478 : i32 to index
          %get3A_517 = arith.constant 32 : index
          %get3A_518 = tpu.vector_load %arg11[%get3A_516, %get3A_517] {strides = array<i32>} : memref<128x128xf32, #tpu.memory_space<vmem>>, vector<16xf32>,
          %mul3A_519 = arith.mulf %get3A_515, %get3A_518 : vector<16xf32>
          %reduce_sum3A_520 = arith.constant true
          %reduce_sum3A_521 = vector.broadcast %reduce_sum3A_520 : i1 to vector<16xi1>
          %reduce_sum3A_522 = tpu.scan <sum>, %mul3A_519 masked %reduce_sum3A_521 : vector<16xf32>, vector<16xi1> -> vector<16xf32>
          %reduce_sum3A_523 = vector.extract %reduce_sum3A_522[15] : f32 from vector<16xf32>
          %eq3A_524 = arith.constant 2 : i32
          %eq3A_525 = vector.broadcast %eq3A_524 : i32 to vector<16xi32>
          %eq3A_526 = arith.cmpi eq, %iota3A, %eq3A_525 : vector<16xi32>
          %broadcast_in_dim3A_527 = vector.broadcast %reduce_sum3A_523 : f32 to vector<16xf32>
          %select_n3A_528 = arith.select %eq3A_526, %broadcast_in_dim3A_527, %select_n3A_512 : vector<16xi1>, vector<16xf32>
          %get3A_529 = arith.index_cast %add3A_478 : i32 to index
          %get3A_530 = arith.constant 48 : index
          %get3A_531 = tpu.vector_load %arg9[%get3A_529, %get3A_530] {strides = array<i32>} : memref<128x128xf32, #tpu.memory_space<vmem>>, vector<16xf32>,
          %get3A_532 = arith.index_cast %add3A_478 : i32 to index
          %get3A_533 = arith.constant 48 : index
          %get3A_534 = tpu.vector_load %arg11[%get3A_532, %get3A_533] {strides = array<i32>} : memref<128x128xf32, #tpu.memory_space<vmem>>, vector<16xf32>,
          %mul3A_535 = arith.mulf %get3A_531, %get3A_534 : vector<16xf32>
          %reduce_sum3A_536 = arith.constant true
          %reduce_sum3A_537 = vector.broadcast %reduce_sum3A_536 : i1 to vector<16xi1>
          %reduce_sum3A_538 = tpu.scan <sum>, %mul3A_535 masked %reduce_sum3A_537 : vector<16xf32>, vector<16xi1> -> vector<16xf32>
          %reduce_sum3A_539 = vector.extract %reduce_sum3A_538[15] : f32 from vector<16xf32>
          %eq3A_540 = arith.constant 3 : i32
          %eq3A_541 = vector.broadcast %eq3A_540 : i32 to vector<16xi32>
          %eq3A_542 = arith.cmpi eq, %iota3A, %eq3A_541 : vector<16xi32>
          %broadcast_in_dim3A_543 = vector.broadcast %reduce_sum3A_539 : f32 to vector<16xf32>
          %select_n3A_544 = arith.select %eq3A_542, %broadcast_in_dim3A_543, %select_n3A_528 : vector<16xi1>, vector<16xf32>
          %get3A_545 = arith.index_cast %add3A_478 : i32 to index
          %get3A_546 = arith.constant 64 : index
          %get3A_547 = tpu.vector_load %arg9[%get3A_545, %get3A_546] {strides = array<i32>} : memref<128x128xf32, #tpu.memory_space<vmem>>, vector<16xf32>,
          %get3A_548 = arith.index_cast %add3A_478 : i32 to index
          %get3A_549 = arith.constant 64 : index
          %get3A_550 = tpu.vector_load %arg11[%get3A_548, %get3A_549] {strides = array<i32>} : memref<128x128xf32, #tpu.memory_space<vmem>>, vector<16xf32>,
          %mul3A_551 = arith.mulf %get3A_547, %get3A_550 : vector<16xf32>
          %reduce_sum3A_552 = arith.constant true
          %reduce_sum3A_553 = vector.broadcast %reduce_sum3A_552 : i1 to vector<16xi1>
          %reduce_sum3A_554 = tpu.scan <sum>, %mul3A_551 masked %reduce_sum3A_553 : vector<16xf32>, vector<16xi1> -> vector<16xf32>
          %reduce_sum3A_555 = vector.extract %reduce_sum3A_554[15] : f32 from vector<16xf32>
          %eq3A_556 = arith.constant 4 : i32
          %eq3A_557 = vector.broadcast %eq3A_556 : i32 to vector<16xi32>
          %eq3A_558 = arith.cmpi eq, %iota3A, %eq3A_557 : vector<16xi32>
          %broadcast_in_dim3A_559 = vector.broadcast %reduce_sum3A_555 : f32 to vector<16xf32>
          %select_n3A_560 = arith.select %eq3A_558, %broadcast_in_dim3A_559, %select_n3A_544 : vector<16xi1>, vector<16xf32>
          %get3A_561 = arith.index_cast %add3A_478 : i32 to index
          %get3A_562 = arith.constant 80 : index
          %get3A_563 = tpu.vector_load %arg9[%get3A_561, %get3A_562] {strides = array<i32>} : memref<128x128xf32, #tpu.memory_space<vmem>>, vector<16xf32>,
          %get3A_564 = arith.index_cast %add3A_478 : i32 to index
          %get3A_565 = arith.constant 80 : index
          %get3A_566 = tpu.vector_load %arg11[%get3A_564, %get3A_565] {strides = array<i32>} : memref<128x128xf32, #tpu.memory_space<vmem>>, vector<16xf32>,
          %mul3A_567 = arith.mulf %get3A_563, %get3A_566 : vector<16xf32>
          %reduce_sum3A_568 = arith.constant true
          %reduce_sum3A_569 = vector.broadcast %reduce_sum3A_568 : i1 to vector<16xi1>
          %reduce_sum3A_570 = tpu.scan <sum>, %mul3A_567 masked %reduce_sum3A_569 : vector<16xf32>, vector<16xi1> -> vector<16xf32>
          %reduce_sum3A_571 = vector.extract %reduce_sum3A_570[15] : f32 from vector<16xf32>
          %eq3A_572 = arith.constant 5 : i32
          %eq3A_573 = vector.broadcast %eq3A_572 : i32 to vector<16xi32>
          %eq3A_574 = arith.cmpi eq, %iota3A, %eq3A_573 : vector<16xi32>
          %broadcast_in_dim3A_575 = vector.broadcast %reduce_sum3A_571 : f32 to vector<16xf32>
          %select_n3A_576 = arith.select %eq3A_574, %broadcast_in_dim3A_575, %select_n3A_560 : vector<16xi1>, vector<16xf32>
          %get3A_577 = arith.index_cast %add3A_478 : i32 to index
          %get3A_578 = arith.constant 96 : index
          %get3A_579 = tpu.vector_load %arg9[%get3A_577, %get3A_578] {strides = array<i32>} : memref<128x128xf32, #tpu.memory_space<vmem>>, vector<16xf32>,
          %get3A_580 = arith.index_cast %add3A_478 : i32 to index
          %get3A_581 = arith.constant 96 : index
          %get3A_582 = tpu.vector_load %arg11[%get3A_580, %get3A_581] {strides = array<i32>} : memref<128x128xf32, #tpu.memory_space<vmem>>, vector<16xf32>,
          %mul3A_583 = arith.mulf %get3A_579, %get3A_582 : vector<16xf32>
          %reduce_sum3A_584 = arith.constant true
          %reduce_sum3A_585 = vector.broadcast %reduce_sum3A_584 : i1 to vector<16xi1>
          %reduce_sum3A_586 = tpu.scan <sum>, %mul3A_583 masked %reduce_sum3A_585 : vector<16xf32>, vector<16xi1> -> vector<16xf32>
          %reduce_sum3A_587 = vector.extract %reduce_sum3A_586[15] : f32 from vector<16xf32>
          %eq3A_588 = arith.constant 6 : i32
          %eq3A_589 = vector.broadcast %eq3A_588 : i32 to vector<16xi32>
          %eq3A_590 = arith.cmpi eq, %iota3A, %eq3A_589 : vector<16xi32>
          %broadcast_in_dim3A_591 = vector.broadcast %reduce_sum3A_587 : f32 to vector<16xf32>
          %select_n3A_592 = arith.select %eq3A_590, %broadcast_in_dim3A_591, %select_n3A_576 : vector<16xi1>, vector<16xf32>
          %get3A_593 = arith.index_cast %add3A_478 : i32 to index
          %get3A_594 = arith.constant 112 : index
          %get3A_595 = tpu.vector_load %arg9[%get3A_593, %get3A_594] {strides = array<i32>} : memref<128x128xf32, #tpu.memory_space<vmem>>, vector<16xf32>,
          %get3A_596 = arith.index_cast %add3A_478 : i32 to index
          %get3A_597 = arith.constant 112 : index
          %get3A_598 = tpu.vector_load %arg11[%get3A_596, %get3A_597] {strides = array<i32>} : memref<128x128xf32, #tpu.memory_space<vmem>>, vector<16xf32>,
          %mul3A_599 = arith.mulf %get3A_595, %get3A_598 : vector<16xf32>
          %reduce_sum3A_600 = arith.constant true
          %reduce_sum3A_601 = vector.broadcast %reduce_sum3A_600 : i1 to vector<16xi1>
          %reduce_sum3A_602 = tpu.scan <sum>, %mul3A_599 masked %reduce_sum3A_601 : vector<16xf32>, vector<16xi1> -> vector<16xf32>
          %reduce_sum3A_603 = vector.extract %reduce_sum3A_602[15] : f32 from vector<16xf32>
          %eq3A_604 = arith.constant 7 : i32
          %eq3A_605 = vector.broadcast %eq3A_604 : i32 to vector<16xi32>
          %eq3A_606 = arith.cmpi eq, %iota3A, %eq3A_605 : vector<16xi32>
          %broadcast_in_dim3A_607 = vector.broadcast %reduce_sum3A_603 : f32 to vector<16xf32>
          %select_n3A_608 = arith.select %eq3A_606, %broadcast_in_dim3A_607, %select_n3A_592 : vector<16xi1>, vector<16xf32>
          %mul3A_609 = arith.constant 2.500000e-01 : f32
          %mul3A_610 = vector.broadcast %mul3A_609 : f32 to vector<16xf32>
          %mul3A_611 = arith.mulf %select_n3A_608, %mul3A_610 : vector<16xf32>
          %exp3A_612 = math.exp %mul3A_611 : vector<16xf32>
          %swap3A_613 = arith.index_cast %add3A_478 : i32 to index
          %swap3A_614 = arith.constant 0 : index
          %swap3A_615 = tpu.vector_load %arg13[%swap3A_613, %swap3A_614] {strides = array<i32>} : memref<128x16xf32, #tpu.memory_space<vmem>>, vector<16xf32>,
          tpu.vector_store %arg13[%swap3A_613, %swap3A_614], %exp3A_612 {strides = array<i32>} : memref<128x16xf32, #tpu.memory_space<vmem>>, vector<16xf32>,
          %mul3A_616 = arith.constant 4 : i32
          %mul3A_617 = arith.muli %scan3A_196, %mul3A_616 : i32
          %add3A_618 = arith.constant 3 : i32
          %add3A_619 = arith.addi %mul3A_617, %add3A_618 : i32
          %broadcast_in_dim3A_620 = arith.constant 0.000000e+00 : f32
          %broadcast_in_dim3A_621 = vector.broadcast %broadcast_in_dim3A_620 : f32 to vector<16xf32>
          %get3A_622 = arith.index_cast %add3A_619 : i32 to index
          %get3A_623 = arith.constant 0 : index
          %get3A_624 = tpu.vector_load %arg9[%get3A_622, %get3A_623] {strides = array<i32>} : memref<128x128xf32, #tpu.memory_space<vmem>>, vector<16xf32>,
          %get3A_625 = arith.index_cast %add3A_619 : i32 to index
          %get3A_626 = arith.constant 0 : index
          %get3A_627 = tpu.vector_load %arg11[%get3A_625, %get3A_626] {strides = array<i32>} : memref<128x128xf32, #tpu.memory_space<vmem>>, vector<16xf32>,
          %mul3A_628 = arith.mulf %get3A_624, %get3A_627 : vector<16xf32>
          %reduce_sum3A_629 = arith.constant true
          %reduce_sum3A_630 = vector.broadcast %reduce_sum3A_629 : i1 to vector<16xi1>
          %reduce_sum3A_631 = tpu.scan <sum>, %mul3A_628 masked %reduce_sum3A_630 : vector<16xf32>, vector<16xi1> -> vector<16xf32>
          %reduce_sum3A_632 = vector.extract %reduce_sum3A_631[15] : f32 from vector<16xf32>
          %eq3A_633 = arith.constant 0 : i32
          %eq3A_634 = vector.broadcast %eq3A_633 : i32 to vector<16xi32>
          %eq3A_635 = arith.cmpi eq, %iota3A, %eq3A_634 : vector<16xi32>
          %broadcast_in_dim3A_636 = vector.broadcast %reduce_sum3A_632 : f32 to vector<16xf32>
          %select_n3A_637 = arith.select %eq3A_635, %broadcast_in_dim3A_636, %broadcast_in_dim3A_621 : vector<16xi1>, vector<16xf32>
          %get3A_638 = arith.index_cast %add3A_619 : i32 to index
          %get3A_639 = arith.constant 16 : index
          %get3A_640 = tpu.vector_load %arg9[%get3A_638, %get3A_639] {strides = array<i32>} : memref<128x128xf32, #tpu.memory_space<vmem>>, vector<16xf32>,
          %get3A_641 = arith.index_cast %add3A_619 : i32 to index
          %get3A_642 = arith.constant 16 : index
          %get3A_643 = tpu.vector_load %arg11[%get3A_641, %get3A_642] {strides = array<i32>} : memref<128x128xf32, #tpu.memory_space<vmem>>, vector<16xf32>,
          %mul3A_644 = arith.mulf %get3A_640, %get3A_643 : vector<16xf32>
          %reduce_sum3A_645 = arith.constant true
          %reduce_sum3A_646 = vector.broadcast %reduce_sum3A_645 : i1 to vector<16xi1>
          %reduce_sum3A_647 = tpu.scan <sum>, %mul3A_644 masked %reduce_sum3A_646 : vector<16xf32>, vector<16xi1> -> vector<16xf32>
          %reduce_sum3A_648 = vector.extract %reduce_sum3A_647[15] : f32 from vector<16xf32>
          %eq3A_649 = arith.constant 1 : i32
          %eq3A_650 = vector.broadcast %eq3A_649 : i32 to vector<16xi32>
          %eq3A_651 = arith.cmpi eq, %iota3A, %eq3A_650 : vector<16xi32>
          %broadcast_in_dim3A_652 = vector.broadcast %reduce_sum3A_648 : f32 to vector<16xf32>
          %select_n3A_653 = arith.select %eq3A_651, %broadcast_in_dim3A_652, %select_n3A_637 : vector<16xi1>, vector<16xf32>
          %get3A_654 = arith.index_cast %add3A_619 : i32 to index
          %get3A_655 = arith.constant 32 : index
          %get3A_656 = tpu.vector_load %arg9[%get3A_654, %get3A_655] {strides = array<i32>} : memref<128x128xf32, #tpu.memory_space<vmem>>, vector<16xf32>,
          %get3A_657 = arith.index_cast %add3A_619 : i32 to index
          %get3A_658 = arith.constant 32 : index
          %get3A_659 = tpu.vector_load %arg11[%get3A_657, %get3A_658] {strides = array<i32>} : memref<128x128xf32, #tpu.memory_space<vmem>>, vector<16xf32>,
          %mul3A_660 = arith.mulf %get3A_656, %get3A_659 : vector<16xf32>
          %reduce_sum3A_661 = arith.constant true
          %reduce_sum3A_662 = vector.broadcast %reduce_sum3A_661 : i1 to vector<16xi1>
          %reduce_sum3A_663 = tpu.scan <sum>, %mul3A_660 masked %reduce_sum3A_662 : vector<16xf32>, vector<16xi1> -> vector<16xf32>
          %reduce_sum3A_664 = vector.extract %reduce_sum3A_663[15] : f32 from vector<16xf32>
          %eq3A_665 = arith.constant 2 : i32
          %eq3A_666 = vector.broadcast %eq3A_665 : i32 to vector<16xi32>
          %eq3A_667 = arith.cmpi eq, %iota3A, %eq3A_666 : vector<16xi32>
          %broadcast_in_dim3A_668 = vector.broadcast %reduce_sum3A_664 : f32 to vector<16xf32>
          %select_n3A_669 = arith.select %eq3A_667, %broadcast_in_dim3A_668, %select_n3A_653 : vector<16xi1>, vector<16xf32>
          %get3A_670 = arith.index_cast %add3A_619 : i32 to index
          %get3A_671 = arith.constant 48 : index
          %get3A_672 = tpu.vector_load %arg9[%get3A_670, %get3A_671] {strides = array<i32>} : memref<128x128xf32, #tpu.memory_space<vmem>>, vector<16xf32>,
          %get3A_673 = arith.index_cast %add3A_619 : i32 to index
          %get3A_674 = arith.constant 48 : index
          %get3A_675 = tpu.vector_load %arg11[%get3A_673, %get3A_674] {strides = array<i32>} : memref<128x128xf32, #tpu.memory_space<vmem>>, vector<16xf32>,
          %mul3A_676 = arith.mulf %get3A_672, %get3A_675 : vector<16xf32>
          %reduce_sum3A_677 = arith.constant true
          %reduce_sum3A_678 = vector.broadcast %reduce_sum3A_677 : i1 to vector<16xi1>
          %reduce_sum3A_679 = tpu.scan <sum>, %mul3A_676 masked %reduce_sum3A_678 : vector<16xf32>, vector<16xi1> -> vector<16xf32>
          %reduce_sum3A_680 = vector.extract %reduce_sum3A_679[15] : f32 from vector<16xf32>
          %eq3A_681 = arith.constant 3 : i32
          %eq3A_682 = vector.broadcast %eq3A_681 : i32 to vector<16xi32>
          %eq3A_683 = arith.cmpi eq, %iota3A, %eq3A_682 : vector<16xi32>
          %broadcast_in_dim3A_684 = vector.broadcast %reduce_sum3A_680 : f32 to vector<16xf32>
          %select_n3A_685 = arith.select %eq3A_683, %broadcast_in_dim3A_684, %select_n3A_669 : vector<16xi1>, vector<16xf32>
          %get3A_686 = arith.index_cast %add3A_619 : i32 to index
          %get3A_687 = arith.constant 64 : index
          %get3A_688 = tpu.vector_load %arg9[%get3A_686, %get3A_687] {strides = array<i32>} : memref<128x128xf32, #tpu.memory_space<vmem>>, vector<16xf32>,
          %get3A_689 = arith.index_cast %add3A_619 : i32 to index
          %get3A_690 = arith.constant 64 : index
          %get3A_691 = tpu.vector_load %arg11[%get3A_689, %get3A_690] {strides = array<i32>} : memref<128x128xf32, #tpu.memory_space<vmem>>, vector<16xf32>,
          %mul3A_692 = arith.mulf %get3A_688, %get3A_691 : vector<16xf32>
          %reduce_sum3A_693 = arith.constant true
          %reduce_sum3A_694 = vector.broadcast %reduce_sum3A_693 : i1 to vector<16xi1>
          %reduce_sum3A_695 = tpu.scan <sum>, %mul3A_692 masked %reduce_sum3A_694 : vector<16xf32>, vector<16xi1> -> vector<16xf32>
          %reduce_sum3A_696 = vector.extract %reduce_sum3A_695[15] : f32 from vector<16xf32>
          %eq3A_697 = arith.constant 4 : i32
          %eq3A_698 = vector.broadcast %eq3A_697 : i32 to vector<16xi32>
          %eq3A_699 = arith.cmpi eq, %iota3A, %eq3A_698 : vector<16xi32>
          %broadcast_in_dim3A_700 = vector.broadcast %reduce_sum3A_696 : f32 to vector<16xf32>
          %select_n3A_701 = arith.select %eq3A_699, %broadcast_in_dim3A_700, %select_n3A_685 : vector<16xi1>, vector<16xf32>
          %get3A_702 = arith.index_cast %add3A_619 : i32 to index
          %get3A_703 = arith.constant 80 : index
          %get3A_704 = tpu.vector_load %arg9[%get3A_702, %get3A_703] {strides = array<i32>} : memref<128x128xf32, #tpu.memory_space<vmem>>, vector<16xf32>,
          %get3A_705 = arith.index_cast %add3A_619 : i32 to index
          %get3A_706 = arith.constant 80 : index
          %get3A_707 = tpu.vector_load %arg11[%get3A_705, %get3A_706] {strides = array<i32>} : memref<128x128xf32, #tpu.memory_space<vmem>>, vector<16xf32>,
          %mul3A_708 = arith.mulf %get3A_704, %get3A_707 : vector<16xf32>
          %reduce_sum3A_709 = arith.constant true
          %reduce_sum3A_710 = vector.broadcast %reduce_sum3A_709 : i1 to vector<16xi1>
          %reduce_sum3A_711 = tpu.scan <sum>, %mul3A_708 masked %reduce_sum3A_710 : vector<16xf32>, vector<16xi1> -> vector<16xf32>
          %reduce_sum3A_712 = vector.extract %reduce_sum3A_711[15] : f32 from vector<16xf32>
          %eq3A_713 = arith.constant 5 : i32
          %eq3A_714 = vector.broadcast %eq3A_713 : i32 to vector<16xi32>
          %eq3A_715 = arith.cmpi eq, %iota3A, %eq3A_714 : vector<16xi32>
          %broadcast_in_dim3A_716 = vector.broadcast %reduce_sum3A_712 : f32 to vector<16xf32>
          %select_n3A_717 = arith.select %eq3A_715, %broadcast_in_dim3A_716, %select_n3A_701 : vector<16xi1>, vector<16xf32>
          %get3A_718 = arith.index_cast %add3A_619 : i32 to index
          %get3A_719 = arith.constant 96 : index
          %get3A_720 = tpu.vector_load %arg9[%get3A_718, %get3A_719] {strides = array<i32>} : memref<128x128xf32, #tpu.memory_space<vmem>>, vector<16xf32>,
          %get3A_721 = arith.index_cast %add3A_619 : i32 to index
          %get3A_722 = arith.constant 96 : index
          %get3A_723 = tpu.vector_load %arg11[%get3A_721, %get3A_722] {strides = array<i32>} : memref<128x128xf32, #tpu.memory_space<vmem>>, vector<16xf32>,
          %mul3A_724 = arith.mulf %get3A_720, %get3A_723 : vector<16xf32>
          %reduce_sum3A_725 = arith.constant true
          %reduce_sum3A_726 = vector.broadcast %reduce_sum3A_725 : i1 to vector<16xi1>
          %reduce_sum3A_727 = tpu.scan <sum>, %mul3A_724 masked %reduce_sum3A_726 : vector<16xf32>, vector<16xi1> -> vector<16xf32>
          %reduce_sum3A_728 = vector.extract %reduce_sum3A_727[15] : f32 from vector<16xf32>
          %eq3A_729 = arith.constant 6 : i32
          %eq3A_730 = vector.broadcast %eq3A_729 : i32 to vector<16xi32>
          %eq3A_731 = arith.cmpi eq, %iota3A, %eq3A_730 : vector<16xi32>
          %broadcast_in_dim3A_732 = vector.broadcast %reduce_sum3A_728 : f32 to vector<16xf32>
          %select_n3A_733 = arith.select %eq3A_731, %broadcast_in_dim3A_732, %select_n3A_717 : vector<16xi1>, vector<16xf32>
          %get3A_734 = arith.index_cast %add3A_619 : i32 to index
          %get3A_735 = arith.constant 112 : index
          %get3A_736 = tpu.vector_load %arg9[%get3A_734, %get3A_735] {strides = array<i32>} : memref<128x128xf32, #tpu.memory_space<vmem>>, vector<16xf32>,
          %get3A_737 = arith.index_cast %add3A_619 : i32 to index
          %get3A_738 = arith.constant 112 : index
          %get3A_739 = tpu.vector_load %arg11[%get3A_737, %get3A_738] {strides = array<i32>} : memref<128x128xf32, #tpu.memory_space<vmem>>, vector<16xf32>,
          %mul3A_740 = arith.mulf %get3A_736, %get3A_739 : vector<16xf32>
          %reduce_sum3A_741 = arith.constant true
          %reduce_sum3A_742 = vector.broadcast %reduce_sum3A_741 : i1 to vector<16xi1>
          %reduce_sum3A_743 = tpu.scan <sum>, %mul3A_740 masked %reduce_sum3A_742 : vector<16xf32>, vector<16xi1> -> vector<16xf32>
          %reduce_sum3A_744 = vector.extract %reduce_sum3A_743[15] : f32 from vector<16xf32>
          %eq3A_745 = arith.constant 7 : i32
          %eq3A_746 = vector.broadcast %eq3A_745 : i32 to vector<16xi32>
          %eq3A_747 = arith.cmpi eq, %iota3A, %eq3A_746 : vector<16xi32>
          %broadcast_in_dim3A_748 = vector.broadcast %reduce_sum3A_744 : f32 to vector<16xf32>
          %select_n3A_749 = arith.select %eq3A_747, %broadcast_in_dim3A_748, %select_n3A_733 : vector<16xi1>, vector<16xf32>
          %mul3A_750 = arith.constant 2.500000e-01 : f32
          %mul3A_751 = vector.broadcast %mul3A_750 : f32 to vector<16xf32>
          %mul3A_752 = arith.mulf %select_n3A_749, %mul3A_751 : vector<16xf32>
          %exp3A_753 = math.exp %mul3A_752 : vector<16xf32>
          %swap3A_754 = arith.index_cast %add3A_619 : i32 to index
          %swap3A_755 = arith.constant 0 : index
          %swap3A_756 = tpu.vector_load %arg13[%swap3A_754, %swap3A_755] {strides = array<i32>} : memref<128x16xf32, #tpu.memory_space<vmem>>, vector<16xf32>,
          tpu.vector_store %arg13[%swap3A_754, %swap3A_755], %exp3A_753 {strides = array<i32>} : memref<128x16xf32, #tpu.memory_space<vmem>>, vector<16xf32>,
          %scan3A_757 = arith.constant 0 : i32
          scf.yield %scan3A_757 : i32
        }
        %scan3A_184 = arith.constant 32 : i32
        %run_scoped3A = arith.constant 1 : i32
        "tpu.region"() ({
          %run_scoped3A_196 = tpu.sem_alloc : memref<!tpu.dma_semaphore, #tpu.memory_space<semaphore_mem>>
          %dma_start3A_197 = arith.constant 0 : i32
          %dma_start3A_198 = tpu.memref_slice %arg7[%run_scoped3A, %dma_start3A_197] : memref<2x128xi32, #tpu.memory_space<vmem>> -> memref<1x128xi32, #tpu.memory_space<vmem>>
          %dma_start3A_199 = tpu.memref_squeeze %dma_start3A_198 : memref<1x128xi32, #tpu.memory_space<vmem>> -> memref<128xi32, #tpu.memory_space<vmem>>
          %dma_start3A_200 = arith.constant 0 : i32
          %dma_start3A_201 = arith.constant 0 : i32
          %dma_start3A_202 = tpu.memref_slice %arg14[%dma_start3A_200, %dma_start3A_201] : memref<10000x16xf32, #tpu.memory_space<vmem_shared>> -> memref<10000x16xf32, #tpu.memory_space<vmem_shared>>
          tpu.enqueue_indirect_dma source(%arg13 : memref<128x16xf32, #tpu.memory_space<vmem>>) target(%dma_start3A_202 : memref<10000x16xf32, #tpu.memory_space<vmem_shared>>) offsets(%dma_start3A_199 : memref<128xi32, #tpu.memory_space<vmem>>) semaphore(%run_scoped3A_196 : memref<!tpu.dma_semaphore, #tpu.memory_space<semaphore_mem>>) {add = true}
          %dma_wait3A_203 = arith.constant 0 : i32
          %dma_wait3A_204 = tpu.memref_slice %arg7[%run_scoped3A, %dma_wait3A_203] : memref<2x128xi32, #tpu.memory_space<vmem>> -> memref<1x128xi32, #tpu.memory_space<vmem>>
          %dma_wait3A_205 = tpu.memref_squeeze %dma_wait3A_204 : memref<1x128xi32, #tpu.memory_space<vmem>> -> memref<128xi32, #tpu.memory_space<vmem>>
          %dma_wait3A_206 = arith.constant 0 : i32
          %dma_wait3A_207 = arith.constant 0 : i32
          %dma_wait3A_208 = tpu.memref_slice %arg14[%dma_wait3A_206, %dma_wait3A_207] : memref<10000x16xf32, #tpu.memory_space<vmem_shared>> -> memref<10000x16xf32, #tpu.memory_space<vmem_shared>>
          tpu.wait_indirect_dma semaphore(%run_scoped3A_196 : memref<!tpu.dma_semaphore, #tpu.memory_space<semaphore_mem>>) src(%arg13 : memref<128x16xf32, #tpu.memory_space<vmem>>) dst(%dma_wait3A_208 : memref<10000x16xf32, #tpu.memory_space<vmem_shared>>)
          tpu.yield
        }) : () -> ()
        %mul3A_185 = arith.constant 32 : i32
        %mul3A_186 = arith.muli %add3A_146, %mul3A_185 : i32
        %add3A_187 = arith.addi %add3A, %mul3A_186 : i32
        %mul3A_188 = arith.constant 128 : i32
        %mul3A_189 = arith.muli %add3A_187, %mul3A_188 : i32
        "tpu.region"() ({
          %run_scoped3A_196 = tpu.sem_alloc : memref<!tpu.dma_semaphore, #tpu.memory_space<semaphore_mem>>
          %dma_start3A_197 = arith.constant 0 : i32
          %dma_start3A_198 = tpu.memref_slice %arg5[%mul3A_189, %dma_start3A_197] : memref<320000x16xf32, #tpu.memory_space<hbm>> -> memref<128x16xf32, #tpu.memory_space<hbm>>
          %dma_start3A_199 = arith.constant 0 : i32
          %dma_start3A_200 = tpu.memref_slice %arg5[%mul3A_189, %dma_start3A_199] : memref<320000x16xf32, #tpu.memory_space<hbm>> -> memref<128x16xf32, #tpu.memory_space<hbm>>
          tpu.enqueue_dma source(%arg13 : memref<128x16xf32, #tpu.memory_space<vmem>>) target(%dma_start3A_200 : memref<128x16xf32, #tpu.memory_space<hbm>>) target_semaphore(%run_scoped3A_196 : memref<!tpu.dma_semaphore, #tpu.memory_space<semaphore_mem>>)
          %dma_wait3A_201 = arith.constant 0 : i32
          %dma_wait3A_202 = tpu.memref_slice %arg5[%mul3A_189, %dma_wait3A_201] : memref<320000x16xf32, #tpu.memory_space<hbm>> -> memref<128x16xf32, #tpu.memory_space<hbm>>
          %dma_wait3A_203 = arith.constant 0 : i32
          %dma_wait3A_204 = tpu.memref_slice %arg5[%mul3A_189, %dma_wait3A_203] : memref<320000x16xf32, #tpu.memory_space<hbm>> -> memref<128x16xf32, #tpu.memory_space<hbm>>
          tpu.wait_dma2 semaphore(%run_scoped3A_196 : memref<!tpu.dma_semaphore, #tpu.memory_space<semaphore_mem>>) src(%arg13 : memref<128x16xf32, #tpu.memory_space<vmem>>) dst(%dma_wait3A_204 : memref<128x16xf32, #tpu.memory_space<hbm>>)
          tpu.yield
        }) : () -> ()
        %add3A_190 = arith.constant 2 : i32
        %add3A_191 = arith.addi %add3A_146, %add3A_190 : i32
        %lt3A_192 = arith.cmpi slt, %add3A_191, %select_n3A_70 : i32
        %convert_element_type3A_193 = arith.extui %lt3A_192 : i1 to i32
        %cond3A_194 = arith.constant 0 : i32
        %cond3A_195 = arith.cmpi ne, %convert_element_type3A_193, %cond3A_194 : i32
        scf.if %cond3A_195 {
          %add3A_196 = arith.constant 2 : i32
          %add3A_197 = arith.addi %add3A_146, %add3A_196 : i32
          %mul3A_198 = arith.constant 32 : i32
          %mul3A_199 = arith.muli %add3A_197, %mul3A_198 : i32
          %add3A_200 = arith.addi %add3A, %mul3A_199 : i32
          %mul3A_201 = arith.constant 128 : i32
          %mul3A_202 = arith.muli %add3A_200, %mul3A_201 : i32
          %dma_start3A_203 = arith.constant 0 : i32
          %dma_start3A_204 = tpu.memref_slice %arg2[%dma_start3A_203, %mul3A_202] : memref<2x320000xi32, #tpu.memory_space<hbm>> -> memref<2x128xi32, #tpu.memory_space<hbm>>
          %dma_start3A_205 = arith.constant 0 : i32
          %dma_start3A_206 = tpu.memref_slice %arg2[%dma_start3A_205, %mul3A_202] : memref<2x320000xi32, #tpu.memory_space<hbm>> -> memref<2x128xi32, #tpu.memory_space<hbm>>
          tpu.enqueue_dma source(%dma_start3A_206 : memref<2x128xi32, #tpu.memory_space<hbm>>) target(%arg7 : memref<2x128xi32, #tpu.memory_space<vmem>>) target_semaphore(%arg19 : memref<!tpu.dma_semaphore, #tpu.memory_space<semaphore_mem>>)
        } else {
        }
      } else {
      }
      %mul3A_150 = arith.constant 2 : i32
      %mul3A_151 = arith.muli %mul3A_150, %while3A_141 : i32
      %add3A_152 = arith.constant 1 : i32
      %add3A_153 = arith.addi %mul3A_151, %add3A_152 : i32
      %lt3A_154 = arith.cmpi slt, %add3A_153, %select_n3A_70 : i32
      %convert_element_type3A_155 = arith.extui %lt3A_154 : i1 to i32
      %cond3A_156 = arith.constant 0 : i32
      %cond3A_157 = arith.cmpi ne, %convert_element_type3A_155, %cond3A_156 : i32
      scf.if %cond3A_157 {
        %add3A_159 = arith.constant 1 : i32
        %add3A_160 = arith.addi %add3A_153, %add3A_159 : i32
        %lt3A_161 = arith.cmpi slt, %add3A_160, %select_n3A_70 : i32
        %convert_element_type3A_162 = arith.extui %lt3A_161 : i1 to i32
        %cond3A_163 = arith.constant 0 : i32
        %cond3A_164 = arith.cmpi ne, %convert_element_type3A_162, %cond3A_163 : i32
        scf.if %cond3A_164 {
          %add3A_196 = arith.constant 1 : i32
          %add3A_197 = arith.addi %add3A_153, %add3A_196 : i32
          %mul3A_198 = arith.constant 32 : i32
          %mul3A_199 = arith.muli %add3A_197, %mul3A_198 : i32
          %add3A_200 = arith.addi %add3A, %mul3A_199 : i32
          %mul3A_201 = arith.constant 128 : i32
          %mul3A_202 = arith.muli %add3A_200, %mul3A_201 : i32
          %dma_wait3A_203 = arith.constant 0 : i32
          %dma_wait3A_204 = tpu.memref_slice %arg2[%dma_wait3A_203, %mul3A_202] : memref<2x320000xi32, #tpu.memory_space<hbm>> -> memref<2x128xi32, #tpu.memory_space<hbm>>
          %dma_wait3A_205 = arith.constant 0 : i32
          %dma_wait3A_206 = tpu.memref_slice %arg2[%dma_wait3A_205, %mul3A_202] : memref<2x320000xi32, #tpu.memory_space<hbm>> -> memref<2x128xi32, #tpu.memory_space<hbm>>
          tpu.wait_dma2 semaphore(%arg19 : memref<!tpu.dma_semaphore, #tpu.memory_space<semaphore_mem>>) src(%dma_wait3A_206 : memref<2x128xi32, #tpu.memory_space<hbm>>) dst(%arg7 : memref<2x128xi32, #tpu.memory_space<vmem>>)
          %dma_start3A_207 = arith.constant 0 : i32
          %dma_start3A_208 = arith.constant 0 : i32
          %dma_start3A_209 = tpu.memref_slice %arg7[%dma_start3A_207, %dma_start3A_208] : memref<2x128xi32, #tpu.memory_space<vmem>> -> memref<1x128xi32, #tpu.memory_space<vmem>>
          %dma_start3A_210 = tpu.memref_squeeze %dma_start3A_209 : memref<1x128xi32, #tpu.memory_space<vmem>> -> memref<128xi32, #tpu.memory_space<vmem>>
          %dma_start3A_211 = arith.constant 0 : i32
          %dma_start3A_212 = arith.constant 0 : i32
          %dma_start3A_213 = tpu.memref_slice %arg4[%dma_start3A_211, %dma_start3A_212] : memref<10000x128xf32, #tpu.memory_space<hbm>> -> memref<10000x128xf32, #tpu.memory_space<hbm>>
          tpu.enqueue_indirect_dma source(%dma_start3A_213 : memref<10000x128xf32, #tpu.memory_space<hbm>>) target(%arg9 : memref<128x128xf32, #tpu.memory_space<vmem>>) offsets(%dma_start3A_210 : memref<128xi32, #tpu.memory_space<vmem>>) semaphore(%arg15 : memref<!tpu.dma_semaphore, #tpu.memory_space<semaphore_mem>>)
          %dma_start3A_214 = arith.constant 1 : i32
          %dma_start3A_215 = arith.constant 0 : i32
          %dma_start3A_216 = tpu.memref_slice %arg7[%dma_start3A_214, %dma_start3A_215] : memref<2x128xi32, #tpu.memory_space<vmem>> -> memref<1x128xi32, #tpu.memory_space<vmem>>
          %dma_start3A_217 = tpu.memref_squeeze %dma_start3A_216 : memref<1x128xi32, #tpu.memory_space<vmem>> -> memref<128xi32, #tpu.memory_space<vmem>>
          %dma_start3A_218 = arith.constant 0 : i32
          %dma_start3A_219 = arith.constant 0 : i32
          %dma_start3A_220 = tpu.memref_slice %arg3[%dma_start3A_218, %dma_start3A_219] : memref<10000x128xf32, #tpu.memory_space<hbm>> -> memref<10000x128xf32, #tpu.memory_space<hbm>>
          tpu.enqueue_indirect_dma source(%dma_start3A_220 : memref<10000x128xf32, #tpu.memory_space<hbm>>) target(%arg11 : memref<128x128xf32, #tpu.memory_space<vmem>>) offsets(%dma_start3A_217 : memref<128xi32, #tpu.memory_space<vmem>>) semaphore(%arg17 : memref<!tpu.dma_semaphore, #tpu.memory_space<semaphore_mem>>)
        } else {
        }
        %dma_wait3A = arith.constant 0 : i32
        %dma_wait3A_165 = arith.constant 0 : i32
        %dma_wait3A_166 = tpu.memref_slice %arg8[%dma_wait3A, %dma_wait3A_165] : memref<2x128xi32, #tpu.memory_space<vmem>> -> memref<1x128xi32, #tpu.memory_space<vmem>>
        %dma_wait3A_167 = tpu.memref_squeeze %dma_wait3A_166 : memref<1x128xi32, #tpu.memory_space<vmem>> -> memref<128xi32, #tpu.memory_space<vmem>>
        %dma_wait3A_168 = arith.constant 0 : i32
        %dma_wait3A_169 = arith.constant 0 : i32
        %dma_wait3A_170 = tpu.memref_slice %arg4[%dma_wait3A_168, %dma_wait3A_169] : memref<10000x128xf32, #tpu.memory_space<hbm>> -> memref<10000x128xf32, #tpu.memory_space<hbm>>
        tpu.wait_indirect_dma semaphore(%arg16 : memref<!tpu.dma_semaphore, #tpu.memory_space<semaphore_mem>>) src(%dma_wait3A_170 : memref<10000x128xf32, #tpu.memory_space<hbm>>) dst(%arg10 : memref<128x128xf32, #tpu.memory_space<vmem>>)
        %dma_wait3A_171 = arith.constant 1 : i32
        %dma_wait3A_172 = arith.constant 0 : i32
        %dma_wait3A_173 = tpu.memref_slice %arg8[%dma_wait3A_171, %dma_wait3A_172] : memref<2x128xi32, #tpu.memory_space<vmem>> -> memref<1x128xi32, #tpu.memory_space<vmem>>
        %dma_wait3A_174 = tpu.memref_squeeze %dma_wait3A_173 : memref<1x128xi32, #tpu.memory_space<vmem>> -> memref<128xi32, #tpu.memory_space<vmem>>
        %dma_wait3A_175 = arith.constant 0 : i32
        %dma_wait3A_176 = arith.constant 0 : i32
        %dma_wait3A_177 = tpu.memref_slice %arg3[%dma_wait3A_175, %dma_wait3A_176] : memref<10000x128xf32, #tpu.memory_space<hbm>> -> memref<10000x128xf32, #tpu.memory_space<hbm>>
        tpu.wait_indirect_dma semaphore(%arg18 : memref<!tpu.dma_semaphore, #tpu.memory_space<semaphore_mem>>) src(%dma_wait3A_177 : memref<10000x128xf32, #tpu.memory_space<hbm>>) dst(%arg12 : memref<128x128xf32, #tpu.memory_space<vmem>>)
        %scan3A_178 = arith.constant 0 : i32
        %scan3A_179 = arith.constant 0 : i32
        %scan3A_180 = arith.constant 32 : i32
        %scan3A_181 = arith.addi %scan3A_179, %scan3A_180 : i32
        %scan3A_182 = arith.constant 1 : i32
        %scan3A_183 = scf.for %scan3A_196 = %scan3A_179 to %scan3A_181 step %scan3A_182 iter_args(%scan3A_197 = %scan3A_178) -> (i32)  : i32 {
          %mul3A_198 = arith.constant 4 : i32
          %mul3A_199 = arith.muli %scan3A_196, %mul3A_198 : i32
          %add3A_200 = arith.constant 0 : i32
          %add3A_201 = arith.addi %mul3A_199, %add3A_200 : i32
          %broadcast_in_dim3A_202 = arith.constant 0.000000e+00 : f32
          %broadcast_in_dim3A_203 = vector.broadcast %broadcast_in_dim3A_202 : f32 to vector<16xf32>
          %get3A = arith.index_cast %add3A_201 : i32 to index
          %get3A_204 = arith.constant 0 : index
          %get3A_205 = tpu.vector_load %arg10[%get3A, %get3A_204] {strides = array<i32>} : memref<128x128xf32, #tpu.memory_space<vmem>>, vector<16xf32>,
          %get3A_206 = arith.index_cast %add3A_201 : i32 to index
          %get3A_207 = arith.constant 0 : index
          %get3A_208 = tpu.vector_load %arg12[%get3A_206, %get3A_207] {strides = array<i32>} : memref<128x128xf32, #tpu.memory_space<vmem>>, vector<16xf32>,
          %mul3A_209 = arith.mulf %get3A_205, %get3A_208 : vector<16xf32>
          %reduce_sum3A = arith.constant true
          %reduce_sum3A_210 = vector.broadcast %reduce_sum3A : i1 to vector<16xi1>
          %reduce_sum3A_211 = tpu.scan <sum>, %mul3A_209 masked %reduce_sum3A_210 : vector<16xf32>, vector<16xi1> -> vector<16xf32>
          %reduce_sum3A_212 = vector.extract %reduce_sum3A_211[15] : f32 from vector<16xf32>
          %eq3A = arith.constant 0 : i32
          %eq3A_213 = vector.broadcast %eq3A : i32 to vector<16xi32>
          %eq3A_214 = arith.cmpi eq, %iota3A, %eq3A_213 : vector<16xi32>
          %broadcast_in_dim3A_215 = vector.broadcast %reduce_sum3A_212 : f32 to vector<16xf32>
          %select_n3A_216 = arith.select %eq3A_214, %broadcast_in_dim3A_215, %broadcast_in_dim3A_203 : vector<16xi1>, vector<16xf32>
          %get3A_217 = arith.index_cast %add3A_201 : i32 to index
          %get3A_218 = arith.constant 16 : index
          %get3A_219 = tpu.vector_load %arg10[%get3A_217, %get3A_218] {strides = array<i32>} : memref<128x128xf32, #tpu.memory_space<vmem>>, vector<16xf32>,
          %get3A_220 = arith.index_cast %add3A_201 : i32 to index
          %get3A_221 = arith.constant 16 : index
          %get3A_222 = tpu.vector_load %arg12[%get3A_220, %get3A_221] {strides = array<i32>} : memref<128x128xf32, #tpu.memory_space<vmem>>, vector<16xf32>,
          %mul3A_223 = arith.mulf %get3A_219, %get3A_222 : vector<16xf32>
          %reduce_sum3A_224 = arith.constant true
          %reduce_sum3A_225 = vector.broadcast %reduce_sum3A_224 : i1 to vector<16xi1>
          %reduce_sum3A_226 = tpu.scan <sum>, %mul3A_223 masked %reduce_sum3A_225 : vector<16xf32>, vector<16xi1> -> vector<16xf32>
          %reduce_sum3A_227 = vector.extract %reduce_sum3A_226[15] : f32 from vector<16xf32>
          %eq3A_228 = arith.constant 1 : i32
          %eq3A_229 = vector.broadcast %eq3A_228 : i32 to vector<16xi32>
          %eq3A_230 = arith.cmpi eq, %iota3A, %eq3A_229 : vector<16xi32>
          %broadcast_in_dim3A_231 = vector.broadcast %reduce_sum3A_227 : f32 to vector<16xf32>
          %select_n3A_232 = arith.select %eq3A_230, %broadcast_in_dim3A_231, %select_n3A_216 : vector<16xi1>, vector<16xf32>
          %get3A_233 = arith.index_cast %add3A_201 : i32 to index
          %get3A_234 = arith.constant 32 : index
          %get3A_235 = tpu.vector_load %arg10[%get3A_233, %get3A_234] {strides = array<i32>} : memref<128x128xf32, #tpu.memory_space<vmem>>, vector<16xf32>,
          %get3A_236 = arith.index_cast %add3A_201 : i32 to index
          %get3A_237 = arith.constant 32 : index
          %get3A_238 = tpu.vector_load %arg12[%get3A_236, %get3A_237] {strides = array<i32>} : memref<128x128xf32, #tpu.memory_space<vmem>>, vector<16xf32>,
          %mul3A_239 = arith.mulf %get3A_235, %get3A_238 : vector<16xf32>
          %reduce_sum3A_240 = arith.constant true
          %reduce_sum3A_241 = vector.broadcast %reduce_sum3A_240 : i1 to vector<16xi1>
          %reduce_sum3A_242 = tpu.scan <sum>, %mul3A_239 masked %reduce_sum3A_241 : vector<16xf32>, vector<16xi1> -> vector<16xf32>
          %reduce_sum3A_243 = vector.extract %reduce_sum3A_242[15] : f32 from vector<16xf32>
          %eq3A_244 = arith.constant 2 : i32
          %eq3A_245 = vector.broadcast %eq3A_244 : i32 to vector<16xi32>
          %eq3A_246 = arith.cmpi eq, %iota3A, %eq3A_245 : vector<16xi32>
          %broadcast_in_dim3A_247 = vector.broadcast %reduce_sum3A_243 : f32 to vector<16xf32>
          %select_n3A_248 = arith.select %eq3A_246, %broadcast_in_dim3A_247, %select_n3A_232 : vector<16xi1>, vector<16xf32>
          %get3A_249 = arith.index_cast %add3A_201 : i32 to index
          %get3A_250 = arith.constant 48 : index
          %get3A_251 = tpu.vector_load %arg10[%get3A_249, %get3A_250] {strides = array<i32>} : memref<128x128xf32, #tpu.memory_space<vmem>>, vector<16xf32>,
          %get3A_252 = arith.index_cast %add3A_201 : i32 to index
          %get3A_253 = arith.constant 48 : index
          %get3A_254 = tpu.vector_load %arg12[%get3A_252, %get3A_253] {strides = array<i32>} : memref<128x128xf32, #tpu.memory_space<vmem>>, vector<16xf32>,
          %mul3A_255 = arith.mulf %get3A_251, %get3A_254 : vector<16xf32>
          %reduce_sum3A_256 = arith.constant true
          %reduce_sum3A_257 = vector.broadcast %reduce_sum3A_256 : i1 to vector<16xi1>
          %reduce_sum3A_258 = tpu.scan <sum>, %mul3A_255 masked %reduce_sum3A_257 : vector<16xf32>, vector<16xi1> -> vector<16xf32>
          %reduce_sum3A_259 = vector.extract %reduce_sum3A_258[15] : f32 from vector<16xf32>
          %eq3A_260 = arith.constant 3 : i32
          %eq3A_261 = vector.broadcast %eq3A_260 : i32 to vector<16xi32>
          %eq3A_262 = arith.cmpi eq, %iota3A, %eq3A_261 : vector<16xi32>
          %broadcast_in_dim3A_263 = vector.broadcast %reduce_sum3A_259 : f32 to vector<16xf32>
          %select_n3A_264 = arith.select %eq3A_262, %broadcast_in_dim3A_263, %select_n3A_248 : vector<16xi1>, vector<16xf32>
          %get3A_265 = arith.index_cast %add3A_201 : i32 to index
          %get3A_266 = arith.constant 64 : index
          %get3A_267 = tpu.vector_load %arg10[%get3A_265, %get3A_266] {strides = array<i32>} : memref<128x128xf32, #tpu.memory_space<vmem>>, vector<16xf32>,
          %get3A_268 = arith.index_cast %add3A_201 : i32 to index
          %get3A_269 = arith.constant 64 : index
          %get3A_270 = tpu.vector_load %arg12[%get3A_268, %get3A_269] {strides = array<i32>} : memref<128x128xf32, #tpu.memory_space<vmem>>, vector<16xf32>,
          %mul3A_271 = arith.mulf %get3A_267, %get3A_270 : vector<16xf32>
          %reduce_sum3A_272 = arith.constant true
          %reduce_sum3A_273 = vector.broadcast %reduce_sum3A_272 : i1 to vector<16xi1>
          %reduce_sum3A_274 = tpu.scan <sum>, %mul3A_271 masked %reduce_sum3A_273 : vector<16xf32>, vector<16xi1> -> vector<16xf32>
          %reduce_sum3A_275 = vector.extract %reduce_sum3A_274[15] : f32 from vector<16xf32>
          %eq3A_276 = arith.constant 4 : i32
          %eq3A_277 = vector.broadcast %eq3A_276 : i32 to vector<16xi32>
          %eq3A_278 = arith.cmpi eq, %iota3A, %eq3A_277 : vector<16xi32>
          %broadcast_in_dim3A_279 = vector.broadcast %reduce_sum3A_275 : f32 to vector<16xf32>
          %select_n3A_280 = arith.select %eq3A_278, %broadcast_in_dim3A_279, %select_n3A_264 : vector<16xi1>, vector<16xf32>
          %get3A_281 = arith.index_cast %add3A_201 : i32 to index
          %get3A_282 = arith.constant 80 : index
          %get3A_283 = tpu.vector_load %arg10[%get3A_281, %get3A_282] {strides = array<i32>} : memref<128x128xf32, #tpu.memory_space<vmem>>, vector<16xf32>,
          %get3A_284 = arith.index_cast %add3A_201 : i32 to index
          %get3A_285 = arith.constant 80 : index
          %get3A_286 = tpu.vector_load %arg12[%get3A_284, %get3A_285] {strides = array<i32>} : memref<128x128xf32, #tpu.memory_space<vmem>>, vector<16xf32>,
          %mul3A_287 = arith.mulf %get3A_283, %get3A_286 : vector<16xf32>
          %reduce_sum3A_288 = arith.constant true
          %reduce_sum3A_289 = vector.broadcast %reduce_sum3A_288 : i1 to vector<16xi1>
          %reduce_sum3A_290 = tpu.scan <sum>, %mul3A_287 masked %reduce_sum3A_289 : vector<16xf32>, vector<16xi1> -> vector<16xf32>
          %reduce_sum3A_291 = vector.extract %reduce_sum3A_290[15] : f32 from vector<16xf32>
          %eq3A_292 = arith.constant 5 : i32
          %eq3A_293 = vector.broadcast %eq3A_292 : i32 to vector<16xi32>
          %eq3A_294 = arith.cmpi eq, %iota3A, %eq3A_293 : vector<16xi32>
          %broadcast_in_dim3A_295 = vector.broadcast %reduce_sum3A_291 : f32 to vector<16xf32>
          %select_n3A_296 = arith.select %eq3A_294, %broadcast_in_dim3A_295, %select_n3A_280 : vector<16xi1>, vector<16xf32>
          %get3A_297 = arith.index_cast %add3A_201 : i32 to index
          %get3A_298 = arith.constant 96 : index
          %get3A_299 = tpu.vector_load %arg10[%get3A_297, %get3A_298] {strides = array<i32>} : memref<128x128xf32, #tpu.memory_space<vmem>>, vector<16xf32>,
          %get3A_300 = arith.index_cast %add3A_201 : i32 to index
          %get3A_301 = arith.constant 96 : index
          %get3A_302 = tpu.vector_load %arg12[%get3A_300, %get3A_301] {strides = array<i32>} : memref<128x128xf32, #tpu.memory_space<vmem>>, vector<16xf32>,
          %mul3A_303 = arith.mulf %get3A_299, %get3A_302 : vector<16xf32>
          %reduce_sum3A_304 = arith.constant true
          %reduce_sum3A_305 = vector.broadcast %reduce_sum3A_304 : i1 to vector<16xi1>
          %reduce_sum3A_306 = tpu.scan <sum>, %mul3A_303 masked %reduce_sum3A_305 : vector<16xf32>, vector<16xi1> -> vector<16xf32>
          %reduce_sum3A_307 = vector.extract %reduce_sum3A_306[15] : f32 from vector<16xf32>
          %eq3A_308 = arith.constant 6 : i32
          %eq3A_309 = vector.broadcast %eq3A_308 : i32 to vector<16xi32>
          %eq3A_310 = arith.cmpi eq, %iota3A, %eq3A_309 : vector<16xi32>
          %broadcast_in_dim3A_311 = vector.broadcast %reduce_sum3A_307 : f32 to vector<16xf32>
          %select_n3A_312 = arith.select %eq3A_310, %broadcast_in_dim3A_311, %select_n3A_296 : vector<16xi1>, vector<16xf32>
          %get3A_313 = arith.index_cast %add3A_201 : i32 to index
          %get3A_314 = arith.constant 112 : index
          %get3A_315 = tpu.vector_load %arg10[%get3A_313, %get3A_314] {strides = array<i32>} : memref<128x128xf32, #tpu.memory_space<vmem>>, vector<16xf32>,
          %get3A_316 = arith.index_cast %add3A_201 : i32 to index
          %get3A_317 = arith.constant 112 : index
          %get3A_318 = tpu.vector_load %arg12[%get3A_316, %get3A_317] {strides = array<i32>} : memref<128x128xf32, #tpu.memory_space<vmem>>, vector<16xf32>,
          %mul3A_319 = arith.mulf %get3A_315, %get3A_318 : vector<16xf32>
          %reduce_sum3A_320 = arith.constant true
          %reduce_sum3A_321 = vector.broadcast %reduce_sum3A_320 : i1 to vector<16xi1>
          %reduce_sum3A_322 = tpu.scan <sum>, %mul3A_319 masked %reduce_sum3A_321 : vector<16xf32>, vector<16xi1> -> vector<16xf32>
          %reduce_sum3A_323 = vector.extract %reduce_sum3A_322[15] : f32 from vector<16xf32>
          %eq3A_324 = arith.constant 7 : i32
          %eq3A_325 = vector.broadcast %eq3A_324 : i32 to vector<16xi32>
          %eq3A_326 = arith.cmpi eq, %iota3A, %eq3A_325 : vector<16xi32>
          %broadcast_in_dim3A_327 = vector.broadcast %reduce_sum3A_323 : f32 to vector<16xf32>
          %select_n3A_328 = arith.select %eq3A_326, %broadcast_in_dim3A_327, %select_n3A_312 : vector<16xi1>, vector<16xf32>
          %mul3A_329 = arith.constant 2.500000e-01 : f32
          %mul3A_330 = vector.broadcast %mul3A_329 : f32 to vector<16xf32>
          %mul3A_331 = arith.mulf %select_n3A_328, %mul3A_330 : vector<16xf32>
          %exp3A = math.exp %mul3A_331 : vector<16xf32>
          %swap3A = arith.index_cast %add3A_201 : i32 to index
          %swap3A_332 = arith.constant 0 : index
          %swap3A_333 = tpu.vector_load %arg13[%swap3A, %swap3A_332] {strides = array<i32>} : memref<128x16xf32, #tpu.memory_space<vmem>>, vector<16xf32>,
          tpu.vector_store %arg13[%swap3A, %swap3A_332], %exp3A {strides = array<i32>} : memref<128x16xf32, #tpu.memory_space<vmem>>, vector<16xf32>,
          %mul3A_334 = arith.constant 4 : i32
          %mul3A_335 = arith.muli %scan3A_196, %mul3A_334 : i32
          %add3A_336 = arith.constant 1 : i32
          %add3A_337 = arith.addi %mul3A_335, %add3A_336 : i32
          %broadcast_in_dim3A_338 = arith.constant 0.000000e+00 : f32
          %broadcast_in_dim3A_339 = vector.broadcast %broadcast_in_dim3A_338 : f32 to vector<16xf32>
          %get3A_340 = arith.index_cast %add3A_337 : i32 to index
          %get3A_341 = arith.constant 0 : index
          %get3A_342 = tpu.vector_load %arg10[%get3A_340, %get3A_341] {strides = array<i32>} : memref<128x128xf32, #tpu.memory_space<vmem>>, vector<16xf32>,
          %get3A_343 = arith.index_cast %add3A_337 : i32 to index
          %get3A_344 = arith.constant 0 : index
          %get3A_345 = tpu.vector_load %arg12[%get3A_343, %get3A_344] {strides = array<i32>} : memref<128x128xf32, #tpu.memory_space<vmem>>, vector<16xf32>,
          %mul3A_346 = arith.mulf %get3A_342, %get3A_345 : vector<16xf32>
          %reduce_sum3A_347 = arith.constant true
          %reduce_sum3A_348 = vector.broadcast %reduce_sum3A_347 : i1 to vector<16xi1>
          %reduce_sum3A_349 = tpu.scan <sum>, %mul3A_346 masked %reduce_sum3A_348 : vector<16xf32>, vector<16xi1> -> vector<16xf32>
          %reduce_sum3A_350 = vector.extract %reduce_sum3A_349[15] : f32 from vector<16xf32>
          %eq3A_351 = arith.constant 0 : i32
          %eq3A_352 = vector.broadcast %eq3A_351 : i32 to vector<16xi32>
          %eq3A_353 = arith.cmpi eq, %iota3A, %eq3A_352 : vector<16xi32>
          %broadcast_in_dim3A_354 = vector.broadcast %reduce_sum3A_350 : f32 to vector<16xf32>
          %select_n3A_355 = arith.select %eq3A_353, %broadcast_in_dim3A_354, %broadcast_in_dim3A_339 : vector<16xi1>, vector<16xf32>
          %get3A_356 = arith.index_cast %add3A_337 : i32 to index
          %get3A_357 = arith.constant 16 : index
          %get3A_358 = tpu.vector_load %arg10[%get3A_356, %get3A_357] {strides = array<i32>} : memref<128x128xf32, #tpu.memory_space<vmem>>, vector<16xf32>,
          %get3A_359 = arith.index_cast %add3A_337 : i32 to index
          %get3A_360 = arith.constant 16 : index
          %get3A_361 = tpu.vector_load %arg12[%get3A_359, %get3A_360] {strides = array<i32>} : memref<128x128xf32, #tpu.memory_space<vmem>>, vector<16xf32>,
          %mul3A_362 = arith.mulf %get3A_358, %get3A_361 : vector<16xf32>
          %reduce_sum3A_363 = arith.constant true
          %reduce_sum3A_364 = vector.broadcast %reduce_sum3A_363 : i1 to vector<16xi1>
          %reduce_sum3A_365 = tpu.scan <sum>, %mul3A_362 masked %reduce_sum3A_364 : vector<16xf32>, vector<16xi1> -> vector<16xf32>
          %reduce_sum3A_366 = vector.extract %reduce_sum3A_365[15] : f32 from vector<16xf32>
          %eq3A_367 = arith.constant 1 : i32
          %eq3A_368 = vector.broadcast %eq3A_367 : i32 to vector<16xi32>
          %eq3A_369 = arith.cmpi eq, %iota3A, %eq3A_368 : vector<16xi32>
          %broadcast_in_dim3A_370 = vector.broadcast %reduce_sum3A_366 : f32 to vector<16xf32>
          %select_n3A_371 = arith.select %eq3A_369, %broadcast_in_dim3A_370, %select_n3A_355 : vector<16xi1>, vector<16xf32>
          %get3A_372 = arith.index_cast %add3A_337 : i32 to index
          %get3A_373 = arith.constant 32 : index
          %get3A_374 = tpu.vector_load %arg10[%get3A_372, %get3A_373] {strides = array<i32>} : memref<128x128xf32, #tpu.memory_space<vmem>>, vector<16xf32>,
          %get3A_375 = arith.index_cast %add3A_337 : i32 to index
          %get3A_376 = arith.constant 32 : index
          %get3A_377 = tpu.vector_load %arg12[%get3A_375, %get3A_376] {strides = array<i32>} : memref<128x128xf32, #tpu.memory_space<vmem>>, vector<16xf32>,
          %mul3A_378 = arith.mulf %get3A_374, %get3A_377 : vector<16xf32>
          %reduce_sum3A_379 = arith.constant true
          %reduce_sum3A_380 = vector.broadcast %reduce_sum3A_379 : i1 to vector<16xi1>
          %reduce_sum3A_381 = tpu.scan <sum>, %mul3A_378 masked %reduce_sum3A_380 : vector<16xf32>, vector<16xi1> -> vector<16xf32>
          %reduce_sum3A_382 = vector.extract %reduce_sum3A_381[15] : f32 from vector<16xf32>
          %eq3A_383 = arith.constant 2 : i32
          %eq3A_384 = vector.broadcast %eq3A_383 : i32 to vector<16xi32>
          %eq3A_385 = arith.cmpi eq, %iota3A, %eq3A_384 : vector<16xi32>
          %broadcast_in_dim3A_386 = vector.broadcast %reduce_sum3A_382 : f32 to vector<16xf32>
          %select_n3A_387 = arith.select %eq3A_385, %broadcast_in_dim3A_386, %select_n3A_371 : vector<16xi1>, vector<16xf32>
          %get3A_388 = arith.index_cast %add3A_337 : i32 to index
          %get3A_389 = arith.constant 48 : index
          %get3A_390 = tpu.vector_load %arg10[%get3A_388, %get3A_389] {strides = array<i32>} : memref<128x128xf32, #tpu.memory_space<vmem>>, vector<16xf32>,
          %get3A_391 = arith.index_cast %add3A_337 : i32 to index
          %get3A_392 = arith.constant 48 : index
          %get3A_393 = tpu.vector_load %arg12[%get3A_391, %get3A_392] {strides = array<i32>} : memref<128x128xf32, #tpu.memory_space<vmem>>, vector<16xf32>,
          %mul3A_394 = arith.mulf %get3A_390, %get3A_393 : vector<16xf32>
          %reduce_sum3A_395 = arith.constant true
          %reduce_sum3A_396 = vector.broadcast %reduce_sum3A_395 : i1 to vector<16xi1>
          %reduce_sum3A_397 = tpu.scan <sum>, %mul3A_394 masked %reduce_sum3A_396 : vector<16xf32>, vector<16xi1> -> vector<16xf32>
          %reduce_sum3A_398 = vector.extract %reduce_sum3A_397[15] : f32 from vector<16xf32>
          %eq3A_399 = arith.constant 3 : i32
          %eq3A_400 = vector.broadcast %eq3A_399 : i32 to vector<16xi32>
          %eq3A_401 = arith.cmpi eq, %iota3A, %eq3A_400 : vector<16xi32>
          %broadcast_in_dim3A_402 = vector.broadcast %reduce_sum3A_398 : f32 to vector<16xf32>
          %select_n3A_403 = arith.select %eq3A_401, %broadcast_in_dim3A_402, %select_n3A_387 : vector<16xi1>, vector<16xf32>
          %get3A_404 = arith.index_cast %add3A_337 : i32 to index
          %get3A_405 = arith.constant 64 : index
          %get3A_406 = tpu.vector_load %arg10[%get3A_404, %get3A_405] {strides = array<i32>} : memref<128x128xf32, #tpu.memory_space<vmem>>, vector<16xf32>,
          %get3A_407 = arith.index_cast %add3A_337 : i32 to index
          %get3A_408 = arith.constant 64 : index
          %get3A_409 = tpu.vector_load %arg12[%get3A_407, %get3A_408] {strides = array<i32>} : memref<128x128xf32, #tpu.memory_space<vmem>>, vector<16xf32>,
          %mul3A_410 = arith.mulf %get3A_406, %get3A_409 : vector<16xf32>
          %reduce_sum3A_411 = arith.constant true
          %reduce_sum3A_412 = vector.broadcast %reduce_sum3A_411 : i1 to vector<16xi1>
          %reduce_sum3A_413 = tpu.scan <sum>, %mul3A_410 masked %reduce_sum3A_412 : vector<16xf32>, vector<16xi1> -> vector<16xf32>
          %reduce_sum3A_414 = vector.extract %reduce_sum3A_413[15] : f32 from vector<16xf32>
          %eq3A_415 = arith.constant 4 : i32
          %eq3A_416 = vector.broadcast %eq3A_415 : i32 to vector<16xi32>
          %eq3A_417 = arith.cmpi eq, %iota3A, %eq3A_416 : vector<16xi32>
          %broadcast_in_dim3A_418 = vector.broadcast %reduce_sum3A_414 : f32 to vector<16xf32>
          %select_n3A_419 = arith.select %eq3A_417, %broadcast_in_dim3A_418, %select_n3A_403 : vector<16xi1>, vector<16xf32>
          %get3A_420 = arith.index_cast %add3A_337 : i32 to index
          %get3A_421 = arith.constant 80 : index
          %get3A_422 = tpu.vector_load %arg10[%get3A_420, %get3A_421] {strides = array<i32>} : memref<128x128xf32, #tpu.memory_space<vmem>>, vector<16xf32>,
          %get3A_423 = arith.index_cast %add3A_337 : i32 to index
          %get3A_424 = arith.constant 80 : index
          %get3A_425 = tpu.vector_load %arg12[%get3A_423, %get3A_424] {strides = array<i32>} : memref<128x128xf32, #tpu.memory_space<vmem>>, vector<16xf32>,
          %mul3A_426 = arith.mulf %get3A_422, %get3A_425 : vector<16xf32>
          %reduce_sum3A_427 = arith.constant true
          %reduce_sum3A_428 = vector.broadcast %reduce_sum3A_427 : i1 to vector<16xi1>
          %reduce_sum3A_429 = tpu.scan <sum>, %mul3A_426 masked %reduce_sum3A_428 : vector<16xf32>, vector<16xi1> -> vector<16xf32>
          %reduce_sum3A_430 = vector.extract %reduce_sum3A_429[15] : f32 from vector<16xf32>
          %eq3A_431 = arith.constant 5 : i32
          %eq3A_432 = vector.broadcast %eq3A_431 : i32 to vector<16xi32>
          %eq3A_433 = arith.cmpi eq, %iota3A, %eq3A_432 : vector<16xi32>
          %broadcast_in_dim3A_434 = vector.broadcast %reduce_sum3A_430 : f32 to vector<16xf32>
          %select_n3A_435 = arith.select %eq3A_433, %broadcast_in_dim3A_434, %select_n3A_419 : vector<16xi1>, vector<16xf32>
          %get3A_436 = arith.index_cast %add3A_337 : i32 to index
          %get3A_437 = arith.constant 96 : index
          %get3A_438 = tpu.vector_load %arg10[%get3A_436, %get3A_437] {strides = array<i32>} : memref<128x128xf32, #tpu.memory_space<vmem>>, vector<16xf32>,
          %get3A_439 = arith.index_cast %add3A_337 : i32 to index
          %get3A_440 = arith.constant 96 : index
          %get3A_441 = tpu.vector_load %arg12[%get3A_439, %get3A_440] {strides = array<i32>} : memref<128x128xf32, #tpu.memory_space<vmem>>, vector<16xf32>,
          %mul3A_442 = arith.mulf %get3A_438, %get3A_441 : vector<16xf32>
          %reduce_sum3A_443 = arith.constant true
          %reduce_sum3A_444 = vector.broadcast %reduce_sum3A_443 : i1 to vector<16xi1>
          %reduce_sum3A_445 = tpu.scan <sum>, %mul3A_442 masked %reduce_sum3A_444 : vector<16xf32>, vector<16xi1> -> vector<16xf32>
          %reduce_sum3A_446 = vector.extract %reduce_sum3A_445[15] : f32 from vector<16xf32>
          %eq3A_447 = arith.constant 6 : i32
          %eq3A_448 = vector.broadcast %eq3A_447 : i32 to vector<16xi32>
          %eq3A_449 = arith.cmpi eq, %iota3A, %eq3A_448 : vector<16xi32>
          %broadcast_in_dim3A_450 = vector.broadcast %reduce_sum3A_446 : f32 to vector<16xf32>
          %select_n3A_451 = arith.select %eq3A_449, %broadcast_in_dim3A_450, %select_n3A_435 : vector<16xi1>, vector<16xf32>
          %get3A_452 = arith.index_cast %add3A_337 : i32 to index
          %get3A_453 = arith.constant 112 : index
          %get3A_454 = tpu.vector_load %arg10[%get3A_452, %get3A_453] {strides = array<i32>} : memref<128x128xf32, #tpu.memory_space<vmem>>, vector<16xf32>,
          %get3A_455 = arith.index_cast %add3A_337 : i32 to index
          %get3A_456 = arith.constant 112 : index
          %get3A_457 = tpu.vector_load %arg12[%get3A_455, %get3A_456] {strides = array<i32>} : memref<128x128xf32, #tpu.memory_space<vmem>>, vector<16xf32>,
          %mul3A_458 = arith.mulf %get3A_454, %get3A_457 : vector<16xf32>
          %reduce_sum3A_459 = arith.constant true
          %reduce_sum3A_460 = vector.broadcast %reduce_sum3A_459 : i1 to vector<16xi1>
          %reduce_sum3A_461 = tpu.scan <sum>, %mul3A_458 masked %reduce_sum3A_460 : vector<16xf32>, vector<16xi1> -> vector<16xf32>
          %reduce_sum3A_462 = vector.extract %reduce_sum3A_461[15] : f32 from vector<16xf32>
          %eq3A_463 = arith.constant 7 : i32
          %eq3A_464 = vector.broadcast %eq3A_463 : i32 to vector<16xi32>
          %eq3A_465 = arith.cmpi eq, %iota3A, %eq3A_464 : vector<16xi32>
          %broadcast_in_dim3A_466 = vector.broadcast %reduce_sum3A_462 : f32 to vector<16xf32>
          %select_n3A_467 = arith.select %eq3A_465, %broadcast_in_dim3A_466, %select_n3A_451 : vector<16xi1>, vector<16xf32>
          %mul3A_468 = arith.constant 2.500000e-01 : f32
          %mul3A_469 = vector.broadcast %mul3A_468 : f32 to vector<16xf32>
          %mul3A_470 = arith.mulf %select_n3A_467, %mul3A_469 : vector<16xf32>
          %exp3A_471 = math.exp %mul3A_470 : vector<16xf32>
          %swap3A_472 = arith.index_cast %add3A_337 : i32 to index
          %swap3A_473 = arith.constant 0 : index
          %swap3A_474 = tpu.vector_load %arg13[%swap3A_472, %swap3A_473] {strides = array<i32>} : memref<128x16xf32, #tpu.memory_space<vmem>>, vector<16xf32>,
          tpu.vector_store %arg13[%swap3A_472, %swap3A_473], %exp3A_471 {strides = array<i32>} : memref<128x16xf32, #tpu.memory_space<vmem>>, vector<16xf32>,
          %mul3A_475 = arith.constant 4 : i32
          %mul3A_476 = arith.muli %scan3A_196, %mul3A_475 : i32
          %add3A_477 = arith.constant 2 : i32
          %add3A_478 = arith.addi %mul3A_476, %add3A_477 : i32
          %broadcast_in_dim3A_479 = arith.constant 0.000000e+00 : f32
          %broadcast_in_dim3A_480 = vector.broadcast %broadcast_in_dim3A_479 : f32 to vector<16xf32>
          %get3A_481 = arith.index_cast %add3A_478 : i32 to index
          %get3A_482 = arith.constant 0 : index
          %get3A_483 = tpu.vector_load %arg10[%get3A_481, %get3A_482] {strides = array<i32>} : memref<128x128xf32, #tpu.memory_space<vmem>>, vector<16xf32>,
          %get3A_484 = arith.index_cast %add3A_478 : i32 to index
          %get3A_485 = arith.constant 0 : index
          %get3A_486 = tpu.vector_load %arg12[%get3A_484, %get3A_485] {strides = array<i32>} : memref<128x128xf32, #tpu.memory_space<vmem>>, vector<16xf32>,
          %mul3A_487 = arith.mulf %get3A_483, %get3A_486 : vector<16xf32>
          %reduce_sum3A_488 = arith.constant true
          %reduce_sum3A_489 = vector.broadcast %reduce_sum3A_488 : i1 to vector<16xi1>
          %reduce_sum3A_490 = tpu.scan <sum>, %mul3A_487 masked %reduce_sum3A_489 : vector<16xf32>, vector<16xi1> -> vector<16xf32>
          %reduce_sum3A_491 = vector.extract %reduce_sum3A_490[15] : f32 from vector<16xf32>
          %eq3A_492 = arith.constant 0 : i32
          %eq3A_493 = vector.broadcast %eq3A_492 : i32 to vector<16xi32>
          %eq3A_494 = arith.cmpi eq, %iota3A, %eq3A_493 : vector<16xi32>
          %broadcast_in_dim3A_495 = vector.broadcast %reduce_sum3A_491 : f32 to vector<16xf32>
          %select_n3A_496 = arith.select %eq3A_494, %broadcast_in_dim3A_495, %broadcast_in_dim3A_480 : vector<16xi1>, vector<16xf32>
          %get3A_497 = arith.index_cast %add3A_478 : i32 to index
          %get3A_498 = arith.constant 16 : index
          %get3A_499 = tpu.vector_load %arg10[%get3A_497, %get3A_498] {strides = array<i32>} : memref<128x128xf32, #tpu.memory_space<vmem>>, vector<16xf32>,
          %get3A_500 = arith.index_cast %add3A_478 : i32 to index
          %get3A_501 = arith.constant 16 : index
          %get3A_502 = tpu.vector_load %arg12[%get3A_500, %get3A_501] {strides = array<i32>} : memref<128x128xf32, #tpu.memory_space<vmem>>, vector<16xf32>,
          %mul3A_503 = arith.mulf %get3A_499, %get3A_502 : vector<16xf32>
          %reduce_sum3A_504 = arith.constant true
          %reduce_sum3A_505 = vector.broadcast %reduce_sum3A_504 : i1 to vector<16xi1>
          %reduce_sum3A_506 = tpu.scan <sum>, %mul3A_503 masked %reduce_sum3A_505 : vector<16xf32>, vector<16xi1> -> vector<16xf32>
          %reduce_sum3A_507 = vector.extract %reduce_sum3A_506[15] : f32 from vector<16xf32>
          %eq3A_508 = arith.constant 1 : i32
          %eq3A_509 = vector.broadcast %eq3A_508 : i32 to vector<16xi32>
          %eq3A_510 = arith.cmpi eq, %iota3A, %eq3A_509 : vector<16xi32>
          %broadcast_in_dim3A_511 = vector.broadcast %reduce_sum3A_507 : f32 to vector<16xf32>
          %select_n3A_512 = arith.select %eq3A_510, %broadcast_in_dim3A_511, %select_n3A_496 : vector<16xi1>, vector<16xf32>
          %get3A_513 = arith.index_cast %add3A_478 : i32 to index
          %get3A_514 = arith.constant 32 : index
          %get3A_515 = tpu.vector_load %arg10[%get3A_513, %get3A_514] {strides = array<i32>} : memref<128x128xf32, #tpu.memory_space<vmem>>, vector<16xf32>,
          %get3A_516 = arith.index_cast %add3A_478 : i32 to index
          %get3A_517 = arith.constant 32 : index
          %get3A_518 = tpu.vector_load %arg12[%get3A_516, %get3A_517] {strides = array<i32>} : memref<128x128xf32, #tpu.memory_space<vmem>>, vector<16xf32>,
          %mul3A_519 = arith.mulf %get3A_515, %get3A_518 : vector<16xf32>
          %reduce_sum3A_520 = arith.constant true
          %reduce_sum3A_521 = vector.broadcast %reduce_sum3A_520 : i1 to vector<16xi1>
          %reduce_sum3A_522 = tpu.scan <sum>, %mul3A_519 masked %reduce_sum3A_521 : vector<16xf32>, vector<16xi1> -> vector<16xf32>
          %reduce_sum3A_523 = vector.extract %reduce_sum3A_522[15] : f32 from vector<16xf32>
          %eq3A_524 = arith.constant 2 : i32
          %eq3A_525 = vector.broadcast %eq3A_524 : i32 to vector<16xi32>
          %eq3A_526 = arith.cmpi eq, %iota3A, %eq3A_525 : vector<16xi32>
          %broadcast_in_dim3A_527 = vector.broadcast %reduce_sum3A_523 : f32 to vector<16xf32>
          %select_n3A_528 = arith.select %eq3A_526, %broadcast_in_dim3A_527, %select_n3A_512 : vector<16xi1>, vector<16xf32>
          %get3A_529 = arith.index_cast %add3A_478 : i32 to index
          %get3A_530 = arith.constant 48 : index
          %get3A_531 = tpu.vector_load %arg10[%get3A_529, %get3A_530] {strides = array<i32>} : memref<128x128xf32, #tpu.memory_space<vmem>>, vector<16xf32>,
          %get3A_532 = arith.index_cast %add3A_478 : i32 to index
          %get3A_533 = arith.constant 48 : index
          %get3A_534 = tpu.vector_load %arg12[%get3A_532, %get3A_533] {strides = array<i32>} : memref<128x128xf32, #tpu.memory_space<vmem>>, vector<16xf32>,
          %mul3A_535 = arith.mulf %get3A_531, %get3A_534 : vector<16xf32>
          %reduce_sum3A_536 = arith.constant true
          %reduce_sum3A_537 = vector.broadcast %reduce_sum3A_536 : i1 to vector<16xi1>
          %reduce_sum3A_538 = tpu.scan <sum>, %mul3A_535 masked %reduce_sum3A_537 : vector<16xf32>, vector<16xi1> -> vector<16xf32>
          %reduce_sum3A_539 = vector.extract %reduce_sum3A_538[15] : f32 from vector<16xf32>
          %eq3A_540 = arith.constant 3 : i32
          %eq3A_541 = vector.broadcast %eq3A_540 : i32 to vector<16xi32>
          %eq3A_542 = arith.cmpi eq, %iota3A, %eq3A_541 : vector<16xi32>
          %broadcast_in_dim3A_543 = vector.broadcast %reduce_sum3A_539 : f32 to vector<16xf32>
          %select_n3A_544 = arith.select %eq3A_542, %broadcast_in_dim3A_543, %select_n3A_528 : vector<16xi1>, vector<16xf32>
          %get3A_545 = arith.index_cast %add3A_478 : i32 to index
          %get3A_546 = arith.constant 64 : index
          %get3A_547 = tpu.vector_load %arg10[%get3A_545, %get3A_546] {strides = array<i32>} : memref<128x128xf32, #tpu.memory_space<vmem>>, vector<16xf32>,
          %get3A_548 = arith.index_cast %add3A_478 : i32 to index
          %get3A_549 = arith.constant 64 : index
          %get3A_550 = tpu.vector_load %arg12[%get3A_548, %get3A_549] {strides = array<i32>} : memref<128x128xf32, #tpu.memory_space<vmem>>, vector<16xf32>,
          %mul3A_551 = arith.mulf %get3A_547, %get3A_550 : vector<16xf32>
          %reduce_sum3A_552 = arith.constant true
          %reduce_sum3A_553 = vector.broadcast %reduce_sum3A_552 : i1 to vector<16xi1>
          %reduce_sum3A_554 = tpu.scan <sum>, %mul3A_551 masked %reduce_sum3A_553 : vector<16xf32>, vector<16xi1> -> vector<16xf32>
          %reduce_sum3A_555 = vector.extract %reduce_sum3A_554[15] : f32 from vector<16xf32>
          %eq3A_556 = arith.constant 4 : i32
          %eq3A_557 = vector.broadcast %eq3A_556 : i32 to vector<16xi32>
          %eq3A_558 = arith.cmpi eq, %iota3A, %eq3A_557 : vector<16xi32>
          %broadcast_in_dim3A_559 = vector.broadcast %reduce_sum3A_555 : f32 to vector<16xf32>
          %select_n3A_560 = arith.select %eq3A_558, %broadcast_in_dim3A_559, %select_n3A_544 : vector<16xi1>, vector<16xf32>
          %get3A_561 = arith.index_cast %add3A_478 : i32 to index
          %get3A_562 = arith.constant 80 : index
          %get3A_563 = tpu.vector_load %arg10[%get3A_561, %get3A_562] {strides = array<i32>} : memref<128x128xf32, #tpu.memory_space<vmem>>, vector<16xf32>,
          %get3A_564 = arith.index_cast %add3A_478 : i32 to index
          %get3A_565 = arith.constant 80 : index
          %get3A_566 = tpu.vector_load %arg12[%get3A_564, %get3A_565] {strides = array<i32>} : memref<128x128xf32, #tpu.memory_space<vmem>>, vector<16xf32>,
          %mul3A_567 = arith.mulf %get3A_563, %get3A_566 : vector<16xf32>
          %reduce_sum3A_568 = arith.constant true
          %reduce_sum3A_569 = vector.broadcast %reduce_sum3A_568 : i1 to vector<16xi1>
          %reduce_sum3A_570 = tpu.scan <sum>, %mul3A_567 masked %reduce_sum3A_569 : vector<16xf32>, vector<16xi1> -> vector<16xf32>
          %reduce_sum3A_571 = vector.extract %reduce_sum3A_570[15] : f32 from vector<16xf32>
          %eq3A_572 = arith.constant 5 : i32
          %eq3A_573 = vector.broadcast %eq3A_572 : i32 to vector<16xi32>
          %eq3A_574 = arith.cmpi eq, %iota3A, %eq3A_573 : vector<16xi32>
          %broadcast_in_dim3A_575 = vector.broadcast %reduce_sum3A_571 : f32 to vector<16xf32>
          %select_n3A_576 = arith.select %eq3A_574, %broadcast_in_dim3A_575, %select_n3A_560 : vector<16xi1>, vector<16xf32>
          %get3A_577 = arith.index_cast %add3A_478 : i32 to index
          %get3A_578 = arith.constant 96 : index
          %get3A_579 = tpu.vector_load %arg10[%get3A_577, %get3A_578] {strides = array<i32>} : memref<128x128xf32, #tpu.memory_space<vmem>>, vector<16xf32>,
          %get3A_580 = arith.index_cast %add3A_478 : i32 to index
          %get3A_581 = arith.constant 96 : index
          %get3A_582 = tpu.vector_load %arg12[%get3A_580, %get3A_581] {strides = array<i32>} : memref<128x128xf32, #tpu.memory_space<vmem>>, vector<16xf32>,
          %mul3A_583 = arith.mulf %get3A_579, %get3A_582 : vector<16xf32>
          %reduce_sum3A_584 = arith.constant true
          %reduce_sum3A_585 = vector.broadcast %reduce_sum3A_584 : i1 to vector<16xi1>
          %reduce_sum3A_586 = tpu.scan <sum>, %mul3A_583 masked %reduce_sum3A_585 : vector<16xf32>, vector<16xi1> -> vector<16xf32>
          %reduce_sum3A_587 = vector.extract %reduce_sum3A_586[15] : f32 from vector<16xf32>
          %eq3A_588 = arith.constant 6 : i32
          %eq3A_589 = vector.broadcast %eq3A_588 : i32 to vector<16xi32>
          %eq3A_590 = arith.cmpi eq, %iota3A, %eq3A_589 : vector<16xi32>
          %broadcast_in_dim3A_591 = vector.broadcast %reduce_sum3A_587 : f32 to vector<16xf32>
          %select_n3A_592 = arith.select %eq3A_590, %broadcast_in_dim3A_591, %select_n3A_576 : vector<16xi1>, vector<16xf32>
          %get3A_593 = arith.index_cast %add3A_478 : i32 to index
          %get3A_594 = arith.constant 112 : index
          %get3A_595 = tpu.vector_load %arg10[%get3A_593, %get3A_594] {strides = array<i32>} : memref<128x128xf32, #tpu.memory_space<vmem>>, vector<16xf32>,
          %get3A_596 = arith.index_cast %add3A_478 : i32 to index
          %get3A_597 = arith.constant 112 : index
          %get3A_598 = tpu.vector_load %arg12[%get3A_596, %get3A_597] {strides = array<i32>} : memref<128x128xf32, #tpu.memory_space<vmem>>, vector<16xf32>,
          %mul3A_599 = arith.mulf %get3A_595, %get3A_598 : vector<16xf32>
          %reduce_sum3A_600 = arith.constant true
          %reduce_sum3A_601 = vector.broadcast %reduce_sum3A_600 : i1 to vector<16xi1>
          %reduce_sum3A_602 = tpu.scan <sum>, %mul3A_599 masked %reduce_sum3A_601 : vector<16xf32>, vector<16xi1> -> vector<16xf32>
          %reduce_sum3A_603 = vector.extract %reduce_sum3A_602[15] : f32 from vector<16xf32>
          %eq3A_604 = arith.constant 7 : i32
          %eq3A_605 = vector.broadcast %eq3A_604 : i32 to vector<16xi32>
          %eq3A_606 = arith.cmpi eq, %iota3A, %eq3A_605 : vector<16xi32>
          %broadcast_in_dim3A_607 = vector.broadcast %reduce_sum3A_603 : f32 to vector<16xf32>
          %select_n3A_608 = arith.select %eq3A_606, %broadcast_in_dim3A_607, %select_n3A_592 : vector<16xi1>, vector<16xf32>
          %mul3A_609 = arith.constant 2.500000e-01 : f32
          %mul3A_610 = vector.broadcast %mul3A_609 : f32 to vector<16xf32>
          %mul3A_611 = arith.mulf %select_n3A_608, %mul3A_610 : vector<16xf32>
          %exp3A_612 = math.exp %mul3A_611 : vector<16xf32>
          %swap3A_613 = arith.index_cast %add3A_478 : i32 to index
          %swap3A_614 = arith.constant 0 : index
          %swap3A_615 = tpu.vector_load %arg13[%swap3A_613, %swap3A_614] {strides = array<i32>} : memref<128x16xf32, #tpu.memory_space<vmem>>, vector<16xf32>,
          tpu.vector_store %arg13[%swap3A_613, %swap3A_614], %exp3A_612 {strides = array<i32>} : memref<128x16xf32, #tpu.memory_space<vmem>>, vector<16xf32>,
          %mul3A_616 = arith.constant 4 : i32
          %mul3A_617 = arith.muli %scan3A_196, %mul3A_616 : i32
          %add3A_618 = arith.constant 3 : i32
          %add3A_619 = arith.addi %mul3A_617, %add3A_618 : i32
          %broadcast_in_dim3A_620 = arith.constant 0.000000e+00 : f32
          %broadcast_in_dim3A_621 = vector.broadcast %broadcast_in_dim3A_620 : f32 to vector<16xf32>
          %get3A_622 = arith.index_cast %add3A_619 : i32 to index
          %get3A_623 = arith.constant 0 : index
          %get3A_624 = tpu.vector_load %arg10[%get3A_622, %get3A_623] {strides = array<i32>} : memref<128x128xf32, #tpu.memory_space<vmem>>, vector<16xf32>,
          %get3A_625 = arith.index_cast %add3A_619 : i32 to index
          %get3A_626 = arith.constant 0 : index
          %get3A_627 = tpu.vector_load %arg12[%get3A_625, %get3A_626] {strides = array<i32>} : memref<128x128xf32, #tpu.memory_space<vmem>>, vector<16xf32>,
          %mul3A_628 = arith.mulf %get3A_624, %get3A_627 : vector<16xf32>
          %reduce_sum3A_629 = arith.constant true
          %reduce_sum3A_630 = vector.broadcast %reduce_sum3A_629 : i1 to vector<16xi1>
          %reduce_sum3A_631 = tpu.scan <sum>, %mul3A_628 masked %reduce_sum3A_630 : vector<16xf32>, vector<16xi1> -> vector<16xf32>
          %reduce_sum3A_632 = vector.extract %reduce_sum3A_631[15] : f32 from vector<16xf32>
          %eq3A_633 = arith.constant 0 : i32
          %eq3A_634 = vector.broadcast %eq3A_633 : i32 to vector<16xi32>
          %eq3A_635 = arith.cmpi eq, %iota3A, %eq3A_634 : vector<16xi32>
          %broadcast_in_dim3A_636 = vector.broadcast %reduce_sum3A_632 : f32 to vector<16xf32>
          %select_n3A_637 = arith.select %eq3A_635, %broadcast_in_dim3A_636, %broadcast_in_dim3A_621 : vector<16xi1>, vector<16xf32>
          %get3A_638 = arith.index_cast %add3A_619 : i32 to index
          %get3A_639 = arith.constant 16 : index
          %get3A_640 = tpu.vector_load %arg10[%get3A_638, %get3A_639] {strides = array<i32>} : memref<128x128xf32, #tpu.memory_space<vmem>>, vector<16xf32>,
          %get3A_641 = arith.index_cast %add3A_619 : i32 to index
          %get3A_642 = arith.constant 16 : index
          %get3A_643 = tpu.vector_load %arg12[%get3A_641, %get3A_642] {strides = array<i32>} : memref<128x128xf32, #tpu.memory_space<vmem>>, vector<16xf32>,
          %mul3A_644 = arith.mulf %get3A_640, %get3A_643 : vector<16xf32>
          %reduce_sum3A_645 = arith.constant true
          %reduce_sum3A_646 = vector.broadcast %reduce_sum3A_645 : i1 to vector<16xi1>
          %reduce_sum3A_647 = tpu.scan <sum>, %mul3A_644 masked %reduce_sum3A_646 : vector<16xf32>, vector<16xi1> -> vector<16xf32>
          %reduce_sum3A_648 = vector.extract %reduce_sum3A_647[15] : f32 from vector<16xf32>
          %eq3A_649 = arith.constant 1 : i32
          %eq3A_650 = vector.broadcast %eq3A_649 : i32 to vector<16xi32>
          %eq3A_651 = arith.cmpi eq, %iota3A, %eq3A_650 : vector<16xi32>
          %broadcast_in_dim3A_652 = vector.broadcast %reduce_sum3A_648 : f32 to vector<16xf32>
          %select_n3A_653 = arith.select %eq3A_651, %broadcast_in_dim3A_652, %select_n3A_637 : vector<16xi1>, vector<16xf32>
          %get3A_654 = arith.index_cast %add3A_619 : i32 to index
          %get3A_655 = arith.constant 32 : index
          %get3A_656 = tpu.vector_load %arg10[%get3A_654, %get3A_655] {strides = array<i32>} : memref<128x128xf32, #tpu.memory_space<vmem>>, vector<16xf32>,
          %get3A_657 = arith.index_cast %add3A_619 : i32 to index
          %get3A_658 = arith.constant 32 : index
          %get3A_659 = tpu.vector_load %arg12[%get3A_657, %get3A_658] {strides = array<i32>} : memref<128x128xf32, #tpu.memory_space<vmem>>, vector<16xf32>,
          %mul3A_660 = arith.mulf %get3A_656, %get3A_659 : vector<16xf32>
          %reduce_sum3A_661 = arith.constant true
          %reduce_sum3A_662 = vector.broadcast %reduce_sum3A_661 : i1 to vector<16xi1>
          %reduce_sum3A_663 = tpu.scan <sum>, %mul3A_660 masked %reduce_sum3A_662 : vector<16xf32>, vector<16xi1> -> vector<16xf32>
          %reduce_sum3A_664 = vector.extract %reduce_sum3A_663[15] : f32 from vector<16xf32>
          %eq3A_665 = arith.constant 2 : i32
          %eq3A_666 = vector.broadcast %eq3A_665 : i32 to vector<16xi32>
          %eq3A_667 = arith.cmpi eq, %iota3A, %eq3A_666 : vector<16xi32>
          %broadcast_in_dim3A_668 = vector.broadcast %reduce_sum3A_664 : f32 to vector<16xf32>
          %select_n3A_669 = arith.select %eq3A_667, %broadcast_in_dim3A_668, %select_n3A_653 : vector<16xi1>, vector<16xf32>
          %get3A_670 = arith.index_cast %add3A_619 : i32 to index
          %get3A_671 = arith.constant 48 : index
          %get3A_672 = tpu.vector_load %arg10[%get3A_670, %get3A_671] {strides = array<i32>} : memref<128x128xf32, #tpu.memory_space<vmem>>, vector<16xf32>,
          %get3A_673 = arith.index_cast %add3A_619 : i32 to index
          %get3A_674 = arith.constant 48 : index
          %get3A_675 = tpu.vector_load %arg12[%get3A_673, %get3A_674] {strides = array<i32>} : memref<128x128xf32, #tpu.memory_space<vmem>>, vector<16xf32>,
          %mul3A_676 = arith.mulf %get3A_672, %get3A_675 : vector<16xf32>
          %reduce_sum3A_677 = arith.constant true
          %reduce_sum3A_678 = vector.broadcast %reduce_sum3A_677 : i1 to vector<16xi1>
          %reduce_sum3A_679 = tpu.scan <sum>, %mul3A_676 masked %reduce_sum3A_678 : vector<16xf32>, vector<16xi1> -> vector<16xf32>
          %reduce_sum3A_680 = vector.extract %reduce_sum3A_679[15] : f32 from vector<16xf32>
          %eq3A_681 = arith.constant 3 : i32
          %eq3A_682 = vector.broadcast %eq3A_681 : i32 to vector<16xi32>
          %eq3A_683 = arith.cmpi eq, %iota3A, %eq3A_682 : vector<16xi32>
          %broadcast_in_dim3A_684 = vector.broadcast %reduce_sum3A_680 : f32 to vector<16xf32>
          %select_n3A_685 = arith.select %eq3A_683, %broadcast_in_dim3A_684, %select_n3A_669 : vector<16xi1>, vector<16xf32>
          %get3A_686 = arith.index_cast %add3A_619 : i32 to index
          %get3A_687 = arith.constant 64 : index
          %get3A_688 = tpu.vector_load %arg10[%get3A_686, %get3A_687] {strides = array<i32>} : memref<128x128xf32, #tpu.memory_space<vmem>>, vector<16xf32>,
          %get3A_689 = arith.index_cast %add3A_619 : i32 to index
          %get3A_690 = arith.constant 64 : index
          %get3A_691 = tpu.vector_load %arg12[%get3A_689, %get3A_690] {strides = array<i32>} : memref<128x128xf32, #tpu.memory_space<vmem>>, vector<16xf32>,
          %mul3A_692 = arith.mulf %get3A_688, %get3A_691 : vector<16xf32>
          %reduce_sum3A_693 = arith.constant true
          %reduce_sum3A_694 = vector.broadcast %reduce_sum3A_693 : i1 to vector<16xi1>
          %reduce_sum3A_695 = tpu.scan <sum>, %mul3A_692 masked %reduce_sum3A_694 : vector<16xf32>, vector<16xi1> -> vector<16xf32>
          %reduce_sum3A_696 = vector.extract %reduce_sum3A_695[15] : f32 from vector<16xf32>
          %eq3A_697 = arith.constant 4 : i32
          %eq3A_698 = vector.broadcast %eq3A_697 : i32 to vector<16xi32>
          %eq3A_699 = arith.cmpi eq, %iota3A, %eq3A_698 : vector<16xi32>
          %broadcast_in_dim3A_700 = vector.broadcast %reduce_sum3A_696 : f32 to vector<16xf32>
          %select_n3A_701 = arith.select %eq3A_699, %broadcast_in_dim3A_700, %select_n3A_685 : vector<16xi1>, vector<16xf32>
          %get3A_702 = arith.index_cast %add3A_619 : i32 to index
          %get3A_703 = arith.constant 80 : index
          %get3A_704 = tpu.vector_load %arg10[%get3A_702, %get3A_703] {strides = array<i32>} : memref<128x128xf32, #tpu.memory_space<vmem>>, vector<16xf32>,
          %get3A_705 = arith.index_cast %add3A_619 : i32 to index
          %get3A_706 = arith.constant 80 : index
          %get3A_707 = tpu.vector_load %arg12[%get3A_705, %get3A_706] {strides = array<i32>} : memref<128x128xf32, #tpu.memory_space<vmem>>, vector<16xf32>,
          %mul3A_708 = arith.mulf %get3A_704, %get3A_707 : vector<16xf32>
          %reduce_sum3A_709 = arith.constant true
          %reduce_sum3A_710 = vector.broadcast %reduce_sum3A_709 : i1 to vector<16xi1>
          %reduce_sum3A_711 = tpu.scan <sum>, %mul3A_708 masked %reduce_sum3A_710 : vector<16xf32>, vector<16xi1> -> vector<16xf32>
          %reduce_sum3A_712 = vector.extract %reduce_sum3A_711[15] : f32 from vector<16xf32>
          %eq3A_713 = arith.constant 5 : i32
          %eq3A_714 = vector.broadcast %eq3A_713 : i32 to vector<16xi32>
          %eq3A_715 = arith.cmpi eq, %iota3A, %eq3A_714 : vector<16xi32>
          %broadcast_in_dim3A_716 = vector.broadcast %reduce_sum3A_712 : f32 to vector<16xf32>
          %select_n3A_717 = arith.select %eq3A_715, %broadcast_in_dim3A_716, %select_n3A_701 : vector<16xi1>, vector<16xf32>
          %get3A_718 = arith.index_cast %add3A_619 : i32 to index
          %get3A_719 = arith.constant 96 : index
          %get3A_720 = tpu.vector_load %arg10[%get3A_718, %get3A_719] {strides = array<i32>} : memref<128x128xf32, #tpu.memory_space<vmem>>, vector<16xf32>,
          %get3A_721 = arith.index_cast %add3A_619 : i32 to index
          %get3A_722 = arith.constant 96 : index
          %get3A_723 = tpu.vector_load %arg12[%get3A_721, %get3A_722] {strides = array<i32>} : memref<128x128xf32, #tpu.memory_space<vmem>>, vector<16xf32>,
          %mul3A_724 = arith.mulf %get3A_720, %get3A_723 : vector<16xf32>
          %reduce_sum3A_725 = arith.constant true
          %reduce_sum3A_726 = vector.broadcast %reduce_sum3A_725 : i1 to vector<16xi1>
          %reduce_sum3A_727 = tpu.scan <sum>, %mul3A_724 masked %reduce_sum3A_726 : vector<16xf32>, vector<16xi1> -> vector<16xf32>
          %reduce_sum3A_728 = vector.extract %reduce_sum3A_727[15] : f32 from vector<16xf32>
          %eq3A_729 = arith.constant 6 : i32
          %eq3A_730 = vector.broadcast %eq3A_729 : i32 to vector<16xi32>
          %eq3A_731 = arith.cmpi eq, %iota3A, %eq3A_730 : vector<16xi32>
          %broadcast_in_dim3A_732 = vector.broadcast %reduce_sum3A_728 : f32 to vector<16xf32>
          %select_n3A_733 = arith.select %eq3A_731, %broadcast_in_dim3A_732, %select_n3A_717 : vector<16xi1>, vector<16xf32>
          %get3A_734 = arith.index_cast %add3A_619 : i32 to index
          %get3A_735 = arith.constant 112 : index
          %get3A_736 = tpu.vector_load %arg10[%get3A_734, %get3A_735] {strides = array<i32>} : memref<128x128xf32, #tpu.memory_space<vmem>>, vector<16xf32>,
          %get3A_737 = arith.index_cast %add3A_619 : i32 to index
          %get3A_738 = arith.constant 112 : index
          %get3A_739 = tpu.vector_load %arg12[%get3A_737, %get3A_738] {strides = array<i32>} : memref<128x128xf32, #tpu.memory_space<vmem>>, vector<16xf32>,
          %mul3A_740 = arith.mulf %get3A_736, %get3A_739 : vector<16xf32>
          %reduce_sum3A_741 = arith.constant true
          %reduce_sum3A_742 = vector.broadcast %reduce_sum3A_741 : i1 to vector<16xi1>
          %reduce_sum3A_743 = tpu.scan <sum>, %mul3A_740 masked %reduce_sum3A_742 : vector<16xf32>, vector<16xi1> -> vector<16xf32>
          %reduce_sum3A_744 = vector.extract %reduce_sum3A_743[15] : f32 from vector<16xf32>
          %eq3A_745 = arith.constant 7 : i32
          %eq3A_746 = vector.broadcast %eq3A_745 : i32 to vector<16xi32>
          %eq3A_747 = arith.cmpi eq, %iota3A, %eq3A_746 : vector<16xi32>
          %broadcast_in_dim3A_748 = vector.broadcast %reduce_sum3A_744 : f32 to vector<16xf32>
          %select_n3A_749 = arith.select %eq3A_747, %broadcast_in_dim3A_748, %select_n3A_733 : vector<16xi1>, vector<16xf32>
          %mul3A_750 = arith.constant 2.500000e-01 : f32
          %mul3A_751 = vector.broadcast %mul3A_750 : f32 to vector<16xf32>
          %mul3A_752 = arith.mulf %select_n3A_749, %mul3A_751 : vector<16xf32>
          %exp3A_753 = math.exp %mul3A_752 : vector<16xf32>
          %swap3A_754 = arith.index_cast %add3A_619 : i32 to index
          %swap3A_755 = arith.constant 0 : index
          %swap3A_756 = tpu.vector_load %arg13[%swap3A_754, %swap3A_755] {strides = array<i32>} : memref<128x16xf32, #tpu.memory_space<vmem>>, vector<16xf32>,
          tpu.vector_store %arg13[%swap3A_754, %swap3A_755], %exp3A_753 {strides = array<i32>} : memref<128x16xf32, #tpu.memory_space<vmem>>, vector<16xf32>,
          %scan3A_757 = arith.constant 0 : i32
          scf.yield %scan3A_757 : i32
        }
        %scan3A_184 = arith.constant 32 : i32
        %run_scoped3A = arith.constant 1 : i32
        "tpu.region"() ({
          %run_scoped3A_196 = tpu.sem_alloc : memref<!tpu.dma_semaphore, #tpu.memory_space<semaphore_mem>>
          %dma_start3A_197 = arith.constant 0 : i32
          %dma_start3A_198 = tpu.memref_slice %arg8[%run_scoped3A, %dma_start3A_197] : memref<2x128xi32, #tpu.memory_space<vmem>> -> memref<1x128xi32, #tpu.memory_space<vmem>>
          %dma_start3A_199 = tpu.memref_squeeze %dma_start3A_198 : memref<1x128xi32, #tpu.memory_space<vmem>> -> memref<128xi32, #tpu.memory_space<vmem>>
          %dma_start3A_200 = arith.constant 0 : i32
          %dma_start3A_201 = arith.constant 0 : i32
          %dma_start3A_202 = tpu.memref_slice %arg14[%dma_start3A_200, %dma_start3A_201] : memref<10000x16xf32, #tpu.memory_space<vmem_shared>> -> memref<10000x16xf32, #tpu.memory_space<vmem_shared>>
          tpu.enqueue_indirect_dma source(%arg13 : memref<128x16xf32, #tpu.memory_space<vmem>>) target(%dma_start3A_202 : memref<10000x16xf32, #tpu.memory_space<vmem_shared>>) offsets(%dma_start3A_199 : memref<128xi32, #tpu.memory_space<vmem>>) semaphore(%run_scoped3A_196 : memref<!tpu.dma_semaphore, #tpu.memory_space<semaphore_mem>>) {add = true}
          %dma_wait3A_203 = arith.constant 0 : i32
          %dma_wait3A_204 = tpu.memref_slice %arg8[%run_scoped3A, %dma_wait3A_203] : memref<2x128xi32, #tpu.memory_space<vmem>> -> memref<1x128xi32, #tpu.memory_space<vmem>>
          %dma_wait3A_205 = tpu.memref_squeeze %dma_wait3A_204 : memref<1x128xi32, #tpu.memory_space<vmem>> -> memref<128xi32, #tpu.memory_space<vmem>>
          %dma_wait3A_206 = arith.constant 0 : i32
          %dma_wait3A_207 = arith.constant 0 : i32
          %dma_wait3A_208 = tpu.memref_slice %arg14[%dma_wait3A_206, %dma_wait3A_207] : memref<10000x16xf32, #tpu.memory_space<vmem_shared>> -> memref<10000x16xf32, #tpu.memory_space<vmem_shared>>
          tpu.wait_indirect_dma semaphore(%run_scoped3A_196 : memref<!tpu.dma_semaphore, #tpu.memory_space<semaphore_mem>>) src(%arg13 : memref<128x16xf32, #tpu.memory_space<vmem>>) dst(%dma_wait3A_208 : memref<10000x16xf32, #tpu.memory_space<vmem_shared>>)
          tpu.yield
        }) : () -> ()
        %mul3A_185 = arith.constant 32 : i32
        %mul3A_186 = arith.muli %add3A_153, %mul3A_185 : i32
        %add3A_187 = arith.addi %add3A, %mul3A_186 : i32
        %mul3A_188 = arith.constant 128 : i32
        %mul3A_189 = arith.muli %add3A_187, %mul3A_188 : i32
        "tpu.region"() ({
          %run_scoped3A_196 = tpu.sem_alloc : memref<!tpu.dma_semaphore, #tpu.memory_space<semaphore_mem>>
          %dma_start3A_197 = arith.constant 0 : i32
          %dma_start3A_198 = tpu.memref_slice %arg5[%mul3A_189, %dma_start3A_197] : memref<320000x16xf32, #tpu.memory_space<hbm>> -> memref<128x16xf32, #tpu.memory_space<hbm>>
          %dma_start3A_199 = arith.constant 0 : i32
          %dma_start3A_200 = tpu.memref_slice %arg5[%mul3A_189, %dma_start3A_199] : memref<320000x16xf32, #tpu.memory_space<hbm>> -> memref<128x16xf32, #tpu.memory_space<hbm>>
          tpu.enqueue_dma source(%arg13 : memref<128x16xf32, #tpu.memory_space<vmem>>) target(%dma_start3A_200 : memref<128x16xf32, #tpu.memory_space<hbm>>) target_semaphore(%run_scoped3A_196 : memref<!tpu.dma_semaphore, #tpu.memory_space<semaphore_mem>>)
          %dma_wait3A_201 = arith.constant 0 : i32
          %dma_wait3A_202 = tpu.memref_slice %arg5[%mul3A_189, %dma_wait3A_201] : memref<320000x16xf32, #tpu.memory_space<hbm>> -> memref<128x16xf32, #tpu.memory_space<hbm>>
          %dma_wait3A_203 = arith.constant 0 : i32
          %dma_wait3A_204 = tpu.memref_slice %arg5[%mul3A_189, %dma_wait3A_203] : memref<320000x16xf32, #tpu.memory_space<hbm>> -> memref<128x16xf32, #tpu.memory_space<hbm>>
          tpu.wait_dma2 semaphore(%run_scoped3A_196 : memref<!tpu.dma_semaphore, #tpu.memory_space<semaphore_mem>>) src(%arg13 : memref<128x16xf32, #tpu.memory_space<vmem>>) dst(%dma_wait3A_204 : memref<128x16xf32, #tpu.memory_space<hbm>>)
          tpu.yield
        }) : () -> ()
        %add3A_190 = arith.constant 2 : i32
        %add3A_191 = arith.addi %add3A_153, %add3A_190 : i32
        %lt3A_192 = arith.cmpi slt, %add3A_191, %select_n3A_70 : i32
        %convert_element_type3A_193 = arith.extui %lt3A_192 : i1 to i32
        %cond3A_194 = arith.constant 0 : i32
        %cond3A_195 = arith.cmpi ne, %convert_element_type3A_193, %cond3A_194 : i32
        scf.if %cond3A_195 {
          %add3A_196 = arith.constant 2 : i32
          %add3A_197 = arith.addi %add3A_153, %add3A_196 : i32
          %mul3A_198 = arith.constant 32 : i32
          %mul3A_199 = arith.muli %add3A_197, %mul3A_198 : i32
          %add3A_200 = arith.addi %add3A, %mul3A_199 : i32
          %mul3A_201 = arith.constant 128 : i32
          %mul3A_202 = arith.muli %add3A_200, %mul3A_201 : i32
          %dma_start3A_203 = arith.constant 0 : i32
          %dma_start3A_204 = tpu.memref_slice %arg2[%dma_start3A_203, %mul3A_202] : memref<2x320000xi32, #tpu.memory_space<hbm>> -> memref<2x128xi32, #tpu.memory_space<hbm>>
          %dma_start3A_205 = arith.constant 0 : i32
          %dma_start3A_206 = tpu.memref_slice %arg2[%dma_start3A_205, %mul3A_202] : memref<2x320000xi32, #tpu.memory_space<hbm>> -> memref<2x128xi32, #tpu.memory_space<hbm>>
          tpu.enqueue_dma source(%dma_start3A_206 : memref<2x128xi32, #tpu.memory_space<hbm>>) target(%arg8 : memref<2x128xi32, #tpu.memory_space<vmem>>) target_semaphore(%arg20 : memref<!tpu.dma_semaphore, #tpu.memory_space<semaphore_mem>>)
        } else {
        }
      } else {
      }
      %while3A_158 = arith.constant 0 : i32
      scf.yield %while3A_158 : i32
    }
    %while3A_126 = arith.constant 1 : i32
    %while3A_127 = scf.for %while3A_141 = %while3A_123 to %while3A_119 step %while3A_126 iter_args(%while3A_142 = %while3A_125) -> (i32)  : i32 {
      %mul3A_143 = arith.constant 2 : i32
      %mul3A_144 = arith.muli %mul3A_143, %while3A_141 : i32
      %add3A_145 = arith.constant 0 : i32
      %add3A_146 = arith.addi %mul3A_144, %add3A_145 : i32
      %lt3A = arith.cmpi slt, %add3A_146, %select_n3A_70 : i32
      %convert_element_type3A_147 = arith.extui %lt3A : i1 to i32
      %cond3A_148 = arith.constant 0 : i32
      %cond3A_149 = arith.cmpi ne, %convert_element_type3A_147, %cond3A_148 : i32
      scf.if %cond3A_149 {
        %add3A_159 = arith.constant 1 : i32
        %add3A_160 = arith.addi %add3A_146, %add3A_159 : i32
        %lt3A_161 = arith.cmpi slt, %add3A_160, %select_n3A_70 : i32
        %convert_element_type3A_162 = arith.extui %lt3A_161 : i1 to i32
        %cond3A_163 = arith.constant 0 : i32
        %cond3A_164 = arith.cmpi ne, %convert_element_type3A_162, %cond3A_163 : i32
        scf.if %cond3A_164 {
          %add3A_196 = arith.constant 1 : i32
          %add3A_197 = arith.addi %add3A_146, %add3A_196 : i32
          %mul3A_198 = arith.constant 32 : i32
          %mul3A_199 = arith.muli %add3A_197, %mul3A_198 : i32
          %add3A_200 = arith.addi %add3A, %mul3A_199 : i32
          %mul3A_201 = arith.constant 128 : i32
          %mul3A_202 = arith.muli %add3A_200, %mul3A_201 : i32
          %dma_wait3A_203 = arith.constant 0 : i32
          %dma_wait3A_204 = tpu.memref_slice %arg2[%dma_wait3A_203, %mul3A_202] : memref<2x320000xi32, #tpu.memory_space<hbm>> -> memref<2x128xi32, #tpu.memory_space<hbm>>
          %dma_wait3A_205 = arith.constant 0 : i32
          %dma_wait3A_206 = tpu.memref_slice %arg2[%dma_wait3A_205, %mul3A_202] : memref<2x320000xi32, #tpu.memory_space<hbm>> -> memref<2x128xi32, #tpu.memory_space<hbm>>
          tpu.wait_dma2 semaphore(%arg20 : memref<!tpu.dma_semaphore, #tpu.memory_space<semaphore_mem>>) src(%dma_wait3A_206 : memref<2x128xi32, #tpu.memory_space<hbm>>) dst(%arg8 : memref<2x128xi32, #tpu.memory_space<vmem>>)
          %dma_start3A_207 = arith.constant 0 : i32
          %dma_start3A_208 = arith.constant 0 : i32
          %dma_start3A_209 = tpu.memref_slice %arg8[%dma_start3A_207, %dma_start3A_208] : memref<2x128xi32, #tpu.memory_space<vmem>> -> memref<1x128xi32, #tpu.memory_space<vmem>>
          %dma_start3A_210 = tpu.memref_squeeze %dma_start3A_209 : memref<1x128xi32, #tpu.memory_space<vmem>> -> memref<128xi32, #tpu.memory_space<vmem>>
          %dma_start3A_211 = arith.constant 0 : i32
          %dma_start3A_212 = arith.constant 0 : i32
          %dma_start3A_213 = tpu.memref_slice %arg4[%dma_start3A_211, %dma_start3A_212] : memref<10000x128xf32, #tpu.memory_space<hbm>> -> memref<10000x128xf32, #tpu.memory_space<hbm>>
          tpu.enqueue_indirect_dma source(%dma_start3A_213 : memref<10000x128xf32, #tpu.memory_space<hbm>>) target(%arg10 : memref<128x128xf32, #tpu.memory_space<vmem>>) offsets(%dma_start3A_210 : memref<128xi32, #tpu.memory_space<vmem>>) semaphore(%arg16 : memref<!tpu.dma_semaphore, #tpu.memory_space<semaphore_mem>>)
          %dma_start3A_214 = arith.constant 1 : i32
          %dma_start3A_215 = arith.constant 0 : i32
          %dma_start3A_216 = tpu.memref_slice %arg8[%dma_start3A_214, %dma_start3A_215] : memref<2x128xi32, #tpu.memory_space<vmem>> -> memref<1x128xi32, #tpu.memory_space<vmem>>
          %dma_start3A_217 = tpu.memref_squeeze %dma_start3A_216 : memref<1x128xi32, #tpu.memory_space<vmem>> -> memref<128xi32, #tpu.memory_space<vmem>>
          %dma_start3A_218 = arith.constant 0 : i32
          %dma_start3A_219 = arith.constant 0 : i32
          %dma_start3A_220 = tpu.memref_slice %arg3[%dma_start3A_218, %dma_start3A_219] : memref<10000x128xf32, #tpu.memory_space<hbm>> -> memref<10000x128xf32, #tpu.memory_space<hbm>>
          tpu.enqueue_indirect_dma source(%dma_start3A_220 : memref<10000x128xf32, #tpu.memory_space<hbm>>) target(%arg12 : memref<128x128xf32, #tpu.memory_space<vmem>>) offsets(%dma_start3A_217 : memref<128xi32, #tpu.memory_space<vmem>>) semaphore(%arg18 : memref<!tpu.dma_semaphore, #tpu.memory_space<semaphore_mem>>)
        } else {
        }
        %dma_wait3A = arith.constant 0 : i32
        %dma_wait3A_165 = arith.constant 0 : i32
        %dma_wait3A_166 = tpu.memref_slice %arg7[%dma_wait3A, %dma_wait3A_165] : memref<2x128xi32, #tpu.memory_space<vmem>> -> memref<1x128xi32, #tpu.memory_space<vmem>>
        %dma_wait3A_167 = tpu.memref_squeeze %dma_wait3A_166 : memref<1x128xi32, #tpu.memory_space<vmem>> -> memref<128xi32, #tpu.memory_space<vmem>>
        %dma_wait3A_168 = arith.constant 0 : i32
        %dma_wait3A_169 = arith.constant 0 : i32
        %dma_wait3A_170 = tpu.memref_slice %arg4[%dma_wait3A_168, %dma_wait3A_169] : memref<10000x128xf32, #tpu.memory_space<hbm>> -> memref<10000x128xf32, #tpu.memory_space<hbm>>
        tpu.wait_indirect_dma semaphore(%arg15 : memref<!tpu.dma_semaphore, #tpu.memory_space<semaphore_mem>>) src(%dma_wait3A_170 : memref<10000x128xf32, #tpu.memory_space<hbm>>) dst(%arg9 : memref<128x128xf32, #tpu.memory_space<vmem>>)
        %dma_wait3A_171 = arith.constant 1 : i32
        %dma_wait3A_172 = arith.constant 0 : i32
        %dma_wait3A_173 = tpu.memref_slice %arg7[%dma_wait3A_171, %dma_wait3A_172] : memref<2x128xi32, #tpu.memory_space<vmem>> -> memref<1x128xi32, #tpu.memory_space<vmem>>
        %dma_wait3A_174 = tpu.memref_squeeze %dma_wait3A_173 : memref<1x128xi32, #tpu.memory_space<vmem>> -> memref<128xi32, #tpu.memory_space<vmem>>
        %dma_wait3A_175 = arith.constant 0 : i32
        %dma_wait3A_176 = arith.constant 0 : i32
        %dma_wait3A_177 = tpu.memref_slice %arg3[%dma_wait3A_175, %dma_wait3A_176] : memref<10000x128xf32, #tpu.memory_space<hbm>> -> memref<10000x128xf32, #tpu.memory_space<hbm>>
        tpu.wait_indirect_dma semaphore(%arg17 : memref<!tpu.dma_semaphore, #tpu.memory_space<semaphore_mem>>) src(%dma_wait3A_177 : memref<10000x128xf32, #tpu.memory_space<hbm>>) dst(%arg11 : memref<128x128xf32, #tpu.memory_space<vmem>>)
        %scan3A_178 = arith.constant 0 : i32
        %scan3A_179 = arith.constant 0 : i32
        %scan3A_180 = arith.constant 32 : i32
        %scan3A_181 = arith.addi %scan3A_179, %scan3A_180 : i32
        %scan3A_182 = arith.constant 1 : i32
        %scan3A_183 = scf.for %scan3A_196 = %scan3A_179 to %scan3A_181 step %scan3A_182 iter_args(%scan3A_197 = %scan3A_178) -> (i32)  : i32 {
          %mul3A_198 = arith.constant 4 : i32
          %mul3A_199 = arith.muli %scan3A_196, %mul3A_198 : i32
          %add3A_200 = arith.constant 0 : i32
          %add3A_201 = arith.addi %mul3A_199, %add3A_200 : i32
          %broadcast_in_dim3A_202 = arith.constant 0.000000e+00 : f32
          %broadcast_in_dim3A_203 = vector.broadcast %broadcast_in_dim3A_202 : f32 to vector<16xf32>
          %get3A = arith.index_cast %add3A_201 : i32 to index
          %get3A_204 = arith.constant 0 : index
          %get3A_205 = tpu.vector_load %arg9[%get3A, %get3A_204] {strides = array<i32>} : memref<128x128xf32, #tpu.memory_space<vmem>>, vector<16xf32>,
          %get3A_206 = arith.index_cast %add3A_201 : i32 to index
          %get3A_207 = arith.constant 0 : index
          %get3A_208 = tpu.vector_load %arg11[%get3A_206, %get3A_207] {strides = array<i32>} : memref<128x128xf32, #tpu.memory_space<vmem>>, vector<16xf32>,
          %mul3A_209 = arith.mulf %get3A_205, %get3A_208 : vector<16xf32>
          %reduce_sum3A = arith.constant true
          %reduce_sum3A_210 = vector.broadcast %reduce_sum3A : i1 to vector<16xi1>
          %reduce_sum3A_211 = tpu.scan <sum>, %mul3A_209 masked %reduce_sum3A_210 : vector<16xf32>, vector<16xi1> -> vector<16xf32>
          %reduce_sum3A_212 = vector.extract %reduce_sum3A_211[15] : f32 from vector<16xf32>
          %eq3A = arith.constant 0 : i32
          %eq3A_213 = vector.broadcast %eq3A : i32 to vector<16xi32>
          %eq3A_214 = arith.cmpi eq, %iota3A, %eq3A_213 : vector<16xi32>
          %broadcast_in_dim3A_215 = vector.broadcast %reduce_sum3A_212 : f32 to vector<16xf32>
          %select_n3A_216 = arith.select %eq3A_214, %broadcast_in_dim3A_215, %broadcast_in_dim3A_203 : vector<16xi1>, vector<16xf32>
          %get3A_217 = arith.index_cast %add3A_201 : i32 to index
          %get3A_218 = arith.constant 16 : index
          %get3A_219 = tpu.vector_load %arg9[%get3A_217, %get3A_218] {strides = array<i32>} : memref<128x128xf32, #tpu.memory_space<vmem>>, vector<16xf32>,
          %get3A_220 = arith.index_cast %add3A_201 : i32 to index
          %get3A_221 = arith.constant 16 : index
          %get3A_222 = tpu.vector_load %arg11[%get3A_220, %get3A_221] {strides = array<i32>} : memref<128x128xf32, #tpu.memory_space<vmem>>, vector<16xf32>,
          %mul3A_223 = arith.mulf %get3A_219, %get3A_222 : vector<16xf32>
          %reduce_sum3A_224 = arith.constant true
          %reduce_sum3A_225 = vector.broadcast %reduce_sum3A_224 : i1 to vector<16xi1>
          %reduce_sum3A_226 = tpu.scan <sum>, %mul3A_223 masked %reduce_sum3A_225 : vector<16xf32>, vector<16xi1> -> vector<16xf32>
          %reduce_sum3A_227 = vector.extract %reduce_sum3A_226[15] : f32 from vector<16xf32>
          %eq3A_228 = arith.constant 1 : i32
          %eq3A_229 = vector.broadcast %eq3A_228 : i32 to vector<16xi32>
          %eq3A_230 = arith.cmpi eq, %iota3A, %eq3A_229 : vector<16xi32>
          %broadcast_in_dim3A_231 = vector.broadcast %reduce_sum3A_227 : f32 to vector<16xf32>
          %select_n3A_232 = arith.select %eq3A_230, %broadcast_in_dim3A_231, %select_n3A_216 : vector<16xi1>, vector<16xf32>
          %get3A_233 = arith.index_cast %add3A_201 : i32 to index
          %get3A_234 = arith.constant 32 : index
          %get3A_235 = tpu.vector_load %arg9[%get3A_233, %get3A_234] {strides = array<i32>} : memref<128x128xf32, #tpu.memory_space<vmem>>, vector<16xf32>,
          %get3A_236 = arith.index_cast %add3A_201 : i32 to index
          %get3A_237 = arith.constant 32 : index
          %get3A_238 = tpu.vector_load %arg11[%get3A_236, %get3A_237] {strides = array<i32>} : memref<128x128xf32, #tpu.memory_space<vmem>>, vector<16xf32>,
          %mul3A_239 = arith.mulf %get3A_235, %get3A_238 : vector<16xf32>
          %reduce_sum3A_240 = arith.constant true
          %reduce_sum3A_241 = vector.broadcast %reduce_sum3A_240 : i1 to vector<16xi1>
          %reduce_sum3A_242 = tpu.scan <sum>, %mul3A_239 masked %reduce_sum3A_241 : vector<16xf32>, vector<16xi1> -> vector<16xf32>
          %reduce_sum3A_243 = vector.extract %reduce_sum3A_242[15] : f32 from vector<16xf32>
          %eq3A_244 = arith.constant 2 : i32
          %eq3A_245 = vector.broadcast %eq3A_244 : i32 to vector<16xi32>
          %eq3A_246 = arith.cmpi eq, %iota3A, %eq3A_245 : vector<16xi32>
          %broadcast_in_dim3A_247 = vector.broadcast %reduce_sum3A_243 : f32 to vector<16xf32>
          %select_n3A_248 = arith.select %eq3A_246, %broadcast_in_dim3A_247, %select_n3A_232 : vector<16xi1>, vector<16xf32>
          %get3A_249 = arith.index_cast %add3A_201 : i32 to index
          %get3A_250 = arith.constant 48 : index
          %get3A_251 = tpu.vector_load %arg9[%get3A_249, %get3A_250] {strides = array<i32>} : memref<128x128xf32, #tpu.memory_space<vmem>>, vector<16xf32>,
          %get3A_252 = arith.index_cast %add3A_201 : i32 to index
          %get3A_253 = arith.constant 48 : index
          %get3A_254 = tpu.vector_load %arg11[%get3A_252, %get3A_253] {strides = array<i32>} : memref<128x128xf32, #tpu.memory_space<vmem>>, vector<16xf32>,
          %mul3A_255 = arith.mulf %get3A_251, %get3A_254 : vector<16xf32>
          %reduce_sum3A_256 = arith.constant true
          %reduce_sum3A_257 = vector.broadcast %reduce_sum3A_256 : i1 to vector<16xi1>
          %reduce_sum3A_258 = tpu.scan <sum>, %mul3A_255 masked %reduce_sum3A_257 : vector<16xf32>, vector<16xi1> -> vector<16xf32>
          %reduce_sum3A_259 = vector.extract %reduce_sum3A_258[15] : f32 from vector<16xf32>
          %eq3A_260 = arith.constant 3 : i32
          %eq3A_261 = vector.broadcast %eq3A_260 : i32 to vector<16xi32>
          %eq3A_262 = arith.cmpi eq, %iota3A, %eq3A_261 : vector<16xi32>
          %broadcast_in_dim3A_263 = vector.broadcast %reduce_sum3A_259 : f32 to vector<16xf32>
          %select_n3A_264 = arith.select %eq3A_262, %broadcast_in_dim3A_263, %select_n3A_248 : vector<16xi1>, vector<16xf32>
          %get3A_265 = arith.index_cast %add3A_201 : i32 to index
          %get3A_266 = arith.constant 64 : index
          %get3A_267 = tpu.vector_load %arg9[%get3A_265, %get3A_266] {strides = array<i32>} : memref<128x128xf32, #tpu.memory_space<vmem>>, vector<16xf32>,
          %get3A_268 = arith.index_cast %add3A_201 : i32 to index
          %get3A_269 = arith.constant 64 : index
          %get3A_270 = tpu.vector_load %arg11[%get3A_268, %get3A_269] {strides = array<i32>} : memref<128x128xf32, #tpu.memory_space<vmem>>, vector<16xf32>,
          %mul3A_271 = arith.mulf %get3A_267, %get3A_270 : vector<16xf32>
          %reduce_sum3A_272 = arith.constant true
          %reduce_sum3A_273 = vector.broadcast %reduce_sum3A_272 : i1 to vector<16xi1>
          %reduce_sum3A_274 = tpu.scan <sum>, %mul3A_271 masked %reduce_sum3A_273 : vector<16xf32>, vector<16xi1> -> vector<16xf32>
          %reduce_sum3A_275 = vector.extract %reduce_sum3A_274[15] : f32 from vector<16xf32>
          %eq3A_276 = arith.constant 4 : i32
          %eq3A_277 = vector.broadcast %eq3A_276 : i32 to vector<16xi32>
          %eq3A_278 = arith.cmpi eq, %iota3A, %eq3A_277 : vector<16xi32>
          %broadcast_in_dim3A_279 = vector.broadcast %reduce_sum3A_275 : f32 to vector<16xf32>
          %select_n3A_280 = arith.select %eq3A_278, %broadcast_in_dim3A_279, %select_n3A_264 : vector<16xi1>, vector<16xf32>
          %get3A_281 = arith.index_cast %add3A_201 : i32 to index
          %get3A_282 = arith.constant 80 : index
          %get3A_283 = tpu.vector_load %arg9[%get3A_281, %get3A_282] {strides = array<i32>} : memref<128x128xf32, #tpu.memory_space<vmem>>, vector<16xf32>,
          %get3A_284 = arith.index_cast %add3A_201 : i32 to index
          %get3A_285 = arith.constant 80 : index
          %get3A_286 = tpu.vector_load %arg11[%get3A_284, %get3A_285] {strides = array<i32>} : memref<128x128xf32, #tpu.memory_space<vmem>>, vector<16xf32>,
          %mul3A_287 = arith.mulf %get3A_283, %get3A_286 : vector<16xf32>
          %reduce_sum3A_288 = arith.constant true
          %reduce_sum3A_289 = vector.broadcast %reduce_sum3A_288 : i1 to vector<16xi1>
          %reduce_sum3A_290 = tpu.scan <sum>, %mul3A_287 masked %reduce_sum3A_289 : vector<16xf32>, vector<16xi1> -> vector<16xf32>
          %reduce_sum3A_291 = vector.extract %reduce_sum3A_290[15] : f32 from vector<16xf32>
          %eq3A_292 = arith.constant 5 : i32
          %eq3A_293 = vector.broadcast %eq3A_292 : i32 to vector<16xi32>
          %eq3A_294 = arith.cmpi eq, %iota3A, %eq3A_293 : vector<16xi32>
          %broadcast_in_dim3A_295 = vector.broadcast %reduce_sum3A_291 : f32 to vector<16xf32>
          %select_n3A_296 = arith.select %eq3A_294, %broadcast_in_dim3A_295, %select_n3A_280 : vector<16xi1>, vector<16xf32>
          %get3A_297 = arith.index_cast %add3A_201 : i32 to index
          %get3A_298 = arith.constant 96 : index
          %get3A_299 = tpu.vector_load %arg9[%get3A_297, %get3A_298] {strides = array<i32>} : memref<128x128xf32, #tpu.memory_space<vmem>>, vector<16xf32>,
          %get3A_300 = arith.index_cast %add3A_201 : i32 to index
          %get3A_301 = arith.constant 96 : index
          %get3A_302 = tpu.vector_load %arg11[%get3A_300, %get3A_301] {strides = array<i32>} : memref<128x128xf32, #tpu.memory_space<vmem>>, vector<16xf32>,
          %mul3A_303 = arith.mulf %get3A_299, %get3A_302 : vector<16xf32>
          %reduce_sum3A_304 = arith.constant true
          %reduce_sum3A_305 = vector.broadcast %reduce_sum3A_304 : i1 to vector<16xi1>
          %reduce_sum3A_306 = tpu.scan <sum>, %mul3A_303 masked %reduce_sum3A_305 : vector<16xf32>, vector<16xi1> -> vector<16xf32>
          %reduce_sum3A_307 = vector.extract %reduce_sum3A_306[15] : f32 from vector<16xf32>
          %eq3A_308 = arith.constant 6 : i32
          %eq3A_309 = vector.broadcast %eq3A_308 : i32 to vector<16xi32>
          %eq3A_310 = arith.cmpi eq, %iota3A, %eq3A_309 : vector<16xi32>
          %broadcast_in_dim3A_311 = vector.broadcast %reduce_sum3A_307 : f32 to vector<16xf32>
          %select_n3A_312 = arith.select %eq3A_310, %broadcast_in_dim3A_311, %select_n3A_296 : vector<16xi1>, vector<16xf32>
          %get3A_313 = arith.index_cast %add3A_201 : i32 to index
          %get3A_314 = arith.constant 112 : index
          %get3A_315 = tpu.vector_load %arg9[%get3A_313, %get3A_314] {strides = array<i32>} : memref<128x128xf32, #tpu.memory_space<vmem>>, vector<16xf32>,
          %get3A_316 = arith.index_cast %add3A_201 : i32 to index
          %get3A_317 = arith.constant 112 : index
          %get3A_318 = tpu.vector_load %arg11[%get3A_316, %get3A_317] {strides = array<i32>} : memref<128x128xf32, #tpu.memory_space<vmem>>, vector<16xf32>,
          %mul3A_319 = arith.mulf %get3A_315, %get3A_318 : vector<16xf32>
          %reduce_sum3A_320 = arith.constant true
          %reduce_sum3A_321 = vector.broadcast %reduce_sum3A_320 : i1 to vector<16xi1>
          %reduce_sum3A_322 = tpu.scan <sum>, %mul3A_319 masked %reduce_sum3A_321 : vector<16xf32>, vector<16xi1> -> vector<16xf32>
          %reduce_sum3A_323 = vector.extract %reduce_sum3A_322[15] : f32 from vector<16xf32>
          %eq3A_324 = arith.constant 7 : i32
          %eq3A_325 = vector.broadcast %eq3A_324 : i32 to vector<16xi32>
          %eq3A_326 = arith.cmpi eq, %iota3A, %eq3A_325 : vector<16xi32>
          %broadcast_in_dim3A_327 = vector.broadcast %reduce_sum3A_323 : f32 to vector<16xf32>
          %select_n3A_328 = arith.select %eq3A_326, %broadcast_in_dim3A_327, %select_n3A_312 : vector<16xi1>, vector<16xf32>
          %mul3A_329 = arith.constant 2.500000e-01 : f32
          %mul3A_330 = vector.broadcast %mul3A_329 : f32 to vector<16xf32>
          %mul3A_331 = arith.mulf %select_n3A_328, %mul3A_330 : vector<16xf32>
          %exp3A = math.exp %mul3A_331 : vector<16xf32>
          %swap3A = arith.index_cast %add3A_201 : i32 to index
          %swap3A_332 = arith.constant 0 : index
          %swap3A_333 = tpu.vector_load %arg13[%swap3A, %swap3A_332] {strides = array<i32>} : memref<128x16xf32, #tpu.memory_space<vmem>>, vector<16xf32>,
          tpu.vector_store %arg13[%swap3A, %swap3A_332], %exp3A {strides = array<i32>} : memref<128x16xf32, #tpu.memory_space<vmem>>, vector<16xf32>,
          %mul3A_334 = arith.constant 4 : i32
          %mul3A_335 = arith.muli %scan3A_196, %mul3A_334 : i32
          %add3A_336 = arith.constant 1 : i32
          %add3A_337 = arith.addi %mul3A_335, %add3A_336 : i32
          %broadcast_in_dim3A_338 = arith.constant 0.000000e+00 : f32
          %broadcast_in_dim3A_339 = vector.broadcast %broadcast_in_dim3A_338 : f32 to vector<16xf32>
          %get3A_340 = arith.index_cast %add3A_337 : i32 to index
          %get3A_341 = arith.constant 0 : index
          %get3A_342 = tpu.vector_load %arg9[%get3A_340, %get3A_341] {strides = array<i32>} : memref<128x128xf32, #tpu.memory_space<vmem>>, vector<16xf32>,
          %get3A_343 = arith.index_cast %add3A_337 : i32 to index
          %get3A_344 = arith.constant 0 : index
          %get3A_345 = tpu.vector_load %arg11[%get3A_343, %get3A_344] {strides = array<i32>} : memref<128x128xf32, #tpu.memory_space<vmem>>, vector<16xf32>,
          %mul3A_346 = arith.mulf %get3A_342, %get3A_345 : vector<16xf32>
          %reduce_sum3A_347 = arith.constant true
          %reduce_sum3A_348 = vector.broadcast %reduce_sum3A_347 : i1 to vector<16xi1>
          %reduce_sum3A_349 = tpu.scan <sum>, %mul3A_346 masked %reduce_sum3A_348 : vector<16xf32>, vector<16xi1> -> vector<16xf32>
          %reduce_sum3A_350 = vector.extract %reduce_sum3A_349[15] : f32 from vector<16xf32>
          %eq3A_351 = arith.constant 0 : i32
          %eq3A_352 = vector.broadcast %eq3A_351 : i32 to vector<16xi32>
          %eq3A_353 = arith.cmpi eq, %iota3A, %eq3A_352 : vector<16xi32>
          %broadcast_in_dim3A_354 = vector.broadcast %reduce_sum3A_350 : f32 to vector<16xf32>
          %select_n3A_355 = arith.select %eq3A_353, %broadcast_in_dim3A_354, %broadcast_in_dim3A_339 : vector<16xi1>, vector<16xf32>
          %get3A_356 = arith.index_cast %add3A_337 : i32 to index
          %get3A_357 = arith.constant 16 : index
          %get3A_358 = tpu.vector_load %arg9[%get3A_356, %get3A_357] {strides = array<i32>} : memref<128x128xf32, #tpu.memory_space<vmem>>, vector<16xf32>,
          %get3A_359 = arith.index_cast %add3A_337 : i32 to index
          %get3A_360 = arith.constant 16 : index
          %get3A_361 = tpu.vector_load %arg11[%get3A_359, %get3A_360] {strides = array<i32>} : memref<128x128xf32, #tpu.memory_space<vmem>>, vector<16xf32>,
          %mul3A_362 = arith.mulf %get3A_358, %get3A_361 : vector<16xf32>
          %reduce_sum3A_363 = arith.constant true
          %reduce_sum3A_364 = vector.broadcast %reduce_sum3A_363 : i1 to vector<16xi1>
          %reduce_sum3A_365 = tpu.scan <sum>, %mul3A_362 masked %reduce_sum3A_364 : vector<16xf32>, vector<16xi1> -> vector<16xf32>
          %reduce_sum3A_366 = vector.extract %reduce_sum3A_365[15] : f32 from vector<16xf32>
          %eq3A_367 = arith.constant 1 : i32
          %eq3A_368 = vector.broadcast %eq3A_367 : i32 to vector<16xi32>
          %eq3A_369 = arith.cmpi eq, %iota3A, %eq3A_368 : vector<16xi32>
          %broadcast_in_dim3A_370 = vector.broadcast %reduce_sum3A_366 : f32 to vector<16xf32>
          %select_n3A_371 = arith.select %eq3A_369, %broadcast_in_dim3A_370, %select_n3A_355 : vector<16xi1>, vector<16xf32>
          %get3A_372 = arith.index_cast %add3A_337 : i32 to index
          %get3A_373 = arith.constant 32 : index
          %get3A_374 = tpu.vector_load %arg9[%get3A_372, %get3A_373] {strides = array<i32>} : memref<128x128xf32, #tpu.memory_space<vmem>>, vector<16xf32>,
          %get3A_375 = arith.index_cast %add3A_337 : i32 to index
          %get3A_376 = arith.constant 32 : index
          %get3A_377 = tpu.vector_load %arg11[%get3A_375, %get3A_376] {strides = array<i32>} : memref<128x128xf32, #tpu.memory_space<vmem>>, vector<16xf32>,
          %mul3A_378 = arith.mulf %get3A_374, %get3A_377 : vector<16xf32>
          %reduce_sum3A_379 = arith.constant true
          %reduce_sum3A_380 = vector.broadcast %reduce_sum3A_379 : i1 to vector<16xi1>
          %reduce_sum3A_381 = tpu.scan <sum>, %mul3A_378 masked %reduce_sum3A_380 : vector<16xf32>, vector<16xi1> -> vector<16xf32>
          %reduce_sum3A_382 = vector.extract %reduce_sum3A_381[15] : f32 from vector<16xf32>
          %eq3A_383 = arith.constant 2 : i32
          %eq3A_384 = vector.broadcast %eq3A_383 : i32 to vector<16xi32>
          %eq3A_385 = arith.cmpi eq, %iota3A, %eq3A_384 : vector<16xi32>
          %broadcast_in_dim3A_386 = vector.broadcast %reduce_sum3A_382 : f32 to vector<16xf32>
          %select_n3A_387 = arith.select %eq3A_385, %broadcast_in_dim3A_386, %select_n3A_371 : vector<16xi1>, vector<16xf32>
          %get3A_388 = arith.index_cast %add3A_337 : i32 to index
          %get3A_389 = arith.constant 48 : index
          %get3A_390 = tpu.vector_load %arg9[%get3A_388, %get3A_389] {strides = array<i32>} : memref<128x128xf32, #tpu.memory_space<vmem>>, vector<16xf32>,
          %get3A_391 = arith.index_cast %add3A_337 : i32 to index
          %get3A_392 = arith.constant 48 : index
          %get3A_393 = tpu.vector_load %arg11[%get3A_391, %get3A_392] {strides = array<i32>} : memref<128x128xf32, #tpu.memory_space<vmem>>, vector<16xf32>,
          %mul3A_394 = arith.mulf %get3A_390, %get3A_393 : vector<16xf32>
          %reduce_sum3A_395 = arith.constant true
          %reduce_sum3A_396 = vector.broadcast %reduce_sum3A_395 : i1 to vector<16xi1>
          %reduce_sum3A_397 = tpu.scan <sum>, %mul3A_394 masked %reduce_sum3A_396 : vector<16xf32>, vector<16xi1> -> vector<16xf32>
          %reduce_sum3A_398 = vector.extract %reduce_sum3A_397[15] : f32 from vector<16xf32>
          %eq3A_399 = arith.constant 3 : i32
          %eq3A_400 = vector.broadcast %eq3A_399 : i32 to vector<16xi32>
          %eq3A_401 = arith.cmpi eq, %iota3A, %eq3A_400 : vector<16xi32>
          %broadcast_in_dim3A_402 = vector.broadcast %reduce_sum3A_398 : f32 to vector<16xf32>
          %select_n3A_403 = arith.select %eq3A_401, %broadcast_in_dim3A_402, %select_n3A_387 : vector<16xi1>, vector<16xf32>
          %get3A_404 = arith.index_cast %add3A_337 : i32 to index
          %get3A_405 = arith.constant 64 : index
          %get3A_406 = tpu.vector_load %arg9[%get3A_404, %get3A_405] {strides = array<i32>} : memref<128x128xf32, #tpu.memory_space<vmem>>, vector<16xf32>,
          %get3A_407 = arith.index_cast %add3A_337 : i32 to index
          %get3A_408 = arith.constant 64 : index
          %get3A_409 = tpu.vector_load %arg11[%get3A_407, %get3A_408] {strides = array<i32>} : memref<128x128xf32, #tpu.memory_space<vmem>>, vector<16xf32>,
          %mul3A_410 = arith.mulf %get3A_406, %get3A_409 : vector<16xf32>
          %reduce_sum3A_411 = arith.constant true
          %reduce_sum3A_412 = vector.broadcast %reduce_sum3A_411 : i1 to vector<16xi1>
          %reduce_sum3A_413 = tpu.scan <sum>, %mul3A_410 masked %reduce_sum3A_412 : vector<16xf32>, vector<16xi1> -> vector<16xf32>
          %reduce_sum3A_414 = vector.extract %reduce_sum3A_413[15] : f32 from vector<16xf32>
          %eq3A_415 = arith.constant 4 : i32
          %eq3A_416 = vector.broadcast %eq3A_415 : i32 to vector<16xi32>
          %eq3A_417 = arith.cmpi eq, %iota3A, %eq3A_416 : vector<16xi32>
          %broadcast_in_dim3A_418 = vector.broadcast %reduce_sum3A_414 : f32 to vector<16xf32>
          %select_n3A_419 = arith.select %eq3A_417, %broadcast_in_dim3A_418, %select_n3A_403 : vector<16xi1>, vector<16xf32>
          %get3A_420 = arith.index_cast %add3A_337 : i32 to index
          %get3A_421 = arith.constant 80 : index
          %get3A_422 = tpu.vector_load %arg9[%get3A_420, %get3A_421] {strides = array<i32>} : memref<128x128xf32, #tpu.memory_space<vmem>>, vector<16xf32>,
          %get3A_423 = arith.index_cast %add3A_337 : i32 to index
          %get3A_424 = arith.constant 80 : index
          %get3A_425 = tpu.vector_load %arg11[%get3A_423, %get3A_424] {strides = array<i32>} : memref<128x128xf32, #tpu.memory_space<vmem>>, vector<16xf32>,
          %mul3A_426 = arith.mulf %get3A_422, %get3A_425 : vector<16xf32>
          %reduce_sum3A_427 = arith.constant true
          %reduce_sum3A_428 = vector.broadcast %reduce_sum3A_427 : i1 to vector<16xi1>
          %reduce_sum3A_429 = tpu.scan <sum>, %mul3A_426 masked %reduce_sum3A_428 : vector<16xf32>, vector<16xi1> -> vector<16xf32>
          %reduce_sum3A_430 = vector.extract %reduce_sum3A_429[15] : f32 from vector<16xf32>
          %eq3A_431 = arith.constant 5 : i32
          %eq3A_432 = vector.broadcast %eq3A_431 : i32 to vector<16xi32>
          %eq3A_433 = arith.cmpi eq, %iota3A, %eq3A_432 : vector<16xi32>
          %broadcast_in_dim3A_434 = vector.broadcast %reduce_sum3A_430 : f32 to vector<16xf32>
          %select_n3A_435 = arith.select %eq3A_433, %broadcast_in_dim3A_434, %select_n3A_419 : vector<16xi1>, vector<16xf32>
          %get3A_436 = arith.index_cast %add3A_337 : i32 to index
          %get3A_437 = arith.constant 96 : index
          %get3A_438 = tpu.vector_load %arg9[%get3A_436, %get3A_437] {strides = array<i32>} : memref<128x128xf32, #tpu.memory_space<vmem>>, vector<16xf32>,
          %get3A_439 = arith.index_cast %add3A_337 : i32 to index
          %get3A_440 = arith.constant 96 : index
          %get3A_441 = tpu.vector_load %arg11[%get3A_439, %get3A_440] {strides = array<i32>} : memref<128x128xf32, #tpu.memory_space<vmem>>, vector<16xf32>,
          %mul3A_442 = arith.mulf %get3A_438, %get3A_441 : vector<16xf32>
          %reduce_sum3A_443 = arith.constant true
          %reduce_sum3A_444 = vector.broadcast %reduce_sum3A_443 : i1 to vector<16xi1>
          %reduce_sum3A_445 = tpu.scan <sum>, %mul3A_442 masked %reduce_sum3A_444 : vector<16xf32>, vector<16xi1> -> vector<16xf32>
          %reduce_sum3A_446 = vector.extract %reduce_sum3A_445[15] : f32 from vector<16xf32>
          %eq3A_447 = arith.constant 6 : i32
          %eq3A_448 = vector.broadcast %eq3A_447 : i32 to vector<16xi32>
          %eq3A_449 = arith.cmpi eq, %iota3A, %eq3A_448 : vector<16xi32>
          %broadcast_in_dim3A_450 = vector.broadcast %reduce_sum3A_446 : f32 to vector<16xf32>
          %select_n3A_451 = arith.select %eq3A_449, %broadcast_in_dim3A_450, %select_n3A_435 : vector<16xi1>, vector<16xf32>
          %get3A_452 = arith.index_cast %add3A_337 : i32 to index
          %get3A_453 = arith.constant 112 : index
          %get3A_454 = tpu.vector_load %arg9[%get3A_452, %get3A_453] {strides = array<i32>} : memref<128x128xf32, #tpu.memory_space<vmem>>, vector<16xf32>,
          %get3A_455 = arith.index_cast %add3A_337 : i32 to index
          %get3A_456 = arith.constant 112 : index
          %get3A_457 = tpu.vector_load %arg11[%get3A_455, %get3A_456] {strides = array<i32>} : memref<128x128xf32, #tpu.memory_space<vmem>>, vector<16xf32>,
          %mul3A_458 = arith.mulf %get3A_454, %get3A_457 : vector<16xf32>
          %reduce_sum3A_459 = arith.constant true
          %reduce_sum3A_460 = vector.broadcast %reduce_sum3A_459 : i1 to vector<16xi1>
          %reduce_sum3A_461 = tpu.scan <sum>, %mul3A_458 masked %reduce_sum3A_460 : vector<16xf32>, vector<16xi1> -> vector<16xf32>
          %reduce_sum3A_462 = vector.extract %reduce_sum3A_461[15] : f32 from vector<16xf32>
          %eq3A_463 = arith.constant 7 : i32
          %eq3A_464 = vector.broadcast %eq3A_463 : i32 to vector<16xi32>
          %eq3A_465 = arith.cmpi eq, %iota3A, %eq3A_464 : vector<16xi32>
          %broadcast_in_dim3A_466 = vector.broadcast %reduce_sum3A_462 : f32 to vector<16xf32>
          %select_n3A_467 = arith.select %eq3A_465, %broadcast_in_dim3A_466, %select_n3A_451 : vector<16xi1>, vector<16xf32>
          %mul3A_468 = arith.constant 2.500000e-01 : f32
          %mul3A_469 = vector.broadcast %mul3A_468 : f32 to vector<16xf32>
          %mul3A_470 = arith.mulf %select_n3A_467, %mul3A_469 : vector<16xf32>
          %exp3A_471 = math.exp %mul3A_470 : vector<16xf32>
          %swap3A_472 = arith.index_cast %add3A_337 : i32 to index
          %swap3A_473 = arith.constant 0 : index
          %swap3A_474 = tpu.vector_load %arg13[%swap3A_472, %swap3A_473] {strides = array<i32>} : memref<128x16xf32, #tpu.memory_space<vmem>>, vector<16xf32>,
          tpu.vector_store %arg13[%swap3A_472, %swap3A_473], %exp3A_471 {strides = array<i32>} : memref<128x16xf32, #tpu.memory_space<vmem>>, vector<16xf32>,
          %mul3A_475 = arith.constant 4 : i32
          %mul3A_476 = arith.muli %scan3A_196, %mul3A_475 : i32
          %add3A_477 = arith.constant 2 : i32
          %add3A_478 = arith.addi %mul3A_476, %add3A_477 : i32
          %broadcast_in_dim3A_479 = arith.constant 0.000000e+00 : f32
          %broadcast_in_dim3A_480 = vector.broadcast %broadcast_in_dim3A_479 : f32 to vector<16xf32>
          %get3A_481 = arith.index_cast %add3A_478 : i32 to index
          %get3A_482 = arith.constant 0 : index
          %get3A_483 = tpu.vector_load %arg9[%get3A_481, %get3A_482] {strides = array<i32>} : memref<128x128xf32, #tpu.memory_space<vmem>>, vector<16xf32>,
          %get3A_484 = arith.index_cast %add3A_478 : i32 to index
          %get3A_485 = arith.constant 0 : index
          %get3A_486 = tpu.vector_load %arg11[%get3A_484, %get3A_485] {strides = array<i32>} : memref<128x128xf32, #tpu.memory_space<vmem>>, vector<16xf32>,
          %mul3A_487 = arith.mulf %get3A_483, %get3A_486 : vector<16xf32>
          %reduce_sum3A_488 = arith.constant true
          %reduce_sum3A_489 = vector.broadcast %reduce_sum3A_488 : i1 to vector<16xi1>
          %reduce_sum3A_490 = tpu.scan <sum>, %mul3A_487 masked %reduce_sum3A_489 : vector<16xf32>, vector<16xi1> -> vector<16xf32>
          %reduce_sum3A_491 = vector.extract %reduce_sum3A_490[15] : f32 from vector<16xf32>
          %eq3A_492 = arith.constant 0 : i32
          %eq3A_493 = vector.broadcast %eq3A_492 : i32 to vector<16xi32>
          %eq3A_494 = arith.cmpi eq, %iota3A, %eq3A_493 : vector<16xi32>
          %broadcast_in_dim3A_495 = vector.broadcast %reduce_sum3A_491 : f32 to vector<16xf32>
          %select_n3A_496 = arith.select %eq3A_494, %broadcast_in_dim3A_495, %broadcast_in_dim3A_480 : vector<16xi1>, vector<16xf32>
          %get3A_497 = arith.index_cast %add3A_478 : i32 to index
          %get3A_498 = arith.constant 16 : index
          %get3A_499 = tpu.vector_load %arg9[%get3A_497, %get3A_498] {strides = array<i32>} : memref<128x128xf32, #tpu.memory_space<vmem>>, vector<16xf32>,
          %get3A_500 = arith.index_cast %add3A_478 : i32 to index
          %get3A_501 = arith.constant 16 : index
          %get3A_502 = tpu.vector_load %arg11[%get3A_500, %get3A_501] {strides = array<i32>} : memref<128x128xf32, #tpu.memory_space<vmem>>, vector<16xf32>,
          %mul3A_503 = arith.mulf %get3A_499, %get3A_502 : vector<16xf32>
          %reduce_sum3A_504 = arith.constant true
          %reduce_sum3A_505 = vector.broadcast %reduce_sum3A_504 : i1 to vector<16xi1>
          %reduce_sum3A_506 = tpu.scan <sum>, %mul3A_503 masked %reduce_sum3A_505 : vector<16xf32>, vector<16xi1> -> vector<16xf32>
          %reduce_sum3A_507 = vector.extract %reduce_sum3A_506[15] : f32 from vector<16xf32>
          %eq3A_508 = arith.constant 1 : i32
          %eq3A_509 = vector.broadcast %eq3A_508 : i32 to vector<16xi32>
          %eq3A_510 = arith.cmpi eq, %iota3A, %eq3A_509 : vector<16xi32>
          %broadcast_in_dim3A_511 = vector.broadcast %reduce_sum3A_507 : f32 to vector<16xf32>
          %select_n3A_512 = arith.select %eq3A_510, %broadcast_in_dim3A_511, %select_n3A_496 : vector<16xi1>, vector<16xf32>
          %get3A_513 = arith.index_cast %add3A_478 : i32 to index
          %get3A_514 = arith.constant 32 : index
          %get3A_515 = tpu.vector_load %arg9[%get3A_513, %get3A_514] {strides = array<i32>} : memref<128x128xf32, #tpu.memory_space<vmem>>, vector<16xf32>,
          %get3A_516 = arith.index_cast %add3A_478 : i32 to index
          %get3A_517 = arith.constant 32 : index
          %get3A_518 = tpu.vector_load %arg11[%get3A_516, %get3A_517] {strides = array<i32>} : memref<128x128xf32, #tpu.memory_space<vmem>>, vector<16xf32>,
          %mul3A_519 = arith.mulf %get3A_515, %get3A_518 : vector<16xf32>
          %reduce_sum3A_520 = arith.constant true
          %reduce_sum3A_521 = vector.broadcast %reduce_sum3A_520 : i1 to vector<16xi1>
          %reduce_sum3A_522 = tpu.scan <sum>, %mul3A_519 masked %reduce_sum3A_521 : vector<16xf32>, vector<16xi1> -> vector<16xf32>
          %reduce_sum3A_523 = vector.extract %reduce_sum3A_522[15] : f32 from vector<16xf32>
          %eq3A_524 = arith.constant 2 : i32
          %eq3A_525 = vector.broadcast %eq3A_524 : i32 to vector<16xi32>
          %eq3A_526 = arith.cmpi eq, %iota3A, %eq3A_525 : vector<16xi32>
          %broadcast_in_dim3A_527 = vector.broadcast %reduce_sum3A_523 : f32 to vector<16xf32>
          %select_n3A_528 = arith.select %eq3A_526, %broadcast_in_dim3A_527, %select_n3A_512 : vector<16xi1>, vector<16xf32>
          %get3A_529 = arith.index_cast %add3A_478 : i32 to index
          %get3A_530 = arith.constant 48 : index
          %get3A_531 = tpu.vector_load %arg9[%get3A_529, %get3A_530] {strides = array<i32>} : memref<128x128xf32, #tpu.memory_space<vmem>>, vector<16xf32>,
          %get3A_532 = arith.index_cast %add3A_478 : i32 to index
          %get3A_533 = arith.constant 48 : index
          %get3A_534 = tpu.vector_load %arg11[%get3A_532, %get3A_533] {strides = array<i32>} : memref<128x128xf32, #tpu.memory_space<vmem>>, vector<16xf32>,
          %mul3A_535 = arith.mulf %get3A_531, %get3A_534 : vector<16xf32>
          %reduce_sum3A_536 = arith.constant true
          %reduce_sum3A_537 = vector.broadcast %reduce_sum3A_536 : i1 to vector<16xi1>
          %reduce_sum3A_538 = tpu.scan <sum>, %mul3A_535 masked %reduce_sum3A_537 : vector<16xf32>, vector<16xi1> -> vector<16xf32>
          %reduce_sum3A_539 = vector.extract %reduce_sum3A_538[15] : f32 from vector<16xf32>
          %eq3A_540 = arith.constant 3 : i32
          %eq3A_541 = vector.broadcast %eq3A_540 : i32 to vector<16xi32>
          %eq3A_542 = arith.cmpi eq, %iota3A, %eq3A_541 : vector<16xi32>
          %broadcast_in_dim3A_543 = vector.broadcast %reduce_sum3A_539 : f32 to vector<16xf32>
          %select_n3A_544 = arith.select %eq3A_542, %broadcast_in_dim3A_543, %select_n3A_528 : vector<16xi1>, vector<16xf32>
          %get3A_545 = arith.index_cast %add3A_478 : i32 to index
          %get3A_546 = arith.constant 64 : index
          %get3A_547 = tpu.vector_load %arg9[%get3A_545, %get3A_546] {strides = array<i32>} : memref<128x128xf32, #tpu.memory_space<vmem>>, vector<16xf32>,
          %get3A_548 = arith.index_cast %add3A_478 : i32 to index
          %get3A_549 = arith.constant 64 : index
          %get3A_550 = tpu.vector_load %arg11[%get3A_548, %get3A_549] {strides = array<i32>} : memref<128x128xf32, #tpu.memory_space<vmem>>, vector<16xf32>,
          %mul3A_551 = arith.mulf %get3A_547, %get3A_550 : vector<16xf32>
          %reduce_sum3A_552 = arith.constant true
          %reduce_sum3A_553 = vector.broadcast %reduce_sum3A_552 : i1 to vector<16xi1>
          %reduce_sum3A_554 = tpu.scan <sum>, %mul3A_551 masked %reduce_sum3A_553 : vector<16xf32>, vector<16xi1> -> vector<16xf32>
          %reduce_sum3A_555 = vector.extract %reduce_sum3A_554[15] : f32 from vector<16xf32>
          %eq3A_556 = arith.constant 4 : i32
          %eq3A_557 = vector.broadcast %eq3A_556 : i32 to vector<16xi32>
          %eq3A_558 = arith.cmpi eq, %iota3A, %eq3A_557 : vector<16xi32>
          %broadcast_in_dim3A_559 = vector.broadcast %reduce_sum3A_555 : f32 to vector<16xf32>
          %select_n3A_560 = arith.select %eq3A_558, %broadcast_in_dim3A_559, %select_n3A_544 : vector<16xi1>, vector<16xf32>
          %get3A_561 = arith.index_cast %add3A_478 : i32 to index
          %get3A_562 = arith.constant 80 : index
          %get3A_563 = tpu.vector_load %arg9[%get3A_561, %get3A_562] {strides = array<i32>} : memref<128x128xf32, #tpu.memory_space<vmem>>, vector<16xf32>,
          %get3A_564 = arith.index_cast %add3A_478 : i32 to index
          %get3A_565 = arith.constant 80 : index
          %get3A_566 = tpu.vector_load %arg11[%get3A_564, %get3A_565] {strides = array<i32>} : memref<128x128xf32, #tpu.memory_space<vmem>>, vector<16xf32>,
          %mul3A_567 = arith.mulf %get3A_563, %get3A_566 : vector<16xf32>
          %reduce_sum3A_568 = arith.constant true
          %reduce_sum3A_569 = vector.broadcast %reduce_sum3A_568 : i1 to vector<16xi1>
          %reduce_sum3A_570 = tpu.scan <sum>, %mul3A_567 masked %reduce_sum3A_569 : vector<16xf32>, vector<16xi1> -> vector<16xf32>
          %reduce_sum3A_571 = vector.extract %reduce_sum3A_570[15] : f32 from vector<16xf32>
          %eq3A_572 = arith.constant 5 : i32
          %eq3A_573 = vector.broadcast %eq3A_572 : i32 to vector<16xi32>
          %eq3A_574 = arith.cmpi eq, %iota3A, %eq3A_573 : vector<16xi32>
          %broadcast_in_dim3A_575 = vector.broadcast %reduce_sum3A_571 : f32 to vector<16xf32>
          %select_n3A_576 = arith.select %eq3A_574, %broadcast_in_dim3A_575, %select_n3A_560 : vector<16xi1>, vector<16xf32>
          %get3A_577 = arith.index_cast %add3A_478 : i32 to index
          %get3A_578 = arith.constant 96 : index
          %get3A_579 = tpu.vector_load %arg9[%get3A_577, %get3A_578] {strides = array<i32>} : memref<128x128xf32, #tpu.memory_space<vmem>>, vector<16xf32>,
          %get3A_580 = arith.index_cast %add3A_478 : i32 to index
          %get3A_581 = arith.constant 96 : index
          %get3A_582 = tpu.vector_load %arg11[%get3A_580, %get3A_581] {strides = array<i32>} : memref<128x128xf32, #tpu.memory_space<vmem>>, vector<16xf32>,
          %mul3A_583 = arith.mulf %get3A_579, %get3A_582 : vector<16xf32>
          %reduce_sum3A_584 = arith.constant true
          %reduce_sum3A_585 = vector.broadcast %reduce_sum3A_584 : i1 to vector<16xi1>
          %reduce_sum3A_586 = tpu.scan <sum>, %mul3A_583 masked %reduce_sum3A_585 : vector<16xf32>, vector<16xi1> -> vector<16xf32>
          %reduce_sum3A_587 = vector.extract %reduce_sum3A_586[15] : f32 from vector<16xf32>
          %eq3A_588 = arith.constant 6 : i32
          %eq3A_589 = vector.broadcast %eq3A_588 : i32 to vector<16xi32>
          %eq3A_590 = arith.cmpi eq, %iota3A, %eq3A_589 : vector<16xi32>
          %broadcast_in_dim3A_591 = vector.broadcast %reduce_sum3A_587 : f32 to vector<16xf32>
          %select_n3A_592 = arith.select %eq3A_590, %broadcast_in_dim3A_591, %select_n3A_576 : vector<16xi1>, vector<16xf32>
          %get3A_593 = arith.index_cast %add3A_478 : i32 to index
          %get3A_594 = arith.constant 112 : index
          %get3A_595 = tpu.vector_load %arg9[%get3A_593, %get3A_594] {strides = array<i32>} : memref<128x128xf32, #tpu.memory_space<vmem>>, vector<16xf32>,
          %get3A_596 = arith.index_cast %add3A_478 : i32 to index
          %get3A_597 = arith.constant 112 : index
          %get3A_598 = tpu.vector_load %arg11[%get3A_596, %get3A_597] {strides = array<i32>} : memref<128x128xf32, #tpu.memory_space<vmem>>, vector<16xf32>,
          %mul3A_599 = arith.mulf %get3A_595, %get3A_598 : vector<16xf32>
          %reduce_sum3A_600 = arith.constant true
          %reduce_sum3A_601 = vector.broadcast %reduce_sum3A_600 : i1 to vector<16xi1>
          %reduce_sum3A_602 = tpu.scan <sum>, %mul3A_599 masked %reduce_sum3A_601 : vector<16xf32>, vector<16xi1> -> vector<16xf32>
          %reduce_sum3A_603 = vector.extract %reduce_sum3A_602[15] : f32 from vector<16xf32>
          %eq3A_604 = arith.constant 7 : i32
          %eq3A_605 = vector.broadcast %eq3A_604 : i32 to vector<16xi32>
          %eq3A_606 = arith.cmpi eq, %iota3A, %eq3A_605 : vector<16xi32>
          %broadcast_in_dim3A_607 = vector.broadcast %reduce_sum3A_603 : f32 to vector<16xf32>
          %select_n3A_608 = arith.select %eq3A_606, %broadcast_in_dim3A_607, %select_n3A_592 : vector<16xi1>, vector<16xf32>
          %mul3A_609 = arith.constant 2.500000e-01 : f32
          %mul3A_610 = vector.broadcast %mul3A_609 : f32 to vector<16xf32>
          %mul3A_611 = arith.mulf %select_n3A_608, %mul3A_610 : vector<16xf32>
          %exp3A_612 = math.exp %mul3A_611 : vector<16xf32>
          %swap3A_613 = arith.index_cast %add3A_478 : i32 to index
          %swap3A_614 = arith.constant 0 : index
          %swap3A_615 = tpu.vector_load %arg13[%swap3A_613, %swap3A_614] {strides = array<i32>} : memref<128x16xf32, #tpu.memory_space<vmem>>, vector<16xf32>,
          tpu.vector_store %arg13[%swap3A_613, %swap3A_614], %exp3A_612 {strides = array<i32>} : memref<128x16xf32, #tpu.memory_space<vmem>>, vector<16xf32>,
          %mul3A_616 = arith.constant 4 : i32
          %mul3A_617 = arith.muli %scan3A_196, %mul3A_616 : i32
          %add3A_618 = arith.constant 3 : i32
          %add3A_619 = arith.addi %mul3A_617, %add3A_618 : i32
          %broadcast_in_dim3A_620 = arith.constant 0.000000e+00 : f32
          %broadcast_in_dim3A_621 = vector.broadcast %broadcast_in_dim3A_620 : f32 to vector<16xf32>
          %get3A_622 = arith.index_cast %add3A_619 : i32 to index
          %get3A_623 = arith.constant 0 : index
          %get3A_624 = tpu.vector_load %arg9[%get3A_622, %get3A_623] {strides = array<i32>} : memref<128x128xf32, #tpu.memory_space<vmem>>, vector<16xf32>,
          %get3A_625 = arith.index_cast %add3A_619 : i32 to index
          %get3A_626 = arith.constant 0 : index
          %get3A_627 = tpu.vector_load %arg11[%get3A_625, %get3A_626] {strides = array<i32>} : memref<128x128xf32, #tpu.memory_space<vmem>>, vector<16xf32>,
          %mul3A_628 = arith.mulf %get3A_624, %get3A_627 : vector<16xf32>
          %reduce_sum3A_629 = arith.constant true
          %reduce_sum3A_630 = vector.broadcast %reduce_sum3A_629 : i1 to vector<16xi1>
          %reduce_sum3A_631 = tpu.scan <sum>, %mul3A_628 masked %reduce_sum3A_630 : vector<16xf32>, vector<16xi1> -> vector<16xf32>
          %reduce_sum3A_632 = vector.extract %reduce_sum3A_631[15] : f32 from vector<16xf32>
          %eq3A_633 = arith.constant 0 : i32
          %eq3A_634 = vector.broadcast %eq3A_633 : i32 to vector<16xi32>
          %eq3A_635 = arith.cmpi eq, %iota3A, %eq3A_634 : vector<16xi32>
          %broadcast_in_dim3A_636 = vector.broadcast %reduce_sum3A_632 : f32 to vector<16xf32>
          %select_n3A_637 = arith.select %eq3A_635, %broadcast_in_dim3A_636, %broadcast_in_dim3A_621 : vector<16xi1>, vector<16xf32>
          %get3A_638 = arith.index_cast %add3A_619 : i32 to index
          %get3A_639 = arith.constant 16 : index
          %get3A_640 = tpu.vector_load %arg9[%get3A_638, %get3A_639] {strides = array<i32>} : memref<128x128xf32, #tpu.memory_space<vmem>>, vector<16xf32>,
          %get3A_641 = arith.index_cast %add3A_619 : i32 to index
          %get3A_642 = arith.constant 16 : index
          %get3A_643 = tpu.vector_load %arg11[%get3A_641, %get3A_642] {strides = array<i32>} : memref<128x128xf32, #tpu.memory_space<vmem>>, vector<16xf32>,
          %mul3A_644 = arith.mulf %get3A_640, %get3A_643 : vector<16xf32>
          %reduce_sum3A_645 = arith.constant true
          %reduce_sum3A_646 = vector.broadcast %reduce_sum3A_645 : i1 to vector<16xi1>
          %reduce_sum3A_647 = tpu.scan <sum>, %mul3A_644 masked %reduce_sum3A_646 : vector<16xf32>, vector<16xi1> -> vector<16xf32>
          %reduce_sum3A_648 = vector.extract %reduce_sum3A_647[15] : f32 from vector<16xf32>
          %eq3A_649 = arith.constant 1 : i32
          %eq3A_650 = vector.broadcast %eq3A_649 : i32 to vector<16xi32>
          %eq3A_651 = arith.cmpi eq, %iota3A, %eq3A_650 : vector<16xi32>
          %broadcast_in_dim3A_652 = vector.broadcast %reduce_sum3A_648 : f32 to vector<16xf32>
          %select_n3A_653 = arith.select %eq3A_651, %broadcast_in_dim3A_652, %select_n3A_637 : vector<16xi1>, vector<16xf32>
          %get3A_654 = arith.index_cast %add3A_619 : i32 to index
          %get3A_655 = arith.constant 32 : index
          %get3A_656 = tpu.vector_load %arg9[%get3A_654, %get3A_655] {strides = array<i32>} : memref<128x128xf32, #tpu.memory_space<vmem>>, vector<16xf32>,
          %get3A_657 = arith.index_cast %add3A_619 : i32 to index
          %get3A_658 = arith.constant 32 : index
          %get3A_659 = tpu.vector_load %arg11[%get3A_657, %get3A_658] {strides = array<i32>} : memref<128x128xf32, #tpu.memory_space<vmem>>, vector<16xf32>,
          %mul3A_660 = arith.mulf %get3A_656, %get3A_659 : vector<16xf32>
          %reduce_sum3A_661 = arith.constant true
          %reduce_sum3A_662 = vector.broadcast %reduce_sum3A_661 : i1 to vector<16xi1>
          %reduce_sum3A_663 = tpu.scan <sum>, %mul3A_660 masked %reduce_sum3A_662 : vector<16xf32>, vector<16xi1> -> vector<16xf32>
          %reduce_sum3A_664 = vector.extract %reduce_sum3A_663[15] : f32 from vector<16xf32>
          %eq3A_665 = arith.constant 2 : i32
          %eq3A_666 = vector.broadcast %eq3A_665 : i32 to vector<16xi32>
          %eq3A_667 = arith.cmpi eq, %iota3A, %eq3A_666 : vector<16xi32>
          %broadcast_in_dim3A_668 = vector.broadcast %reduce_sum3A_664 : f32 to vector<16xf32>
          %select_n3A_669 = arith.select %eq3A_667, %broadcast_in_dim3A_668, %select_n3A_653 : vector<16xi1>, vector<16xf32>
          %get3A_670 = arith.index_cast %add3A_619 : i32 to index
          %get3A_671 = arith.constant 48 : index
          %get3A_672 = tpu.vector_load %arg9[%get3A_670, %get3A_671] {strides = array<i32>} : memref<128x128xf32, #tpu.memory_space<vmem>>, vector<16xf32>,
          %get3A_673 = arith.index_cast %add3A_619 : i32 to index
          %get3A_674 = arith.constant 48 : index
          %get3A_675 = tpu.vector_load %arg11[%get3A_673, %get3A_674] {strides = array<i32>} : memref<128x128xf32, #tpu.memory_space<vmem>>, vector<16xf32>,
          %mul3A_676 = arith.mulf %get3A_672, %get3A_675 : vector<16xf32>
          %reduce_sum3A_677 = arith.constant true
          %reduce_sum3A_678 = vector.broadcast %reduce_sum3A_677 : i1 to vector<16xi1>
          %reduce_sum3A_679 = tpu.scan <sum>, %mul3A_676 masked %reduce_sum3A_678 : vector<16xf32>, vector<16xi1> -> vector<16xf32>
          %reduce_sum3A_680 = vector.extract %reduce_sum3A_679[15] : f32 from vector<16xf32>
          %eq3A_681 = arith.constant 3 : i32
          %eq3A_682 = vector.broadcast %eq3A_681 : i32 to vector<16xi32>
          %eq3A_683 = arith.cmpi eq, %iota3A, %eq3A_682 : vector<16xi32>
          %broadcast_in_dim3A_684 = vector.broadcast %reduce_sum3A_680 : f32 to vector<16xf32>
          %select_n3A_685 = arith.select %eq3A_683, %broadcast_in_dim3A_684, %select_n3A_669 : vector<16xi1>, vector<16xf32>
          %get3A_686 = arith.index_cast %add3A_619 : i32 to index
          %get3A_687 = arith.constant 64 : index
          %get3A_688 = tpu.vector_load %arg9[%get3A_686, %get3A_687] {strides = array<i32>} : memref<128x128xf32, #tpu.memory_space<vmem>>, vector<16xf32>,
          %get3A_689 = arith.index_cast %add3A_619 : i32 to index
          %get3A_690 = arith.constant 64 : index
          %get3A_691 = tpu.vector_load %arg11[%get3A_689, %get3A_690] {strides = array<i32>} : memref<128x128xf32, #tpu.memory_space<vmem>>, vector<16xf32>,
          %mul3A_692 = arith.mulf %get3A_688, %get3A_691 : vector<16xf32>
          %reduce_sum3A_693 = arith.constant true
          %reduce_sum3A_694 = vector.broadcast %reduce_sum3A_693 : i1 to vector<16xi1>
          %reduce_sum3A_695 = tpu.scan <sum>, %mul3A_692 masked %reduce_sum3A_694 : vector<16xf32>, vector<16xi1> -> vector<16xf32>
          %reduce_sum3A_696 = vector.extract %reduce_sum3A_695[15] : f32 from vector<16xf32>
          %eq3A_697 = arith.constant 4 : i32
          %eq3A_698 = vector.broadcast %eq3A_697 : i32 to vector<16xi32>
          %eq3A_699 = arith.cmpi eq, %iota3A, %eq3A_698 : vector<16xi32>
          %broadcast_in_dim3A_700 = vector.broadcast %reduce_sum3A_696 : f32 to vector<16xf32>
          %select_n3A_701 = arith.select %eq3A_699, %broadcast_in_dim3A_700, %select_n3A_685 : vector<16xi1>, vector<16xf32>
          %get3A_702 = arith.index_cast %add3A_619 : i32 to index
          %get3A_703 = arith.constant 80 : index
          %get3A_704 = tpu.vector_load %arg9[%get3A_702, %get3A_703] {strides = array<i32>} : memref<128x128xf32, #tpu.memory_space<vmem>>, vector<16xf32>,
          %get3A_705 = arith.index_cast %add3A_619 : i32 to index
          %get3A_706 = arith.constant 80 : index
          %get3A_707 = tpu.vector_load %arg11[%get3A_705, %get3A_706] {strides = array<i32>} : memref<128x128xf32, #tpu.memory_space<vmem>>, vector<16xf32>,
          %mul3A_708 = arith.mulf %get3A_704, %get3A_707 : vector<16xf32>
          %reduce_sum3A_709 = arith.constant true
          %reduce_sum3A_710 = vector.broadcast %reduce_sum3A_709 : i1 to vector<16xi1>
          %reduce_sum3A_711 = tpu.scan <sum>, %mul3A_708 masked %reduce_sum3A_710 : vector<16xf32>, vector<16xi1> -> vector<16xf32>
          %reduce_sum3A_712 = vector.extract %reduce_sum3A_711[15] : f32 from vector<16xf32>
          %eq3A_713 = arith.constant 5 : i32
          %eq3A_714 = vector.broadcast %eq3A_713 : i32 to vector<16xi32>
          %eq3A_715 = arith.cmpi eq, %iota3A, %eq3A_714 : vector<16xi32>
          %broadcast_in_dim3A_716 = vector.broadcast %reduce_sum3A_712 : f32 to vector<16xf32>
          %select_n3A_717 = arith.select %eq3A_715, %broadcast_in_dim3A_716, %select_n3A_701 : vector<16xi1>, vector<16xf32>
          %get3A_718 = arith.index_cast %add3A_619 : i32 to index
          %get3A_719 = arith.constant 96 : index
          %get3A_720 = tpu.vector_load %arg9[%get3A_718, %get3A_719] {strides = array<i32>} : memref<128x128xf32, #tpu.memory_space<vmem>>, vector<16xf32>,
          %get3A_721 = arith.index_cast %add3A_619 : i32 to index
          %get3A_722 = arith.constant 96 : index
          %get3A_723 = tpu.vector_load %arg11[%get3A_721, %get3A_722] {strides = array<i32>} : memref<128x128xf32, #tpu.memory_space<vmem>>, vector<16xf32>,
          %mul3A_724 = arith.mulf %get3A_720, %get3A_723 : vector<16xf32>
          %reduce_sum3A_725 = arith.constant true
          %reduce_sum3A_726 = vector.broadcast %reduce_sum3A_725 : i1 to vector<16xi1>
          %reduce_sum3A_727 = tpu.scan <sum>, %mul3A_724 masked %reduce_sum3A_726 : vector<16xf32>, vector<16xi1> -> vector<16xf32>
          %reduce_sum3A_728 = vector.extract %reduce_sum3A_727[15] : f32 from vector<16xf32>
          %eq3A_729 = arith.constant 6 : i32
          %eq3A_730 = vector.broadcast %eq3A_729 : i32 to vector<16xi32>
          %eq3A_731 = arith.cmpi eq, %iota3A, %eq3A_730 : vector<16xi32>
          %broadcast_in_dim3A_732 = vector.broadcast %reduce_sum3A_728 : f32 to vector<16xf32>
          %select_n3A_733 = arith.select %eq3A_731, %broadcast_in_dim3A_732, %select_n3A_717 : vector<16xi1>, vector<16xf32>
          %get3A_734 = arith.index_cast %add3A_619 : i32 to index
          %get3A_735 = arith.constant 112 : index
          %get3A_736 = tpu.vector_load %arg9[%get3A_734, %get3A_735] {strides = array<i32>} : memref<128x128xf32, #tpu.memory_space<vmem>>, vector<16xf32>,
          %get3A_737 = arith.index_cast %add3A_619 : i32 to index
          %get3A_738 = arith.constant 112 : index
          %get3A_739 = tpu.vector_load %arg11[%get3A_737, %get3A_738] {strides = array<i32>} : memref<128x128xf32, #tpu.memory_space<vmem>>, vector<16xf32>,
          %mul3A_740 = arith.mulf %get3A_736, %get3A_739 : vector<16xf32>
          %reduce_sum3A_741 = arith.constant true
          %reduce_sum3A_742 = vector.broadcast %reduce_sum3A_741 : i1 to vector<16xi1>
          %reduce_sum3A_743 = tpu.scan <sum>, %mul3A_740 masked %reduce_sum3A_742 : vector<16xf32>, vector<16xi1> -> vector<16xf32>
          %reduce_sum3A_744 = vector.extract %reduce_sum3A_743[15] : f32 from vector<16xf32>
          %eq3A_745 = arith.constant 7 : i32
          %eq3A_746 = vector.broadcast %eq3A_745 : i32 to vector<16xi32>
          %eq3A_747 = arith.cmpi eq, %iota3A, %eq3A_746 : vector<16xi32>
          %broadcast_in_dim3A_748 = vector.broadcast %reduce_sum3A_744 : f32 to vector<16xf32>
          %select_n3A_749 = arith.select %eq3A_747, %broadcast_in_dim3A_748, %select_n3A_733 : vector<16xi1>, vector<16xf32>
          %mul3A_750 = arith.constant 2.500000e-01 : f32
          %mul3A_751 = vector.broadcast %mul3A_750 : f32 to vector<16xf32>
          %mul3A_752 = arith.mulf %select_n3A_749, %mul3A_751 : vector<16xf32>
          %exp3A_753 = math.exp %mul3A_752 : vector<16xf32>
          %swap3A_754 = arith.index_cast %add3A_619 : i32 to index
          %swap3A_755 = arith.constant 0 : index
          %swap3A_756 = tpu.vector_load %arg13[%swap3A_754, %swap3A_755] {strides = array<i32>} : memref<128x16xf32, #tpu.memory_space<vmem>>, vector<16xf32>,
          tpu.vector_store %arg13[%swap3A_754, %swap3A_755], %exp3A_753 {strides = array<i32>} : memref<128x16xf32, #tpu.memory_space<vmem>>, vector<16xf32>,
          %scan3A_757 = arith.constant 0 : i32
          scf.yield %scan3A_757 : i32
        }
        %scan3A_184 = arith.constant 32 : i32
        %run_scoped3A = arith.constant 1 : i32
        "tpu.region"() ({
          %run_scoped3A_196 = tpu.sem_alloc : memref<!tpu.dma_semaphore, #tpu.memory_space<semaphore_mem>>
          %dma_start3A_197 = arith.constant 0 : i32
          %dma_start3A_198 = tpu.memref_slice %arg7[%run_scoped3A, %dma_start3A_197] : memref<2x128xi32, #tpu.memory_space<vmem>> -> memref<1x128xi32, #tpu.memory_space<vmem>>
          %dma_start3A_199 = tpu.memref_squeeze %dma_start3A_198 : memref<1x128xi32, #tpu.memory_space<vmem>> -> memref<128xi32, #tpu.memory_space<vmem>>
          %dma_start3A_200 = arith.constant 0 : i32
          %dma_start3A_201 = arith.constant 0 : i32
          %dma_start3A_202 = tpu.memref_slice %arg14[%dma_start3A_200, %dma_start3A_201] : memref<10000x16xf32, #tpu.memory_space<vmem_shared>> -> memref<10000x16xf32, #tpu.memory_space<vmem_shared>>
          tpu.enqueue_indirect_dma source(%arg13 : memref<128x16xf32, #tpu.memory_space<vmem>>) target(%dma_start3A_202 : memref<10000x16xf32, #tpu.memory_space<vmem_shared>>) offsets(%dma_start3A_199 : memref<128xi32, #tpu.memory_space<vmem>>) semaphore(%run_scoped3A_196 : memref<!tpu.dma_semaphore, #tpu.memory_space<semaphore_mem>>) {add = true}
          %dma_wait3A_203 = arith.constant 0 : i32
          %dma_wait3A_204 = tpu.memref_slice %arg7[%run_scoped3A, %dma_wait3A_203] : memref<2x128xi32, #tpu.memory_space<vmem>> -> memref<1x128xi32, #tpu.memory_space<vmem>>
          %dma_wait3A_205 = tpu.memref_squeeze %dma_wait3A_204 : memref<1x128xi32, #tpu.memory_space<vmem>> -> memref<128xi32, #tpu.memory_space<vmem>>
          %dma_wait3A_206 = arith.constant 0 : i32
          %dma_wait3A_207 = arith.constant 0 : i32
          %dma_wait3A_208 = tpu.memref_slice %arg14[%dma_wait3A_206, %dma_wait3A_207] : memref<10000x16xf32, #tpu.memory_space<vmem_shared>> -> memref<10000x16xf32, #tpu.memory_space<vmem_shared>>
          tpu.wait_indirect_dma semaphore(%run_scoped3A_196 : memref<!tpu.dma_semaphore, #tpu.memory_space<semaphore_mem>>) src(%arg13 : memref<128x16xf32, #tpu.memory_space<vmem>>) dst(%dma_wait3A_208 : memref<10000x16xf32, #tpu.memory_space<vmem_shared>>)
          tpu.yield
        }) : () -> ()
        %mul3A_185 = arith.constant 32 : i32
        %mul3A_186 = arith.muli %add3A_146, %mul3A_185 : i32
        %add3A_187 = arith.addi %add3A, %mul3A_186 : i32
        %mul3A_188 = arith.constant 128 : i32
        %mul3A_189 = arith.muli %add3A_187, %mul3A_188 : i32
        "tpu.region"() ({
          %run_scoped3A_196 = tpu.sem_alloc : memref<!tpu.dma_semaphore, #tpu.memory_space<semaphore_mem>>
          %dma_start3A_197 = arith.constant 0 : i32
          %dma_start3A_198 = tpu.memref_slice %arg5[%mul3A_189, %dma_start3A_197] : memref<320000x16xf32, #tpu.memory_space<hbm>> -> memref<128x16xf32, #tpu.memory_space<hbm>>
          %dma_start3A_199 = arith.constant 0 : i32
          %dma_start3A_200 = tpu.memref_slice %arg5[%mul3A_189, %dma_start3A_199] : memref<320000x16xf32, #tpu.memory_space<hbm>> -> memref<128x16xf32, #tpu.memory_space<hbm>>
          tpu.enqueue_dma source(%arg13 : memref<128x16xf32, #tpu.memory_space<vmem>>) target(%dma_start3A_200 : memref<128x16xf32, #tpu.memory_space<hbm>>) target_semaphore(%run_scoped3A_196 : memref<!tpu.dma_semaphore, #tpu.memory_space<semaphore_mem>>)
          %dma_wait3A_201 = arith.constant 0 : i32
          %dma_wait3A_202 = tpu.memref_slice %arg5[%mul3A_189, %dma_wait3A_201] : memref<320000x16xf32, #tpu.memory_space<hbm>> -> memref<128x16xf32, #tpu.memory_space<hbm>>
          %dma_wait3A_203 = arith.constant 0 : i32
          %dma_wait3A_204 = tpu.memref_slice %arg5[%mul3A_189, %dma_wait3A_203] : memref<320000x16xf32, #tpu.memory_space<hbm>> -> memref<128x16xf32, #tpu.memory_space<hbm>>
          tpu.wait_dma2 semaphore(%run_scoped3A_196 : memref<!tpu.dma_semaphore, #tpu.memory_space<semaphore_mem>>) src(%arg13 : memref<128x16xf32, #tpu.memory_space<vmem>>) dst(%dma_wait3A_204 : memref<128x16xf32, #tpu.memory_space<hbm>>)
          tpu.yield
        }) : () -> ()
        %add3A_190 = arith.constant 2 : i32
        %add3A_191 = arith.addi %add3A_146, %add3A_190 : i32
        %lt3A_192 = arith.cmpi slt, %add3A_191, %select_n3A_70 : i32
        %convert_element_type3A_193 = arith.extui %lt3A_192 : i1 to i32
        %cond3A_194 = arith.constant 0 : i32
        %cond3A_195 = arith.cmpi ne, %convert_element_type3A_193, %cond3A_194 : i32
        scf.if %cond3A_195 {
          %add3A_196 = arith.constant 2 : i32
          %add3A_197 = arith.addi %add3A_146, %add3A_196 : i32
          %mul3A_198 = arith.constant 32 : i32
          %mul3A_199 = arith.muli %add3A_197, %mul3A_198 : i32
          %add3A_200 = arith.addi %add3A, %mul3A_199 : i32
          %mul3A_201 = arith.constant 128 : i32
          %mul3A_202 = arith.muli %add3A_200, %mul3A_201 : i32
          %dma_start3A_203 = arith.constant 0 : i32
          %dma_start3A_204 = tpu.memref_slice %arg2[%dma_start3A_203, %mul3A_202] : memref<2x320000xi32, #tpu.memory_space<hbm>> -> memref<2x128xi32, #tpu.memory_space<hbm>>
          %dma_start3A_205 = arith.constant 0 : i32
          %dma_start3A_206 = tpu.memref_slice %arg2[%dma_start3A_205, %mul3A_202] : memref<2x320000xi32, #tpu.memory_space<hbm>> -> memref<2x128xi32, #tpu.memory_space<hbm>>
          tpu.enqueue_dma source(%dma_start3A_206 : memref<2x128xi32, #tpu.memory_space<hbm>>) target(%arg7 : memref<2x128xi32, #tpu.memory_space<vmem>>) target_semaphore(%arg19 : memref<!tpu.dma_semaphore, #tpu.memory_space<semaphore_mem>>)
        } else {
        }
      } else {
      }
      %mul3A_150 = arith.constant 2 : i32
      %mul3A_151 = arith.muli %mul3A_150, %while3A_141 : i32
      %add3A_152 = arith.constant 1 : i32
      %add3A_153 = arith.addi %mul3A_151, %add3A_152 : i32
      %lt3A_154 = arith.cmpi slt, %add3A_153, %select_n3A_70 : i32
      %convert_element_type3A_155 = arith.extui %lt3A_154 : i1 to i32
      %cond3A_156 = arith.constant 0 : i32
      %cond3A_157 = arith.cmpi ne, %convert_element_type3A_155, %cond3A_156 : i32
      scf.if %cond3A_157 {
        %add3A_159 = arith.constant 1 : i32
        %add3A_160 = arith.addi %add3A_153, %add3A_159 : i32
        %lt3A_161 = arith.cmpi slt, %add3A_160, %select_n3A_70 : i32
        %convert_element_type3A_162 = arith.extui %lt3A_161 : i1 to i32
        %cond3A_163 = arith.constant 0 : i32
        %cond3A_164 = arith.cmpi ne, %convert_element_type3A_162, %cond3A_163 : i32
        scf.if %cond3A_164 {
          %add3A_196 = arith.constant 1 : i32
          %add3A_197 = arith.addi %add3A_153, %add3A_196 : i32
          %mul3A_198 = arith.constant 32 : i32
          %mul3A_199 = arith.muli %add3A_197, %mul3A_198 : i32
          %add3A_200 = arith.addi %add3A, %mul3A_199 : i32
          %mul3A_201 = arith.constant 128 : i32
          %mul3A_202 = arith.muli %add3A_200, %mul3A_201 : i32
          %dma_wait3A_203 = arith.constant 0 : i32
          %dma_wait3A_204 = tpu.memref_slice %arg2[%dma_wait3A_203, %mul3A_202] : memref<2x320000xi32, #tpu.memory_space<hbm>> -> memref<2x128xi32, #tpu.memory_space<hbm>>
          %dma_wait3A_205 = arith.constant 0 : i32
          %dma_wait3A_206 = tpu.memref_slice %arg2[%dma_wait3A_205, %mul3A_202] : memref<2x320000xi32, #tpu.memory_space<hbm>> -> memref<2x128xi32, #tpu.memory_space<hbm>>
          tpu.wait_dma2 semaphore(%arg19 : memref<!tpu.dma_semaphore, #tpu.memory_space<semaphore_mem>>) src(%dma_wait3A_206 : memref<2x128xi32, #tpu.memory_space<hbm>>) dst(%arg7 : memref<2x128xi32, #tpu.memory_space<vmem>>)
          %dma_start3A_207 = arith.constant 0 : i32
          %dma_start3A_208 = arith.constant 0 : i32
          %dma_start3A_209 = tpu.memref_slice %arg7[%dma_start3A_207, %dma_start3A_208] : memref<2x128xi32, #tpu.memory_space<vmem>> -> memref<1x128xi32, #tpu.memory_space<vmem>>
          %dma_start3A_210 = tpu.memref_squeeze %dma_start3A_209 : memref<1x128xi32, #tpu.memory_space<vmem>> -> memref<128xi32, #tpu.memory_space<vmem>>
          %dma_start3A_211 = arith.constant 0 : i32
          %dma_start3A_212 = arith.constant 0 : i32
          %dma_start3A_213 = tpu.memref_slice %arg4[%dma_start3A_211, %dma_start3A_212] : memref<10000x128xf32, #tpu.memory_space<hbm>> -> memref<10000x128xf32, #tpu.memory_space<hbm>>
          tpu.enqueue_indirect_dma source(%dma_start3A_213 : memref<10000x128xf32, #tpu.memory_space<hbm>>) target(%arg9 : memref<128x128xf32, #tpu.memory_space<vmem>>) offsets(%dma_start3A_210 : memref<128xi32, #tpu.memory_space<vmem>>) semaphore(%arg15 : memref<!tpu.dma_semaphore, #tpu.memory_space<semaphore_mem>>)
          %dma_start3A_214 = arith.constant 1 : i32
          %dma_start3A_215 = arith.constant 0 : i32
          %dma_start3A_216 = tpu.memref_slice %arg7[%dma_start3A_214, %dma_start3A_215] : memref<2x128xi32, #tpu.memory_space<vmem>> -> memref<1x128xi32, #tpu.memory_space<vmem>>
          %dma_start3A_217 = tpu.memref_squeeze %dma_start3A_216 : memref<1x128xi32, #tpu.memory_space<vmem>> -> memref<128xi32, #tpu.memory_space<vmem>>
          %dma_start3A_218 = arith.constant 0 : i32
          %dma_start3A_219 = arith.constant 0 : i32
          %dma_start3A_220 = tpu.memref_slice %arg3[%dma_start3A_218, %dma_start3A_219] : memref<10000x128xf32, #tpu.memory_space<hbm>> -> memref<10000x128xf32, #tpu.memory_space<hbm>>
          tpu.enqueue_indirect_dma source(%dma_start3A_220 : memref<10000x128xf32, #tpu.memory_space<hbm>>) target(%arg11 : memref<128x128xf32, #tpu.memory_space<vmem>>) offsets(%dma_start3A_217 : memref<128xi32, #tpu.memory_space<vmem>>) semaphore(%arg17 : memref<!tpu.dma_semaphore, #tpu.memory_space<semaphore_mem>>)
        } else {
        }
        %dma_wait3A = arith.constant 0 : i32
        %dma_wait3A_165 = arith.constant 0 : i32
        %dma_wait3A_166 = tpu.memref_slice %arg8[%dma_wait3A, %dma_wait3A_165] : memref<2x128xi32, #tpu.memory_space<vmem>> -> memref<1x128xi32, #tpu.memory_space<vmem>>
        %dma_wait3A_167 = tpu.memref_squeeze %dma_wait3A_166 : memref<1x128xi32, #tpu.memory_space<vmem>> -> memref<128xi32, #tpu.memory_space<vmem>>
        %dma_wait3A_168 = arith.constant 0 : i32
        %dma_wait3A_169 = arith.constant 0 : i32
        %dma_wait3A_170 = tpu.memref_slice %arg4[%dma_wait3A_168, %dma_wait3A_169] : memref<10000x128xf32, #tpu.memory_space<hbm>> -> memref<10000x128xf32, #tpu.memory_space<hbm>>
        tpu.wait_indirect_dma semaphore(%arg16 : memref<!tpu.dma_semaphore, #tpu.memory_space<semaphore_mem>>) src(%dma_wait3A_170 : memref<10000x128xf32, #tpu.memory_space<hbm>>) dst(%arg10 : memref<128x128xf32, #tpu.memory_space<vmem>>)
        %dma_wait3A_171 = arith.constant 1 : i32
        %dma_wait3A_172 = arith.constant 0 : i32
        %dma_wait3A_173 = tpu.memref_slice %arg8[%dma_wait3A_171, %dma_wait3A_172] : memref<2x128xi32, #tpu.memory_space<vmem>> -> memref<1x128xi32, #tpu.memory_space<vmem>>
        %dma_wait3A_174 = tpu.memref_squeeze %dma_wait3A_173 : memref<1x128xi32, #tpu.memory_space<vmem>> -> memref<128xi32, #tpu.memory_space<vmem>>
        %dma_wait3A_175 = arith.constant 0 : i32
        %dma_wait3A_176 = arith.constant 0 : i32
        %dma_wait3A_177 = tpu.memref_slice %arg3[%dma_wait3A_175, %dma_wait3A_176] : memref<10000x128xf32, #tpu.memory_space<hbm>> -> memref<10000x128xf32, #tpu.memory_space<hbm>>
        tpu.wait_indirect_dma semaphore(%arg18 : memref<!tpu.dma_semaphore, #tpu.memory_space<semaphore_mem>>) src(%dma_wait3A_177 : memref<10000x128xf32, #tpu.memory_space<hbm>>) dst(%arg12 : memref<128x128xf32, #tpu.memory_space<vmem>>)
        %scan3A_178 = arith.constant 0 : i32
        %scan3A_179 = arith.constant 0 : i32
        %scan3A_180 = arith.constant 32 : i32
        %scan3A_181 = arith.addi %scan3A_179, %scan3A_180 : i32
        %scan3A_182 = arith.constant 1 : i32
        %scan3A_183 = scf.for %scan3A_196 = %scan3A_179 to %scan3A_181 step %scan3A_182 iter_args(%scan3A_197 = %scan3A_178) -> (i32)  : i32 {
          %mul3A_198 = arith.constant 4 : i32
          %mul3A_199 = arith.muli %scan3A_196, %mul3A_198 : i32
          %add3A_200 = arith.constant 0 : i32
          %add3A_201 = arith.addi %mul3A_199, %add3A_200 : i32
          %broadcast_in_dim3A_202 = arith.constant 0.000000e+00 : f32
          %broadcast_in_dim3A_203 = vector.broadcast %broadcast_in_dim3A_202 : f32 to vector<16xf32>
          %get3A = arith.index_cast %add3A_201 : i32 to index
          %get3A_204 = arith.constant 0 : index
          %get3A_205 = tpu.vector_load %arg10[%get3A, %get3A_204] {strides = array<i32>} : memref<128x128xf32, #tpu.memory_space<vmem>>, vector<16xf32>,
          %get3A_206 = arith.index_cast %add3A_201 : i32 to index
          %get3A_207 = arith.constant 0 : index
          %get3A_208 = tpu.vector_load %arg12[%get3A_206, %get3A_207] {strides = array<i32>} : memref<128x128xf32, #tpu.memory_space<vmem>>, vector<16xf32>,
          %mul3A_209 = arith.mulf %get3A_205, %get3A_208 : vector<16xf32>
          %reduce_sum3A = arith.constant true
          %reduce_sum3A_210 = vector.broadcast %reduce_sum3A : i1 to vector<16xi1>
          %reduce_sum3A_211 = tpu.scan <sum>, %mul3A_209 masked %reduce_sum3A_210 : vector<16xf32>, vector<16xi1> -> vector<16xf32>
          %reduce_sum3A_212 = vector.extract %reduce_sum3A_211[15] : f32 from vector<16xf32>
          %eq3A = arith.constant 0 : i32
          %eq3A_213 = vector.broadcast %eq3A : i32 to vector<16xi32>
          %eq3A_214 = arith.cmpi eq, %iota3A, %eq3A_213 : vector<16xi32>
          %broadcast_in_dim3A_215 = vector.broadcast %reduce_sum3A_212 : f32 to vector<16xf32>
          %select_n3A_216 = arith.select %eq3A_214, %broadcast_in_dim3A_215, %broadcast_in_dim3A_203 : vector<16xi1>, vector<16xf32>
          %get3A_217 = arith.index_cast %add3A_201 : i32 to index
          %get3A_218 = arith.constant 16 : index
          %get3A_219 = tpu.vector_load %arg10[%get3A_217, %get3A_218] {strides = array<i32>} : memref<128x128xf32, #tpu.memory_space<vmem>>, vector<16xf32>,
          %get3A_220 = arith.index_cast %add3A_201 : i32 to index
          %get3A_221 = arith.constant 16 : index
          %get3A_222 = tpu.vector_load %arg12[%get3A_220, %get3A_221] {strides = array<i32>} : memref<128x128xf32, #tpu.memory_space<vmem>>, vector<16xf32>,
          %mul3A_223 = arith.mulf %get3A_219, %get3A_222 : vector<16xf32>
          %reduce_sum3A_224 = arith.constant true
          %reduce_sum3A_225 = vector.broadcast %reduce_sum3A_224 : i1 to vector<16xi1>
          %reduce_sum3A_226 = tpu.scan <sum>, %mul3A_223 masked %reduce_sum3A_225 : vector<16xf32>, vector<16xi1> -> vector<16xf32>
          %reduce_sum3A_227 = vector.extract %reduce_sum3A_226[15] : f32 from vector<16xf32>
          %eq3A_228 = arith.constant 1 : i32
          %eq3A_229 = vector.broadcast %eq3A_228 : i32 to vector<16xi32>
          %eq3A_230 = arith.cmpi eq, %iota3A, %eq3A_229 : vector<16xi32>
          %broadcast_in_dim3A_231 = vector.broadcast %reduce_sum3A_227 : f32 to vector<16xf32>
          %select_n3A_232 = arith.select %eq3A_230, %broadcast_in_dim3A_231, %select_n3A_216 : vector<16xi1>, vector<16xf32>
          %get3A_233 = arith.index_cast %add3A_201 : i32 to index
          %get3A_234 = arith.constant 32 : index
          %get3A_235 = tpu.vector_load %arg10[%get3A_233, %get3A_234] {strides = array<i32>} : memref<128x128xf32, #tpu.memory_space<vmem>>, vector<16xf32>,
          %get3A_236 = arith.index_cast %add3A_201 : i32 to index
          %get3A_237 = arith.constant 32 : index
          %get3A_238 = tpu.vector_load %arg12[%get3A_236, %get3A_237] {strides = array<i32>} : memref<128x128xf32, #tpu.memory_space<vmem>>, vector<16xf32>,
          %mul3A_239 = arith.mulf %get3A_235, %get3A_238 : vector<16xf32>
          %reduce_sum3A_240 = arith.constant true
          %reduce_sum3A_241 = vector.broadcast %reduce_sum3A_240 : i1 to vector<16xi1>
          %reduce_sum3A_242 = tpu.scan <sum>, %mul3A_239 masked %reduce_sum3A_241 : vector<16xf32>, vector<16xi1> -> vector<16xf32>
          %reduce_sum3A_243 = vector.extract %reduce_sum3A_242[15] : f32 from vector<16xf32>
          %eq3A_244 = arith.constant 2 : i32
          %eq3A_245 = vector.broadcast %eq3A_244 : i32 to vector<16xi32>
          %eq3A_246 = arith.cmpi eq, %iota3A, %eq3A_245 : vector<16xi32>
          %broadcast_in_dim3A_247 = vector.broadcast %reduce_sum3A_243 : f32 to vector<16xf32>
          %select_n3A_248 = arith.select %eq3A_246, %broadcast_in_dim3A_247, %select_n3A_232 : vector<16xi1>, vector<16xf32>
          %get3A_249 = arith.index_cast %add3A_201 : i32 to index
          %get3A_250 = arith.constant 48 : index
          %get3A_251 = tpu.vector_load %arg10[%get3A_249, %get3A_250] {strides = array<i32>} : memref<128x128xf32, #tpu.memory_space<vmem>>, vector<16xf32>,
          %get3A_252 = arith.index_cast %add3A_201 : i32 to index
          %get3A_253 = arith.constant 48 : index
          %get3A_254 = tpu.vector_load %arg12[%get3A_252, %get3A_253] {strides = array<i32>} : memref<128x128xf32, #tpu.memory_space<vmem>>, vector<16xf32>,
          %mul3A_255 = arith.mulf %get3A_251, %get3A_254 : vector<16xf32>
          %reduce_sum3A_256 = arith.constant true
          %reduce_sum3A_257 = vector.broadcast %reduce_sum3A_256 : i1 to vector<16xi1>
          %reduce_sum3A_258 = tpu.scan <sum>, %mul3A_255 masked %reduce_sum3A_257 : vector<16xf32>, vector<16xi1> -> vector<16xf32>
          %reduce_sum3A_259 = vector.extract %reduce_sum3A_258[15] : f32 from vector<16xf32>
          %eq3A_260 = arith.constant 3 : i32
          %eq3A_261 = vector.broadcast %eq3A_260 : i32 to vector<16xi32>
          %eq3A_262 = arith.cmpi eq, %iota3A, %eq3A_261 : vector<16xi32>
          %broadcast_in_dim3A_263 = vector.broadcast %reduce_sum3A_259 : f32 to vector<16xf32>
          %select_n3A_264 = arith.select %eq3A_262, %broadcast_in_dim3A_263, %select_n3A_248 : vector<16xi1>, vector<16xf32>
          %get3A_265 = arith.index_cast %add3A_201 : i32 to index
          %get3A_266 = arith.constant 64 : index
          %get3A_267 = tpu.vector_load %arg10[%get3A_265, %get3A_266] {strides = array<i32>} : memref<128x128xf32, #tpu.memory_space<vmem>>, vector<16xf32>,
          %get3A_268 = arith.index_cast %add3A_201 : i32 to index
          %get3A_269 = arith.constant 64 : index
          %get3A_270 = tpu.vector_load %arg12[%get3A_268, %get3A_269] {strides = array<i32>} : memref<128x128xf32, #tpu.memory_space<vmem>>, vector<16xf32>,
          %mul3A_271 = arith.mulf %get3A_267, %get3A_270 : vector<16xf32>
          %reduce_sum3A_272 = arith.constant true
          %reduce_sum3A_273 = vector.broadcast %reduce_sum3A_272 : i1 to vector<16xi1>
          %reduce_sum3A_274 = tpu.scan <sum>, %mul3A_271 masked %reduce_sum3A_273 : vector<16xf32>, vector<16xi1> -> vector<16xf32>
          %reduce_sum3A_275 = vector.extract %reduce_sum3A_274[15] : f32 from vector<16xf32>
          %eq3A_276 = arith.constant 4 : i32
          %eq3A_277 = vector.broadcast %eq3A_276 : i32 to vector<16xi32>
          %eq3A_278 = arith.cmpi eq, %iota3A, %eq3A_277 : vector<16xi32>
          %broadcast_in_dim3A_279 = vector.broadcast %reduce_sum3A_275 : f32 to vector<16xf32>
          %select_n3A_280 = arith.select %eq3A_278, %broadcast_in_dim3A_279, %select_n3A_264 : vector<16xi1>, vector<16xf32>
          %get3A_281 = arith.index_cast %add3A_201 : i32 to index
          %get3A_282 = arith.constant 80 : index
          %get3A_283 = tpu.vector_load %arg10[%get3A_281, %get3A_282] {strides = array<i32>} : memref<128x128xf32, #tpu.memory_space<vmem>>, vector<16xf32>,
          %get3A_284 = arith.index_cast %add3A_201 : i32 to index
          %get3A_285 = arith.constant 80 : index
          %get3A_286 = tpu.vector_load %arg12[%get3A_284, %get3A_285] {strides = array<i32>} : memref<128x128xf32, #tpu.memory_space<vmem>>, vector<16xf32>,
          %mul3A_287 = arith.mulf %get3A_283, %get3A_286 : vector<16xf32>
          %reduce_sum3A_288 = arith.constant true
          %reduce_sum3A_289 = vector.broadcast %reduce_sum3A_288 : i1 to vector<16xi1>
          %reduce_sum3A_290 = tpu.scan <sum>, %mul3A_287 masked %reduce_sum3A_289 : vector<16xf32>, vector<16xi1> -> vector<16xf32>
          %reduce_sum3A_291 = vector.extract %reduce_sum3A_290[15] : f32 from vector<16xf32>
          %eq3A_292 = arith.constant 5 : i32
          %eq3A_293 = vector.broadcast %eq3A_292 : i32 to vector<16xi32>
          %eq3A_294 = arith.cmpi eq, %iota3A, %eq3A_293 : vector<16xi32>
          %broadcast_in_dim3A_295 = vector.broadcast %reduce_sum3A_291 : f32 to vector<16xf32>
          %select_n3A_296 = arith.select %eq3A_294, %broadcast_in_dim3A_295, %select_n3A_280 : vector<16xi1>, vector<16xf32>
          %get3A_297 = arith.index_cast %add3A_201 : i32 to index
          %get3A_298 = arith.constant 96 : index
          %get3A_299 = tpu.vector_load %arg10[%get3A_297, %get3A_298] {strides = array<i32>} : memref<128x128xf32, #tpu.memory_space<vmem>>, vector<16xf32>,
          %get3A_300 = arith.index_cast %add3A_201 : i32 to index
          %get3A_301 = arith.constant 96 : index
          %get3A_302 = tpu.vector_load %arg12[%get3A_300, %get3A_301] {strides = array<i32>} : memref<128x128xf32, #tpu.memory_space<vmem>>, vector<16xf32>,
          %mul3A_303 = arith.mulf %get3A_299, %get3A_302 : vector<16xf32>
          %reduce_sum3A_304 = arith.constant true
          %reduce_sum3A_305 = vector.broadcast %reduce_sum3A_304 : i1 to vector<16xi1>
          %reduce_sum3A_306 = tpu.scan <sum>, %mul3A_303 masked %reduce_sum3A_305 : vector<16xf32>, vector<16xi1> -> vector<16xf32>
          %reduce_sum3A_307 = vector.extract %reduce_sum3A_306[15] : f32 from vector<16xf32>
          %eq3A_308 = arith.constant 6 : i32
          %eq3A_309 = vector.broadcast %eq3A_308 : i32 to vector<16xi32>
          %eq3A_310 = arith.cmpi eq, %iota3A, %eq3A_309 : vector<16xi32>
          %broadcast_in_dim3A_311 = vector.broadcast %reduce_sum3A_307 : f32 to vector<16xf32>
          %select_n3A_312 = arith.select %eq3A_310, %broadcast_in_dim3A_311, %select_n3A_296 : vector<16xi1>, vector<16xf32>
          %get3A_313 = arith.index_cast %add3A_201 : i32 to index
          %get3A_314 = arith.constant 112 : index
          %get3A_315 = tpu.vector_load %arg10[%get3A_313, %get3A_314] {strides = array<i32>} : memref<128x128xf32, #tpu.memory_space<vmem>>, vector<16xf32>,
          %get3A_316 = arith.index_cast %add3A_201 : i32 to index
          %get3A_317 = arith.constant 112 : index
          %get3A_318 = tpu.vector_load %arg12[%get3A_316, %get3A_317] {strides = array<i32>} : memref<128x128xf32, #tpu.memory_space<vmem>>, vector<16xf32>,
          %mul3A_319 = arith.mulf %get3A_315, %get3A_318 : vector<16xf32>
          %reduce_sum3A_320 = arith.constant true
          %reduce_sum3A_321 = vector.broadcast %reduce_sum3A_320 : i1 to vector<16xi1>
          %reduce_sum3A_322 = tpu.scan <sum>, %mul3A_319 masked %reduce_sum3A_321 : vector<16xf32>, vector<16xi1> -> vector<16xf32>
          %reduce_sum3A_323 = vector.extract %reduce_sum3A_322[15] : f32 from vector<16xf32>
          %eq3A_324 = arith.constant 7 : i32
          %eq3A_325 = vector.broadcast %eq3A_324 : i32 to vector<16xi32>
          %eq3A_326 = arith.cmpi eq, %iota3A, %eq3A_325 : vector<16xi32>
          %broadcast_in_dim3A_327 = vector.broadcast %reduce_sum3A_323 : f32 to vector<16xf32>
          %select_n3A_328 = arith.select %eq3A_326, %broadcast_in_dim3A_327, %select_n3A_312 : vector<16xi1>, vector<16xf32>
          %mul3A_329 = arith.constant 2.500000e-01 : f32
          %mul3A_330 = vector.broadcast %mul3A_329 : f32 to vector<16xf32>
          %mul3A_331 = arith.mulf %select_n3A_328, %mul3A_330 : vector<16xf32>
          %exp3A = math.exp %mul3A_331 : vector<16xf32>
          %swap3A = arith.index_cast %add3A_201 : i32 to index
          %swap3A_332 = arith.constant 0 : index
          %swap3A_333 = tpu.vector_load %arg13[%swap3A, %swap3A_332] {strides = array<i32>} : memref<128x16xf32, #tpu.memory_space<vmem>>, vector<16xf32>,
          tpu.vector_store %arg13[%swap3A, %swap3A_332], %exp3A {strides = array<i32>} : memref<128x16xf32, #tpu.memory_space<vmem>>, vector<16xf32>,
          %mul3A_334 = arith.constant 4 : i32
          %mul3A_335 = arith.muli %scan3A_196, %mul3A_334 : i32
          %add3A_336 = arith.constant 1 : i32
          %add3A_337 = arith.addi %mul3A_335, %add3A_336 : i32
          %broadcast_in_dim3A_338 = arith.constant 0.000000e+00 : f32
          %broadcast_in_dim3A_339 = vector.broadcast %broadcast_in_dim3A_338 : f32 to vector<16xf32>
          %get3A_340 = arith.index_cast %add3A_337 : i32 to index
          %get3A_341 = arith.constant 0 : index
          %get3A_342 = tpu.vector_load %arg10[%get3A_340, %get3A_341] {strides = array<i32>} : memref<128x128xf32, #tpu.memory_space<vmem>>, vector<16xf32>,
          %get3A_343 = arith.index_cast %add3A_337 : i32 to index
          %get3A_344 = arith.constant 0 : index
          %get3A_345 = tpu.vector_load %arg12[%get3A_343, %get3A_344] {strides = array<i32>} : memref<128x128xf32, #tpu.memory_space<vmem>>, vector<16xf32>,
          %mul3A_346 = arith.mulf %get3A_342, %get3A_345 : vector<16xf32>
          %reduce_sum3A_347 = arith.constant true
          %reduce_sum3A_348 = vector.broadcast %reduce_sum3A_347 : i1 to vector<16xi1>
          %reduce_sum3A_349 = tpu.scan <sum>, %mul3A_346 masked %reduce_sum3A_348 : vector<16xf32>, vector<16xi1> -> vector<16xf32>
          %reduce_sum3A_350 = vector.extract %reduce_sum3A_349[15] : f32 from vector<16xf32>
          %eq3A_351 = arith.constant 0 : i32
          %eq3A_352 = vector.broadcast %eq3A_351 : i32 to vector<16xi32>
          %eq3A_353 = arith.cmpi eq, %iota3A, %eq3A_352 : vector<16xi32>
          %broadcast_in_dim3A_354 = vector.broadcast %reduce_sum3A_350 : f32 to vector<16xf32>
          %select_n3A_355 = arith.select %eq3A_353, %broadcast_in_dim3A_354, %broadcast_in_dim3A_339 : vector<16xi1>, vector<16xf32>
          %get3A_356 = arith.index_cast %add3A_337 : i32 to index
          %get3A_357 = arith.constant 16 : index
          %get3A_358 = tpu.vector_load %arg10[%get3A_356, %get3A_357] {strides = array<i32>} : memref<128x128xf32, #tpu.memory_space<vmem>>, vector<16xf32>,
          %get3A_359 = arith.index_cast %add3A_337 : i32 to index
          %get3A_360 = arith.constant 16 : index
          %get3A_361 = tpu.vector_load %arg12[%get3A_359, %get3A_360] {strides = array<i32>} : memref<128x128xf32, #tpu.memory_space<vmem>>, vector<16xf32>,
          %mul3A_362 = arith.mulf %get3A_358, %get3A_361 : vector<16xf32>
          %reduce_sum3A_363 = arith.constant true
          %reduce_sum3A_364 = vector.broadcast %reduce_sum3A_363 : i1 to vector<16xi1>
          %reduce_sum3A_365 = tpu.scan <sum>, %mul3A_362 masked %reduce_sum3A_364 : vector<16xf32>, vector<16xi1> -> vector<16xf32>
          %reduce_sum3A_366 = vector.extract %reduce_sum3A_365[15] : f32 from vector<16xf32>
          %eq3A_367 = arith.constant 1 : i32
          %eq3A_368 = vector.broadcast %eq3A_367 : i32 to vector<16xi32>
          %eq3A_369 = arith.cmpi eq, %iota3A, %eq3A_368 : vector<16xi32>
          %broadcast_in_dim3A_370 = vector.broadcast %reduce_sum3A_366 : f32 to vector<16xf32>
          %select_n3A_371 = arith.select %eq3A_369, %broadcast_in_dim3A_370, %select_n3A_355 : vector<16xi1>, vector<16xf32>
          %get3A_372 = arith.index_cast %add3A_337 : i32 to index
          %get3A_373 = arith.constant 32 : index
          %get3A_374 = tpu.vector_load %arg10[%get3A_372, %get3A_373] {strides = array<i32>} : memref<128x128xf32, #tpu.memory_space<vmem>>, vector<16xf32>,
          %get3A_375 = arith.index_cast %add3A_337 : i32 to index
          %get3A_376 = arith.constant 32 : index
          %get3A_377 = tpu.vector_load %arg12[%get3A_375, %get3A_376] {strides = array<i32>} : memref<128x128xf32, #tpu.memory_space<vmem>>, vector<16xf32>,
          %mul3A_378 = arith.mulf %get3A_374, %get3A_377 : vector<16xf32>
          %reduce_sum3A_379 = arith.constant true
          %reduce_sum3A_380 = vector.broadcast %reduce_sum3A_379 : i1 to vector<16xi1>
          %reduce_sum3A_381 = tpu.scan <sum>, %mul3A_378 masked %reduce_sum3A_380 : vector<16xf32>, vector<16xi1> -> vector<16xf32>
          %reduce_sum3A_382 = vector.extract %reduce_sum3A_381[15] : f32 from vector<16xf32>
          %eq3A_383 = arith.constant 2 : i32
          %eq3A_384 = vector.broadcast %eq3A_383 : i32 to vector<16xi32>
          %eq3A_385 = arith.cmpi eq, %iota3A, %eq3A_384 : vector<16xi32>
          %broadcast_in_dim3A_386 = vector.broadcast %reduce_sum3A_382 : f32 to vector<16xf32>
          %select_n3A_387 = arith.select %eq3A_385, %broadcast_in_dim3A_386, %select_n3A_371 : vector<16xi1>, vector<16xf32>
          %get3A_388 = arith.index_cast %add3A_337 : i32 to index
          %get3A_389 = arith.constant 48 : index
          %get3A_390 = tpu.vector_load %arg10[%get3A_388, %get3A_389] {strides = array<i32>} : memref<128x128xf32, #tpu.memory_space<vmem>>, vector<16xf32>,
          %get3A_391 = arith.index_cast %add3A_337 : i32 to index
          %get3A_392 = arith.constant 48 : index
          %get3A_393 = tpu.vector_load %arg12[%get3A_391, %get3A_392] {strides = array<i32>} : memref<128x128xf32, #tpu.memory_space<vmem>>, vector<16xf32>,
          %mul3A_394 = arith.mulf %get3A_390, %get3A_393 : vector<16xf32>
          %reduce_sum3A_395 = arith.constant true
          %reduce_sum3A_396 = vector.broadcast %reduce_sum3A_395 : i1 to vector<16xi1>
          %reduce_sum3A_397 = tpu.scan <sum>, %mul3A_394 masked %reduce_sum3A_396 : vector<16xf32>, vector<16xi1> -> vector<16xf32>
          %reduce_sum3A_398 = vector.extract %reduce_sum3A_397[15] : f32 from vector<16xf32>
          %eq3A_399 = arith.constant 3 : i32
          %eq3A_400 = vector.broadcast %eq3A_399 : i32 to vector<16xi32>
          %eq3A_401 = arith.cmpi eq, %iota3A, %eq3A_400 : vector<16xi32>
          %broadcast_in_dim3A_402 = vector.broadcast %reduce_sum3A_398 : f32 to vector<16xf32>
          %select_n3A_403 = arith.select %eq3A_401, %broadcast_in_dim3A_402, %select_n3A_387 : vector<16xi1>, vector<16xf32>
          %get3A_404 = arith.index_cast %add3A_337 : i32 to index
          %get3A_405 = arith.constant 64 : index
          %get3A_406 = tpu.vector_load %arg10[%get3A_404, %get3A_405] {strides = array<i32>} : memref<128x128xf32, #tpu.memory_space<vmem>>, vector<16xf32>,
          %get3A_407 = arith.index_cast %add3A_337 : i32 to index
          %get3A_408 = arith.constant 64 : index
          %get3A_409 = tpu.vector_load %arg12[%get3A_407, %get3A_408] {strides = array<i32>} : memref<128x128xf32, #tpu.memory_space<vmem>>, vector<16xf32>,
          %mul3A_410 = arith.mulf %get3A_406, %get3A_409 : vector<16xf32>
          %reduce_sum3A_411 = arith.constant true
          %reduce_sum3A_412 = vector.broadcast %reduce_sum3A_411 : i1 to vector<16xi1>
          %reduce_sum3A_413 = tpu.scan <sum>, %mul3A_410 masked %reduce_sum3A_412 : vector<16xf32>, vector<16xi1> -> vector<16xf32>
          %reduce_sum3A_414 = vector.extract %reduce_sum3A_413[15] : f32 from vector<16xf32>
          %eq3A_415 = arith.constant 4 : i32
          %eq3A_416 = vector.broadcast %eq3A_415 : i32 to vector<16xi32>
          %eq3A_417 = arith.cmpi eq, %iota3A, %eq3A_416 : vector<16xi32>
          %broadcast_in_dim3A_418 = vector.broadcast %reduce_sum3A_414 : f32 to vector<16xf32>
          %select_n3A_419 = arith.select %eq3A_417, %broadcast_in_dim3A_418, %select_n3A_403 : vector<16xi1>, vector<16xf32>
          %get3A_420 = arith.index_cast %add3A_337 : i32 to index
          %get3A_421 = arith.constant 80 : index
          %get3A_422 = tpu.vector_load %arg10[%get3A_420, %get3A_421] {strides = array<i32>} : memref<128x128xf32, #tpu.memory_space<vmem>>, vector<16xf32>,
          %get3A_423 = arith.index_cast %add3A_337 : i32 to index
          %get3A_424 = arith.constant 80 : index
          %get3A_425 = tpu.vector_load %arg12[%get3A_423, %get3A_424] {strides = array<i32>} : memref<128x128xf32, #tpu.memory_space<vmem>>, vector<16xf32>,
          %mul3A_426 = arith.mulf %get3A_422, %get3A_425 : vector<16xf32>
          %reduce_sum3A_427 = arith.constant true
          %reduce_sum3A_428 = vector.broadcast %reduce_sum3A_427 : i1 to vector<16xi1>
          %reduce_sum3A_429 = tpu.scan <sum>, %mul3A_426 masked %reduce_sum3A_428 : vector<16xf32>, vector<16xi1> -> vector<16xf32>
          %reduce_sum3A_430 = vector.extract %reduce_sum3A_429[15] : f32 from vector<16xf32>
          %eq3A_431 = arith.constant 5 : i32
          %eq3A_432 = vector.broadcast %eq3A_431 : i32 to vector<16xi32>
          %eq3A_433 = arith.cmpi eq, %iota3A, %eq3A_432 : vector<16xi32>
          %broadcast_in_dim3A_434 = vector.broadcast %reduce_sum3A_430 : f32 to vector<16xf32>
          %select_n3A_435 = arith.select %eq3A_433, %broadcast_in_dim3A_434, %select_n3A_419 : vector<16xi1>, vector<16xf32>
          %get3A_436 = arith.index_cast %add3A_337 : i32 to index
          %get3A_437 = arith.constant 96 : index
          %get3A_438 = tpu.vector_load %arg10[%get3A_436, %get3A_437] {strides = array<i32>} : memref<128x128xf32, #tpu.memory_space<vmem>>, vector<16xf32>,
          %get3A_439 = arith.index_cast %add3A_337 : i32 to index
          %get3A_440 = arith.constant 96 : index
          %get3A_441 = tpu.vector_load %arg12[%get3A_439, %get3A_440] {strides = array<i32>} : memref<128x128xf32, #tpu.memory_space<vmem>>, vector<16xf32>,
          %mul3A_442 = arith.mulf %get3A_438, %get3A_441 : vector<16xf32>
          %reduce_sum3A_443 = arith.constant true
          %reduce_sum3A_444 = vector.broadcast %reduce_sum3A_443 : i1 to vector<16xi1>
          %reduce_sum3A_445 = tpu.scan <sum>, %mul3A_442 masked %reduce_sum3A_444 : vector<16xf32>, vector<16xi1> -> vector<16xf32>
          %reduce_sum3A_446 = vector.extract %reduce_sum3A_445[15] : f32 from vector<16xf32>
          %eq3A_447 = arith.constant 6 : i32
          %eq3A_448 = vector.broadcast %eq3A_447 : i32 to vector<16xi32>
          %eq3A_449 = arith.cmpi eq, %iota3A, %eq3A_448 : vector<16xi32>
          %broadcast_in_dim3A_450 = vector.broadcast %reduce_sum3A_446 : f32 to vector<16xf32>
          %select_n3A_451 = arith.select %eq3A_449, %broadcast_in_dim3A_450, %select_n3A_435 : vector<16xi1>, vector<16xf32>
          %get3A_452 = arith.index_cast %add3A_337 : i32 to index
          %get3A_453 = arith.constant 112 : index
          %get3A_454 = tpu.vector_load %arg10[%get3A_452, %get3A_453] {strides = array<i32>} : memref<128x128xf32, #tpu.memory_space<vmem>>, vector<16xf32>,
          %get3A_455 = arith.index_cast %add3A_337 : i32 to index
          %get3A_456 = arith.constant 112 : index
          %get3A_457 = tpu.vector_load %arg12[%get3A_455, %get3A_456] {strides = array<i32>} : memref<128x128xf32, #tpu.memory_space<vmem>>, vector<16xf32>,
          %mul3A_458 = arith.mulf %get3A_454, %get3A_457 : vector<16xf32>
          %reduce_sum3A_459 = arith.constant true
          %reduce_sum3A_460 = vector.broadcast %reduce_sum3A_459 : i1 to vector<16xi1>
          %reduce_sum3A_461 = tpu.scan <sum>, %mul3A_458 masked %reduce_sum3A_460 : vector<16xf32>, vector<16xi1> -> vector<16xf32>
          %reduce_sum3A_462 = vector.extract %reduce_sum3A_461[15] : f32 from vector<16xf32>
          %eq3A_463 = arith.constant 7 : i32
          %eq3A_464 = vector.broadcast %eq3A_463 : i32 to vector<16xi32>
          %eq3A_465 = arith.cmpi eq, %iota3A, %eq3A_464 : vector<16xi32>
          %broadcast_in_dim3A_466 = vector.broadcast %reduce_sum3A_462 : f32 to vector<16xf32>
          %select_n3A_467 = arith.select %eq3A_465, %broadcast_in_dim3A_466, %select_n3A_451 : vector<16xi1>, vector<16xf32>
          %mul3A_468 = arith.constant 2.500000e-01 : f32
          %mul3A_469 = vector.broadcast %mul3A_468 : f32 to vector<16xf32>
          %mul3A_470 = arith.mulf %select_n3A_467, %mul3A_469 : vector<16xf32>
          %exp3A_471 = math.exp %mul3A_470 : vector<16xf32>
          %swap3A_472 = arith.index_cast %add3A_337 : i32 to index
          %swap3A_473 = arith.constant 0 : index
          %swap3A_474 = tpu.vector_load %arg13[%swap3A_472, %swap3A_473] {strides = array<i32>} : memref<128x16xf32, #tpu.memory_space<vmem>>, vector<16xf32>,
          tpu.vector_store %arg13[%swap3A_472, %swap3A_473], %exp3A_471 {strides = array<i32>} : memref<128x16xf32, #tpu.memory_space<vmem>>, vector<16xf32>,
          %mul3A_475 = arith.constant 4 : i32
          %mul3A_476 = arith.muli %scan3A_196, %mul3A_475 : i32
          %add3A_477 = arith.constant 2 : i32
          %add3A_478 = arith.addi %mul3A_476, %add3A_477 : i32
          %broadcast_in_dim3A_479 = arith.constant 0.000000e+00 : f32
          %broadcast_in_dim3A_480 = vector.broadcast %broadcast_in_dim3A_479 : f32 to vector<16xf32>
          %get3A_481 = arith.index_cast %add3A_478 : i32 to index
          %get3A_482 = arith.constant 0 : index
          %get3A_483 = tpu.vector_load %arg10[%get3A_481, %get3A_482] {strides = array<i32>} : memref<128x128xf32, #tpu.memory_space<vmem>>, vector<16xf32>,
          %get3A_484 = arith.index_cast %add3A_478 : i32 to index
          %get3A_485 = arith.constant 0 : index
          %get3A_486 = tpu.vector_load %arg12[%get3A_484, %get3A_485] {strides = array<i32>} : memref<128x128xf32, #tpu.memory_space<vmem>>, vector<16xf32>,
          %mul3A_487 = arith.mulf %get3A_483, %get3A_486 : vector<16xf32>
          %reduce_sum3A_488 = arith.constant true
          %reduce_sum3A_489 = vector.broadcast %reduce_sum3A_488 : i1 to vector<16xi1>
          %reduce_sum3A_490 = tpu.scan <sum>, %mul3A_487 masked %reduce_sum3A_489 : vector<16xf32>, vector<16xi1> -> vector<16xf32>
          %reduce_sum3A_491 = vector.extract %reduce_sum3A_490[15] : f32 from vector<16xf32>
          %eq3A_492 = arith.constant 0 : i32
          %eq3A_493 = vector.broadcast %eq3A_492 : i32 to vector<16xi32>
          %eq3A_494 = arith.cmpi eq, %iota3A, %eq3A_493 : vector<16xi32>
          %broadcast_in_dim3A_495 = vector.broadcast %reduce_sum3A_491 : f32 to vector<16xf32>
          %select_n3A_496 = arith.select %eq3A_494, %broadcast_in_dim3A_495, %broadcast_in_dim3A_480 : vector<16xi1>, vector<16xf32>
          %get3A_497 = arith.index_cast %add3A_478 : i32 to index
          %get3A_498 = arith.constant 16 : index
          %get3A_499 = tpu.vector_load %arg10[%get3A_497, %get3A_498] {strides = array<i32>} : memref<128x128xf32, #tpu.memory_space<vmem>>, vector<16xf32>,
          %get3A_500 = arith.index_cast %add3A_478 : i32 to index
          %get3A_501 = arith.constant 16 : index
          %get3A_502 = tpu.vector_load %arg12[%get3A_500, %get3A_501] {strides = array<i32>} : memref<128x128xf32, #tpu.memory_space<vmem>>, vector<16xf32>,
          %mul3A_503 = arith.mulf %get3A_499, %get3A_502 : vector<16xf32>
          %reduce_sum3A_504 = arith.constant true
          %reduce_sum3A_505 = vector.broadcast %reduce_sum3A_504 : i1 to vector<16xi1>
          %reduce_sum3A_506 = tpu.scan <sum>, %mul3A_503 masked %reduce_sum3A_505 : vector<16xf32>, vector<16xi1> -> vector<16xf32>
          %reduce_sum3A_507 = vector.extract %reduce_sum3A_506[15] : f32 from vector<16xf32>
          %eq3A_508 = arith.constant 1 : i32
          %eq3A_509 = vector.broadcast %eq3A_508 : i32 to vector<16xi32>
          %eq3A_510 = arith.cmpi eq, %iota3A, %eq3A_509 : vector<16xi32>
          %broadcast_in_dim3A_511 = vector.broadcast %reduce_sum3A_507 : f32 to vector<16xf32>
          %select_n3A_512 = arith.select %eq3A_510, %broadcast_in_dim3A_511, %select_n3A_496 : vector<16xi1>, vector<16xf32>
          %get3A_513 = arith.index_cast %add3A_478 : i32 to index
          %get3A_514 = arith.constant 32 : index
          %get3A_515 = tpu.vector_load %arg10[%get3A_513, %get3A_514] {strides = array<i32>} : memref<128x128xf32, #tpu.memory_space<vmem>>, vector<16xf32>,
          %get3A_516 = arith.index_cast %add3A_478 : i32 to index
          %get3A_517 = arith.constant 32 : index
          %get3A_518 = tpu.vector_load %arg12[%get3A_516, %get3A_517] {strides = array<i32>} : memref<128x128xf32, #tpu.memory_space<vmem>>, vector<16xf32>,
          %mul3A_519 = arith.mulf %get3A_515, %get3A_518 : vector<16xf32>
          %reduce_sum3A_520 = arith.constant true
          %reduce_sum3A_521 = vector.broadcast %reduce_sum3A_520 : i1 to vector<16xi1>
          %reduce_sum3A_522 = tpu.scan <sum>, %mul3A_519 masked %reduce_sum3A_521 : vector<16xf32>, vector<16xi1> -> vector<16xf32>
          %reduce_sum3A_523 = vector.extract %reduce_sum3A_522[15] : f32 from vector<16xf32>
          %eq3A_524 = arith.constant 2 : i32
          %eq3A_525 = vector.broadcast %eq3A_524 : i32 to vector<16xi32>
          %eq3A_526 = arith.cmpi eq, %iota3A, %eq3A_525 : vector<16xi32>
          %broadcast_in_dim3A_527 = vector.broadcast %reduce_sum3A_523 : f32 to vector<16xf32>
          %select_n3A_528 = arith.select %eq3A_526, %broadcast_in_dim3A_527, %select_n3A_512 : vector<16xi1>, vector<16xf32>
          %get3A_529 = arith.index_cast %add3A_478 : i32 to index
          %get3A_530 = arith.constant 48 : index
          %get3A_531 = tpu.vector_load %arg10[%get3A_529, %get3A_530] {strides = array<i32>} : memref<128x128xf32, #tpu.memory_space<vmem>>, vector<16xf32>,
          %get3A_532 = arith.index_cast %add3A_478 : i32 to index
          %get3A_533 = arith.constant 48 : index
          %get3A_534 = tpu.vector_load %arg12[%get3A_532, %get3A_533] {strides = array<i32>} : memref<128x128xf32, #tpu.memory_space<vmem>>, vector<16xf32>,
          %mul3A_535 = arith.mulf %get3A_531, %get3A_534 : vector<16xf32>
          %reduce_sum3A_536 = arith.constant true
          %reduce_sum3A_537 = vector.broadcast %reduce_sum3A_536 : i1 to vector<16xi1>
          %reduce_sum3A_538 = tpu.scan <sum>, %mul3A_535 masked %reduce_sum3A_537 : vector<16xf32>, vector<16xi1> -> vector<16xf32>
          %reduce_sum3A_539 = vector.extract %reduce_sum3A_538[15] : f32 from vector<16xf32>
          %eq3A_540 = arith.constant 3 : i32
          %eq3A_541 = vector.broadcast %eq3A_540 : i32 to vector<16xi32>
          %eq3A_542 = arith.cmpi eq, %iota3A, %eq3A_541 : vector<16xi32>
          %broadcast_in_dim3A_543 = vector.broadcast %reduce_sum3A_539 : f32 to vector<16xf32>
          %select_n3A_544 = arith.select %eq3A_542, %broadcast_in_dim3A_543, %select_n3A_528 : vector<16xi1>, vector<16xf32>
          %get3A_545 = arith.index_cast %add3A_478 : i32 to index
          %get3A_546 = arith.constant 64 : index
          %get3A_547 = tpu.vector_load %arg10[%get3A_545, %get3A_546] {strides = array<i32>} : memref<128x128xf32, #tpu.memory_space<vmem>>, vector<16xf32>,
          %get3A_548 = arith.index_cast %add3A_478 : i32 to index
          %get3A_549 = arith.constant 64 : index
          %get3A_550 = tpu.vector_load %arg12[%get3A_548, %get3A_549] {strides = array<i32>} : memref<128x128xf32, #tpu.memory_space<vmem>>, vector<16xf32>,
          %mul3A_551 = arith.mulf %get3A_547, %get3A_550 : vector<16xf32>
          %reduce_sum3A_552 = arith.constant true
          %reduce_sum3A_553 = vector.broadcast %reduce_sum3A_552 : i1 to vector<16xi1>
          %reduce_sum3A_554 = tpu.scan <sum>, %mul3A_551 masked %reduce_sum3A_553 : vector<16xf32>, vector<16xi1> -> vector<16xf32>
          %reduce_sum3A_555 = vector.extract %reduce_sum3A_554[15] : f32 from vector<16xf32>
          %eq3A_556 = arith.constant 4 : i32
          %eq3A_557 = vector.broadcast %eq3A_556 : i32 to vector<16xi32>
          %eq3A_558 = arith.cmpi eq, %iota3A, %eq3A_557 : vector<16xi32>
          %broadcast_in_dim3A_559 = vector.broadcast %reduce_sum3A_555 : f32 to vector<16xf32>
          %select_n3A_560 = arith.select %eq3A_558, %broadcast_in_dim3A_559, %select_n3A_544 : vector<16xi1>, vector<16xf32>
          %get3A_561 = arith.index_cast %add3A_478 : i32 to index
          %get3A_562 = arith.constant 80 : index
          %get3A_563 = tpu.vector_load %arg10[%get3A_561, %get3A_562] {strides = array<i32>} : memref<128x128xf32, #tpu.memory_space<vmem>>, vector<16xf32>,
          %get3A_564 = arith.index_cast %add3A_478 : i32 to index
          %get3A_565 = arith.constant 80 : index
          %get3A_566 = tpu.vector_load %arg12[%get3A_564, %get3A_565] {strides = array<i32>} : memref<128x128xf32, #tpu.memory_space<vmem>>, vector<16xf32>,
          %mul3A_567 = arith.mulf %get3A_563, %get3A_566 : vector<16xf32>
          %reduce_sum3A_568 = arith.constant true
          %reduce_sum3A_569 = vector.broadcast %reduce_sum3A_568 : i1 to vector<16xi1>
          %reduce_sum3A_570 = tpu.scan <sum>, %mul3A_567 masked %reduce_sum3A_569 : vector<16xf32>, vector<16xi1> -> vector<16xf32>
          %reduce_sum3A_571 = vector.extract %reduce_sum3A_570[15] : f32 from vector<16xf32>
          %eq3A_572 = arith.constant 5 : i32
          %eq3A_573 = vector.broadcast %eq3A_572 : i32 to vector<16xi32>
          %eq3A_574 = arith.cmpi eq, %iota3A, %eq3A_573 : vector<16xi32>
          %broadcast_in_dim3A_575 = vector.broadcast %reduce_sum3A_571 : f32 to vector<16xf32>
          %select_n3A_576 = arith.select %eq3A_574, %broadcast_in_dim3A_575, %select_n3A_560 : vector<16xi1>, vector<16xf32>
          %get3A_577 = arith.index_cast %add3A_478 : i32 to index
          %get3A_578 = arith.constant 96 : index
          %get3A_579 = tpu.vector_load %arg10[%get3A_577, %get3A_578] {strides = array<i32>} : memref<128x128xf32, #tpu.memory_space<vmem>>, vector<16xf32>,
          %get3A_580 = arith.index_cast %add3A_478 : i32 to index
          %get3A_581 = arith.constant 96 : index
          %get3A_582 = tpu.vector_load %arg12[%get3A_580, %get3A_581] {strides = array<i32>} : memref<128x128xf32, #tpu.memory_space<vmem>>, vector<16xf32>,
          %mul3A_583 = arith.mulf %get3A_579, %get3A_582 : vector<16xf32>
          %reduce_sum3A_584 = arith.constant true
          %reduce_sum3A_585 = vector.broadcast %reduce_sum3A_584 : i1 to vector<16xi1>
          %reduce_sum3A_586 = tpu.scan <sum>, %mul3A_583 masked %reduce_sum3A_585 : vector<16xf32>, vector<16xi1> -> vector<16xf32>
          %reduce_sum3A_587 = vector.extract %reduce_sum3A_586[15] : f32 from vector<16xf32>
          %eq3A_588 = arith.constant 6 : i32
          %eq3A_589 = vector.broadcast %eq3A_588 : i32 to vector<16xi32>
          %eq3A_590 = arith.cmpi eq, %iota3A, %eq3A_589 : vector<16xi32>
          %broadcast_in_dim3A_591 = vector.broadcast %reduce_sum3A_587 : f32 to vector<16xf32>
          %select_n3A_592 = arith.select %eq3A_590, %broadcast_in_dim3A_591, %select_n3A_576 : vector<16xi1>, vector<16xf32>
          %get3A_593 = arith.index_cast %add3A_478 : i32 to index
          %get3A_594 = arith.constant 112 : index
          %get3A_595 = tpu.vector_load %arg10[%get3A_593, %get3A_594] {strides = array<i32>} : memref<128x128xf32, #tpu.memory_space<vmem>>, vector<16xf32>,
          %get3A_596 = arith.index_cast %add3A_478 : i32 to index
          %get3A_597 = arith.constant 112 : index
          %get3A_598 = tpu.vector_load %arg12[%get3A_596, %get3A_597] {strides = array<i32>} : memref<128x128xf32, #tpu.memory_space<vmem>>, vector<16xf32>,
          %mul3A_599 = arith.mulf %get3A_595, %get3A_598 : vector<16xf32>
          %reduce_sum3A_600 = arith.constant true
          %reduce_sum3A_601 = vector.broadcast %reduce_sum3A_600 : i1 to vector<16xi1>
          %reduce_sum3A_602 = tpu.scan <sum>, %mul3A_599 masked %reduce_sum3A_601 : vector<16xf32>, vector<16xi1> -> vector<16xf32>
          %reduce_sum3A_603 = vector.extract %reduce_sum3A_602[15] : f32 from vector<16xf32>
          %eq3A_604 = arith.constant 7 : i32
          %eq3A_605 = vector.broadcast %eq3A_604 : i32 to vector<16xi32>
          %eq3A_606 = arith.cmpi eq, %iota3A, %eq3A_605 : vector<16xi32>
          %broadcast_in_dim3A_607 = vector.broadcast %reduce_sum3A_603 : f32 to vector<16xf32>
          %select_n3A_608 = arith.select %eq3A_606, %broadcast_in_dim3A_607, %select_n3A_592 : vector<16xi1>, vector<16xf32>
          %mul3A_609 = arith.constant 2.500000e-01 : f32
          %mul3A_610 = vector.broadcast %mul3A_609 : f32 to vector<16xf32>
          %mul3A_611 = arith.mulf %select_n3A_608, %mul3A_610 : vector<16xf32>
          %exp3A_612 = math.exp %mul3A_611 : vector<16xf32>
          %swap3A_613 = arith.index_cast %add3A_478 : i32 to index
          %swap3A_614 = arith.constant 0 : index
          %swap3A_615 = tpu.vector_load %arg13[%swap3A_613, %swap3A_614] {strides = array<i32>} : memref<128x16xf32, #tpu.memory_space<vmem>>, vector<16xf32>,
          tpu.vector_store %arg13[%swap3A_613, %swap3A_614], %exp3A_612 {strides = array<i32>} : memref<128x16xf32, #tpu.memory_space<vmem>>, vector<16xf32>,
          %mul3A_616 = arith.constant 4 : i32
          %mul3A_617 = arith.muli %scan3A_196, %mul3A_616 : i32
          %add3A_618 = arith.constant 3 : i32
          %add3A_619 = arith.addi %mul3A_617, %add3A_618 : i32
          %broadcast_in_dim3A_620 = arith.constant 0.000000e+00 : f32
          %broadcast_in_dim3A_621 = vector.broadcast %broadcast_in_dim3A_620 : f32 to vector<16xf32>
          %get3A_622 = arith.index_cast %add3A_619 : i32 to index
          %get3A_623 = arith.constant 0 : index
          %get3A_624 = tpu.vector_load %arg10[%get3A_622, %get3A_623] {strides = array<i32>} : memref<128x128xf32, #tpu.memory_space<vmem>>, vector<16xf32>,
          %get3A_625 = arith.index_cast %add3A_619 : i32 to index
          %get3A_626 = arith.constant 0 : index
          %get3A_627 = tpu.vector_load %arg12[%get3A_625, %get3A_626] {strides = array<i32>} : memref<128x128xf32, #tpu.memory_space<vmem>>, vector<16xf32>,
          %mul3A_628 = arith.mulf %get3A_624, %get3A_627 : vector<16xf32>
          %reduce_sum3A_629 = arith.constant true
          %reduce_sum3A_630 = vector.broadcast %reduce_sum3A_629 : i1 to vector<16xi1>
          %reduce_sum3A_631 = tpu.scan <sum>, %mul3A_628 masked %reduce_sum3A_630 : vector<16xf32>, vector<16xi1> -> vector<16xf32>
          %reduce_sum3A_632 = vector.extract %reduce_sum3A_631[15] : f32 from vector<16xf32>
          %eq3A_633 = arith.constant 0 : i32
          %eq3A_634 = vector.broadcast %eq3A_633 : i32 to vector<16xi32>
          %eq3A_635 = arith.cmpi eq, %iota3A, %eq3A_634 : vector<16xi32>
          %broadcast_in_dim3A_636 = vector.broadcast %reduce_sum3A_632 : f32 to vector<16xf32>
          %select_n3A_637 = arith.select %eq3A_635, %broadcast_in_dim3A_636, %broadcast_in_dim3A_621 : vector<16xi1>, vector<16xf32>
          %get3A_638 = arith.index_cast %add3A_619 : i32 to index
          %get3A_639 = arith.constant 16 : index
          %get3A_640 = tpu.vector_load %arg10[%get3A_638, %get3A_639] {strides = array<i32>} : memref<128x128xf32, #tpu.memory_space<vmem>>, vector<16xf32>,
          %get3A_641 = arith.index_cast %add3A_619 : i32 to index
          %get3A_642 = arith.constant 16 : index
          %get3A_643 = tpu.vector_load %arg12[%get3A_641, %get3A_642] {strides = array<i32>} : memref<128x128xf32, #tpu.memory_space<vmem>>, vector<16xf32>,
          %mul3A_644 = arith.mulf %get3A_640, %get3A_643 : vector<16xf32>
          %reduce_sum3A_645 = arith.constant true
          %reduce_sum3A_646 = vector.broadcast %reduce_sum3A_645 : i1 to vector<16xi1>
          %reduce_sum3A_647 = tpu.scan <sum>, %mul3A_644 masked %reduce_sum3A_646 : vector<16xf32>, vector<16xi1> -> vector<16xf32>
          %reduce_sum3A_648 = vector.extract %reduce_sum3A_647[15] : f32 from vector<16xf32>
          %eq3A_649 = arith.constant 1 : i32
          %eq3A_650 = vector.broadcast %eq3A_649 : i32 to vector<16xi32>
          %eq3A_651 = arith.cmpi eq, %iota3A, %eq3A_650 : vector<16xi32>
          %broadcast_in_dim3A_652 = vector.broadcast %reduce_sum3A_648 : f32 to vector<16xf32>
          %select_n3A_653 = arith.select %eq3A_651, %broadcast_in_dim3A_652, %select_n3A_637 : vector<16xi1>, vector<16xf32>
          %get3A_654 = arith.index_cast %add3A_619 : i32 to index
          %get3A_655 = arith.constant 32 : index
          %get3A_656 = tpu.vector_load %arg10[%get3A_654, %get3A_655] {strides = array<i32>} : memref<128x128xf32, #tpu.memory_space<vmem>>, vector<16xf32>,
          %get3A_657 = arith.index_cast %add3A_619 : i32 to index
          %get3A_658 = arith.constant 32 : index
          %get3A_659 = tpu.vector_load %arg12[%get3A_657, %get3A_658] {strides = array<i32>} : memref<128x128xf32, #tpu.memory_space<vmem>>, vector<16xf32>,
          %mul3A_660 = arith.mulf %get3A_656, %get3A_659 : vector<16xf32>
          %reduce_sum3A_661 = arith.constant true
          %reduce_sum3A_662 = vector.broadcast %reduce_sum3A_661 : i1 to vector<16xi1>
          %reduce_sum3A_663 = tpu.scan <sum>, %mul3A_660 masked %reduce_sum3A_662 : vector<16xf32>, vector<16xi1> -> vector<16xf32>
          %reduce_sum3A_664 = vector.extract %reduce_sum3A_663[15] : f32 from vector<16xf32>
          %eq3A_665 = arith.constant 2 : i32
          %eq3A_666 = vector.broadcast %eq3A_665 : i32 to vector<16xi32>
          %eq3A_667 = arith.cmpi eq, %iota3A, %eq3A_666 : vector<16xi32>
          %broadcast_in_dim3A_668 = vector.broadcast %reduce_sum3A_664 : f32 to vector<16xf32>
          %select_n3A_669 = arith.select %eq3A_667, %broadcast_in_dim3A_668, %select_n3A_653 : vector<16xi1>, vector<16xf32>
          %get3A_670 = arith.index_cast %add3A_619 : i32 to index
          %get3A_671 = arith.constant 48 : index
          %get3A_672 = tpu.vector_load %arg10[%get3A_670, %get3A_671] {strides = array<i32>} : memref<128x128xf32, #tpu.memory_space<vmem>>, vector<16xf32>,
          %get3A_673 = arith.index_cast %add3A_619 : i32 to index
          %get3A_674 = arith.constant 48 : index
          %get3A_675 = tpu.vector_load %arg12[%get3A_673, %get3A_674] {strides = array<i32>} : memref<128x128xf32, #tpu.memory_space<vmem>>, vector<16xf32>,
          %mul3A_676 = arith.mulf %get3A_672, %get3A_675 : vector<16xf32>
          %reduce_sum3A_677 = arith.constant true
          %reduce_sum3A_678 = vector.broadcast %reduce_sum3A_677 : i1 to vector<16xi1>
          %reduce_sum3A_679 = tpu.scan <sum>, %mul3A_676 masked %reduce_sum3A_678 : vector<16xf32>, vector<16xi1> -> vector<16xf32>
          %reduce_sum3A_680 = vector.extract %reduce_sum3A_679[15] : f32 from vector<16xf32>
          %eq3A_681 = arith.constant 3 : i32
          %eq3A_682 = vector.broadcast %eq3A_681 : i32 to vector<16xi32>
          %eq3A_683 = arith.cmpi eq, %iota3A, %eq3A_682 : vector<16xi32>
          %broadcast_in_dim3A_684 = vector.broadcast %reduce_sum3A_680 : f32 to vector<16xf32>
          %select_n3A_685 = arith.select %eq3A_683, %broadcast_in_dim3A_684, %select_n3A_669 : vector<16xi1>, vector<16xf32>
          %get3A_686 = arith.index_cast %add3A_619 : i32 to index
          %get3A_687 = arith.constant 64 : index
          %get3A_688 = tpu.vector_load %arg10[%get3A_686, %get3A_687] {strides = array<i32>} : memref<128x128xf32, #tpu.memory_space<vmem>>, vector<16xf32>,
          %get3A_689 = arith.index_cast %add3A_619 : i32 to index
          %get3A_690 = arith.constant 64 : index
          %get3A_691 = tpu.vector_load %arg12[%get3A_689, %get3A_690] {strides = array<i32>} : memref<128x128xf32, #tpu.memory_space<vmem>>, vector<16xf32>,
          %mul3A_692 = arith.mulf %get3A_688, %get3A_691 : vector<16xf32>
          %reduce_sum3A_693 = arith.constant true
          %reduce_sum3A_694 = vector.broadcast %reduce_sum3A_693 : i1 to vector<16xi1>
          %reduce_sum3A_695 = tpu.scan <sum>, %mul3A_692 masked %reduce_sum3A_694 : vector<16xf32>, vector<16xi1> -> vector<16xf32>
          %reduce_sum3A_696 = vector.extract %reduce_sum3A_695[15] : f32 from vector<16xf32>
          %eq3A_697 = arith.constant 4 : i32
          %eq3A_698 = vector.broadcast %eq3A_697 : i32 to vector<16xi32>
          %eq3A_699 = arith.cmpi eq, %iota3A, %eq3A_698 : vector<16xi32>
          %broadcast_in_dim3A_700 = vector.broadcast %reduce_sum3A_696 : f32 to vector<16xf32>
          %select_n3A_701 = arith.select %eq3A_699, %broadcast_in_dim3A_700, %select_n3A_685 : vector<16xi1>, vector<16xf32>
          %get3A_702 = arith.index_cast %add3A_619 : i32 to index
          %get3A_703 = arith.constant 80 : index
          %get3A_704 = tpu.vector_load %arg10[%get3A_702, %get3A_703] {strides = array<i32>} : memref<128x128xf32, #tpu.memory_space<vmem>>, vector<16xf32>,
          %get3A_705 = arith.index_cast %add3A_619 : i32 to index
          %get3A_706 = arith.constant 80 : index
          %get3A_707 = tpu.vector_load %arg12[%get3A_705, %get3A_706] {strides = array<i32>} : memref<128x128xf32, #tpu.memory_space<vmem>>, vector<16xf32>,
          %mul3A_708 = arith.mulf %get3A_704, %get3A_707 : vector<16xf32>
          %reduce_sum3A_709 = arith.constant true
          %reduce_sum3A_710 = vector.broadcast %reduce_sum3A_709 : i1 to vector<16xi1>
          %reduce_sum3A_711 = tpu.scan <sum>, %mul3A_708 masked %reduce_sum3A_710 : vector<16xf32>, vector<16xi1> -> vector<16xf32>
          %reduce_sum3A_712 = vector.extract %reduce_sum3A_711[15] : f32 from vector<16xf32>
          %eq3A_713 = arith.constant 5 : i32
          %eq3A_714 = vector.broadcast %eq3A_713 : i32 to vector<16xi32>
          %eq3A_715 = arith.cmpi eq, %iota3A, %eq3A_714 : vector<16xi32>
          %broadcast_in_dim3A_716 = vector.broadcast %reduce_sum3A_712 : f32 to vector<16xf32>
          %select_n3A_717 = arith.select %eq3A_715, %broadcast_in_dim3A_716, %select_n3A_701 : vector<16xi1>, vector<16xf32>
          %get3A_718 = arith.index_cast %add3A_619 : i32 to index
          %get3A_719 = arith.constant 96 : index
          %get3A_720 = tpu.vector_load %arg10[%get3A_718, %get3A_719] {strides = array<i32>} : memref<128x128xf32, #tpu.memory_space<vmem>>, vector<16xf32>,
          %get3A_721 = arith.index_cast %add3A_619 : i32 to index
          %get3A_722 = arith.constant 96 : index
          %get3A_723 = tpu.vector_load %arg12[%get3A_721, %get3A_722] {strides = array<i32>} : memref<128x128xf32, #tpu.memory_space<vmem>>, vector<16xf32>,
          %mul3A_724 = arith.mulf %get3A_720, %get3A_723 : vector<16xf32>
          %reduce_sum3A_725 = arith.constant true
          %reduce_sum3A_726 = vector.broadcast %reduce_sum3A_725 : i1 to vector<16xi1>
          %reduce_sum3A_727 = tpu.scan <sum>, %mul3A_724 masked %reduce_sum3A_726 : vector<16xf32>, vector<16xi1> -> vector<16xf32>
          %reduce_sum3A_728 = vector.extract %reduce_sum3A_727[15] : f32 from vector<16xf32>
          %eq3A_729 = arith.constant 6 : i32
          %eq3A_730 = vector.broadcast %eq3A_729 : i32 to vector<16xi32>
          %eq3A_731 = arith.cmpi eq, %iota3A, %eq3A_730 : vector<16xi32>
          %broadcast_in_dim3A_732 = vector.broadcast %reduce_sum3A_728 : f32 to vector<16xf32>
          %select_n3A_733 = arith.select %eq3A_731, %broadcast_in_dim3A_732, %select_n3A_717 : vector<16xi1>, vector<16xf32>
          %get3A_734 = arith.index_cast %add3A_619 : i32 to index
          %get3A_735 = arith.constant 112 : index
          %get3A_736 = tpu.vector_load %arg10[%get3A_734, %get3A_735] {strides = array<i32>} : memref<128x128xf32, #tpu.memory_space<vmem>>, vector<16xf32>,
          %get3A_737 = arith.index_cast %add3A_619 : i32 to index
          %get3A_738 = arith.constant 112 : index
          %get3A_739 = tpu.vector_load %arg12[%get3A_737, %get3A_738] {strides = array<i32>} : memref<128x128xf32, #tpu.memory_space<vmem>>, vector<16xf32>,
          %mul3A_740 = arith.mulf %get3A_736, %get3A_739 : vector<16xf32>
          %reduce_sum3A_741 = arith.constant true
          %reduce_sum3A_742 = vector.broadcast %reduce_sum3A_741 : i1 to vector<16xi1>
          %reduce_sum3A_743 = tpu.scan <sum>, %mul3A_740 masked %reduce_sum3A_742 : vector<16xf32>, vector<16xi1> -> vector<16xf32>
          %reduce_sum3A_744 = vector.extract %reduce_sum3A_743[15] : f32 from vector<16xf32>
          %eq3A_745 = arith.constant 7 : i32
          %eq3A_746 = vector.broadcast %eq3A_745 : i32 to vector<16xi32>
          %eq3A_747 = arith.cmpi eq, %iota3A, %eq3A_746 : vector<16xi32>
          %broadcast_in_dim3A_748 = vector.broadcast %reduce_sum3A_744 : f32 to vector<16xf32>
          %select_n3A_749 = arith.select %eq3A_747, %broadcast_in_dim3A_748, %select_n3A_733 : vector<16xi1>, vector<16xf32>
          %mul3A_750 = arith.constant 2.500000e-01 : f32
          %mul3A_751 = vector.broadcast %mul3A_750 : f32 to vector<16xf32>
          %mul3A_752 = arith.mulf %select_n3A_749, %mul3A_751 : vector<16xf32>
          %exp3A_753 = math.exp %mul3A_752 : vector<16xf32>
          %swap3A_754 = arith.index_cast %add3A_619 : i32 to index
          %swap3A_755 = arith.constant 0 : index
          %swap3A_756 = tpu.vector_load %arg13[%swap3A_754, %swap3A_755] {strides = array<i32>} : memref<128x16xf32, #tpu.memory_space<vmem>>, vector<16xf32>,
          tpu.vector_store %arg13[%swap3A_754, %swap3A_755], %exp3A_753 {strides = array<i32>} : memref<128x16xf32, #tpu.memory_space<vmem>>, vector<16xf32>,
          %scan3A_757 = arith.constant 0 : i32
          scf.yield %scan3A_757 : i32
        }
        %scan3A_184 = arith.constant 32 : i32
        %run_scoped3A = arith.constant 1 : i32
        "tpu.region"() ({
          %run_scoped3A_196 = tpu.sem_alloc : memref<!tpu.dma_semaphore, #tpu.memory_space<semaphore_mem>>
          %dma_start3A_197 = arith.constant 0 : i32
          %dma_start3A_198 = tpu.memref_slice %arg8[%run_scoped3A, %dma_start3A_197] : memref<2x128xi32, #tpu.memory_space<vmem>> -> memref<1x128xi32, #tpu.memory_space<vmem>>
          %dma_start3A_199 = tpu.memref_squeeze %dma_start3A_198 : memref<1x128xi32, #tpu.memory_space<vmem>> -> memref<128xi32, #tpu.memory_space<vmem>>
          %dma_start3A_200 = arith.constant 0 : i32
          %dma_start3A_201 = arith.constant 0 : i32
          %dma_start3A_202 = tpu.memref_slice %arg14[%dma_start3A_200, %dma_start3A_201] : memref<10000x16xf32, #tpu.memory_space<vmem_shared>> -> memref<10000x16xf32, #tpu.memory_space<vmem_shared>>
          tpu.enqueue_indirect_dma source(%arg13 : memref<128x16xf32, #tpu.memory_space<vmem>>) target(%dma_start3A_202 : memref<10000x16xf32, #tpu.memory_space<vmem_shared>>) offsets(%dma_start3A_199 : memref<128xi32, #tpu.memory_space<vmem>>) semaphore(%run_scoped3A_196 : memref<!tpu.dma_semaphore, #tpu.memory_space<semaphore_mem>>) {add = true}
          %dma_wait3A_203 = arith.constant 0 : i32
          %dma_wait3A_204 = tpu.memref_slice %arg8[%run_scoped3A, %dma_wait3A_203] : memref<2x128xi32, #tpu.memory_space<vmem>> -> memref<1x128xi32, #tpu.memory_space<vmem>>
          %dma_wait3A_205 = tpu.memref_squeeze %dma_wait3A_204 : memref<1x128xi32, #tpu.memory_space<vmem>> -> memref<128xi32, #tpu.memory_space<vmem>>
          %dma_wait3A_206 = arith.constant 0 : i32
          %dma_wait3A_207 = arith.constant 0 : i32
          %dma_wait3A_208 = tpu.memref_slice %arg14[%dma_wait3A_206, %dma_wait3A_207] : memref<10000x16xf32, #tpu.memory_space<vmem_shared>> -> memref<10000x16xf32, #tpu.memory_space<vmem_shared>>
          tpu.wait_indirect_dma semaphore(%run_scoped3A_196 : memref<!tpu.dma_semaphore, #tpu.memory_space<semaphore_mem>>) src(%arg13 : memref<128x16xf32, #tpu.memory_space<vmem>>) dst(%dma_wait3A_208 : memref<10000x16xf32, #tpu.memory_space<vmem_shared>>)
          tpu.yield
        }) : () -> ()
        %mul3A_185 = arith.constant 32 : i32
        %mul3A_186 = arith.muli %add3A_153, %mul3A_185 : i32
        %add3A_187 = arith.addi %add3A, %mul3A_186 : i32
        %mul3A_188 = arith.constant 128 : i32
        %mul3A_189 = arith.muli %add3A_187, %mul3A_188 : i32
        "tpu.region"() ({
          %run_scoped3A_196 = tpu.sem_alloc : memref<!tpu.dma_semaphore, #tpu.memory_space<semaphore_mem>>
          %dma_start3A_197 = arith.constant 0 : i32
          %dma_start3A_198 = tpu.memref_slice %arg5[%mul3A_189, %dma_start3A_197] : memref<320000x16xf32, #tpu.memory_space<hbm>> -> memref<128x16xf32, #tpu.memory_space<hbm>>
          %dma_start3A_199 = arith.constant 0 : i32
          %dma_start3A_200 = tpu.memref_slice %arg5[%mul3A_189, %dma_start3A_199] : memref<320000x16xf32, #tpu.memory_space<hbm>> -> memref<128x16xf32, #tpu.memory_space<hbm>>
          tpu.enqueue_dma source(%arg13 : memref<128x16xf32, #tpu.memory_space<vmem>>) target(%dma_start3A_200 : memref<128x16xf32, #tpu.memory_space<hbm>>) target_semaphore(%run_scoped3A_196 : memref<!tpu.dma_semaphore, #tpu.memory_space<semaphore_mem>>)
          %dma_wait3A_201 = arith.constant 0 : i32
          %dma_wait3A_202 = tpu.memref_slice %arg5[%mul3A_189, %dma_wait3A_201] : memref<320000x16xf32, #tpu.memory_space<hbm>> -> memref<128x16xf32, #tpu.memory_space<hbm>>
          %dma_wait3A_203 = arith.constant 0 : i32
          %dma_wait3A_204 = tpu.memref_slice %arg5[%mul3A_189, %dma_wait3A_203] : memref<320000x16xf32, #tpu.memory_space<hbm>> -> memref<128x16xf32, #tpu.memory_space<hbm>>
          tpu.wait_dma2 semaphore(%run_scoped3A_196 : memref<!tpu.dma_semaphore, #tpu.memory_space<semaphore_mem>>) src(%arg13 : memref<128x16xf32, #tpu.memory_space<vmem>>) dst(%dma_wait3A_204 : memref<128x16xf32, #tpu.memory_space<hbm>>)
          tpu.yield
        }) : () -> ()
        %add3A_190 = arith.constant 2 : i32
        %add3A_191 = arith.addi %add3A_153, %add3A_190 : i32
        %lt3A_192 = arith.cmpi slt, %add3A_191, %select_n3A_70 : i32
        %convert_element_type3A_193 = arith.extui %lt3A_192 : i1 to i32
        %cond3A_194 = arith.constant 0 : i32
        %cond3A_195 = arith.cmpi ne, %convert_element_type3A_193, %cond3A_194 : i32
        scf.if %cond3A_195 {
          %add3A_196 = arith.constant 2 : i32
          %add3A_197 = arith.addi %add3A_153, %add3A_196 : i32
          %mul3A_198 = arith.constant 32 : i32
          %mul3A_199 = arith.muli %add3A_197, %mul3A_198 : i32
          %add3A_200 = arith.addi %add3A, %mul3A_199 : i32
          %mul3A_201 = arith.constant 128 : i32
          %mul3A_202 = arith.muli %add3A_200, %mul3A_201 : i32
          %dma_start3A_203 = arith.constant 0 : i32
          %dma_start3A_204 = tpu.memref_slice %arg2[%dma_start3A_203, %mul3A_202] : memref<2x320000xi32, #tpu.memory_space<hbm>> -> memref<2x128xi32, #tpu.memory_space<hbm>>
          %dma_start3A_205 = arith.constant 0 : i32
          %dma_start3A_206 = tpu.memref_slice %arg2[%dma_start3A_205, %mul3A_202] : memref<2x320000xi32, #tpu.memory_space<hbm>> -> memref<2x128xi32, #tpu.memory_space<hbm>>
          tpu.enqueue_dma source(%dma_start3A_206 : memref<2x128xi32, #tpu.memory_space<hbm>>) target(%arg8 : memref<2x128xi32, #tpu.memory_space<vmem>>) target_semaphore(%arg20 : memref<!tpu.dma_semaphore, #tpu.memory_space<semaphore_mem>>)
        } else {
        }
      } else {
      }
      %while3A_158 = arith.constant 0 : i32
      scf.yield %while3A_158 : i32
    }
    %barrier3A_128 = arith.constant 0 : index
    tpu.barrier barrier_id(%barrier3A_128)
    %while3A_129 = arith.constant 0 : i32
    %while3A_130 = arith.constant 0 : i32
    %while3A_131 = arith.subi %select_n3A, %while3A_129 : i32
    %while3A_132 = arith.addi %while3A_129, %while3A_131 : i32
    %while3A_133 = arith.constant 1 : i32
    %while3A_134 = arith.divsi %while3A_131, %while3A_133 : i32
    %while3A_135 = arith.muli %while3A_134, %while3A_133 : i32
    %while3A_136 = arith.addi %while3A_129, %while3A_135 : i32
    %while3A_137 = arith.constant 1 : i32
    %while3A_138 = scf.for %while3A_141 = %while3A_129 to %while3A_136 step %while3A_137 iter_args(%while3A_142 = %while3A_130) -> (i32)  : i32 {
      %mul3A_143 = arith.constant 16 : i32
      %mul3A_144 = arith.muli %while3A_141, %mul3A_143 : i32
      %add3A_145 = arith.addi %arg1, %mul3A_144 : i32
      %mul3A_146 = arith.constant 80 : i32
      %mul3A_147 = arith.muli %add3A_145, %mul3A_146 : i32
      "tpu.region"() ({
        %run_scoped3A = tpu.sem_alloc : memref<!tpu.dma_semaphore, #tpu.memory_space<semaphore_mem>>
        %dma_start3A_149 = arith.constant 0 : i32
        %dma_start3A_150 = tpu.memref_slice %arg6[%arg0, %mul3A_147, %dma_start3A_149] : memref<2x10000x16xf32, #tpu.memory_space<hbm>> -> memref<1x80x16xf32, #tpu.memory_space<hbm>>
        %dma_start3A_151 = tpu.memref_squeeze %dma_start3A_150 : memref<1x80x16xf32, #tpu.memory_space<hbm>> -> memref<80x16xf32, #tpu.memory_space<hbm>>
        %dma_start3A_152 = arith.constant 0 : i32
        %dma_start3A_153 = tpu.memref_slice %arg14[%mul3A_147, %dma_start3A_152] : memref<10000x16xf32, #tpu.memory_space<vmem_shared>> -> memref<80x16xf32, #tpu.memory_space<vmem_shared>>
        tpu.enqueue_dma source(%dma_start3A_153 : memref<80x16xf32, #tpu.memory_space<vmem_shared>>) target(%dma_start3A_151 : memref<80x16xf32, #tpu.memory_space<hbm>>) target_semaphore(%run_scoped3A : memref<!tpu.dma_semaphore, #tpu.memory_space<semaphore_mem>>)
        %dma_wait3A = arith.constant 0 : i32
        %dma_wait3A_154 = tpu.memref_slice %arg6[%arg0, %mul3A_147, %dma_wait3A] : memref<2x10000x16xf32, #tpu.memory_space<hbm>> -> memref<1x80x16xf32, #tpu.memory_space<hbm>>
        %dma_wait3A_155 = tpu.memref_squeeze %dma_wait3A_154 : memref<1x80x16xf32, #tpu.memory_space<hbm>> -> memref<80x16xf32, #tpu.memory_space<hbm>>
        %dma_wait3A_156 = arith.constant 0 : i32
        %dma_wait3A_157 = tpu.memref_slice %arg14[%mul3A_147, %dma_wait3A_156] : memref<10000x16xf32, #tpu.memory_space<vmem_shared>> -> memref<80x16xf32, #tpu.memory_space<vmem_shared>>
        tpu.wait_dma2 semaphore(%run_scoped3A : memref<!tpu.dma_semaphore, #tpu.memory_space<semaphore_mem>>) src(%dma_wait3A_157 : memref<80x16xf32, #tpu.memory_space<vmem_shared>>) dst(%dma_wait3A_155 : memref<80x16xf32, #tpu.memory_space<hbm>>)
        tpu.yield
      }) : () -> ()
      %while3A_148 = arith.constant 0 : i32
      scf.yield %while3A_148 : i32
    }
    %while3A_139 = arith.constant 1 : i32
    %while3A_140 = scf.for %while3A_141 = %while3A_136 to %while3A_132 step %while3A_139 iter_args(%while3A_142 = %while3A_138) -> (i32)  : i32 {
      %mul3A_143 = arith.constant 16 : i32
      %mul3A_144 = arith.muli %while3A_141, %mul3A_143 : i32
      %add3A_145 = arith.addi %arg1, %mul3A_144 : i32
      %mul3A_146 = arith.constant 80 : i32
      %mul3A_147 = arith.muli %add3A_145, %mul3A_146 : i32
      "tpu.region"() ({
        %run_scoped3A = tpu.sem_alloc : memref<!tpu.dma_semaphore, #tpu.memory_space<semaphore_mem>>
        %dma_start3A_149 = arith.constant 0 : i32
        %dma_start3A_150 = tpu.memref_slice %arg6[%arg0, %mul3A_147, %dma_start3A_149] : memref<2x10000x16xf32, #tpu.memory_space<hbm>> -> memref<1x80x16xf32, #tpu.memory_space<hbm>>
        %dma_start3A_151 = tpu.memref_squeeze %dma_start3A_150 : memref<1x80x16xf32, #tpu.memory_space<hbm>> -> memref<80x16xf32, #tpu.memory_space<hbm>>
        %dma_start3A_152 = arith.constant 0 : i32
        %dma_start3A_153 = tpu.memref_slice %arg14[%mul3A_147, %dma_start3A_152] : memref<10000x16xf32, #tpu.memory_space<vmem_shared>> -> memref<80x16xf32, #tpu.memory_space<vmem_shared>>
        tpu.enqueue_dma source(%dma_start3A_153 : memref<80x16xf32, #tpu.memory_space<vmem_shared>>) target(%dma_start3A_151 : memref<80x16xf32, #tpu.memory_space<hbm>>) target_semaphore(%run_scoped3A : memref<!tpu.dma_semaphore, #tpu.memory_space<semaphore_mem>>)
        %dma_wait3A = arith.constant 0 : i32
        %dma_wait3A_154 = tpu.memref_slice %arg6[%arg0, %mul3A_147, %dma_wait3A] : memref<2x10000x16xf32, #tpu.memory_space<hbm>> -> memref<1x80x16xf32, #tpu.memory_space<hbm>>
        %dma_wait3A_155 = tpu.memref_squeeze %dma_wait3A_154 : memref<1x80x16xf32, #tpu.memory_space<hbm>> -> memref<80x16xf32, #tpu.memory_space<hbm>>
        %dma_wait3A_156 = arith.constant 0 : i32
        %dma_wait3A_157 = tpu.memref_slice %arg14[%mul3A_147, %dma_wait3A_156] : memref<10000x16xf32, #tpu.memory_space<vmem_shared>> -> memref<80x16xf32, #tpu.memory_space<vmem_shared>>
        tpu.wait_dma2 semaphore(%run_scoped3A : memref<!tpu.dma_semaphore, #tpu.memory_space<semaphore_mem>>) src(%dma_wait3A_157 : memref<80x16xf32, #tpu.memory_space<vmem_shared>>) dst(%dma_wait3A_155 : memref<80x16xf32, #tpu.memory_space<hbm>>)
        tpu.yield
      }) : () -> ()
      %while3A_148 = arith.constant 0 : i32
      scf.yield %while3A_148 : i32
    }
    return
  }
}

module attributes {stable_mosaic.version = 14 : i64} {
  func.func @_post_body(%arg0: memref<10000x128xf32, #tpu.memory_space<vmem>>, %arg1: memref<2x10000x128xf32, #tpu.memory_space<vmem>>, %arg2: memref<2x10000x16xf32, #tpu.memory_space<vmem>>, %arg3: memref<16x128xf32, #tpu.memory_space<vmem>>, %arg4: memref<128x128xf32, #tpu.memory_space<vmem>>, %arg5: memref<1x128xf32, #tpu.memory_space<vmem>>, %arg6: memref<1x128xf32, #tpu.memory_space<vmem>>, %arg7: memref<1x128xf32, #tpu.memory_space<vmem>>, %arg8: memref<128x256xf32, #tpu.memory_space<vmem>>, %arg9: memref<1x256xf32, #tpu.memory_space<vmem>>, %arg10: memref<256x128xf32, #tpu.memory_space<vmem>>, %arg11: memref<1x128xf32, #tpu.memory_space<vmem>>, %arg12: memref<1x128xf32, #tpu.memory_space<vmem>>, %arg13: memref<1x128xf32, #tpu.memory_space<vmem>>, %arg14: memref<10000x128xf32, #tpu.memory_space<vmem>>) attributes {dimension_semantics = [], scalar_prefetch = 0 : i64, scratch_operands = 0 : i64, tpu.core_type = #tpu.core_type<tc>} {
    %get3A = arith.constant 0 : index
    %get3A_0 = arith.constant 0 : index
    %get3A_1 = arith.constant 0 : index
    %get3A_2 = vector.load %arg1[%get3A, %get3A_0, %get3A_1] : memref<2x10000x128xf32, #tpu.memory_space<vmem>>, vector<1x10000x128xf32>
    %get3A_3 = vector.shape_cast %get3A_2 : vector<1x10000x128xf32> to vector<10000x128xf32>
    %get3A_4 = arith.constant 1 : index
    %get3A_5 = arith.constant 0 : index
    %get3A_6 = arith.constant 0 : index
    %get3A_7 = vector.load %arg1[%get3A_4, %get3A_5, %get3A_6] : memref<2x10000x128xf32, #tpu.memory_space<vmem>>, vector<1x10000x128xf32>
    %get3A_8 = vector.shape_cast %get3A_7 : vector<1x10000x128xf32> to vector<10000x128xf32>
    %add3A = arith.addf %get3A_3, %get3A_8 : vector<10000x128xf32>
    %get3A_9 = arith.constant 0 : index
    %get3A_10 = arith.constant 0 : index
    %get3A_11 = arith.constant 0 : index
    %get3A_12 = vector.load %arg2[%get3A_9, %get3A_10, %get3A_11] : memref<2x10000x16xf32, #tpu.memory_space<vmem>>, vector<1x10000x16xf32>
    %get3A_13 = vector.shape_cast %get3A_12 : vector<1x10000x16xf32> to vector<10000x16xf32>
    %get3A_14 = arith.constant 1 : index
    %get3A_15 = arith.constant 0 : index
    %get3A_16 = arith.constant 0 : index
    %get3A_17 = vector.load %arg2[%get3A_14, %get3A_15, %get3A_16] : memref<2x10000x16xf32, #tpu.memory_space<vmem>>, vector<1x10000x16xf32>
    %get3A_18 = vector.shape_cast %get3A_17 : vector<1x10000x16xf32> to vector<10000x16xf32>
    %add3A_19 = arith.addf %get3A_13, %get3A_18 : vector<10000x16xf32>
    %add3A_20 = arith.constant 1.000000e-16 : f32
    %add3A_21 = vector.broadcast %add3A_20 : f32 to vector<10000x16xf32>
    %add3A_22 = arith.addf %add3A_19, %add3A_21 : vector<10000x16xf32>
    %div3A = arith.constant 1.000000e+00 : f32
    %div3A_23 = vector.broadcast %div3A : f32 to vector<10000x16xf32>
    %div3A_24 = arith.divf %div3A_23, %add3A_22 : vector<10000x16xf32>
    %get3A_25 = arith.constant 0 : index
    %get3A_26 = arith.constant 0 : index
    %get3A_27 = vector.load %arg3[%get3A_25, %get3A_26] : memref<16x128xf32, #tpu.memory_space<vmem>>, vector<16x128xf32>
    %dot_general3A = arith.constant dense<0.000000e+00> : vector<10000x128xf32>
    %dot_general3A_28 = tpu.matmul %div3A_24, %get3A_27, %dot_general3A {dimension_numbers = #tpu.dot_dimension_numbers<[1], [0], [0], [1], [0, 0, 1, 1], [], []>, transpose_lhs_hint = false} : vector<10000x16xf32>, vector<16x128xf32>, vector<10000x128xf32> -> vector<10000x128xf32>
    %mul3A = arith.mulf %add3A, %dot_general3A_28 : vector<10000x128xf32>
    %get3A_29 = arith.constant 0 : index
    %get3A_30 = arith.constant 0 : index
    %get3A_31 = vector.load %arg4[%get3A_29, %get3A_30] : memref<128x128xf32, #tpu.memory_space<vmem>>, vector<128x128xf32>
    %dot_general3A_32 = arith.constant dense<0.000000e+00> : vector<10000x128xf32>
    %dot_general3A_33 = tpu.matmul %mul3A, %get3A_31, %dot_general3A_32 {dimension_numbers = #tpu.dot_dimension_numbers<[1], [0], [0], [1], [0, 0, 1, 1], [], []>, transpose_lhs_hint = false} : vector<10000x128xf32>, vector<128x128xf32>, vector<10000x128xf32> -> vector<10000x128xf32>
    %get3A_34 = arith.constant 0 : index
    %get3A_35 = arith.constant 0 : index
    %get3A_36 = vector.load %arg5[%get3A_34, %get3A_35] : memref<1x128xf32, #tpu.memory_space<vmem>>, vector<1x128xf32>
    %add3A_37 = vector.broadcast %get3A_36 : vector<1x128xf32> to vector<10000x128xf32>
    %add3A_38 = arith.addf %dot_general3A_33, %add3A_37 : vector<10000x128xf32>
    %get3A_39 = arith.constant 0 : index
    %get3A_40 = arith.constant 0 : index
    %get3A_41 = vector.load %arg0[%get3A_39, %get3A_40] : memref<10000x128xf32, #tpu.memory_space<vmem>>, vector<10000x128xf32>
    %add3A_42 = arith.addf %get3A_41, %add3A_38 : vector<10000x128xf32>
    %reduce_sum3A = arith.constant dense<0.000000e+00> : vector<128xf32>
    %reduce_sum3A_43 = vector.multi_reduction <add>, %add3A_42, %reduce_sum3A [0] : vector<10000x128xf32> to vector<128xf32>
    %broadcast_in_dim3A = vector.shape_cast %reduce_sum3A_43 : vector<128xf32> to vector<1x128xf32>
    %div3A_44 = arith.constant 1.000000e+04 : f32
    %div3A_45 = vector.broadcast %div3A_44 : f32 to vector<1x128xf32>
    %div3A_46 = arith.divf %broadcast_in_dim3A, %div3A_45 : vector<1x128xf32>
    %sub3A = vector.broadcast %div3A_46 : vector<1x128xf32> to vector<10000x128xf32>
    %sub3A_47 = arith.subf %add3A_42, %sub3A : vector<10000x128xf32>
    %sub3A_48 = vector.broadcast %div3A_46 : vector<1x128xf32> to vector<10000x128xf32>
    %sub3A_49 = arith.subf %add3A_42, %sub3A_48 : vector<10000x128xf32>
    %mul3A_50 = arith.mulf %sub3A_47, %sub3A_49 : vector<10000x128xf32>
    %reduce_sum3A_51 = arith.constant dense<0.000000e+00> : vector<128xf32>
    %reduce_sum3A_52 = vector.multi_reduction <add>, %mul3A_50, %reduce_sum3A_51 [0] : vector<10000x128xf32> to vector<128xf32>
    %broadcast_in_dim3A_53 = vector.shape_cast %reduce_sum3A_52 : vector<128xf32> to vector<1x128xf32>
    %div3A_54 = arith.constant 1.000000e+04 : f32
    %div3A_55 = vector.broadcast %div3A_54 : f32 to vector<1x128xf32>
    %div3A_56 = arith.divf %broadcast_in_dim3A_53, %div3A_55 : vector<1x128xf32>
    %sub3A_57 = vector.broadcast %div3A_46 : vector<1x128xf32> to vector<10000x128xf32>
    %sub3A_58 = arith.subf %add3A_42, %sub3A_57 : vector<10000x128xf32>
    %add3A_59 = arith.constant 9.99999974E-6 : f32
    %add3A_60 = vector.broadcast %add3A_59 : f32 to vector<1x128xf32>
    %add3A_61 = arith.addf %div3A_56, %add3A_60 : vector<1x128xf32>
    %sqrt3A = math.sqrt %add3A_61 : vector<1x128xf32>
    %div3A_62 = vector.broadcast %sqrt3A : vector<1x128xf32> to vector<10000x128xf32>
    %div3A_63 = arith.divf %sub3A_58, %div3A_62 : vector<10000x128xf32>
    %get3A_64 = arith.constant 0 : index
    %get3A_65 = arith.constant 0 : index
    %get3A_66 = vector.load %arg6[%get3A_64, %get3A_65] : memref<1x128xf32, #tpu.memory_space<vmem>>, vector<1x128xf32>
    %mul3A_67 = vector.broadcast %get3A_66 : vector<1x128xf32> to vector<10000x128xf32>
    %mul3A_68 = arith.mulf %div3A_63, %mul3A_67 : vector<10000x128xf32>
    %get3A_69 = arith.constant 0 : index
    %get3A_70 = arith.constant 0 : index
    %get3A_71 = vector.load %arg7[%get3A_69, %get3A_70] : memref<1x128xf32, #tpu.memory_space<vmem>>, vector<1x128xf32>
    %add3A_72 = vector.broadcast %get3A_71 : vector<1x128xf32> to vector<10000x128xf32>
    %add3A_73 = arith.addf %mul3A_68, %add3A_72 : vector<10000x128xf32>
    %get3A_74 = arith.constant 0 : index
    %get3A_75 = arith.constant 0 : index
    %get3A_76 = vector.load %arg8[%get3A_74, %get3A_75] : memref<128x256xf32, #tpu.memory_space<vmem>>, vector<128x256xf32>
    %dot_general3A_77 = arith.constant dense<0.000000e+00> : vector<10000x256xf32>
    %dot_general3A_78 = tpu.matmul %add3A_73, %get3A_76, %dot_general3A_77 {dimension_numbers = #tpu.dot_dimension_numbers<[1], [0], [0], [1], [0, 0, 1, 1], [], []>, transpose_lhs_hint = false} : vector<10000x128xf32>, vector<128x256xf32>, vector<10000x256xf32> -> vector<10000x256xf32>
    %get3A_79 = arith.constant 0 : index
    %get3A_80 = arith.constant 0 : index
    %get3A_81 = vector.load %arg9[%get3A_79, %get3A_80] : memref<1x256xf32, #tpu.memory_space<vmem>>, vector<1x256xf32>
    %add3A_82 = vector.broadcast %get3A_81 : vector<1x256xf32> to vector<10000x256xf32>
    %add3A_83 = arith.addf %dot_general3A_78, %add3A_82 : vector<10000x256xf32>
    %max3A = arith.constant 0.000000e+00 : f32
    %max3A_84 = vector.broadcast %max3A : f32 to vector<10000x256xf32>
    %max3A_85 = arith.maximumf %add3A_83, %max3A_84 : vector<10000x256xf32>
    %get3A_86 = arith.constant 0 : index
    %get3A_87 = arith.constant 0 : index
    %get3A_88 = vector.load %arg10[%get3A_86, %get3A_87] : memref<256x128xf32, #tpu.memory_space<vmem>>, vector<256x128xf32>
    %dot_general3A_89 = arith.constant dense<0.000000e+00> : vector<10000x128xf32>
    %dot_general3A_90 = tpu.matmul %max3A_85, %get3A_88, %dot_general3A_89 {dimension_numbers = #tpu.dot_dimension_numbers<[1], [0], [0], [1], [0, 0, 1, 1], [], []>, transpose_lhs_hint = false} : vector<10000x256xf32>, vector<256x128xf32>, vector<10000x128xf32> -> vector<10000x128xf32>
    %get3A_91 = arith.constant 0 : index
    %get3A_92 = arith.constant 0 : index
    %get3A_93 = vector.load %arg11[%get3A_91, %get3A_92] : memref<1x128xf32, #tpu.memory_space<vmem>>, vector<1x128xf32>
    %add3A_94 = vector.broadcast %get3A_93 : vector<1x128xf32> to vector<10000x128xf32>
    %add3A_95 = arith.addf %dot_general3A_90, %add3A_94 : vector<10000x128xf32>
    %add3A_96 = arith.addf %add3A_73, %add3A_95 : vector<10000x128xf32>
    %reduce_sum3A_97 = arith.constant dense<0.000000e+00> : vector<128xf32>
    %reduce_sum3A_98 = vector.multi_reduction <add>, %add3A_96, %reduce_sum3A_97 [0] : vector<10000x128xf32> to vector<128xf32>
    %broadcast_in_dim3A_99 = vector.shape_cast %reduce_sum3A_98 : vector<128xf32> to vector<1x128xf32>
    %div3A_100 = arith.constant 1.000000e+04 : f32
    %div3A_101 = vector.broadcast %div3A_100 : f32 to vector<1x128xf32>
    %div3A_102 = arith.divf %broadcast_in_dim3A_99, %div3A_101 : vector<1x128xf32>
    %sub3A_103 = vector.broadcast %div3A_102 : vector<1x128xf32> to vector<10000x128xf32>
    %sub3A_104 = arith.subf %add3A_96, %sub3A_103 : vector<10000x128xf32>
    %sub3A_105 = vector.broadcast %div3A_102 : vector<1x128xf32> to vector<10000x128xf32>
    %sub3A_106 = arith.subf %add3A_96, %sub3A_105 : vector<10000x128xf32>
    %mul3A_107 = arith.mulf %sub3A_104, %sub3A_106 : vector<10000x128xf32>
    %reduce_sum3A_108 = arith.constant dense<0.000000e+00> : vector<128xf32>
    %reduce_sum3A_109 = vector.multi_reduction <add>, %mul3A_107, %reduce_sum3A_108 [0] : vector<10000x128xf32> to vector<128xf32>
    %broadcast_in_dim3A_110 = vector.shape_cast %reduce_sum3A_109 : vector<128xf32> to vector<1x128xf32>
    %div3A_111 = arith.constant 1.000000e+04 : f32
    %div3A_112 = vector.broadcast %div3A_111 : f32 to vector<1x128xf32>
    %div3A_113 = arith.divf %broadcast_in_dim3A_110, %div3A_112 : vector<1x128xf32>
    %sub3A_114 = vector.broadcast %div3A_102 : vector<1x128xf32> to vector<10000x128xf32>
    %sub3A_115 = arith.subf %add3A_96, %sub3A_114 : vector<10000x128xf32>
    %add3A_116 = arith.constant 9.99999974E-6 : f32
    %add3A_117 = vector.broadcast %add3A_116 : f32 to vector<1x128xf32>
    %add3A_118 = arith.addf %div3A_113, %add3A_117 : vector<1x128xf32>
    %sqrt3A_119 = math.sqrt %add3A_118 : vector<1x128xf32>
    %div3A_120 = vector.broadcast %sqrt3A_119 : vector<1x128xf32> to vector<10000x128xf32>
    %div3A_121 = arith.divf %sub3A_115, %div3A_120 : vector<10000x128xf32>
    %get3A_122 = arith.constant 0 : index
    %get3A_123 = arith.constant 0 : index
    %get3A_124 = vector.load %arg12[%get3A_122, %get3A_123] : memref<1x128xf32, #tpu.memory_space<vmem>>, vector<1x128xf32>
    %mul3A_125 = vector.broadcast %get3A_124 : vector<1x128xf32> to vector<10000x128xf32>
    %mul3A_126 = arith.mulf %div3A_121, %mul3A_125 : vector<10000x128xf32>
    %get3A_127 = arith.constant 0 : index
    %get3A_128 = arith.constant 0 : index
    %get3A_129 = vector.load %arg13[%get3A_127, %get3A_128] : memref<1x128xf32, #tpu.memory_space<vmem>>, vector<1x128xf32>
    %add3A_130 = vector.broadcast %get3A_129 : vector<1x128xf32> to vector<10000x128xf32>
    %add3A_131 = arith.addf %mul3A_126, %add3A_130 : vector<10000x128xf32>
    %swap3A = arith.constant 0 : index
    %swap3A_132 = arith.constant 0 : index
    %swap3A_133 = vector.load %arg14[%swap3A, %swap3A_132] : memref<10000x128xf32, #tpu.memory_space<vmem>>, vector<10000x128xf32>
    tpu.vector_store %arg14[%swap3A, %swap3A_132], %add3A_131 {strides = array<i32>} : memref<10000x128xf32, #tpu.memory_space<vmem>>, vector<10000x128xf32>,
    return
  }
}

module attributes {stable_mosaic.version = 14 : i64} {
  func.func @_pre_body(%arg0: memref<10000x128xf32, #tpu.memory_space<vmem>>, %arg1: memref<128x128xf32, #tpu.memory_space<vmem>>, %arg2: memref<1x128xf32, #tpu.memory_space<vmem>>, %arg3: memref<128x128xf32, #tpu.memory_space<vmem>>, %arg4: memref<1x128xf32, #tpu.memory_space<vmem>>, %arg5: memref<10000x128xf32, #tpu.memory_space<vmem>>, %arg6: memref<10000x128xf32, #tpu.memory_space<vmem>>) attributes {dimension_semantics = [], scalar_prefetch = 0 : i64, scratch_operands = 0 : i64, tpu.core_type = #tpu.core_type<tc>} {
    %get3A = arith.constant 0 : index
    %get3A_0 = arith.constant 0 : index
    %get3A_1 = vector.load %arg0[%get3A, %get3A_0] : memref<10000x128xf32, #tpu.memory_space<vmem>>, vector<10000x128xf32>
    %get3A_2 = arith.constant 0 : index
    %get3A_3 = arith.constant 0 : index
    %get3A_4 = vector.load %arg1[%get3A_2, %get3A_3] : memref<128x128xf32, #tpu.memory_space<vmem>>, vector<128x128xf32>
    %dot_general3A = arith.constant dense<0.000000e+00> : vector<10000x128xf32>
    %dot_general3A_5 = tpu.matmul %get3A_1, %get3A_4, %dot_general3A {dimension_numbers = #tpu.dot_dimension_numbers<[1], [0], [0], [1], [0, 0, 1, 1], [], []>, transpose_lhs_hint = false} : vector<10000x128xf32>, vector<128x128xf32>, vector<10000x128xf32> -> vector<10000x128xf32>
    %get3A_6 = arith.constant 0 : index
    %get3A_7 = arith.constant 0 : index
    %get3A_8 = vector.load %arg2[%get3A_6, %get3A_7] : memref<1x128xf32, #tpu.memory_space<vmem>>, vector<1x128xf32>
    %add3A = vector.broadcast %get3A_8 : vector<1x128xf32> to vector<10000x128xf32>
    %add3A_9 = arith.addf %dot_general3A_5, %add3A : vector<10000x128xf32>
    %swap3A = arith.constant 0 : index
    %swap3A_10 = arith.constant 0 : index
    %swap3A_11 = vector.load %arg5[%swap3A, %swap3A_10] : memref<10000x128xf32, #tpu.memory_space<vmem>>, vector<10000x128xf32>
    tpu.vector_store %arg5[%swap3A, %swap3A_10], %add3A_9 {strides = array<i32>} : memref<10000x128xf32, #tpu.memory_space<vmem>>, vector<10000x128xf32>,
    %get3A_12 = arith.constant 0 : index
    %get3A_13 = arith.constant 0 : index
    %get3A_14 = vector.load %arg3[%get3A_12, %get3A_13] : memref<128x128xf32, #tpu.memory_space<vmem>>, vector<128x128xf32>
    %dot_general3A_15 = arith.constant dense<0.000000e+00> : vector<10000x128xf32>
    %dot_general3A_16 = tpu.matmul %get3A_1, %get3A_14, %dot_general3A_15 {dimension_numbers = #tpu.dot_dimension_numbers<[1], [0], [0], [1], [0, 0, 1, 1], [], []>, transpose_lhs_hint = false} : vector<10000x128xf32>, vector<128x128xf32>, vector<10000x128xf32> -> vector<10000x128xf32>
    %get3A_17 = arith.constant 0 : index
    %get3A_18 = arith.constant 0 : index
    %get3A_19 = vector.load %arg4[%get3A_17, %get3A_18] : memref<1x128xf32, #tpu.memory_space<vmem>>, vector<1x128xf32>
    %add3A_20 = vector.broadcast %get3A_19 : vector<1x128xf32> to vector<10000x128xf32>
    %add3A_21 = arith.addf %dot_general3A_16, %add3A_20 : vector<10000x128xf32>
    %swap3A_22 = arith.constant 0 : index
    %swap3A_23 = arith.constant 0 : index
    %swap3A_24 = vector.load %arg6[%swap3A_22, %swap3A_23] : memref<10000x128xf32, #tpu.memory_space<vmem>>, vector<10000x128xf32>
    tpu.vector_store %arg6[%swap3A_22, %swap3A_23], %add3A_21 {strides = array<i32>} : memref<10000x128xf32, #tpu.memory_space<vmem>>, vector<10000x128xf32>,
    return
  }
}

</mosaic_0001>

<sc_bundles>
// kernel: kernel.6.cloned.1.call-start
scs
__scs_entry_jumppad:
0x0: {  	(pc) =	sbr.rel $0x88, $3  }
0x1: {  	(tag) =	ssettag $0x0;
	lr =	simm.s32 $0x1  }
0x2: {  	[smem:$0x3F91] =	sst lr;
	_ =	strace $0xD0000000  }
0x3: {  	_ = 	snop  }
0x4: {  	_ = 	snop  }
0x5: {  	_ = 	snop  }
0x6: {  	_ = 	snop  }
0x7: {  	_ = 	snop  }
__scs_overlays_trampoline_lowered:
0x8: {  	[smem:$0x3FA0] =	sst s0  }
0x9: {  	[smem:$0x3FA1] =	sst s1  }
0xa: {  	[smem:$0x3FA2] =	sst s2  }
0xb: {  	[smem:$0x3FA3] =	sst s3  }
0xc: {  	[smem:$0x3FA4] =	sst s4  }
0xd: {  	[smem:$0x3FA5] =	sst s5  }
0xe: {  	[smem:$0x3FA6] =	sst s6  }
0xf: {  	[smem:$0x3FA7] =	sst s7  }
0x10: {  	[smem:$0x3FA8] =	sst s8  }
0x11: {  	[smem:$0x3FA9] =	sst s9;
	s0 =	simm.s32 @!p0 $0x0  }
0x12: {  	s1 =	sld [smem:$0x3F8F];
	s0 =	simm.s32 @p0 $0x1  }
0x13: {  	[smem:$0x3FAA] =	sst s0;
	s0 =	simm.s32 @!p1 $0x0  }
0x14: {  	s2 =	sld [smem:$0x3F8E];
	s0 =	simm.s32 @p1 $0x1  }
0x15: {  	[smem:$0x3FAB] =	sst s0;
	s0 =	simm.s32 @!p2 $0x0  }
0x16: {  	s3 =	sld [smem:$0x3FDB];
	s0 =	simm.s32 @p2 $0x1  }
0x17: {  	s4 =	simm.s32 $0x1BF5;
	[smem:$0x3FAD] =	sst s0  }
0x18: {  	s0 =	sld [smem:$0x3F90];
	_ =	swait.ge [sflag:s4], $0x0  }
0x19: {  	s7 =	sld [smem:$0x3F91]  }
0x1a: {  	s8 =	sadd.s32 $0xFFFFE003, lr  }
0x1b: {  	s9 =	sadd.s32 $0xFFFFFEF7, lr;
	s5 =	simm.s32 $0xFFFFFFFF;
	p2 =	slt.u32 s8, $0xFFFFF086  }
0x1c: {  	p1 =	slt.u32 s9, $0xF7A;
	s5 =	simm.s32 @!p2 $0x0  }
0x1d: {  	s5 =	simm.s32 @p1 $0x1;
	p0 =	seq.s32 s7, s2  }
0x1e: {  	s7 =	smul.u32 @!p0 $0xF7A, s2;
	p2 =	seq.s32 @!p0 s5, $0x0  }
0x1f: {  	s9 =	smul.u32 $0xF7A, s1;
	s8 =	simm.s32 @!p0 $0x1BF5;
	p2 =	por !p2, p0  }
0x20: {  	[sflag:s8] =	ssyncset.s32 @!p0 $0xFFFFF086;
	s6 =	sadd.s32 @!p0 s3, s7;
	s7 =	simm.s32 @!p0 $0x108  }
0x21: {  	s3 =	sadd.s32 s3, s9;
	s6 =	sadd.s32 @!p0 $0x88, s6;
	s7 =	simm.s32 @p2 $0x1082  }
0x22: {  	[simem:s7], [sflag:s8] =	dma.local @!p0 [hbm:s6], $0xF7A  }
0x23: {  	s9 =	sor.u32 $0xD0000000, s2;
	s6 =	simm.s32 $0x108;
	_ =	swait.ge @!p0 [sflag:s8], $0x0  }
0x24: {  	s3 =	sadd.s32 $0x88, s3;
	s6 =	simm.s32 @!p1 $0x1082;
	[sflag:s4] =	ssyncset.s32 $0xFFFFF086  }
0x25: {  	[simem:s6], [sflag:s4] =	dma.local [hbm:s3], $0xF7A  }
0x26: {  	[smem:$0x3F91] =	sst s1;
	(tag) =	ssettag s2;
	_ =	strace s9  }
0x27: {  	s1 =	sld [smem:$0x3FA1]  }
0x28: {  	s2 =	sld [smem:$0x3FA2]  }
0x29: {  	s4 =	sld [smem:$0x3FA4]  }
0x2a: {  	p0 =	seq.s32 s5, $0x0;
	s5 =	sld [smem:$0x3FA5]  }
0x2b: {  	s6 =	sld [smem:$0x3FA6]  }
0x2c: {  	s7 =	sld [smem:$0x3FA7]  }
0x2d: {  	s3 =	simm.s32 $0x108;
	s8 =	sld [smem:$0x3FA8]  }
0x2e: {  	s3 =	simm.s32 @!p0 $0x1082;
	s9 =	sld [smem:$0x3FA9]  }
0x2f: {  	lr =	sadd.s32 s0, s3;
	s0 =	sld [smem:$0x3FA0]  }
0x30: {  	s3 =	sld [smem:$0x3FA3]  }
0x31: {  	[smem:$0x3FAC] =	sst s10  }
0x32: {  	s10 =	sld [smem:$0x3FAA];
	_ =	sdelay $0x3  }
0x33: {  	p0 =	seq.s32 s10, $0x1;
	s10 =	sld [smem:$0x3FAC];
	_ =	sdelay $0x3  }
0x34: {  	[smem:$0x3FAC] =	sst s10  }
0x35: {  	s10 =	sld [smem:$0x3FAB];
	_ =	sdelay $0x3  }
0x36: {  	p1 =	seq.s32 s10, $0x1;
	s10 =	sld [smem:$0x3FAC];
	_ =	sdelay $0x3  }
0x37: {  	[smem:$0x3FAC] =	sst s10  }
0x38: {  	s10 =	sld [smem:$0x3FAD]  }
0x39: {  	_ = 	snop;
	(pc) =	sbr.ind lr, $3  }
0x3a: {  	_ = 	snop  }
0x3b: {  	_ = 	snop  }
0x3c: {  	p2 =	seq.s32 s10, $0x1;
	s10 =	sld [smem:$0x3FAC]  }
0x3d: {  	_ =	shalt  }
0x3e: {  	_ =	shalt  }
0x3f: {  	_ =	shalt  }
0x40: {  	_ =	shalt  }
0x41: {  	_ =	shalt  }
0x42: {  	_ =	shalt  }
0x43: {  	_ =	shalt  }
0x44: {  	_ =	shalt  }
0x45: {  	_ =	shalt  }
0x46: {  	_ =	shalt  }
0x47: {  	_ =	shalt  }
0x48: {  	_ =	shalt  }
0x49: {  	_ =	shalt  }
0x4a: {  	_ =	shalt  }
0x4b: {  	_ =	shalt  }
0x4c: {  	_ =	shalt  }
0x4d: {  	_ =	shalt  }
0x4e: {  	_ =	shalt  }
0x4f: {  	_ =	shalt  }
0x50: {  	_ =	shalt  }
0x51: {  	_ =	shalt  }
0x52: {  	_ =	shalt  }
0x53: {  	_ =	shalt  }
0x54: {  	_ =	shalt  }
0x55: {  	_ =	shalt  }
0x56: {  	_ =	shalt  }
0x57: {  	_ =	shalt  }
0x58: {  	_ =	shalt  }
0x59: {  	_ =	shalt  }
0x5a: {  	_ =	shalt  }
0x5b: {  	_ =	shalt  }
0x5c: {  	_ =	shalt  }
0x5d: {  	_ =	shalt  }
0x5e: {  	_ =	shalt  }
0x5f: {  	_ =	shalt  }
0x60: {  	_ =	shalt  }
0x61: {  	_ =	shalt  }
0x62: {  	_ =	shalt  }
0x63: {  	_ =	shalt  }
0x64: {  	_ =	shalt  }
0x65: {  	_ =	shalt  }
0x66: {  	_ =	shalt  }
0x67: {  	_ =	shalt  }
0x68: {  	_ =	shalt  }
0x69: {  	_ =	shalt  }
0x6a: {  	_ =	shalt  }
0x6b: {  	_ =	shalt  }
0x6c: {  	_ =	shalt  }
0x6d: {  	_ =	shalt  }
0x6e: {  	_ =	shalt  }
0x6f: {  	_ =	shalt  }
0x70: {  	_ =	shalt  }
0x71: {  	_ =	shalt  }
0x72: {  	_ =	shalt  }
0x73: {  	_ =	shalt  }
0x74: {  	_ =	shalt  }
0x75: {  	_ =	shalt  }
0x76: {  	_ =	shalt  }
0x77: {  	_ =	shalt  }
0x78: {  	_ =	shalt  }
0x79: {  	_ =	shalt  }
0x7a: {  	_ =	shalt  }
0x7b: {  	_ =	shalt  }
0x7c: {  	_ =	shalt  }
0x7d: {  	_ =	shalt  }
0x7e: {  	_ =	shalt  }
0x7f: {  	_ =	shalt  }
0x80: {  	_ =	shalt  }
0x81: {  	_ =	shalt  }
0x82: {  	_ =	shalt  }
0x83: {  	_ =	shalt  }
0x84: {  	_ =	shalt  }
0x85: {  	_ =	shalt  }
0x86: {  	_ =	shalt  }
0x87: {  	_ =	shalt  }
.Lfunc_end0:
.L_simem_size_0:
called_computation_lowered:
.L_overlay_start_0:
0x88: {  	s2 =	sld [smem:$0x3FD9]  }
0x89: {  	s3 =	sld [smem:$0x3FFE];
	_ =	sdelay $0x1  }
0x8a: {  	s1 =	srdreg.scid  }
0x8b: {  	s0 =	sand.u32 $0x1, s1  }
0x8c: {  	s17 =	sshll.u32 s0, $0xA;
	s2 =	sadd.s32 s3, s2  }
0x8d: {  	s2 =	sadd.s32 s2, s17  }
0x8e: {  	[smem:$0x3FB8] =	sst s2  }
0x8f: {  	_ = 	snop  }
0x90: {  	s2 =	sld [smem:$0x3FC9];
	(tm) =	ssettm $0x1  }
0x91: {  	s18 =	sld [smem:$0x3FFB];
	_ =	sdelay $0x3  }
0x92: {  	_ =	strace s18  }
0x93: {  	s3 =	sld [smem:$0x3FFC];
	_ =	sdelay $0x3  }
0x94: {  	_ =	strace s3  }
0x95: {  	s3 =	sld [smem:$0x3FFD];
	_ =	sdelay $0x3  }
0x96: {  	_ =	strace s3  }
0x97: {  	_ =	strace $0x8FFFFFFF  }
0x98: {  	s19 =	sld [smem:$0x3FDB];
	_ =	sdelay $0x1  }
0x99: {  	s4 =	simm.s32 $_scs_section_size  }
0x9a: {  	s5 =	simm.s32 $_size__tile_overlayer_lowered;
	s6 =	simm.s32 $_tile_overlayer_lowered  }
0x9b: {  	s22 =	simm.s32 $0x1BFF;
	s21 =	sshll.u32 s6, $0x1;
	s3 =	sadd.s32 s4, s19  }
0x9c: {  	s7 =	simm.s32 $0x0;
	s20 =	sshll.u32 s5, $0x1;
	s5 =	sadd.s32 s21, s3  }
0x9d: {  	[timem:s7], [sflag:s22] =	dma.local [hbm:s5], s20  }
0x9e: {  	_ =	swait.ge [sflag:s22], s20  }
0x9f: {  	s4 =	ssub.s32 $0x0, s20;
	[sflag:s22] =	ssyncset.done $0x0  }
0xa0: {  	[sflag:s22] =	ssyncadd.s32 s4;
	_ =	sdelay $0x1  }
0xa1: {  	s23 =	simm.s32 $0x1B8B  }
0xa2: {  	_ =	swait.ge [sflag:s23], $0x1  }
0xa3: {  	[sflag:s23] =	ssyncset.done $0x0  }
0xa4: {  	s25 =	simm.s32 $0x1B8E;
	s24 =	sld [smem:$0x3FFE];
	[sflag:s23] =	ssyncadd.s32 $0xFFFFFFFF  }
0xa5: {  	s26 =	simm.s32 $execute0_lowered;
	[smem:$0x3FD2] =	sst s25  }
0xa6: {  	s5 =	sshll.u32 s26, $0x1;
	_ =	strace $0x80000046;
	[dreg:$0x1] =	wrdreg $0xFFFFFFFF  }
0xa7: {  	s28 =	simm.s32 $_size_execute0_lowered;
	s3 =	sadd.s32 s3, s5;
	[dreg:$0x0] =	wrdreg $0x0  }
0xa8: {  	s5 =	sshll.u32 s28, $0x1;
	[dreg:$0x2] =	wrdreg s3  }
0xa9: {  	[dreg:$0x3] =	wrdreg s5  }
0xaa: {  	[dreg:$0x4] =	wrdreg $0xC0  }
0xab: {  	_ =	task [dreg:s7], $0x5FFFF  }
0xac: {  	[dreg:$0x1] =	wrdreg $0xFFFFFFFF  }
0xad: {  	[dreg:$0x0] =	wrdreg $0x60  }
0xae: {  	[dreg:$0x2] =	wrdreg s24  }
0xaf: {  	[dreg:$0x3] =	wrdreg s2  }
0xb0: {  	[dreg:$0x4] =	wrdreg $0x10A000  }
0xb1: {  	[dreg:$0x5] =	wrdreg $0x9  }
0xb2: {  	_ =	task.clear_ibuf [dreg:s7], $0x6FFFF;
	_ =	strace $0x90000046  }
0xb3: {  	s29 =	simm.s32 $0x9;
	_ =	strace $0x80000048  }
0xb4: {  	_ =	swait.ge [sflag:s29], $0x1  }
0xb5: {  	[sflag:s29] =	ssyncadd.s32 $0xFFFFFFFF  }
0xb6: {  	_ =	strace $0x90000048  }
0xb7: {  	_ =	sfence  }
0xb8: {  	s30 =	sld [smem:$0x0];
	_ =	sdelay $0x2  }
0xb9: {  	s31 =	sshll.u32 s1, $0xD;
	s1 =	sshrl.u32 s1, $0x2  }
0xba: {  	s3 =	sand.u32 $0x4000, s31;
	s1 =	sadd.s32 s1, s30  }
0xbb: {  	s0 =	sor.u32 s3, s0;
	s1 =	sshll.u32 s1, $0x11  }
0xbc: {  	s0 =	sor.u32 s1, s0  }
0xbd: {  	s0 =	sadd.s32 $0x8F2B, s0  }
0xbe: {  	[sflag:s0] =	ssyncadd.remote.s32 $0x1  }
0xbf: {  	_ =	sfence.sel $0xFFFF  }
0xc0: {  	[dreg:$0x0] =	wrdreg $0xFFFFFFFF;
	(pc) =	sbr.abs _section_cstart, $3  }
0xc1: {  	[dreg:$0x1] =	wrdreg $0xFFFFFFFF  }
0xc2: {  	_ =	task.clear_ibuf [dreg:s7], $0x2FFFF;
	_ =	strace $0x9FFFFFFF  }
0xc3: {  	(tm) =	ssettm $0x7FFFFFFF  }
tec
execute0_lowered:
.L_overlay_start_1:
0x0: {  	(tag) =	ssettag $0x1  }
0x1: {  	s0 =	rddreg [dreg:$0x0]  }
0x2: {  	s1 =	rddreg [dreg:$0x1]  }
0x3: {  	s2 =	rddreg [dreg:$0x2]  }
0x4: {  	s3 =	srdreg.scid;
	s4 =	simm.s32 $0x0;
	s13 =	stileid.u32  }
0x5: {  	s20 =	simm.s32 $0x10200;
	s21 =	simm.s32 $0x7;
	s28 =	simm.s32 $0x1  }
0x6: {  	s29 =	simm.s32 $0x3;
	s30 =	simm.s32 $0x2;
	s31 =	simm.s32 $0x4  }
0x7: {  	s3 =	sand.u32 $0x1, s3;
	[smem:$0x7FF] =	sst s4;
	s8 =	smul.u32 $0x500, s13  }
0x8: {  	s5 =	sadd.s32 $0x3E00, s0;
	s6 =	sadd.s32 $0x17800, s0;
	s16 =	smul.u32 $0x1400, s13  }
0x9: {  	s10 =	sshll.u32 s13, $0x1;
	s23 =	ssub.s32 $0x8C, s13;
	s7 =	smul.u32 $0x27100, s3  }
0xa: {  	_ =	strace $0x80000047;
	s9 =	ssub.s32 $0x2, s3;
	s3 =	sor.u32 s3, s10  }
0xb: {  	s22 =	sshrl.u32 s9, $0x1;
	s24 =	ssub.s32 $0x9E3, s3;
	s10 =	sshll.u32 s3, $0x4  }
0xc: {  	s11 =	sshll.u32 s3, $0x7;
	s26 =	sshrl.u32 s16, $0x2;
	s8 =	sadd.s32 s8, s7  }
0xd: {  	s7 =	sadd.s32 $0x48800, s0;
	s12 =	ssub.s32 s9, s22;
	s9 =	sshrl.u32 s24, $0x5  }
0xe: {  	s10 =	sadd.s32 s5, s10;
	s18 =	sadd.s32 s26, s2;
	s22 =	simm.s32 $0x80  }
0xf: {  	s24 =	simm.s32 $0x0;
	s8 =	sshrl.u32 s8, $0x3;
	s14 =	sadd.s32 $0x200, s10  }
0x10: {  	s15 =	sadd.s32 $0x1, s9;
	s13 =	sadd.s32 $0xFFFFFFFF, s9;
	s25 =	smax.u32 s12, $0x1  }
0x11: {  	v0 =	vimm.f32 $0.0e+00;
	vm0 =	vmmov $0x1;
	vm1 =	vcmask $0x320;
	s17 =	sadd.s32 $0xFFFFFFFE, s9;
	s0 =	sadd.s32 s8, s0;
	s8 =	sshrl.u32 s23, $0x4  }
0x12: {  	vm2 =	vcmask $0x720;
	vm3 =	vcmask $0xB20;
	vm4 =	vcmask $0xF20;
	[dreg:$0x4] =	wrdreg s14;
	s14 =	sshll.u32 s3, $0xB;
	s15 =	sshrl.u32 s15, $0x1  }
0x13: {  	vm5 =	vcmask $0x1320;
	vm6 =	vcmask $0x1720;
	vm7 =	vcmask $0x1B20;
	[dreg:$0x5] =	wrdreg s25;
	s19 =	sadd.s32 $0x3EA00, s0;
	s0 =	simm.s32 $0x180  }
.LBB2_1:
0x14: {  	s3 =	simm.s32 $0x40;
	s12 =	simm.s32 $0x0  }
.LBB2_2:
0x15: {  	p0 =	sne.s32 s3, $0x1FC0;
	[tilespmem:s12+$0x10200] =	vst v0;
	s12 =	smov.u32 s3;
	s3 =	sadd.s32 $0x40, s3  }
.Ltmp0:
0x16: {  	(pc) =	sbr.rel @p0 .LBB2_2-.Ltmp0, $2  }
0x17: {  	_ =	sdelay $0x2  }
0x18: {  	s12 =	sshra.s32 s12, $0x2  }
0x19: {  	p0 =	sne.s32 s8, $0x1  }
.Ltmp1:
0x1a: {  	_ = 	snop;
	(pc) =	sbr.rel @!p0 .LBB2_5-.Ltmp1, $4  }
0x1b: {  	[tilespmem:s12+$0x10200] =	vst v0  }
0x1c: {  	[spmem:s18] =	stream.linear.scatter [tilespmem:s20], [sflag:$0x7], $0x500, $0x38;
	[tilespmem:$0x13110] =	vst v63  }
0x1d: {  	_ =	swait.ge [sflag:s21], $0x500  }
0x1e: {  	s3 =	sadd.s32 $0xFFFFFFFF, s8;
	s12 =	smov.u32 s18;
	[sflag:s21] =	ssyncset.done $0x0  }
.LBB2_4:
0x1f: {  	p1 =	sne.s32 s3, $0x1;
	[sflag:s21] =	ssyncadd.s32 $0xFFFFFB00;
	s12 =	sadd.s32 $0x5000, s12  }
.Ltmp2:
0x20: {  	s3 =	sadd.s32 $0xFFFFFFFF, s3;
	(pc) =	sbr.rel @p1 .LBB2_4-.Ltmp2, $4  }
0x21: {  	_ = 	snop  }
0x22: {  	[spmem:s12] =	stream.linear.scatter [tilespmem:s20], [sflag:$0x7], $0x500, $0x38;
	[tilespmem:$0x13110] =	vst v63  }
0x23: {  	_ =	swait.ge [sflag:s21], $0x500  }
0x24: {  	[sflag:s21] =	ssyncset.done $0x0  }
.LBB2_5:
0x25: {  	[sflag:s21] =	ssyncadd.s32 $0xFFFFFB00  }
0x26: {  	s25 =	simm.s32 $0x0;
	s12 =	simm.s32 $0x4E200;
	[bflag:$0x0] =	sbarrier.arrive $0xFFFF  }
0x27: {  	[tilespmem:s25], [sflag:$0x7] =	stream.strided.gather [hbm4b:s10+s22], $0x100, s12, s22, $0x38;
	[tilespmem:$0x13110] =	vst v63  }
0x28: {  	_ =	swait.ge [sflag:s21], $0x100  }
0x29: {  	[sflag:s21] =	ssyncset.done $0x0  }
0x2a: {  	s3 =	simm.s32 $0x200;
	[sflag:s21] =	ssyncadd.s32 $0xFFFFFF00  }
0x2b: {  	[tilespmem:s3], [sflag:$0x1] =	stream.indirect.gather [hbm4b:s6+s22], $0x80, s25, s22, $0xb8;
	[tilespmem:$0x13110] =	vst v63  }
.Ltmp3:
0x2c: {  	_ = 	snop;
	(pc) =	sbr.rel .LBB2_6-.Ltmp3, $4  }
0x2d: {  	s23 =	simm.s32 $0x8200  }
0x2e: {  	[tilespmem:s23], [sflag:$0x3] =	stream.indirect.gather [hbm4b:s1+s22], $0x80, s22, s22, $0xb8;
	[tilespmem:$0x13110] =	vst v63  }
0x2f: {  	s16 =	simm.s32 $0x100;
	s26 =	rddreg [dreg:$0x4]  }
0x30: {  	[tilespmem:s16], [sflag:$0x6] =	stream.strided.gather [hbm4b:s26+s22], $0x100, s12, s22, $0x38;
	[tilespmem:$0x13110] =	vst v63  }
.LBB2_14:
0x31: {  	s25 =	sadd.s32 $0x1, s25  }
0x32: {  	p1 =	sne.s32 s25, s15  }
.Ltmp4:
0x33: {  	_ = 	snop;
	(pc) =	sbr.rel @!p1 .LBB2_15-.Ltmp4, $1  }
0x34: {  	_ =	sdelay $0x3  }
.LBB2_6:
0x35: {  	s26 =	sshll.u32 s25, $0x1  }
0x36: {  	p1 =	sge.u32 s26, s9  }
.Ltmp5:
0x37: {  	_ = 	snop;
	(pc) =	sbr.rel @p1 .LBB2_10-.Ltmp5, $1  }
0x38: {  	_ =	sdelay $0x3  }
0x39: {  	p1 =	sge.u32 s26, s13  }
0x3a: {  	s3 =	simm.s32 @!p1 $0x6  }
0x3b: {  	_ =	swait.ge @!p1 [sflag:s3], $0x100  }
0x3c: {  	s12 =	simm.s32 @!p1 $0x100;
	[sflag:s3] =	ssyncset.done @!p1 $0x0  }
0x3d: {  	s16 =	simm.s32 @!p1 $0x4200;
	[sflag:s3] =	ssyncadd.s32 @!p1 $0xFFFFFF00;
	s3 =	simm.s32 @!p1 $0x80  }
0x3e: {  	[tilespmem:s16], [sflag:$0x2] =	stream.indirect.gather @!p1 [hbm4b:s6+s3], $0x80, s12, s3, $0xb8;
	[tilespmem:$0x13110] =	vst v63  }
0x3f: {  	s12 =	simm.s32 @!p1 $0x180;
	s16 =	simm.s32 @!p1 $0xC200  }
0x40: {  	[tilespmem:s16], [sflag:$0x4] =	stream.indirect.gather @!p1 [hbm4b:s1+s3], $0x80, s12, s3, $0xb8;
	[tilespmem:$0x13110] =	vst v63  }
0x41: {  	_ =	swait.ge [sflag:s28], $0x4000  }
0x42: {  	[sflag:s28] =	ssyncset.done $0x0  }
0x43: {  	[sflag:s28] =	ssyncadd.s32 $0xFFFFC000  }
0x44: {  	_ =	swait.ge [sflag:s29], $0x4000  }
0x45: {  	[sflag:s29] =	ssyncset.done $0x0  }
0x46: {  	s3 =	simm.s32 $0x0;
	s12 =	simm.s32 $0x10220;
	[sflag:s29] =	ssyncadd.s32 $0xFFFFC000  }
.LBB2_8:
0x47: {  	s23 =	sshra.s32 s3, $0x2  }
0x48: {  	v1 =	vld [tilespmem:s23+$0x200]  }
0x49: {  	v2 =	vld [tilespmem:s23+$0x8200]  }
0x4a: {  	v3 =	vld [tilespmem:s23+$0x210]  }
0x4b: {  	v4 =	vld [tilespmem:s23+$0x8210]  }
0x4c: {  	v5 =	vld [tilespmem:s23+$0x220]  }
0x4d: {  	v6 =	vld [tilespmem:s23+$0x8220]  }
0x4e: {  	v7 =	vld [tilespmem:s23+$0x230]  }
0x4f: {  	v8 =	vld [tilespmem:s23+$0x8230]  }
0x50: {  	v9 =	vld [tilespmem:s23+$0x240]  }
0x51: {  	v10 =	vld [tilespmem:s23+$0x8240]  }
0x52: {  	v11 =	vld [tilespmem:s23+$0x250]  }
0x53: {  	v12 =	vld [tilespmem:s23+$0x8250]  }
0x54: {  	v13 =	vld [tilespmem:s23+$0x260]  }
0x55: {  	v54 =	vld [tilespmem:s23+$0x270];
	v1 =	vmul.f32 v2, v1  }
0x56: {  	v2 =	vld [tilespmem:s23+$0x8260];
	v3 =	vmul.f32 v4, v3  }
0x57: {  	v55 =	vld [tilespmem:s23+$0x8270];
	(xrf2) =	vadd.scan.msk.f32 $0xffff, v1;
	v1 =	vmul.f32 v6, v5  }
0x58: {  	(xrf2) =	vadd.scan.msk.f32 $0xffff, v3;
	v3 =	vmul.f32 v8, v7  }
0x59: {  	(xrf2) =	vadd.scan.msk.f32 $0xffff, v1;
	v1 =	vmul.f32 v10, v9  }
0x5a: {  	(xrf2) =	vadd.scan.msk.f32 $0xffff, v3;
	v3 =	vmul.f32 v12, v11  }
0x5b: {  	(xrf2) =	vadd.scan.msk.f32 $0xffff, v1;
	v1 =	vmul.f32 v2, v13  }
0x5c: {  	v2 =	vmul.f32 v55, v54;
	(xrf2) =	vadd.scan.msk.f32 $0xffff, v3  }
0x5d: {  	(xrf2) =	vadd.scan.msk.f32 $0xffff, v1  }
0x5e: {  	(xrf2) =	vadd.scan.msk.f32 $0xffff, v2;
	_ =	sdelay $0x2  }
0x5f: {  	v1, _, _ =	vpop (xrf2)  }
0x60: {  	v1 =	vbroadcast v1, $0xF;
	v2, _, _ =	vpop (xrf2)  }
0x61: {  	v2 =	vbroadcast v2, $0xF;
	v3, _, _ =	vpop (xrf2)  }
0x62: {  	v1 =	vnsel vm0, $0x0, v1;
	v3 =	vbroadcast v3, $0xF;
	v56, _, _ =	vpop (xrf2)  }
0x63: {  	v1 =	vsel vm1, v1, v2;
	v2 =	vbroadcast v56, $0xF;
	v57, _, _ =	vpop (xrf2)  }
0x64: {  	v1 =	vsel vm2, v1, v3;
	v3 =	vbroadcast v57, $0xF;
	v58, _, _ =	vpop (xrf2)  }
0x65: {  	v1 =	vsel vm3, v1, v2;
	v2 =	vbroadcast v58, $0xF;
	v59, _, _ =	vpop (xrf2)  }
0x66: {  	v1 =	vsel vm4, v1, v3;
	v3 =	vbroadcast v59, $0xF;
	v60, _, _ =	vpop (xrf2)  }
0x67: {  	v1 =	vsel vm5, v1, v2;
	v2 =	vbroadcast v60, $0xF  }
0x68: {  	v1 =	vsel vm6, v1, v3  }
0x69: {  	v1 =	vsel vm7, v1, v2  }
0x6a: {  	v1 =	vmul.f32 $2.500000000e-01, v1;
	_ =	sdelay $0x1  }
0x6b: {  	v1 =	vmul.f32 $1.442695020e+00, v1;
	_ =	sdelay $0x1  }
0x6c: {  	(erf) = vpow2.f32 v1;
	_ =	sdelay $0x8  }
0x6d: {  	v1 =	vpop (erf)  }
0x6e: {  	[tilespmem:s12+$0xFFFFFFE0] =	vst v1  }
0x6f: {  	v1 =	vld [tilespmem:s23+$0x280]  }
0x70: {  	v2 =	vld [tilespmem:s23+$0x8280]  }
0x71: {  	v3 =	vld [tilespmem:s23+$0x290]  }
0x72: {  	v61 =	vld [tilespmem:s23+$0x8290]  }
0x73: {  	v62 =	vld [tilespmem:s23+$0x2A0]  }
0x74: {  	v63 =	vld [tilespmem:s23+$0x82A0]  }
0x75: {  	v16 =	vld [tilespmem:s23+$0x2B0]  }
0x76: {  	v17 =	vld [tilespmem:s23+$0x82B0]  }
0x77: {  	v18 =	vld [tilespmem:s23+$0x2C0]  }
0x78: {  	v19 =	vld [tilespmem:s23+$0x82C0]  }
0x79: {  	v20 =	vld [tilespmem:s23+$0x2D0]  }
0x7a: {  	v21 =	vld [tilespmem:s23+$0x82D0]  }
0x7b: {  	v22 =	vld [tilespmem:s23+$0x2E0]  }
0x7c: {  	v23 =	vld [tilespmem:s23+$0x2F0];
	v1 =	vmul.f32 v2, v1  }
0x7d: {  	v2 =	vld [tilespmem:s23+$0x82E0];
	v3 =	vmul.f32 v61, v3  }
0x7e: {  	v24 =	vld [tilespmem:s23+$0x82F0];
	(xrf2) =	vadd.scan.msk.f32 $0xffff, v1;
	v1 =	vmul.f32 v63, v62  }
0x7f: {  	(xrf2) =	vadd.scan.msk.f32 $0xffff, v3;
	v3 =	vmul.f32 v17, v16  }
0x80: {  	(xrf2) =	vadd.scan.msk.f32 $0xffff, v1;
	v1 =	vmul.f32 v19, v18  }
0x81: {  	(xrf2) =	vadd.scan.msk.f32 $0xffff, v3;
	v3 =	vmul.f32 v21, v20  }
0x82: {  	(xrf2) =	vadd.scan.msk.f32 $0xffff, v1;
	v1 =	vmul.f32 v2, v22  }
0x83: {  	v2 =	vmul.f32 v24, v23;
	(xrf2) =	vadd.scan.msk.f32 $0xffff, v3  }
0x84: {  	(xrf2) =	vadd.scan.msk.f32 $0xffff, v1  }
0x85: {  	(xrf2) =	vadd.scan.msk.f32 $0xffff, v2;
	_ =	sdelay $0x2  }
0x86: {  	v1, _, _ =	vpop (xrf2)  }
0x87: {  	v1 =	vbroadcast v1, $0xF;
	v2, _, _ =	vpop (xrf2)  }
0x88: {  	v2 =	vbroadcast v2, $0xF;
	v3, _, _ =	vpop (xrf2)  }
0x89: {  	v1 =	vnsel vm0, $0x0, v1;
	v3 =	vbroadcast v3, $0xF;
	v25, _, _ =	vpop (xrf2)  }
0x8a: {  	v1 =	vsel vm1, v1, v2;
	v2 =	vbroadcast v25, $0xF;
	v26, _, _ =	vpop (xrf2)  }
0x8b: {  	v1 =	vsel vm2, v1, v3;
	v3 =	vbroadcast v26, $0xF;
	v27, _, _ =	vpop (xrf2)  }
0x8c: {  	v1 =	vsel vm3, v1, v2;
	v2 =	vbroadcast v27, $0xF;
	v28, _, _ =	vpop (xrf2)  }
0x8d: {  	v1 =	vsel vm4, v1, v3;
	v3 =	vbroadcast v28, $0xF;
	v29, _, _ =	vpop (xrf2)  }
0x8e: {  	v1 =	vsel vm5, v1, v2;
	v2 =	vbroadcast v29, $0xF  }
0x8f: {  	v1 =	vsel vm6, v1, v3  }
0x90: {  	v1 =	vsel vm7, v1, v2  }
0x91: {  	v1 =	vmul.f32 $2.500000000e-01, v1;
	_ =	sdelay $0x1  }
0x92: {  	v1 =	vmul.f32 $1.442695020e+00, v1;
	_ =	sdelay $0x1  }
0x93: {  	(erf) = vpow2.f32 v1;
	_ =	sdelay $0x8  }
0x94: {  	v1 =	vpop (erf)  }
0x95: {  	[tilespmem:s12+$0xFFFFFFF0] =	vst v1  }
0x96: {  	v1 =	vld [tilespmem:s23+$0x300]  }
0x97: {  	v2 =	vld [tilespmem:s23+$0x8300]  }
0x98: {  	v3 =	vld [tilespmem:s23+$0x310]  }
0x99: {  	v30 =	vld [tilespmem:s23+$0x8310]  }
0x9a: {  	v31 =	vld [tilespmem:s23+$0x320]  }
0x9b: {  	v32 =	vld [tilespmem:s23+$0x8320]  }
0x9c: {  	v33 =	vld [tilespmem:s23+$0x330]  }
0x9d: {  	v34 =	vld [tilespmem:s23+$0x8330]  }
0x9e: {  	v35 =	vld [tilespmem:s23+$0x340]  }
0x9f: {  	v36 =	vld [tilespmem:s23+$0x8340]  }
0xa0: {  	v37 =	vld [tilespmem:s23+$0x350]  }
0xa1: {  	v38 =	vld [tilespmem:s23+$0x8350]  }
0xa2: {  	v39 =	vld [tilespmem:s23+$0x360]  }
0xa3: {  	v40 =	vld [tilespmem:s23+$0x370];
	v1 =	vmul.f32 v2, v1  }
0xa4: {  	v2 =	vld [tilespmem:s23+$0x8360];
	v3 =	vmul.f32 v30, v3  }
0xa5: {  	v41 =	vld [tilespmem:s23+$0x8370];
	(xrf2) =	vadd.scan.msk.f32 $0xffff, v1;
	v1 =	vmul.f32 v32, v31  }
0xa6: {  	(xrf2) =	vadd.scan.msk.f32 $0xffff, v3;
	v3 =	vmul.f32 v34, v33  }
0xa7: {  	(xrf2) =	vadd.scan.msk.f32 $0xffff, v1;
	v1 =	vmul.f32 v36, v35  }
0xa8: {  	(xrf2) =	vadd.scan.msk.f32 $0xffff, v3;
	v3 =	vmul.f32 v38, v37  }
0xa9: {  	(xrf2) =	vadd.scan.msk.f32 $0xffff, v1;
	v1 =	vmul.f32 v2, v39  }
0xaa: {  	v2 =	vmul.f32 v41, v40;
	(xrf2) =	vadd.scan.msk.f32 $0xffff, v3  }
0xab: {  	(xrf2) =	vadd.scan.msk.f32 $0xffff, v1  }
0xac: {  	(xrf2) =	vadd.scan.msk.f32 $0xffff, v2;
	_ =	sdelay $0x2  }
0xad: {  	v1, _, _ =	vpop (xrf2)  }
0xae: {  	v1 =	vbroadcast v1, $0xF;
	v2, _, _ =	vpop (xrf2)  }
0xaf: {  	v2 =	vbroadcast v2, $0xF;
	v3, _, _ =	vpop (xrf2)  }
0xb0: {  	v1 =	vnsel vm0, $0x0, v1;
	v3 =	vbroadcast v3, $0xF;
	v42, _, _ =	vpop (xrf2)  }
0xb1: {  	v1 =	vsel vm1, v1, v2;
	v2 =	vbroadcast v42, $0xF;
	v43, _, _ =	vpop (xrf2)  }
0xb2: {  	v1 =	vsel vm2, v1, v3;
	v3 =	vbroadcast v43, $0xF;
	v44, _, _ =	vpop (xrf2)  }
0xb3: {  	v1 =	vsel vm3, v1, v2;
	v2 =	vbroadcast v44, $0xF;
	v45, _, _ =	vpop (xrf2)  }
0xb4: {  	v1 =	vsel vm4, v1, v3;
	v3 =	vbroadcast v45, $0xF;
	v46, _, _ =	vpop (xrf2)  }
0xb5: {  	v1 =	vsel vm5, v1, v2;
	v2 =	vbroadcast v46, $0xF  }
0xb6: {  	v1 =	vsel vm6, v1, v3  }
0xb7: {  	v1 =	vsel vm7, v1, v2  }
0xb8: {  	v1 =	vmul.f32 $2.500000000e-01, v1;
	_ =	sdelay $0x1  }
0xb9: {  	v1 =	vmul.f32 $1.442695020e+00, v1;
	_ =	sdelay $0x1  }
0xba: {  	(erf) = vpow2.f32 v1;
	_ =	sdelay $0x8  }
0xbb: {  	v1 =	vpop (erf)  }
0xbc: {  	[tilespmem:s12+$0x0] =	vst v1  }
0xbd: {  	v1 =	vld [tilespmem:s23+$0x380]  }
0xbe: {  	v2 =	vld [tilespmem:s23+$0x8380]  }
0xbf: {  	v3 =	vld [tilespmem:s23+$0x390]  }
0xc0: {  	v47 =	vld [tilespmem:s23+$0x8390]  }
0xc1: {  	v48 =	vld [tilespmem:s23+$0x3A0]  }
0xc2: {  	v49 =	vld [tilespmem:s23+$0x83A0]  }
0xc3: {  	v50 =	vld [tilespmem:s23+$0x3B0]  }
0xc4: {  	v51 =	vld [tilespmem:s23+$0x83B0]  }
0xc5: {  	v52 =	vld [tilespmem:s23+$0x3C0]  }
0xc6: {  	v53 =	vld [tilespmem:s23+$0x83C0]  }
0xc7: {  	v54 =	vld [tilespmem:s23+$0x3D0]  }
0xc8: {  	v55 =	vld [tilespmem:s23+$0x83D0]  }
0xc9: {  	v56 =	vld [tilespmem:s23+$0x3E0]  }
0xca: {  	v57 =	vld [tilespmem:s23+$0x3F0];
	v1 =	vmul.f32 v2, v1  }
0xcb: {  	v2 =	vld [tilespmem:s23+$0x83E0];
	v3 =	vmul.f32 v47, v3  }
0xcc: {  	v58 =	vld [tilespmem:s23+$0x83F0];
	(xrf2) =	vadd.scan.msk.f32 $0xffff, v1;
	v1 =	vmul.f32 v49, v48  }
0xcd: {  	(xrf2) =	vadd.scan.msk.f32 $0xffff, v3;
	v3 =	vmul.f32 v51, v50  }
0xce: {  	(xrf2) =	vadd.scan.msk.f32 $0xffff, v1;
	v1 =	vmul.f32 v53, v52  }
0xcf: {  	(xrf2) =	vadd.scan.msk.f32 $0xffff, v3;
	v3 =	vmul.f32 v55, v54  }
0xd0: {  	(xrf2) =	vadd.scan.msk.f32 $0xffff, v1;
	v1 =	vmul.f32 v2, v56  }
0xd1: {  	v2 =	vmul.f32 v58, v57;
	(xrf2) =	vadd.scan.msk.f32 $0xffff, v3  }
0xd2: {  	(xrf2) =	vadd.scan.msk.f32 $0xffff, v1  }
0xd3: {  	(xrf2) =	vadd.scan.msk.f32 $0xffff, v2;
	_ =	sdelay $0x2  }
0xd4: {  	v1, _, _ =	vpop (xrf2)  }
0xd5: {  	v2, _, _ =	vpop (xrf2);
	v1 =	vbroadcast v1, $0xF  }
0xd6: {  	v3, _, _ =	vpop (xrf2);
	v2 =	vbroadcast v2, $0xF  }
0xd7: {  	v59, _, _ =	vpop (xrf2);
	v1 =	vnsel vm0, $0x0, v1;
	v3 =	vbroadcast v3, $0xF  }
0xd8: {  	v60, _, _ =	vpop (xrf2);
	v1 =	vsel vm1, v1, v2;
	v2 =	vbroadcast v59, $0xF  }
0xd9: {  	v61, _, _ =	vpop (xrf2);
	v1 =	vsel vm2, v1, v3;
	v3 =	vbroadcast v60, $0xF  }
0xda: {  	v62, _, _ =	vpop (xrf2);
	v1 =	vsel vm3, v1, v2;
	v2 =	vbroadcast v61, $0xF  }
0xdb: {  	v1 =	vsel vm4, v1, v3;
	v3 =	vbroadcast v62, $0xF;
	v63, _, _ =	vpop (xrf2)  }
0xdc: {  	v1 =	vsel vm5, v1, v2;
	v2 =	vbroadcast v63, $0xF  }
0xdd: {  	v1 =	vsel vm6, v1, v3  }
0xde: {  	v1 =	vsel vm7, v1, v2  }
0xdf: {  	v1 =	vmul.f32 $2.500000000e-01, v1;
	_ =	sdelay $0x1  }
0xe0: {  	v1 =	vmul.f32 $1.442695020e+00, v1;
	_ =	sdelay $0x1  }
0xe1: {  	(erf) = vpow2.f32 v1;
	_ =	sdelay $0x4  }
0xe2: {  	p1 =	sne.s32 s3, $0xF800  }
.Ltmp6:
0xe3: {  	_ = 	snop;
	(pc) =	sbr.rel @p1 .LBB2_8-.Ltmp6, $3  }
0xe4: {  	_ =	sdelay $0x1  }
0xe5: {  	v1 =	vpop (erf)  }
0xe6: {  	s3 =	sadd.s32 $0x800, s3;
	[tilespmem:s12+$0x10] =	vst v1;
	s12 =	sadd.s32 $0x40, s12  }
0xe7: {  	[spmem:s2] =	stream.indirect.scatter.add.f32 [tilespmem:s20], [sflag:$0x7], $0x10, s22, s22, $0xb8;
	[tilespmem:$0x13110] =	vst v63  }
0xe8: {  	s3 =	sshll.u32 s25, $0x11  }
0xe9: {  	_ =	swait.ge [sflag:s21], $0x800;
	s3 =	sor.u32 s14, s3  }
0xea: {  	[sflag:s21] =	ssyncset.done $0x0;
	s3 =	sshrl.u32 s3, $0x3  }
0xeb: {  	[sflag:s21] =	ssyncadd.s32 $0xFFFFF800;
	s3 =	sadd.s32 s7, s3  }
0xec: {  	[hbm4b:s3+s4] =	stream.linear.scatter [tilespmem:s20], [sflag:$0x7], $0x800, $0x38;
	[tilespmem:$0x13110] =	vst v63  }
0xed: {  	s3 =	sadd.s32 $0x2, s26  }
0xee: {  	p1 =	sge.u32 s3, s9  }
0xef: {  	_ =	swait.ge [sflag:s21], $0x800;
	s3 =	sshll.u32 @!p1 s3, $0xC  }
0xf0: {  	[sflag:s21] =	ssyncset.done $0x0;
	s3 =	sor.u32 @!p1 s11, s3  }
0xf1: {  	s12 =	simm.s32 @!p1 $0x80;
	s16 =	simm.s32 @!p1 $0x4E200;
	s3 =	sshrl.u32 @!p1 s3, $0x3  }
0xf2: {  	s23 =	simm.s32 @!p1 $0x0;
	[sflag:s21] =	ssyncadd.s32 $0xFFFFF800;
	s3 =	sadd.s32 @!p1 s5, s3  }
0xf3: {  	[tilespmem:s23], [sflag:$0x5] =	stream.strided.gather @!p1 [hbm4b:s3+s12], $0x100, s16, s12, $0x38;
	[tilespmem:$0x13110] =	vst v63  }
.LBB2_10:
0xf4: {  	s3 =	sor.u32 $0x1, s26  }
0xf5: {  	p1 =	sge.u32 s3, s9  }
.Ltmp7:
0xf6: {  	_ = 	snop;
	(pc) =	sbr.rel @p1 .LBB2_14-.Ltmp7, $1  }
0xf7: {  	_ =	sdelay $0x3  }
0xf8: {  	p1 =	sge.u32 s26, s17  }
0xf9: {  	s12 =	simm.s32 @!p1 $0x5  }
0xfa: {  	_ =	swait.ge @!p1 [sflag:s12], $0x100  }
0xfb: {  	s16 =	simm.s32 @!p1 $0x0;
	[sflag:s12] =	ssyncset.done @!p1 $0x0  }
0xfc: {  	s23 =	simm.s32 @!p1 $0x200;
	[sflag:s12] =	ssyncadd.s32 @!p1 $0xFFFFFF00;
	s12 =	simm.s32 @!p1 $0x80  }
0xfd: {  	[tilespmem:s23], [sflag:$0x1] =	stream.indirect.gather @!p1 [hbm4b:s6+s12], $0x80, s16, s12, $0xb8;
	[tilespmem:$0x13110] =	vst v63  }
0xfe: {  	s16 =	simm.s32 @!p1 $0x8200  }
0xff: {  	[tilespmem:s16], [sflag:$0x3] =	stream.indirect.gather @!p1 [hbm4b:s1+s12], $0x80, s12, s12, $0xb8;
	[tilespmem:$0x13110] =	vst v63  }
0x100: {  	_ =	swait.ge [sflag:s30], $0x4000  }
0x101: {  	[sflag:s30] =	ssyncset.done $0x0  }
0x102: {  	[sflag:s30] =	ssyncadd.s32 $0xFFFFC000  }
0x103: {  	_ =	swait.ge [sflag:s31], $0x4000  }
0x104: {  	[sflag:s31] =	ssyncset.done $0x0  }
0x105: {  	s23 =	simm.s32 $0x10220;
	s12 =	simm.s32 $0x0;
	[sflag:s31] =	ssyncadd.s32 $0xFFFFC000  }
.LBB2_12:
0x106: {  	s16 =	sshra.s32 s12, $0x2  }
0x107: {  	v1 =	vld [tilespmem:s16+$0x4200]  }
0x108: {  	v2 =	vld [tilespmem:s16+$0xC200]  }
0x109: {  	v3 =	vld [tilespmem:s16+$0x4210]  }
0x10a: {  	v4 =	vld [tilespmem:s16+$0xC210]  }
0x10b: {  	v5 =	vld [tilespmem:s16+$0x4220]  }
0x10c: {  	v6 =	vld [tilespmem:s16+$0xC220]  }
0x10d: {  	v7 =	vld [tilespmem:s16+$0x4230]  }
0x10e: {  	v8 =	vld [tilespmem:s16+$0xC230]  }
0x10f: {  	v9 =	vld [tilespmem:s16+$0x4240]  }
0x110: {  	v10 =	vld [tilespmem:s16+$0xC240]  }
0x111: {  	v11 =	vld [tilespmem:s16+$0x4250]  }
0x112: {  	v12 =	vld [tilespmem:s16+$0xC250]  }
0x113: {  	v13 =	vld [tilespmem:s16+$0x4260]  }
0x114: {  	v54 =	vld [tilespmem:s16+$0x4270];
	v1 =	vmul.f32 v2, v1  }
0x115: {  	v2 =	vld [tilespmem:s16+$0xC260];
	v3 =	vmul.f32 v4, v3  }
0x116: {  	v55 =	vld [tilespmem:s16+$0xC270];
	(xrf2) =	vadd.scan.msk.f32 $0xffff, v1;
	v1 =	vmul.f32 v6, v5  }
0x117: {  	(xrf2) =	vadd.scan.msk.f32 $0xffff, v3;
	v3 =	vmul.f32 v8, v7  }
0x118: {  	(xrf2) =	vadd.scan.msk.f32 $0xffff, v1;
	v1 =	vmul.f32 v10, v9  }
0x119: {  	(xrf2) =	vadd.scan.msk.f32 $0xffff, v3;
	v3 =	vmul.f32 v12, v11  }
0x11a: {  	(xrf2) =	vadd.scan.msk.f32 $0xffff, v1;
	v1 =	vmul.f32 v2, v13  }
0x11b: {  	v2 =	vmul.f32 v55, v54;
	(xrf2) =	vadd.scan.msk.f32 $0xffff, v3  }
0x11c: {  	(xrf2) =	vadd.scan.msk.f32 $0xffff, v1  }
0x11d: {  	(xrf2) =	vadd.scan.msk.f32 $0xffff, v2;
	_ =	sdelay $0x2  }
0x11e: {  	v1, _, _ =	vpop (xrf2)  }
0x11f: {  	v1 =	vbroadcast v1, $0xF;
	v2, _, _ =	vpop (xrf2)  }
0x120: {  	v2 =	vbroadcast v2, $0xF;
	v3, _, _ =	vpop (xrf2)  }
0x121: {  	v1 =	vnsel vm0, $0x0, v1;
	v3 =	vbroadcast v3, $0xF;
	v56, _, _ =	vpop (xrf2)  }
0x122: {  	v1 =	vsel vm1, v1, v2;
	v2 =	vbroadcast v56, $0xF;
	v57, _, _ =	vpop (xrf2)  }
0x123: {  	v1 =	vsel vm2, v1, v3;
	v3 =	vbroadcast v57, $0xF;
	v58, _, _ =	vpop (xrf2)  }
0x124: {  	v1 =	vsel vm3, v1, v2;
	v2 =	vbroadcast v58, $0xF;
	v59, _, _ =	vpop (xrf2)  }
0x125: {  	v1 =	vsel vm4, v1, v3;
	v3 =	vbroadcast v59, $0xF;
	v60, _, _ =	vpop (xrf2)  }
0x126: {  	v1 =	vsel vm5, v1, v2;
	v2 =	vbroadcast v60, $0xF  }
0x127: {  	v1 =	vsel vm6, v1, v3  }
0x128: {  	v1 =	vsel vm7, v1, v2  }
0x129: {  	v1 =	vmul.f32 $2.500000000e-01, v1;
	_ =	sdelay $0x1  }
0x12a: {  	v1 =	vmul.f32 $1.442695020e+00, v1;
	_ =	sdelay $0x1  }
0x12b: {  	(erf) = vpow2.f32 v1;
	_ =	sdelay $0x8  }
0x12c: {  	v1 =	vpop (erf)  }
0x12d: {  	[tilespmem:s23+$0xFFFFFFE0] =	vst v1  }
0x12e: {  	v1 =	vld [tilespmem:s16+$0x4280]  }
0x12f: {  	v2 =	vld [tilespmem:s16+$0xC280]  }
0x130: {  	v3 =	vld [tilespmem:s16+$0x4290]  }
0x131: {  	v61 =	vld [tilespmem:s16+$0xC290]  }
0x132: {  	v62 =	vld [tilespmem:s16+$0x42A0]  }
0x133: {  	v63 =	vld [tilespmem:s16+$0xC2A0]  }
0x134: {  	v16 =	vld [tilespmem:s16+$0x42B0]  }
0x135: {  	v17 =	vld [tilespmem:s16+$0xC2B0]  }
0x136: {  	v18 =	vld [tilespmem:s16+$0x42C0]  }
0x137: {  	v19 =	vld [tilespmem:s16+$0xC2C0]  }
0x138: {  	v20 =	vld [tilespmem:s16+$0x42D0]  }
0x139: {  	v21 =	vld [tilespmem:s16+$0xC2D0]  }
0x13a: {  	v22 =	vld [tilespmem:s16+$0x42E0]  }
0x13b: {  	v23 =	vld [tilespmem:s16+$0x42F0];
	v1 =	vmul.f32 v2, v1  }
0x13c: {  	v2 =	vld [tilespmem:s16+$0xC2E0];
	v3 =	vmul.f32 v61, v3  }
0x13d: {  	v24 =	vld [tilespmem:s16+$0xC2F0];
	(xrf2) =	vadd.scan.msk.f32 $0xffff, v1;
	v1 =	vmul.f32 v63, v62  }
0x13e: {  	(xrf2) =	vadd.scan.msk.f32 $0xffff, v3;
	v3 =	vmul.f32 v17, v16  }
0x13f: {  	(xrf2) =	vadd.scan.msk.f32 $0xffff, v1;
	v1 =	vmul.f32 v19, v18  }
0x140: {  	(xrf2) =	vadd.scan.msk.f32 $0xffff, v3;
	v3 =	vmul.f32 v21, v20  }
0x141: {  	(xrf2) =	vadd.scan.msk.f32 $0xffff, v1;
	v1 =	vmul.f32 v2, v22  }
0x142: {  	v2 =	vmul.f32 v24, v23;
	(xrf2) =	vadd.scan.msk.f32 $0xffff, v3  }
0x143: {  	(xrf2) =	vadd.scan.msk.f32 $0xffff, v1  }
0x144: {  	(xrf2) =	vadd.scan.msk.f32 $0xffff, v2;
	_ =	sdelay $0x2  }
0x145: {  	v1, _, _ =	vpop (xrf2)  }
0x146: {  	v1 =	vbroadcast v1, $0xF;
	v2, _, _ =	vpop (xrf2)  }
0x147: {  	v2 =	vbroadcast v2, $0xF;
	v3, _, _ =	vpop (xrf2)  }
0x148: {  	v1 =	vnsel vm0, $0x0, v1;
	v3 =	vbroadcast v3, $0xF;
	v25, _, _ =	vpop (xrf2)  }
0x149: {  	v1 =	vsel vm1, v1, v2;
	v2 =	vbroadcast v25, $0xF;
	v26, _, _ =	vpop (xrf2)  }
0x14a: {  	v1 =	vsel vm2, v1, v3;
	v3 =	vbroadcast v26, $0xF;
	v27, _, _ =	vpop (xrf2)  }
0x14b: {  	v1 =	vsel vm3, v1, v2;
	v2 =	vbroadcast v27, $0xF;
	v28, _, _ =	vpop (xrf2)  }
0x14c: {  	v1 =	vsel vm4, v1, v3;
	v3 =	vbroadcast v28, $0xF;
	v29, _, _ =	vpop (xrf2)  }
0x14d: {  	v1 =	vsel vm5, v1, v2;
	v2 =	vbroadcast v29, $0xF  }
0x14e: {  	v1 =	vsel vm6, v1, v3  }
0x14f: {  	v1 =	vsel vm7, v1, v2  }
0x150: {  	v1 =	vmul.f32 $2.500000000e-01, v1;
	_ =	sdelay $0x1  }
0x151: {  	v1 =	vmul.f32 $1.442695020e+00, v1;
	_ =	sdelay $0x1  }
0x152: {  	(erf) = vpow2.f32 v1;
	_ =	sdelay $0x8  }
0x153: {  	v1 =	vpop (erf)  }
0x154: {  	[tilespmem:s23+$0xFFFFFFF0] =	vst v1  }
0x155: {  	v1 =	vld [tilespmem:s16+$0x4300]  }
0x156: {  	v2 =	vld [tilespmem:s16+$0xC300]  }
0x157: {  	v3 =	vld [tilespmem:s16+$0x4310]  }
0x158: {  	v30 =	vld [tilespmem:s16+$0xC310]  }
0x159: {  	v31 =	vld [tilespmem:s16+$0x4320]  }
0x15a: {  	v32 =	vld [tilespmem:s16+$0xC320]  }
0x15b: {  	v33 =	vld [tilespmem:s16+$0x4330]  }
0x15c: {  	v34 =	vld [tilespmem:s16+$0xC330]  }
0x15d: {  	v35 =	vld [tilespmem:s16+$0x4340]  }
0x15e: {  	v36 =	vld [tilespmem:s16+$0xC340]  }
0x15f: {  	v37 =	vld [tilespmem:s16+$0x4350]  }
0x160: {  	v38 =	vld [tilespmem:s16+$0xC350]  }
0x161: {  	v39 =	vld [tilespmem:s16+$0x4360]  }
0x162: {  	v40 =	vld [tilespmem:s16+$0x4370];
	v1 =	vmul.f32 v2, v1  }
0x163: {  	v2 =	vld [tilespmem:s16+$0xC360];
	v3 =	vmul.f32 v30, v3  }
0x164: {  	v41 =	vld [tilespmem:s16+$0xC370];
	(xrf2) =	vadd.scan.msk.f32 $0xffff, v1;
	v1 =	vmul.f32 v32, v31  }
0x165: {  	(xrf2) =	vadd.scan.msk.f32 $0xffff, v3;
	v3 =	vmul.f32 v34, v33  }
0x166: {  	(xrf2) =	vadd.scan.msk.f32 $0xffff, v1;
	v1 =	vmul.f32 v36, v35  }
0x167: {  	(xrf2) =	vadd.scan.msk.f32 $0xffff, v3;
	v3 =	vmul.f32 v38, v37  }
0x168: {  	(xrf2) =	vadd.scan.msk.f32 $0xffff, v1;
	v1 =	vmul.f32 v2, v39  }
0x169: {  	v2 =	vmul.f32 v41, v40;
	(xrf2) =	vadd.scan.msk.f32 $0xffff, v3  }
0x16a: {  	(xrf2) =	vadd.scan.msk.f32 $0xffff, v1  }
0x16b: {  	(xrf2) =	vadd.scan.msk.f32 $0xffff, v2;
	_ =	sdelay $0x2  }
0x16c: {  	v1, _, _ =	vpop (xrf2)  }
0x16d: {  	v1 =	vbroadcast v1, $0xF;
	v2, _, _ =	vpop (xrf2)  }
0x16e: {  	v2 =	vbroadcast v2, $0xF;
	v3, _, _ =	vpop (xrf2)  }
0x16f: {  	v1 =	vnsel vm0, $0x0, v1;
	v3 =	vbroadcast v3, $0xF;
	v42, _, _ =	vpop (xrf2)  }
0x170: {  	v1 =	vsel vm1, v1, v2;
	v2 =	vbroadcast v42, $0xF;
	v43, _, _ =	vpop (xrf2)  }
0x171: {  	v1 =	vsel vm2, v1, v3;
	v3 =	vbroadcast v43, $0xF;
	v44, _, _ =	vpop (xrf2)  }
0x172: {  	v1 =	vsel vm3, v1, v2;
	v2 =	vbroadcast v44, $0xF;
	v45, _, _ =	vpop (xrf2)  }
0x173: {  	v1 =	vsel vm4, v1, v3;
	v3 =	vbroadcast v45, $0xF;
	v46, _, _ =	vpop (xrf2)  }
0x174: {  	v1 =	vsel vm5, v1, v2;
	v2 =	vbroadcast v46, $0xF  }
0x175: {  	v1 =	vsel vm6, v1, v3  }
0x176: {  	v1 =	vsel vm7, v1, v2  }
0x177: {  	v1 =	vmul.f32 $2.500000000e-01, v1;
	_ =	sdelay $0x1  }
0x178: {  	v1 =	vmul.f32 $1.442695020e+00, v1;
	_ =	sdelay $0x1  }
0x179: {  	(erf) = vpow2.f32 v1;
	_ =	sdelay $0x8  }
0x17a: {  	v1 =	vpop (erf)  }
0x17b: {  	[tilespmem:s23+$0x0] =	vst v1  }
0x17c: {  	v1 =	vld [tilespmem:s16+$0x4380]  }
0x17d: {  	v2 =	vld [tilespmem:s16+$0xC380]  }
0x17e: {  	v3 =	vld [tilespmem:s16+$0x4390]  }
0x17f: {  	v47 =	vld [tilespmem:s16+$0xC390]  }
0x180: {  	v48 =	vld [tilespmem:s16+$0x43A0]  }
0x181: {  	v49 =	vld [tilespmem:s16+$0xC3A0]  }
0x182: {  	v50 =	vld [tilespmem:s16+$0x43B0]  }
0x183: {  	v51 =	vld [tilespmem:s16+$0xC3B0]  }
0x184: {  	v52 =	vld [tilespmem:s16+$0x43C0]  }
0x185: {  	v53 =	vld [tilespmem:s16+$0xC3C0]  }
0x186: {  	v54 =	vld [tilespmem:s16+$0x43D0]  }
0x187: {  	v55 =	vld [tilespmem:s16+$0xC3D0]  }
0x188: {  	v56 =	vld [tilespmem:s16+$0x43E0]  }
0x189: {  	v57 =	vld [tilespmem:s16+$0x43F0];
	v1 =	vmul.f32 v2, v1  }
0x18a: {  	v2 =	vld [tilespmem:s16+$0xC3E0];
	v3 =	vmul.f32 v47, v3  }
0x18b: {  	v58 =	vld [tilespmem:s16+$0xC3F0];
	(xrf2) =	vadd.scan.msk.f32 $0xffff, v1;
	v1 =	vmul.f32 v49, v48  }
0x18c: {  	(xrf2) =	vadd.scan.msk.f32 $0xffff, v3;
	v3 =	vmul.f32 v51, v50  }
0x18d: {  	(xrf2) =	vadd.scan.msk.f32 $0xffff, v1;
	v1 =	vmul.f32 v53, v52  }
0x18e: {  	(xrf2) =	vadd.scan.msk.f32 $0xffff, v3;
	v3 =	vmul.f32 v55, v54  }
0x18f: {  	(xrf2) =	vadd.scan.msk.f32 $0xffff, v1;
	v1 =	vmul.f32 v2, v56  }
0x190: {  	v2 =	vmul.f32 v58, v57;
	(xrf2) =	vadd.scan.msk.f32 $0xffff, v3  }
0x191: {  	(xrf2) =	vadd.scan.msk.f32 $0xffff, v1  }
0x192: {  	(xrf2) =	vadd.scan.msk.f32 $0xffff, v2;
	_ =	sdelay $0x2  }
0x193: {  	v1, _, _ =	vpop (xrf2)  }
0x194: {  	v2, _, _ =	vpop (xrf2);
	v1 =	vbroadcast v1, $0xF  }
0x195: {  	v3, _, _ =	vpop (xrf2);
	v2 =	vbroadcast v2, $0xF  }
0x196: {  	v59, _, _ =	vpop (xrf2);
	v1 =	vnsel vm0, $0x0, v1;
	v3 =	vbroadcast v3, $0xF  }
0x197: {  	v60, _, _ =	vpop (xrf2);
	v1 =	vsel vm1, v1, v2;
	v2 =	vbroadcast v59, $0xF  }
0x198: {  	v61, _, _ =	vpop (xrf2);
	v1 =	vsel vm2, v1, v3;
	v3 =	vbroadcast v60, $0xF  }
0x199: {  	v62, _, _ =	vpop (xrf2);
	v1 =	vsel vm3, v1, v2;
	v2 =	vbroadcast v61, $0xF  }
0x19a: {  	v1 =	vsel vm4, v1, v3;
	v3 =	vbroadcast v62, $0xF;
	v63, _, _ =	vpop (xrf2)  }
0x19b: {  	v1 =	vsel vm5, v1, v2;
	v2 =	vbroadcast v63, $0xF  }
0x19c: {  	v1 =	vsel vm6, v1, v3  }
0x19d: {  	v1 =	vsel vm7, v1, v2  }
0x19e: {  	v1 =	vmul.f32 $2.500000000e-01, v1;
	_ =	sdelay $0x1  }
0x19f: {  	v1 =	vmul.f32 $1.442695020e+00, v1;
	_ =	sdelay $0x1  }
0x1a0: {  	(erf) = vpow2.f32 v1;
	_ =	sdelay $0x4  }
0x1a1: {  	p1 =	sne.s32 s12, $0xF800  }
.Ltmp8:
0x1a2: {  	_ = 	snop;
	(pc) =	sbr.rel @p1 .LBB2_12-.Ltmp8, $3  }
0x1a3: {  	_ =	sdelay $0x1  }
0x1a4: {  	v1 =	vpop (erf)  }
0x1a5: {  	s12 =	sadd.s32 $0x800, s12;
	[tilespmem:s23+$0x10] =	vst v1;
	s23 =	sadd.s32 $0x40, s23  }
0x1a6: {  	[spmem:s2] =	stream.indirect.scatter.add.f32 [tilespmem:s20], [sflag:$0x7], $0x10, s0, s22, $0xb8;
	[tilespmem:$0x13110] =	vst v63  }
0x1a7: {  	s3 =	sshll.u32 s3, $0x10  }
0x1a8: {  	_ =	swait.ge [sflag:s21], $0x800;
	s3 =	sor.u32 s14, s3  }
0x1a9: {  	[sflag:s21] =	ssyncset.done $0x0;
	s3 =	sshrl.u32 s3, $0x3  }
0x1aa: {  	[sflag:s21] =	ssyncadd.s32 $0xFFFFF800;
	s3 =	sadd.s32 s7, s3  }
0x1ab: {  	[hbm4b:s3+s4] =	stream.linear.scatter [tilespmem:s20], [sflag:$0x7], $0x800, $0x38;
	[tilespmem:$0x13110] =	vst v63  }
0x1ac: {  	s3 =	sadd.s32 $0x3, s26  }
0x1ad: {  	p1 =	sge.u32 s3, s9  }
.Ltmp9:
0x1ae: {  	_ =	swait.ge [sflag:s21], $0x800;
	s3 =	sshll.u32 @!p1 s3, $0xC;
	(pc) =	sbr.rel .LBB2_14-.Ltmp9, $4  }
0x1af: {  	[sflag:s21] =	ssyncset.done $0x0;
	s3 =	sor.u32 @!p1 s11, s3  }
0x1b0: {  	s12 =	simm.s32 @!p1 $0x80;
	s16 =	simm.s32 @!p1 $0x4E200;
	s3 =	sshrl.u32 @!p1 s3, $0x3  }
0x1b1: {  	s23 =	simm.s32 @!p1 $0x100;
	[sflag:s21] =	ssyncadd.s32 $0xFFFFF800;
	s3 =	sadd.s32 @!p1 s5, s3  }
0x1b2: {  	[tilespmem:s23], [sflag:$0x6] =	stream.strided.gather @!p1 [hbm4b:s3+s12], $0x100, s16, s12, $0x38;
	[tilespmem:$0x13110] =	vst v63  }
.LBB2_15:
.Ltmp10:
0x1b3: {  	s3 =	stileid.u32;
	(pc) =	sbr.rel @!p0 .LBB2_17-.Ltmp10, $4  }
0x1b4: {  	[bflag:$0x0] =	sbarrier.arrive $0xFFFF;
	s3 =	sshll.u32 s3, $0x6  }
0x1b5: {  	s12 =	sshrl.u32 s18, $0x3;
	s16 =	sadd.s32 $0x5000, s18;
	s3 =	sor.u32 $0x1C07, s3  }
0x1b6: {  	[hbm:s19], [sflag:s3] =	dma.local [spmem:s12], $0xA0  }
0x1b7: {  	s23 =	smov.u32 s19;
	s12 =	sadd.s32 $0xFFFFFFFF, s8;
	_ =	swait.ge [sflag:s21], $0xA0  }
.LBB2_16:
0x1b8: {  	[sflag:s21] =	ssyncset.done $0x0;
	s23 =	sadd.s32 $0xA00, s23;
	p0 =	sne.s32 s12, $0x1  }
.Ltmp11:
0x1b9: {  	s25 =	sshrl.u32 s16, $0x3;
	[sflag:s21] =	ssyncadd.s32 $0xFFFFFF60;
	(pc) =	sbr.rel @p0 .LBB2_16-.Ltmp11, $3  }
0x1ba: {  	[hbm:s23], [sflag:s3] =	dma.local [spmem:s25], $0xA0  }
0x1bb: {  	s12 =	sadd.s32 $0xFFFFFFFF, s12;
	_ =	sdelay $0x1  }
0x1bc: {  	s16 =	sadd.s32 $0x5000, s16;
	_ =	swait.ge [sflag:s21], $0xA0  }
.LBB2_17:
0x1bd: {  	s24 =	sadd.s32 $0x1, s24;
	s3 =	rddreg [dreg:$0x5]  }
0x1be: {  	p0 =	sne.s32 s24, s3  }
.Ltmp12:
0x1bf: {  	_ = 	snop;
	(pc) =	sbr.rel @p0 .LBB2_1-.Ltmp12, $3  }
0x1c0: {  	_ =	sdelay $0x1  }
0x1c1: {  	[sflag:s21] =	ssyncset.done $0x0  }
0x1c2: {  	[sflag:s21] =	ssyncadd.s32 $0xFFFFFF60  }
0x1c3: {  	_ =	sfence.sel $0x180000  }
0x1c4: {  	[bflag:$0x0] =	sbarrier.arrive $0xFFFF  }
0x1c5: {  	_ =	strace $0x90000047  }
0x1c6: {  	s0 =	stileid.u32;
	[bflag:$0x2] =	sbarrier.arrive $0xFFFF  }
0x1c7: {  	p0 =	sne.s32 s0, $0x0;
	s0 =	rddreg [dreg:$0x3]  }
0x1c8: {  	s0 =	sadd.s32 @!p0 $0x100000, s0  }
0x1c9: {  	[sflag:s0] =	ssyncadd.tile.s32 @!p0 $0x1;
	_ =	shalt  }
.Lfunc_end2:
_tile_overlayer_lowered:
.L_overlay_start_2:
0x1ca: {  	(tag) =	ssettag $0x2  }
0x1cb: {  	s0 =	rddreg [dreg:$0x0];
	s2 =	stileid.u32  }
0x1cc: {  	s1 =	rddreg [dreg:$0x1];
	p0 =	sne.s32 s2, $0x0  }
0x1cd: {  	s3 =	rddreg [dreg:$0x2];
	[bflag:$0x3] =	sbarrier.arrive $0xFFFF;
	s2 =	simm.s32 @!p0 $0x1C07  }
0x1ce: {  	[timem:s3], [sflag:s2] =	dma.local @!p0 [hbm:s0], s1  }
0x1cf: {  	s0 =	simm.s32 @!p0 $0x7  }
0x1d0: {  	_ =	swait.ge @!p0 [sflag:s0], s1  }
0x1d1: {  	s1 =	ssub.s32 @!p0 $0x0, s1;
	[sflag:s0] =	ssyncset.done @!p0 $0x0  }
0x1d2: {  	[sflag:s0] =	ssyncadd.s32 @!p0 s1  }
0x1d3: {  	[bflag:$0x3] =	sbarrier.arrive $0xFFFF  }
0x1d4: {  	_ =	shalt  }

// kernel: kernel.9.cloned.1.call-start
scs
__scs_entry_jumppad:
0x0: {  	(pc) =	sbr.rel $0x88, $3  }
0x1: {  	(tag) =	ssettag $0x0;
	lr =	simm.s32 $0x1  }
0x2: {  	[smem:$0x3F91] =	sst lr;
	_ =	strace $0xD0000000  }
0x3: {  	_ = 	snop  }
0x4: {  	_ = 	snop  }
0x5: {  	_ = 	snop  }
0x6: {  	_ = 	snop  }
0x7: {  	_ = 	snop  }
__scs_overlays_trampoline_lowered:
0x8: {  	[smem:$0x3FA0] =	sst s0  }
0x9: {  	[smem:$0x3FA1] =	sst s1  }
0xa: {  	[smem:$0x3FA2] =	sst s2  }
0xb: {  	[smem:$0x3FA3] =	sst s3  }
0xc: {  	[smem:$0x3FA4] =	sst s4  }
0xd: {  	[smem:$0x3FA5] =	sst s5  }
0xe: {  	[smem:$0x3FA6] =	sst s6  }
0xf: {  	[smem:$0x3FA7] =	sst s7  }
0x10: {  	[smem:$0x3FA8] =	sst s8  }
0x11: {  	[smem:$0x3FA9] =	sst s9;
	s0 =	simm.s32 @!p0 $0x0  }
0x12: {  	s1 =	sld [smem:$0x3F8F];
	s0 =	simm.s32 @p0 $0x1  }
0x13: {  	[smem:$0x3FAA] =	sst s0;
	s0 =	simm.s32 @!p1 $0x0  }
0x14: {  	s2 =	sld [smem:$0x3F8E];
	s0 =	simm.s32 @p1 $0x1  }
0x15: {  	[smem:$0x3FAB] =	sst s0;
	s0 =	simm.s32 @!p2 $0x0  }
0x16: {  	s3 =	sld [smem:$0x3FDB];
	s0 =	simm.s32 @p2 $0x1  }
0x17: {  	s4 =	simm.s32 $0x1BF5;
	[smem:$0x3FAD] =	sst s0  }
0x18: {  	s0 =	sld [smem:$0x3F90];
	_ =	swait.ge [sflag:s4], $0x0  }
0x19: {  	s7 =	sld [smem:$0x3F91]  }
0x1a: {  	s8 =	sadd.s32 $0xFFFFE003, lr  }
0x1b: {  	s9 =	sadd.s32 $0xFFFFFEF7, lr;
	s5 =	simm.s32 $0xFFFFFFFF;
	p2 =	slt.u32 s8, $0xFFFFF086  }
0x1c: {  	p1 =	slt.u32 s9, $0xF7A;
	s5 =	simm.s32 @!p2 $0x0  }
0x1d: {  	s5 =	simm.s32 @p1 $0x1;
	p0 =	seq.s32 s7, s2  }
0x1e: {  	s7 =	smul.u32 @!p0 $0xF7A, s2;
	p2 =	seq.s32 @!p0 s5, $0x0  }
0x1f: {  	s9 =	smul.u32 $0xF7A, s1;
	s8 =	simm.s32 @!p0 $0x1BF5;
	p2 =	por !p2, p0  }
0x20: {  	[sflag:s8] =	ssyncset.s32 @!p0 $0xFFFFF086;
	s6 =	sadd.s32 @!p0 s3, s7;
	s7 =	simm.s32 @!p0 $0x108  }
0x21: {  	s3 =	sadd.s32 s3, s9;
	s6 =	sadd.s32 @!p0 $0x88, s6;
	s7 =	simm.s32 @p2 $0x1082  }
0x22: {  	[simem:s7], [sflag:s8] =	dma.local @!p0 [hbm:s6], $0xF7A  }
0x23: {  	s9 =	sor.u32 $0xD0000000, s2;
	s6 =	simm.s32 $0x108;
	_ =	swait.ge @!p0 [sflag:s8], $0x0  }
0x24: {  	s3 =	sadd.s32 $0x88, s3;
	s6 =	simm.s32 @!p1 $0x1082;
	[sflag:s4] =	ssyncset.s32 $0xFFFFF086  }
0x25: {  	[simem:s6], [sflag:s4] =	dma.local [hbm:s3], $0xF7A  }
0x26: {  	[smem:$0x3F91] =	sst s1;
	(tag) =	ssettag s2;
	_ =	strace s9  }
0x27: {  	s1 =	sld [smem:$0x3FA1]  }
0x28: {  	s2 =	sld [smem:$0x3FA2]  }
0x29: {  	s4 =	sld [smem:$0x3FA4]  }
0x2a: {  	p0 =	seq.s32 s5, $0x0;
	s5 =	sld [smem:$0x3FA5]  }
0x2b: {  	s6 =	sld [smem:$0x3FA6]  }
0x2c: {  	s7 =	sld [smem:$0x3FA7]  }
0x2d: {  	s3 =	simm.s32 $0x108;
	s8 =	sld [smem:$0x3FA8]  }
0x2e: {  	s3 =	simm.s32 @!p0 $0x1082;
	s9 =	sld [smem:$0x3FA9]  }
0x2f: {  	lr =	sadd.s32 s0, s3;
	s0 =	sld [smem:$0x3FA0]  }
0x30: {  	s3 =	sld [smem:$0x3FA3]  }
0x31: {  	[smem:$0x3FAC] =	sst s10  }
0x32: {  	s10 =	sld [smem:$0x3FAA];
	_ =	sdelay $0x3  }
0x33: {  	p0 =	seq.s32 s10, $0x1;
	s10 =	sld [smem:$0x3FAC];
	_ =	sdelay $0x3  }
0x34: {  	[smem:$0x3FAC] =	sst s10  }
0x35: {  	s10 =	sld [smem:$0x3FAB];
	_ =	sdelay $0x3  }
0x36: {  	p1 =	seq.s32 s10, $0x1;
	s10 =	sld [smem:$0x3FAC];
	_ =	sdelay $0x3  }
0x37: {  	[smem:$0x3FAC] =	sst s10  }
0x38: {  	s10 =	sld [smem:$0x3FAD]  }
0x39: {  	_ = 	snop;
	(pc) =	sbr.ind lr, $3  }
0x3a: {  	_ = 	snop  }
0x3b: {  	_ = 	snop  }
0x3c: {  	p2 =	seq.s32 s10, $0x1;
	s10 =	sld [smem:$0x3FAC]  }
0x3d: {  	_ =	shalt  }
0x3e: {  	_ =	shalt  }
0x3f: {  	_ =	shalt  }
0x40: {  	_ =	shalt  }
0x41: {  	_ =	shalt  }
0x42: {  	_ =	shalt  }
0x43: {  	_ =	shalt  }
0x44: {  	_ =	shalt  }
0x45: {  	_ =	shalt  }
0x46: {  	_ =	shalt  }
0x47: {  	_ =	shalt  }
0x48: {  	_ =	shalt  }
0x49: {  	_ =	shalt  }
0x4a: {  	_ =	shalt  }
0x4b: {  	_ =	shalt  }
0x4c: {  	_ =	shalt  }
0x4d: {  	_ =	shalt  }
0x4e: {  	_ =	shalt  }
0x4f: {  	_ =	shalt  }
0x50: {  	_ =	shalt  }
0x51: {  	_ =	shalt  }
0x52: {  	_ =	shalt  }
0x53: {  	_ =	shalt  }
0x54: {  	_ =	shalt  }
0x55: {  	_ =	shalt  }
0x56: {  	_ =	shalt  }
0x57: {  	_ =	shalt  }
0x58: {  	_ =	shalt  }
0x59: {  	_ =	shalt  }
0x5a: {  	_ =	shalt  }
0x5b: {  	_ =	shalt  }
0x5c: {  	_ =	shalt  }
0x5d: {  	_ =	shalt  }
0x5e: {  	_ =	shalt  }
0x5f: {  	_ =	shalt  }
0x60: {  	_ =	shalt  }
0x61: {  	_ =	shalt  }
0x62: {  	_ =	shalt  }
0x63: {  	_ =	shalt  }
0x64: {  	_ =	shalt  }
0x65: {  	_ =	shalt  }
0x66: {  	_ =	shalt  }
0x67: {  	_ =	shalt  }
0x68: {  	_ =	shalt  }
0x69: {  	_ =	shalt  }
0x6a: {  	_ =	shalt  }
0x6b: {  	_ =	shalt  }
0x6c: {  	_ =	shalt  }
0x6d: {  	_ =	shalt  }
0x6e: {  	_ =	shalt  }
0x6f: {  	_ =	shalt  }
0x70: {  	_ =	shalt  }
0x71: {  	_ =	shalt  }
0x72: {  	_ =	shalt  }
0x73: {  	_ =	shalt  }
0x74: {  	_ =	shalt  }
0x75: {  	_ =	shalt  }
0x76: {  	_ =	shalt  }
0x77: {  	_ =	shalt  }
0x78: {  	_ =	shalt  }
0x79: {  	_ =	shalt  }
0x7a: {  	_ =	shalt  }
0x7b: {  	_ =	shalt  }
0x7c: {  	_ =	shalt  }
0x7d: {  	_ =	shalt  }
0x7e: {  	_ =	shalt  }
0x7f: {  	_ =	shalt  }
0x80: {  	_ =	shalt  }
0x81: {  	_ =	shalt  }
0x82: {  	_ =	shalt  }
0x83: {  	_ =	shalt  }
0x84: {  	_ =	shalt  }
0x85: {  	_ =	shalt  }
0x86: {  	_ =	shalt  }
0x87: {  	_ =	shalt  }
.Lfunc_end0:
.L_simem_size_0:
called_computation.1_lowered:
.L_overlay_start_0:
0x88: {  	s2 =	sld [smem:$0x3FD9]  }
0x89: {  	s3 =	sld [smem:$0x3FFE];
	_ =	sdelay $0x1  }
0x8a: {  	s1 =	srdreg.scid  }
0x8b: {  	s0 =	sand.u32 $0x1, s1  }
0x8c: {  	s17 =	sshll.u32 s0, $0xA;
	s2 =	sadd.s32 s3, s2  }
0x8d: {  	s2 =	sadd.s32 s2, s17  }
0x8e: {  	[smem:$0x3FB8] =	sst s2  }
0x8f: {  	_ = 	snop  }
0x90: {  	s2 =	sld [smem:$0x3FD0];
	(tm) =	ssettm $0x1  }
0x91: {  	s18 =	sld [smem:$0x3FFB];
	_ =	sdelay $0x3  }
0x92: {  	_ =	strace s18  }
0x93: {  	s3 =	sld [smem:$0x3FFC];
	_ =	sdelay $0x3  }
0x94: {  	_ =	strace s3  }
0x95: {  	s3 =	sld [smem:$0x3FFD];
	_ =	sdelay $0x3  }
0x96: {  	_ =	strace s3  }
0x97: {  	_ =	strace $0x8FFFFFFF  }
0x98: {  	s19 =	sld [smem:$0x3FDB];
	_ =	sdelay $0x1  }
0x99: {  	s4 =	simm.s32 $_scs_section_size  }
0x9a: {  	s5 =	simm.s32 $_size__tile_overlayer_lowered;
	s6 =	simm.s32 $_tile_overlayer_lowered  }
0x9b: {  	s22 =	simm.s32 $0x1BFF;
	s21 =	sshll.u32 s6, $0x1;
	s3 =	sadd.s32 s4, s19  }
0x9c: {  	s7 =	simm.s32 $0x0;
	s20 =	sshll.u32 s5, $0x1;
	s5 =	sadd.s32 s21, s3  }
0x9d: {  	[timem:s7], [sflag:s22] =	dma.local [hbm:s5], s20  }
0x9e: {  	_ =	swait.ge [sflag:s22], s20  }
0x9f: {  	s4 =	ssub.s32 $0x0, s20;
	[sflag:s22] =	ssyncset.done $0x0  }
0xa0: {  	[sflag:s22] =	ssyncadd.s32 s4;
	_ =	sdelay $0x1  }
0xa1: {  	s23 =	simm.s32 $0x1B8B  }
0xa2: {  	_ =	swait.ge [sflag:s23], $0x1  }
0xa3: {  	[sflag:s23] =	ssyncset.done $0x0  }
0xa4: {  	s25 =	simm.s32 $0x1B8E;
	s24 =	sld [smem:$0x3FFE];
	[sflag:s23] =	ssyncadd.s32 $0xFFFFFFFF  }
0xa5: {  	s26 =	simm.s32 $execute0_lowered;
	[smem:$0x3FD2] =	sst s25  }
0xa6: {  	s5 =	sshll.u32 s26, $0x1;
	_ =	strace $0x80000049;
	[dreg:$0x1] =	wrdreg $0xFFFFFFFF  }
0xa7: {  	s28 =	simm.s32 $_size_execute0_lowered;
	s3 =	sadd.s32 s3, s5;
	[dreg:$0x0] =	wrdreg $0x0  }
0xa8: {  	s5 =	sshll.u32 s28, $0x1;
	[dreg:$0x2] =	wrdreg s3  }
0xa9: {  	[dreg:$0x3] =	wrdreg s5  }
0xaa: {  	[dreg:$0x4] =	wrdreg $0xC0  }
0xab: {  	_ =	task [dreg:s7], $0x5FFFF  }
0xac: {  	[dreg:$0x1] =	wrdreg $0xFFFFFFFF  }
0xad: {  	[dreg:$0x0] =	wrdreg $0x60  }
0xae: {  	[dreg:$0x2] =	wrdreg s24  }
0xaf: {  	[dreg:$0x3] =	wrdreg s2  }
0xb0: {  	[dreg:$0x4] =	wrdreg $0x92000  }
0xb1: {  	[dreg:$0x5] =	wrdreg $0x9  }
0xb2: {  	_ =	task.clear_ibuf [dreg:s7], $0x6FFFF;
	_ =	strace $0x90000049  }
0xb3: {  	s29 =	simm.s32 $0x9;
	_ =	strace $0x8000004B  }
0xb4: {  	_ =	swait.ge [sflag:s29], $0x1  }
0xb5: {  	[sflag:s29] =	ssyncadd.s32 $0xFFFFFFFF  }
0xb6: {  	_ =	strace $0x9000004B  }
0xb7: {  	_ =	sfence  }
0xb8: {  	s30 =	sld [smem:$0x0];
	_ =	sdelay $0x2  }
0xb9: {  	s31 =	sshll.u32 s1, $0xD;
	s1 =	sshrl.u32 s1, $0x2  }
0xba: {  	s3 =	sand.u32 $0x4000, s31;
	s1 =	sadd.s32 s1, s30  }
0xbb: {  	s0 =	sor.u32 s3, s0;
	s1 =	sshll.u32 s1, $0x11  }
0xbc: {  	s0 =	sor.u32 s1, s0  }
0xbd: {  	s0 =	sadd.s32 $0x8F2B, s0  }
0xbe: {  	[sflag:s0] =	ssyncadd.remote.s32 $0x1  }
0xbf: {  	_ =	sfence.sel $0xFFFF  }
0xc0: {  	[dreg:$0x0] =	wrdreg $0xFFFFFFFF;
	(pc) =	sbr.abs _section_cstart, $3  }
0xc1: {  	[dreg:$0x1] =	wrdreg $0xFFFFFFFF  }
0xc2: {  	_ =	task.clear_ibuf [dreg:s7], $0x2FFFF;
	_ =	strace $0x9FFFFFFF  }
0xc3: {  	(tm) =	ssettm $0x7FFFFFFF  }
tec
execute0_lowered:
.L_overlay_start_1:
0x0: {  	(tag) =	ssettag $0x1  }
0x1: {  	s0 =	rddreg [dreg:$0x0]  }
0x2: {  	s2 =	rddreg [dreg:$0x1];
	s1 =	srdreg.scid  }
0x3: {  	s3 =	rddreg [dreg:$0x2];
	s12 =	stileid.u32;
	s4 =	simm.s32 $0x0  }
0x4: {  	s19 =	simm.s32 $0x200;
	s20 =	simm.s32 $0x7;
	s21 =	simm.s32 $0x80  }
0x5: {  	s28 =	simm.s32 $0x2;
	s29 =	simm.s32 $0x4;
	s30 =	simm.s32 $0x180  }
0x6: {  	s31 =	simm.s32 $0x4200;
	s1 =	sand.u32 $0x1, s1;
	s7 =	smul.u32 $0x2800, s12  }
0x7: {  	s9 =	sshll.u32 s12, $0x1;
	s24 =	ssub.s32 $0x8C, s12;
	s12 =	smul.u32 $0xA000, s12  }
0x8: {  	[smem:$0x7FF] =	sst s4;
	s5 =	sadd.s32 $0x3E00, s0;
	s6 =	smul.u32 $0x138800, s1  }
0x9: {  	_ =	strace $0x8000004A;
	s8 =	ssub.s32 $0x2, s1;
	s1 =	sor.u32 s1, s9  }
0xa: {  	s23 =	sshrl.u32 s8, $0x1;
	s25 =	ssub.s32 $0x9E3, s1;
	s9 =	sshll.u32 s1, $0x4  }
0xb: {  	s11 =	sshll.u32 s1, $0x8;
	s14 =	sshll.u32 s1, $0xB;
	s26 =	sshrl.u32 s12, $0x2  }
0xc: {  	s7 =	sadd.s32 s7, s6;
	s6 =	sadd.s32 $0x48800, s0;
	s10 =	ssub.s32 s8, s23  }
0xd: {  	s8 =	sshrl.u32 s25, $0x5;
	s9 =	sadd.s32 s5, s9;
	s17 =	sadd.s32 s26, s3  }
0xe: {  	s25 =	simm.s32 $0x1;
	s26 =	simm.s32 $0x3;
	s7 =	sshrl.u32 s7, $0x3  }
0xf: {  	s11 =	sadd.s32 s6, s11;
	s13 =	sadd.s32 $0x200, s9;
	s15 =	sadd.s32 $0x1, s8  }
0x10: {  	s16 =	smax.u32 s10, $0x1;
	s0 =	sadd.s32 s7, s0;
	[dreg:$0x4] =	wrdreg s11  }
0x11: {  	s7 =	sshrl.u32 s24, $0x4;
	s11 =	sshll.u32 s1, $0x7;
	[dreg:$0x5] =	wrdreg s13  }
0x12: {  	v0 =	vimm.f32 $0.0e+00;
	s13 =	sadd.s32 $0xFFFFFFFF, s8;
	s15 =	sshrl.u32 s15, $0x1;
	s18 =	sadd.s32 $0xE4C00, s0  }
.LBB2_1:
0x13: {  	s0 =	simm.s32 $0x0;
	s1 =	simm.s32 $0x200  }
.LBB2_2:
0x14: {  	p0 =	sne.s32 s1, $0xFE00;
	[tilespmem:s0+$0x270] =	vst v0  }
0x15: {  	[tilespmem:s0+$0x200] =	vst v0  }
0x16: {  	[tilespmem:s0+$0x210] =	vst v0  }
.Ltmp0:
0x17: {  	[tilespmem:s0+$0x220] =	vst v0;
	(pc) =	sbr.rel @p0 .LBB2_2-.Ltmp0, $4  }
0x18: {  	[tilespmem:s0+$0x230] =	vst v0  }
0x19: {  	[tilespmem:s0+$0x240] =	vst v0  }
0x1a: {  	[tilespmem:s0+$0x250] =	vst v0  }
0x1b: {  	[tilespmem:s0+$0x260] =	vst v0;
	s0 =	sshra.s32 s1, $0x2;
	s1 =	sadd.s32 $0x200, s1  }
0x1c: {  	[tilespmem:s0+$0x270] =	vst v0  }
0x1d: {  	[tilespmem:s0+$0x200] =	vst v0  }
0x1e: {  	[tilespmem:s0+$0x210] =	vst v0  }
0x1f: {  	[tilespmem:s0+$0x220] =	vst v0  }
0x20: {  	[tilespmem:s0+$0x230] =	vst v0  }
0x21: {  	[tilespmem:s0+$0x240] =	vst v0;
	p0 =	sne.s32 s7, $0x1  }
.Ltmp1:
0x22: {  	[tilespmem:s0+$0x250] =	vst v0;
	(pc) =	sbr.rel @!p0 .LBB2_5-.Ltmp1, $4  }
0x23: {  	[tilespmem:s0+$0x260] =	vst v0  }
0x24: {  	[spmem:s17] =	stream.linear.scatter [tilespmem:s19], [sflag:$0x7], $0x2800, $0x38;
	[tilespmem:$0x1CA80] =	vst v63  }
0x25: {  	_ =	swait.ge [sflag:s20], $0x2800  }
0x26: {  	s0 =	sadd.s32 $0xFFFFFFFF, s7;
	s1 =	smov.u32 s17;
	[sflag:s20] =	ssyncset.done $0x0  }
.LBB2_4:
0x27: {  	p1 =	sne.s32 s0, $0x1;
	[sflag:s20] =	ssyncadd.s32 $0xFFFFD800;
	s1 =	sadd.s32 $0x28000, s1  }
.Ltmp2:
0x28: {  	s0 =	sadd.s32 $0xFFFFFFFF, s0;
	(pc) =	sbr.rel @p1 .LBB2_4-.Ltmp2, $4  }
0x29: {  	_ = 	snop  }
0x2a: {  	[spmem:s1] =	stream.linear.scatter [tilespmem:s19], [sflag:$0x7], $0x2800, $0x38;
	[tilespmem:$0x1CA80] =	vst v63  }
0x2b: {  	_ =	swait.ge [sflag:s20], $0x2800  }
0x2c: {  	[sflag:s20] =	ssyncset.done $0x0  }
.LBB2_5:
0x2d: {  	[sflag:s20] =	ssyncadd.s32 $0xFFFFD800  }
0x2e: {  	s0 =	simm.s32 $0x0;
	s10 =	simm.s32 $0x4E200;
	[bflag:$0x0] =	sbarrier.arrive $0xFFFF  }
0x2f: {  	[tilespmem:s0], [sflag:$0x7] =	stream.strided.gather [hbm4b:s9+s21], $0x100, s10, s21, $0x38;
	[tilespmem:$0x1CA80] =	vst v63  }
0x30: {  	_ =	swait.ge [sflag:s20], $0x100  }
0x31: {  	[sflag:s20] =	ssyncset.done $0x0  }
0x32: {  	[sflag:s20] =	ssyncadd.s32 $0xFFFFFF00  }
0x33: {  	[tilespmem:s19], [sflag:$0x1] =	stream.indirect.gather [hbm4b:s2+s21], $0x80, s0, s21, $0xb8;
	[tilespmem:$0x1CA80] =	vst v63  }
.Ltmp3:
0x34: {  	_ = 	snop;
	(pc) =	sbr.rel .LBB2_6-.Ltmp3, $4  }
0x35: {  	s12 =	simm.s32 $0x8200;
	s1 =	rddreg [dreg:$0x4]  }
0x36: {  	[tilespmem:s12], [sflag:$0x3] =	stream.linear.gather [hbm4b:s1+s0], $0x800, $0x38;
	[tilespmem:$0x1CA80] =	vst v63  }
0x37: {  	s24 =	simm.s32 $0x100;
	s23 =	rddreg [dreg:$0x5]  }
0x38: {  	[tilespmem:s24], [sflag:$0x6] =	stream.strided.gather [hbm4b:s23+s21], $0x100, s10, s21, $0x38;
	[tilespmem:$0x1CA80] =	vst v63  }
.LBB2_14:
0x39: {  	s0 =	sadd.s32 $0x1, s0  }
0x3a: {  	p1 =	sne.s32 s0, s15  }
.Ltmp4:
0x3b: {  	_ = 	snop;
	(pc) =	sbr.rel @!p1 .LBB2_15-.Ltmp4, $1  }
0x3c: {  	_ =	sdelay $0x3  }
.LBB2_6:
0x3d: {  	s23 =	sshll.u32 s0, $0x1  }
0x3e: {  	p1 =	sge.u32 s23, s8  }
.Ltmp5:
0x3f: {  	_ = 	snop;
	(pc) =	sbr.rel @p1 .LBB2_10-.Ltmp5, $1  }
0x40: {  	_ =	sdelay $0x3  }
0x41: {  	s1 =	sor.u32 $0x1, s23  }
0x42: {  	p1 =	sge.u32 s1, s8  }
0x43: {  	s10 =	simm.s32 @!p1 $0x6  }
0x44: {  	s12 =	simm.s32 @!p1 $0x100;
	s1 =	sshll.u32 @!p1 s1, $0x10;
	_ =	swait.ge @!p1 [sflag:s10], $0x100  }
0x45: {  	s24 =	simm.s32 @!p1 $0x4200;
	s1 =	sor.u32 @!p1 s14, s1;
	[sflag:s10] =	ssyncset.done @!p1 $0x0  }
0x46: {  	s1 =	sshrl.u32 @!p1 s1, $0x3;
	[sflag:s10] =	ssyncadd.s32 @!p1 $0xFFFFFF00;
	s10 =	simm.s32 @!p1 $0x80  }
0x47: {  	[tilespmem:s24], [sflag:$0x2] =	stream.indirect.gather @!p1 [hbm4b:s2+s10], $0x80, s12, s10, $0xb8;
	[tilespmem:$0x1CA80] =	vst v63  }
0x48: {  	s1 =	sadd.s32 @!p1 s6, s1;
	s10 =	simm.s32 @!p1 $0x0;
	s12 =	simm.s32 @!p1 $0x8A00  }
0x49: {  	[tilespmem:s12], [sflag:$0x4] =	stream.linear.gather @!p1 [hbm4b:s1+s10], $0x800, $0x38;
	[tilespmem:$0x1CA80] =	vst v63  }
0x4a: {  	_ =	swait.ge [sflag:s25], $0x4000  }
0x4b: {  	[sflag:s25] =	ssyncset.done $0x0  }
0x4c: {  	[sflag:s25] =	ssyncadd.s32 $0xFFFFC000  }
0x4d: {  	_ =	swait.ge [sflag:s26], $0x800  }
0x4e: {  	[sflag:s26] =	ssyncset.done $0x0  }
0x4f: {  	s24 =	simm.s32 $0x280;
	[sflag:s26] =	ssyncadd.s32 $0xFFFFF800  }
0x50: {  	s1 =	simm.s32 $0x0;
	v1 =	vld [tilespmem:s24+$0xFFFFFFA0]  }
0x51: {  	v3 =	vld [tilespmem:s1+$0x8200]  }
0x52: {  	s10 =	simm.s32 $0x80;
	s12 =	simm.s32 $0x280;
	v2 =	vld [tilespmem:s24+$0xFFFFFFF0]  }
.LBB2_8:
0x53: {  	p1 =	sne.s32 s10, $0x1F80  }
0x54: {  	v4 =	vld [tilespmem:s24+$0xFFFFFF80];
	s12 =	sadd.s32 $0x100, s12;
	s22 =	smov.u32 s10;
	s10 =	sadd.s32 $0x80, s10  }
0x55: {  	v5 =	vld [tilespmem:s24+$0xFFFFFFE0]  }
0x56: {  	v6 =	vld [tilespmem:s24+$0xFFFFFFB0]  }
0x57: {  	v7 =	vbroadcast v3, $0x2;
	v8 =	vld [tilespmem:s24+$0xFFFFFFD0];
	v9 =	vbroadcast v3, $0x7  }
0x58: {  	v11 =	vbroadcast v3, $0x4;
	v12 =	vbroadcast v3, $0x6;
	v10 =	vld [tilespmem:s24+$0xFFFFFFC0]  }
0x59: {  	v13 =	vld [tilespmem:s24+$0xFFFFFF90];
	v1 =	vmul.f32 v1, v7;
	v7 =	vbroadcast v3, $0x3  }
0x5a: {  	v14 =	vbroadcast v3, $0x5;
	v5 =	vmul.f32 v5, v12  }
0x5b: {  	v12 =	vbroadcast v3, $0x1;
	[tilespmem:s24+$0xFFFFFFA0] =	vst v1;
	v1 =	vmul.f32 v6, v7  }
0x5c: {  	v3 =	vbroadcast v3, $0x0;
	v6 =	vmul.f32 v8, v14;
	[tilespmem:s24+$0xFFFFFFE0] =	vst v5  }
0x5d: {  	v2 =	vmul.f32 v2, v9;
	[tilespmem:s24+$0xFFFFFFB0] =	vst v1;
	v5 =	vmul.f32 v10, v11  }
0x5e: {  	v3 =	vmul.f32 v3, v4;
	v4 =	vmul.f32 v13, v12;
	[tilespmem:s24+$0xFFFFFFD0] =	vst v6  }
0x5f: {  	v1 =	vld [tilespmem:s12+$0xFFFFFFA0];
	[tilespmem:s24+$0xFFFFFFF0] =	vst v2  }
0x60: {  	[tilespmem:s24+$0xFFFFFF80] =	vst v3  }
0x61: {  	[tilespmem:s24+$0xFFFFFF90] =	vst v4  }
0x62: {  	s22 =	sshra.s32 s22, $0x2;
	[tilespmem:s24+$0xFFFFFFC0] =	vst v5;
	v2 =	vld [tilespmem:s24+$0x70]  }
0x63: {  	v3 =	vld [tilespmem:s1+$0x8210];
	s1 =	smov.u32 s22  }
0x64: {  	v4 =	vld [tilespmem:s24+$0x20]  }
0x65: {  	v5 =	vld [tilespmem:s24+$0x10]  }
0x66: {  	v6 =	vld [tilespmem:s24+$0x30]  }
0x67: {  	v7 =	vld [tilespmem:s24+$0x60]  }
0x68: {  	v8 =	vld [tilespmem:s24+$0x0];
	v9 =	vbroadcast v3, $0x0;
	v10 =	vbroadcast v3, $0x1  }
0x69: {  	v11 =	vbroadcast v3, $0x2;
	v12 =	vbroadcast v3, $0x3;
	v13 =	vld [tilespmem:s24+$0x50]  }
0x6a: {  	v14 =	vbroadcast v3, $0x4;
	v5 =	vmul.f32 v5, v10;
	v10 =	vld [tilespmem:s24+$0x40]  }
0x6b: {  	v4 =	vmul.f32 v4, v11;
	v6 =	vmul.f32 v6, v12  }
0x6c: {  	v11 =	vbroadcast v3, $0x6;
	[tilespmem:s24+$0x10] =	vst v5;
	v5 =	vbroadcast v3, $0x5  }
0x6d: {  	v3 =	vbroadcast v3, $0x7;
	v8 =	vmul.f32 v9, v8;
	[tilespmem:s24+$0x20] =	vst v4  }
0x6e: {  	[tilespmem:s24+$0x30] =	vst v6;
	v4 =	vmul.f32 v13, v5;
	v5 =	vmul.f32 v7, v11  }
0x6f: {  	v2 =	vmul.f32 v2, v3;
	[tilespmem:s24+$0x0] =	vst v8;
	v6 =	vmul.f32 v10, v14  }
0x70: {  	[tilespmem:s24+$0x60] =	vst v5  }
.Ltmp6:
0x71: {  	[tilespmem:s24+$0x70] =	vst v2;
	(pc) =	sbr.rel @p1 .LBB2_8-.Ltmp6, $4  }
0x72: {  	[tilespmem:s24+$0x50] =	vst v4  }
0x73: {  	[tilespmem:s24+$0x40] =	vst v6;
	s24 =	smov.u32 s12  }
0x74: {  	v3 =	vld [tilespmem:s1+$0x8200]  }
0x75: {  	v2 =	vld [tilespmem:s12+$0xFFFFFFF0]  }
0x76: {  	_ = 	snop  }
0x77: {  	v4 =	vld [tilespmem:s24+$0xFFFFFFE0]  }
0x78: {  	v7 =	vld [tilespmem:s24+$0xFFFFFFD0]  }
0x79: {  	v5 =	vld [tilespmem:s24+$0xFFFFFFB0];
	v6 =	vbroadcast v3, $0x2  }
0x7a: {  	v11 =	vld [tilespmem:s24+$0xFFFFFF90];
	v9 =	vbroadcast v3, $0x6  }
0x7b: {  	v12 =	vbroadcast v3, $0x5;
	v1 =	vmul.f32 v1, v6  }
0x7c: {  	v8 =	vld [tilespmem:s24+$0xFFFFFF80];
	v46 =	vbroadcast v3, $0x3;
	v4 =	vmul.f32 v4, v9  }
0x7d: {  	v10 =	vld [tilespmem:s24+$0xFFFFFFC0];
	v50 =	vbroadcast v3, $0x1;
	v49 =	vmul.f32 v7, v12;
	[tilespmem:s24+$0xFFFFFFA0] =	vst v1  }
0x7e: {  	v47 =	vbroadcast v3, $0x7;
	v1 =	vmul.f32 v5, v46;
	[tilespmem:s24+$0xFFFFFFE0] =	vst v4  }
0x7f: {  	v48 =	vbroadcast v3, $0x0;
	[tilespmem:s24+$0xFFFFFFD0] =	vst v49;
	v4 =	vmul.f32 v11, v50  }
0x80: {  	[tilespmem:s24+$0xFFFFFFB0] =	vst v1;
	v1 =	vmul.f32 v2, v47;
	v2 =	vbroadcast v3, $0x4  }
0x81: {  	v3 =	vmul.f32 v48, v8;
	[tilespmem:s24+$0xFFFFFF90] =	vst v4  }
0x82: {  	[tilespmem:s24+$0xFFFFFFF0] =	vst v1;
	v1 =	vmul.f32 v10, v2  }
0x83: {  	[tilespmem:s24+$0xFFFFFF80] =	vst v3  }
0x84: {  	[tilespmem:s24+$0xFFFFFFC0] =	vst v1  }
0x85: {  	v1 =	vld [tilespmem:s1+$0x8210];
	_ =	sdelay $0x1  }
0x86: {  	v3 =	vld [tilespmem:s24+$0x10]  }
0x87: {  	v51 =	vld [tilespmem:s24+$0x20]  }
0x88: {  	v52 =	vld [tilespmem:s24+$0x30]  }
0x89: {  	v53 =	vld [tilespmem:s24+$0x0];
	v54 =	vbroadcast v1, $0x1  }
0x8a: {  	v2 =	vld [tilespmem:s24+$0x70];
	v56 =	vbroadcast v1, $0x2  }
0x8b: {  	v58 =	vld [tilespmem:s24+$0x50];
	v57 =	vbroadcast v1, $0x3;
	v3 =	vmul.f32 v3, v54  }
0x8c: {  	v55 =	vld [tilespmem:s24+$0x60];
	v59 =	vbroadcast v1, $0x0;
	v4 =	vmul.f32 v51, v56  }
0x8d: {  	v60 =	vld [tilespmem:s24+$0x40];
	v61 =	vbroadcast v1, $0x7;
	v5 =	vmul.f32 v52, v57;
	[tilespmem:s24+$0x10] =	vst v3  }
0x8e: {  	v62 =	vbroadcast v1, $0x5;
	v6 =	vmul.f32 v59, v53;
	[tilespmem:s24+$0x20] =	vst v4  }
0x8f: {  	v2 =	vmul.f32 v2, v61;
	v3 =	vbroadcast v1, $0x6;
	[tilespmem:s24+$0x30] =	vst v5  }
0x90: {  	v63 =	vmul.f32 v58, v62;
	v1 =	vbroadcast v1, $0x4;
	[tilespmem:s24+$0x0] =	vst v6  }
0x91: {  	[tilespmem:s24+$0x70] =	vst v2;
	v3 =	vmul.f32 v55, v3  }
0x92: {  	s1 =	sadd.s32 $0x2, s23;
	[tilespmem:s24+$0x50] =	vst v63;
	v1 =	vmul.f32 v60, v1  }
0x93: {  	p1 =	sge.u32 s1, s8;
	[tilespmem:s24+$0x60] =	vst v3  }
0x94: {  	s1 =	sshll.u32 @!p1 s1, $0xC;
	[tilespmem:s24+$0x40] =	vst v1  }
0x95: {  	[spmem:s3] =	stream.indirect.scatter.add.f32 [tilespmem:s19], [sflag:$0x7], $0x80, s21, s21, $0xb8;
	[tilespmem:$0x1CA80] =	vst v63  }
0x96: {  	s10 =	simm.s32 @!p1 $0x80;
	s1 =	sor.u32 @!p1 s11, s1;
	_ =	swait.ge [sflag:s20], $0x4000  }
0x97: {  	s12 =	simm.s32 @!p1 $0x4E200;
	s1 =	sshrl.u32 @!p1 s1, $0x3;
	[sflag:s20] =	ssyncset.done $0x0  }
0x98: {  	s22 =	simm.s32 @!p1 $0x0;
	s1 =	sadd.s32 @!p1 s5, s1;
	[sflag:s20] =	ssyncadd.s32 $0xFFFFC000  }
0x99: {  	[tilespmem:s22], [sflag:$0x5] =	stream.strided.gather @!p1 [hbm4b:s1+s10], $0x100, s12, s10, $0x38;
	[tilespmem:$0x1CA80] =	vst v63  }
.LBB2_10:
0x9a: {  	p1 =	sge.u32 s23, s13  }
.Ltmp7:
0x9b: {  	_ = 	snop;
	(pc) =	sbr.rel @p1 .LBB2_14-.Ltmp7, $1  }
0x9c: {  	_ =	sdelay $0x3  }
0x9d: {  	s1 =	sadd.s32 $0x2, s23  }
0x9e: {  	p1 =	sge.u32 s1, s8  }
0x9f: {  	s10 =	simm.s32 @!p1 $0x5  }
0xa0: {  	s12 =	simm.s32 @!p1 $0x0;
	s1 =	sshll.u32 @!p1 s1, $0x10;
	_ =	swait.ge @!p1 [sflag:s10], $0x100  }
0xa1: {  	s22 =	simm.s32 @!p1 $0x200;
	s1 =	sor.u32 @!p1 s14, s1;
	[sflag:s10] =	ssyncset.done @!p1 $0x0  }
0xa2: {  	s1 =	sshrl.u32 @!p1 s1, $0x3;
	[sflag:s10] =	ssyncadd.s32 @!p1 $0xFFFFFF00;
	s10 =	simm.s32 @!p1 $0x80  }
0xa3: {  	[tilespmem:s22], [sflag:$0x1] =	stream.indirect.gather @!p1 [hbm4b:s2+s10], $0x80, s12, s10, $0xb8;
	[tilespmem:$0x1CA80] =	vst v63  }
0xa4: {  	s1 =	sadd.s32 @!p1 s6, s1;
	s10 =	simm.s32 @!p1 $0x8200  }
0xa5: {  	[tilespmem:s10], [sflag:$0x3] =	stream.linear.gather @!p1 [hbm4b:s1+s12], $0x800, $0x38;
	[tilespmem:$0x1CA80] =	vst v63  }
0xa6: {  	_ =	swait.ge [sflag:s28], $0x4000  }
0xa7: {  	[sflag:s28] =	ssyncset.done $0x0  }
0xa8: {  	[sflag:s28] =	ssyncadd.s32 $0xFFFFC000  }
0xa9: {  	_ =	swait.ge [sflag:s29], $0x800  }
0xaa: {  	[sflag:s29] =	ssyncset.done $0x0  }
0xab: {  	s24 =	simm.s32 $0x4280;
	[sflag:s29] =	ssyncadd.s32 $0xFFFFF800  }
0xac: {  	s1 =	simm.s32 $0x0;
	v1 =	vld [tilespmem:s24+$0xFFFFFFA0]  }
0xad: {  	v3 =	vld [tilespmem:s1+$0x8A00]  }
0xae: {  	s10 =	simm.s32 $0x80;
	s12 =	simm.s32 $0x4280;
	v2 =	vld [tilespmem:s24+$0xFFFFFFF0]  }
.LBB2_12:
0xaf: {  	p1 =	sne.s32 s10, $0x1F80  }
0xb0: {  	v4 =	vld [tilespmem:s24+$0xFFFFFF80];
	s12 =	sadd.s32 $0x100, s12;
	s22 =	smov.u32 s10;
	s10 =	sadd.s32 $0x80, s10  }
0xb1: {  	v5 =	vld [tilespmem:s24+$0xFFFFFFE0]  }
0xb2: {  	v6 =	vld [tilespmem:s24+$0xFFFFFFB0]  }
0xb3: {  	v7 =	vbroadcast v3, $0x2;
	v8 =	vld [tilespmem:s24+$0xFFFFFFD0];
	v9 =	vbroadcast v3, $0x7  }
0xb4: {  	v11 =	vbroadcast v3, $0x4;
	v12 =	vbroadcast v3, $0x6;
	v10 =	vld [tilespmem:s24+$0xFFFFFFC0]  }
0xb5: {  	v13 =	vld [tilespmem:s24+$0xFFFFFF90];
	v1 =	vmul.f32 v1, v7;
	v7 =	vbroadcast v3, $0x3  }
0xb6: {  	v14 =	vbroadcast v3, $0x5;
	v5 =	vmul.f32 v5, v12  }
0xb7: {  	v12 =	vbroadcast v3, $0x1;
	[tilespmem:s24+$0xFFFFFFA0] =	vst v1;
	v1 =	vmul.f32 v6, v7  }
0xb8: {  	v3 =	vbroadcast v3, $0x0;
	v6 =	vmul.f32 v8, v14;
	[tilespmem:s24+$0xFFFFFFE0] =	vst v5  }
0xb9: {  	v2 =	vmul.f32 v2, v9;
	[tilespmem:s24+$0xFFFFFFB0] =	vst v1;
	v5 =	vmul.f32 v10, v11  }
0xba: {  	v3 =	vmul.f32 v3, v4;
	v4 =	vmul.f32 v13, v12;
	[tilespmem:s24+$0xFFFFFFD0] =	vst v6  }
0xbb: {  	v1 =	vld [tilespmem:s12+$0xFFFFFFA0];
	[tilespmem:s24+$0xFFFFFFF0] =	vst v2  }
0xbc: {  	[tilespmem:s24+$0xFFFFFF80] =	vst v3  }
0xbd: {  	[tilespmem:s24+$0xFFFFFF90] =	vst v4  }
0xbe: {  	s22 =	sshra.s32 s22, $0x2;
	[tilespmem:s24+$0xFFFFFFC0] =	vst v5;
	v2 =	vld [tilespmem:s24+$0x70]  }
0xbf: {  	v3 =	vld [tilespmem:s1+$0x8A10];
	s1 =	smov.u32 s22  }
0xc0: {  	v4 =	vld [tilespmem:s24+$0x20]  }
0xc1: {  	v5 =	vld [tilespmem:s24+$0x10]  }
0xc2: {  	v6 =	vld [tilespmem:s24+$0x30]  }
0xc3: {  	v7 =	vld [tilespmem:s24+$0x60]  }
0xc4: {  	v8 =	vld [tilespmem:s24+$0x0];
	v9 =	vbroadcast v3, $0x0;
	v10 =	vbroadcast v3, $0x1  }
0xc5: {  	v11 =	vbroadcast v3, $0x2;
	v12 =	vbroadcast v3, $0x3;
	v13 =	vld [tilespmem:s24+$0x50]  }
0xc6: {  	v14 =	vbroadcast v3, $0x4;
	v5 =	vmul.f32 v5, v10;
	v10 =	vld [tilespmem:s24+$0x40]  }
0xc7: {  	v4 =	vmul.f32 v4, v11;
	v6 =	vmul.f32 v6, v12  }
0xc8: {  	v11 =	vbroadcast v3, $0x6;
	[tilespmem:s24+$0x10] =	vst v5;
	v5 =	vbroadcast v3, $0x5  }
0xc9: {  	v3 =	vbroadcast v3, $0x7;
	v8 =	vmul.f32 v9, v8;
	[tilespmem:s24+$0x20] =	vst v4  }
0xca: {  	[tilespmem:s24+$0x30] =	vst v6;
	v4 =	vmul.f32 v13, v5;
	v5 =	vmul.f32 v7, v11  }
0xcb: {  	v2 =	vmul.f32 v2, v3;
	[tilespmem:s24+$0x0] =	vst v8;
	v6 =	vmul.f32 v10, v14  }
0xcc: {  	[tilespmem:s24+$0x60] =	vst v5  }
.Ltmp8:
0xcd: {  	[tilespmem:s24+$0x70] =	vst v2;
	(pc) =	sbr.rel @p1 .LBB2_12-.Ltmp8, $4  }
0xce: {  	[tilespmem:s24+$0x50] =	vst v4  }
0xcf: {  	[tilespmem:s24+$0x40] =	vst v6;
	s24 =	smov.u32 s12  }
0xd0: {  	v3 =	vld [tilespmem:s1+$0x8A00]  }
0xd1: {  	v2 =	vld [tilespmem:s12+$0xFFFFFFF0]  }
0xd2: {  	_ = 	snop  }
0xd3: {  	v4 =	vld [tilespmem:s24+$0xFFFFFFE0]  }
0xd4: {  	v7 =	vld [tilespmem:s24+$0xFFFFFFD0]  }
0xd5: {  	v5 =	vld [tilespmem:s24+$0xFFFFFFB0];
	v6 =	vbroadcast v3, $0x2  }
0xd6: {  	v11 =	vld [tilespmem:s24+$0xFFFFFF90];
	v9 =	vbroadcast v3, $0x6  }
0xd7: {  	v12 =	vbroadcast v3, $0x5;
	v1 =	vmul.f32 v1, v6  }
0xd8: {  	v8 =	vld [tilespmem:s24+$0xFFFFFF80];
	v46 =	vbroadcast v3, $0x3;
	v4 =	vmul.f32 v4, v9  }
0xd9: {  	v10 =	vld [tilespmem:s24+$0xFFFFFFC0];
	v50 =	vbroadcast v3, $0x1;
	v49 =	vmul.f32 v7, v12;
	[tilespmem:s24+$0xFFFFFFA0] =	vst v1  }
0xda: {  	v47 =	vbroadcast v3, $0x7;
	v1 =	vmul.f32 v5, v46;
	[tilespmem:s24+$0xFFFFFFE0] =	vst v4  }
0xdb: {  	v48 =	vbroadcast v3, $0x0;
	[tilespmem:s24+$0xFFFFFFD0] =	vst v49;
	v4 =	vmul.f32 v11, v50  }
0xdc: {  	[tilespmem:s24+$0xFFFFFFB0] =	vst v1;
	v1 =	vmul.f32 v2, v47;
	v2 =	vbroadcast v3, $0x4  }
0xdd: {  	v3 =	vmul.f32 v48, v8;
	[tilespmem:s24+$0xFFFFFF90] =	vst v4  }
0xde: {  	[tilespmem:s24+$0xFFFFFFF0] =	vst v1;
	v1 =	vmul.f32 v10, v2  }
0xdf: {  	[tilespmem:s24+$0xFFFFFF80] =	vst v3  }
0xe0: {  	[tilespmem:s24+$0xFFFFFFC0] =	vst v1  }
0xe1: {  	v1 =	vld [tilespmem:s1+$0x8A10];
	_ =	sdelay $0x1  }
0xe2: {  	v3 =	vld [tilespmem:s24+$0x10]  }
0xe3: {  	v51 =	vld [tilespmem:s24+$0x20]  }
0xe4: {  	v52 =	vld [tilespmem:s24+$0x30]  }
0xe5: {  	v53 =	vld [tilespmem:s24+$0x0];
	v54 =	vbroadcast v1, $0x1  }
0xe6: {  	v2 =	vld [tilespmem:s24+$0x70];
	v56 =	vbroadcast v1, $0x2  }
0xe7: {  	v58 =	vld [tilespmem:s24+$0x50];
	v57 =	vbroadcast v1, $0x3;
	v3 =	vmul.f32 v3, v54  }
0xe8: {  	v55 =	vld [tilespmem:s24+$0x60];
	v59 =	vbroadcast v1, $0x0;
	v4 =	vmul.f32 v51, v56  }
0xe9: {  	v60 =	vld [tilespmem:s24+$0x40];
	v61 =	vbroadcast v1, $0x7;
	v5 =	vmul.f32 v52, v57;
	[tilespmem:s24+$0x10] =	vst v3  }
0xea: {  	v62 =	vbroadcast v1, $0x5;
	v6 =	vmul.f32 v59, v53;
	[tilespmem:s24+$0x20] =	vst v4  }
0xeb: {  	v2 =	vmul.f32 v2, v61;
	v3 =	vbroadcast v1, $0x6;
	[tilespmem:s24+$0x30] =	vst v5  }
0xec: {  	v63 =	vmul.f32 v58, v62;
	v1 =	vbroadcast v1, $0x4;
	[tilespmem:s24+$0x0] =	vst v6  }
0xed: {  	[tilespmem:s24+$0x70] =	vst v2;
	v3 =	vmul.f32 v55, v3  }
0xee: {  	[tilespmem:s24+$0x50] =	vst v63;
	v1 =	vmul.f32 v60, v1  }
0xef: {  	s1 =	sadd.s32 $0x3, s23;
	[tilespmem:s24+$0x60] =	vst v3  }
0xf0: {  	p1 =	sge.u32 s1, s8;
	[tilespmem:s24+$0x40] =	vst v1  }
0xf1: {  	[spmem:s3] =	stream.indirect.scatter.add.f32 [tilespmem:s31], [sflag:$0x7], $0x80, s30, s21, $0xb8;
	[tilespmem:$0x1CA80] =	vst v63  }
.Ltmp9:
0xf2: {  	s1 =	sshll.u32 @!p1 s1, $0xC;
	(pc) =	sbr.rel .LBB2_14-.Ltmp9, $4  }
0xf3: {  	s10 =	simm.s32 @!p1 $0x80;
	s1 =	sor.u32 @!p1 s11, s1;
	_ =	swait.ge [sflag:s20], $0x4000  }
0xf4: {  	s12 =	simm.s32 @!p1 $0x4E200;
	s1 =	sshrl.u32 @!p1 s1, $0x3;
	[sflag:s20] =	ssyncset.done $0x0  }
0xf5: {  	s22 =	simm.s32 @!p1 $0x100;
	s1 =	sadd.s32 @!p1 s5, s1;
	[sflag:s20] =	ssyncadd.s32 $0xFFFFC000  }
0xf6: {  	[tilespmem:s22], [sflag:$0x6] =	stream.strided.gather @!p1 [hbm4b:s1+s10], $0x100, s12, s10, $0x38;
	[tilespmem:$0x1CA80] =	vst v63  }
.LBB2_15:
.Ltmp10:
0xf7: {  	s0 =	stileid.u32;
	(pc) =	sbr.rel @!p0 .LBB2_17-.Ltmp10, $4  }
0xf8: {  	[bflag:$0x0] =	sbarrier.arrive $0xFFFF;
	s0 =	sshll.u32 s0, $0x6  }
0xf9: {  	s1 =	sshrl.u32 s17, $0x3;
	s10 =	sadd.s32 $0x28000, s17;
	s0 =	sor.u32 $0x1C07, s0  }
0xfa: {  	[hbm:s18], [sflag:s0] =	dma.local [spmem:s1], $0x500  }
0xfb: {  	s12 =	smov.u32 s18;
	s1 =	sadd.s32 $0xFFFFFFFF, s7;
	_ =	swait.ge [sflag:s20], $0x500  }
.LBB2_16:
0xfc: {  	[sflag:s20] =	ssyncset.done $0x0;
	s12 =	sadd.s32 $0x5000, s12;
	p0 =	sne.s32 s1, $0x1  }
.Ltmp11:
0xfd: {  	s22 =	sshrl.u32 s10, $0x3;
	[sflag:s20] =	ssyncadd.s32 $0xFFFFFB00;
	(pc) =	sbr.rel @p0 .LBB2_16-.Ltmp11, $3  }
0xfe: {  	[hbm:s12], [sflag:s0] =	dma.local [spmem:s22], $0x500  }
0xff: {  	s1 =	sadd.s32 $0xFFFFFFFF, s1;
	_ =	sdelay $0x1  }
0x100: {  	s10 =	sadd.s32 $0x28000, s10;
	_ =	swait.ge [sflag:s20], $0x500  }
.LBB2_17:
0x101: {  	s4 =	sadd.s32 $0x1, s4  }
0x102: {  	p0 =	sne.s32 s4, s16  }
.Ltmp12:
0x103: {  	_ = 	snop;
	(pc) =	sbr.rel @p0 .LBB2_1-.Ltmp12, $3  }
0x104: {  	_ =	sdelay $0x1  }
0x105: {  	[sflag:s20] =	ssyncset.done $0x0  }
0x106: {  	[sflag:s20] =	ssyncadd.s32 $0xFFFFFB00  }
0x107: {  	_ =	sfence.sel $0x180000  }
0x108: {  	[bflag:$0x0] =	sbarrier.arrive $0xFFFF  }
0x109: {  	_ =	strace $0x9000004A  }
0x10a: {  	s0 =	stileid.u32;
	[bflag:$0x2] =	sbarrier.arrive $0xFFFF  }
0x10b: {  	p0 =	sne.s32 s0, $0x0;
	s0 =	rddreg [dreg:$0x3]  }
0x10c: {  	s0 =	sadd.s32 @!p0 $0x100000, s0  }
0x10d: {  	[sflag:s0] =	ssyncadd.tile.s32 @!p0 $0x1;
	_ =	shalt  }
.Lfunc_end2:
_tile_overlayer_lowered:
.L_overlay_start_2:
0x10e: {  	(tag) =	ssettag $0x2  }
0x10f: {  	s0 =	rddreg [dreg:$0x0];
	s2 =	stileid.u32  }
0x110: {  	s1 =	rddreg [dreg:$0x1];
	p0 =	sne.s32 s2, $0x0  }
0x111: {  	s3 =	rddreg [dreg:$0x2];
	[bflag:$0x3] =	sbarrier.arrive $0xFFFF;
	s2 =	simm.s32 @!p0 $0x1C07  }
0x112: {  	[timem:s3], [sflag:s2] =	dma.local @!p0 [hbm:s0], s1  }
0x113: {  	s0 =	simm.s32 @!p0 $0x7  }
0x114: {  	_ =	swait.ge @!p0 [sflag:s0], s1  }
0x115: {  	s1 =	ssub.s32 @!p0 $0x0, s1;
	[sflag:s0] =	ssyncset.done @!p0 $0x0  }
0x116: {  	[sflag:s0] =	ssyncadd.s32 @!p0 s1  }
0x117: {  	[bflag:$0x3] =	sbarrier.arrive $0xFFFF  }
0x118: {  	_ =	shalt  }

</sc_bundles>
